<compile_context>
chip_gen: v7x
topology: tpu7x:2x2x1
jax: 0.10.2.dev20260603
libtpu: 0.0.44.dev20260713+nightly
codegen_flags: <defaults>
</compile_context>

<pallas_src>
import functools

import jax
import jax.numpy as jnp
from jax import lax
from jax.experimental import pallas as pl
from jax.experimental.pallas import tpu as pltpu
from jax.experimental.pallas import tpu_sc as plsc

B = 4096
LF = 50
LP = 20
D = 64
NROWS = 2 + LP + LF

_info = plsc.get_sparse_core_info()
NC, NS, L = _info.num_cores, _info.num_subcores, _info.num_lanes
NW = NC * NS
PER_W = B // NW
CE = 8
NCH = PER_W // CE
CROWS = CE * NROWS

_mesh = plsc.VectorSubcoreMesh(core_axis_name="c", subcore_axis_name="s")


def _fm_body(uiidx_h, pfidx_h, bias_h, ui_table_h, feat_table_h,
             res_h, biasm_h, rows_h,
             idx_ui_v, idx_pf_v, rows_all, biasst, res_buf, bias_v, sem):
    wid = lax.axis_index("s") * NC + lax.axis_index("c")
    pltpu.sync_copy(bias_h, bias_v)
    bvec = bias_v[...]
    lane = lax.iota(jnp.int32, L)
    lane0 = lane == 0
    zero = jnp.zeros((L,), jnp.float32)

    def chunk_body(ch, carry):
        base = wid * PER_W + ch * CE
        pltpu.sync_copy(uiidx_h.at[pl.ds(base, CE), :], idx_ui_v)
        pltpu.sync_copy(pfidx_h.at[pl.ds(base, CE), :], idx_pf_v)

        cps = []
        for e in range(CE):
            r0 = e * NROWS
            cps.append(pltpu.async_copy(
                ui_table_h.at[idx_ui_v.at[e]],
                rows_all.at[pl.ds(r0, 2), :], sem))
            cps.append(pltpu.async_copy(
                feat_table_h.at[idx_pf_v.at[e]],
                rows_all.at[pl.ds(r0 + 2, LP + LF), :], sem))
        for cp in cps:
            cp.wait()

        for e in range(CE):
            r0 = e * NROWS

            def fbody(r, fs):
                row = r0 + 2 + LP + r * 5
                out = list(fs)
                for j in range(5):
                    for c in range(4):
                        out[c] = out[c] + rows_all[row + j, pl.ds(c * L, L)]
                return tuple(out)
            f = lax.fori_loop(0, LF // 5, fbody, (zero,) * 4)

            def pbody(r, c8):
                row = r0 + 2 + r * 4
                p = list(c8[:4])
                q = list(c8[4:])
                for j in range(4):
                    for c in range(4):
                        v = rows_all[row + j, pl.ds(c * L, L)]
                        p[c] = p[c] + v
                        q[c] = q[c] + v * v
                return tuple(p) + tuple(q)
            pq = lax.fori_loop(0, LP // 4, pbody, (zero,) * 8)

            acc = zero
            for c in range(4):
                u0 = rows_all[r0, pl.ds(c * L, L)]
                u1 = rows_all[r0 + 1, pl.ds(c * L, L)]
                usum = u0 + u1
                usq = u0 * u0 + u1 * u1
                s = usum + pq[c]
                acc = acc + (0.5 * (s * s) + f[c] * pq[c]
                             - 0.5 * usq - 0.5 * pq[4 + c])
            for sh in (8, 4, 2, 1):
                acc = acc + _permute(acc, lane ^ sh)
            plsc.store_scatter(res_buf,
                               [jnp.full((L,), ch * CE + e, jnp.int32)],
                               acc + bvec, mask=lane0)

        col_bias = jnp.full((L,), D, jnp.int32)
        ui_row = (lane >> 1) * NROWS + (lane & 1)
        g = plsc.load_gather(rows_all, [ui_row, col_bias])
        pos = (lane >> 1) * (LP + 2) + (lane & 1)
        plsc.store_scatter(biasst, [pos], g)
        for k in range(CE * LP // L):
            gidx = k * L + lane
            ee = gidx // LP
            rr = gidx - ee * LP
            val = plsc.load_gather(rows_all,
                                   [ee * NROWS + 2 + rr, col_bias])
            plsc.store_scatter(biasst, [ee * (LP + 2) + 2 + rr], val)
        pltpu.sync_copy(
            biasst,
            biasm_h.at[pl.ds(pl.multiple_of(base * (LP + 2), 8), CE * (LP + 2))])

        pltpu.sync_copy(
            rows_all.at[:, 0:D],
            rows_h.at[pl.ds(pl.multiple_of(base * NROWS, 8), CROWS), :])
        return carry

    lax.fori_loop(0, NCH, chunk_body, 0)
    pltpu.sync_copy(res_buf,
                    res_h.at[pl.ds(pl.multiple_of(wid * PER_W, 8), PER_W)])


_GDN = lax.GatherDimensionNumbers(
    offset_dims=(), collapsed_slice_dims=(0,), start_index_map=(0,))


def _permute(v, idx):
    return lax.gather(v, idx[:, None], _GDN, (1,),
                      mode=lax.GatherScatterMode.PROMISE_IN_BOUNDS)


_fm_call = functools.partial(
    pl.kernel,
    mesh=_mesh,
    compiler_params=pltpu.CompilerParams(needs_layout_passes=False,
                                         use_tc_tiling_on_sc=False),
    out_type=[
        jax.ShapeDtypeStruct((B,), jnp.float32),
        jax.ShapeDtypeStruct((B * (LP + 2),), jnp.float32),
        jax.ShapeDtypeStruct((B * NROWS, D), jnp.float32),
    ],
    scratch_types=[
        pltpu.VMEM((CE, 2), jnp.int32),
        pltpu.VMEM((CE, 70), jnp.int32),
        pltpu.VMEM((CROWS, 128), jnp.float32),
        pltpu.VMEM((CE * (LP + 2),), jnp.float32),
        pltpu.VMEM((PER_W,), jnp.float32),
        pltpu.VMEM((L,), jnp.float32),
        pltpu.SemaphoreType.DMA,
    ],
)(_fm_body)


def kernel(ui_pair, feature_index, preference_index, ui_table, feat_table, Bias):
    uiidx = ui_pair.astype(jnp.int32)
    pfidx = jnp.concatenate(
        [preference_index.astype(jnp.int32), feature_index.astype(jnp.int32)],
        axis=1)
    bias16 = jnp.broadcast_to(Bias.astype(jnp.float32), (L,))
    uip = jnp.pad(ui_table, ((0, 0), (0, 128 - 65)))
    ftp = jnp.pad(feat_table, ((0, 0), (0, 128 - 65)))
    res, biasm, rows = _fm_call(uiidx, pfidx, bias16, uip, ftp)
    return (res.reshape(B, 1),
            biasm.reshape(B, LP + 2, 1),
            rows.reshape(B, NROWS, D))

# --- scband reference (transcript-rebuilt; emitter-appended) ---
"""Pipeline reference for scband-factorization-machine-40544491274410 (READ-ONLY COPY).

The authoritative reference and input builder live on the scoring server;
editing this copy changes nothing except your own understanding.
"""

import jax, jax.numpy as jnp
import numpy as np

USER_LENGTH = 100000
ITEM_LENGTH = 100000
FEATURE_LENGTH = 1000000
EMB = 64
B = 4096
LF = 50
LP = 20


def setup_inputs(seed: int = 0) -> dict:
    key = jax.random.key(seed)
    k1, k2, k3, k4, k5, k6 = jax.random.split(key, 6)
    ui_pair = jax.random.randint(k1, (B, 2), 0, 200000)
    feature_index = jax.random.randint(k2, (B, LF), 0, 1000000)
    preference_index = jax.random.randint(k3, (B, LP), 0, 1000000)
    ui_table = jax.random.normal(k4, (USER_LENGTH + ITEM_LENGTH + 1, EMB + 1), dtype=jnp.float32) * 0.01
    feat_table = jax.random.normal(k5, (FEATURE_LENGTH + 1, EMB + 1), dtype=jnp.float32) * 0.01
    feat_table = feat_table.at[FEATURE_LENGTH, :].set(0.0)
    Bias = jax.random.normal(k6, (1,), dtype=jnp.float32) * 0.01
    return {
        "ui_pair": ui_pair,
        "feature_index": feature_index,
        "preference_index": preference_index,
        "ui_table": ui_table,
        "feat_table": feat_table,
        "Bias": Bias,
    }


def _fm_term(nz):
    # 0.5 * ((sum_i v_i)^2 - sum_i v_i^2), reduced over the field dim (axis=1)
    summed_sq = jnp.sum(nz, axis=1, keepdims=True) ** 2
    sq_summed = jnp.sum(nz * nz, axis=1, keepdims=True)
    return 0.5 * (summed_sq - sq_summed)


def reference(ui_pair, feature_index, preference_index, ui_table, feat_table, Bias):
    # command=4 -> forward_1234 path; old_new='new'; dropout p=0.0 -> identity
    feature_matrix_feature = jnp.take(feat_table, feature_index, axis=0)      # [B, LF, EMB+1]
    feature_matrix_ui = jnp.take(ui_table, ui_pair, axis=0)                   # [B, 2, EMB+1]
    nonzero_matrix_ui = feature_matrix_ui[..., :-1]
    feature_bias_matrix_ui = feature_matrix_ui[..., -1:]
    nonzero_matrix_feature = feature_matrix_feature[..., :-1]
    feature_matrix_preference = jnp.take(feat_table, preference_index, axis=0)  # [B, LP, EMB+1]
    nonzero_matrix_preference = feature_matrix_preference[..., :-1]
    feature_bias_matrix_preference = feature_matrix_preference[..., -1:]

    nonzero_matrix = jnp.concatenate((nonzero_matrix_ui, nonzero_matrix_preference), axis=1)
    feature_bias_matrix = jnp.concatenate((feature_bias_matrix_ui, feature_bias_matrix_preference), axis=1)

    FM = _fm_term(nonzero_matrix)

    # old_new == 'new'
    new_non_zero = jnp.concatenate((nonzero_matrix_feature, nonzero_matrix_preference), axis=1)
    newFM = _fm_term(new_non_zero)
    newFM_1 = _fm_term(nonzero_matrix_feature)
    newFM_2 = _fm_term(nonzero_matrix_preference)

    Bilinear = jnp.sum(FM + newFM - newFM_1 - newFM_2, axis=2)  # [B, 1]
    result = Bilinear + Bias
    return (
        result,
        feature_bias_matrix,
        jnp.concatenate((nonzero_matrix, nonzero_matrix_feature), axis=1),
    )


if False:  # reference __main__ guard neutralized (emitter)
    inp = setup_inputs()
    out = reference(**inp)
    for o in out:
        print(o.shape, o.dtype)

if __name__ == "__main__":
    import jax
    _d = setup_inputs()
    print(jax.jit(kernel)(*tuple(_d.values())))

</pallas_src>

<mosaic_0001>
#map = affine_map<(d0, d1) -> (0, 0)>
#map1 = affine_map<(d0, d1) -> (0)>
module attributes {stable_mosaic.version = 14 : i64} {
  func.func @_fm_body(%arg0: i32, %arg1: i32, %arg2: memref<4096x2xi32, #tpu.memory_space<hbm>>, %arg3: memref<4096x70xi32, #tpu.memory_space<hbm>>, %arg4: memref<16xf32, #tpu.memory_space<hbm>>, %arg5: memref<200001x128xf32, #tpu.memory_space<hbm>>, %arg6: memref<1000001x128xf32, #tpu.memory_space<hbm>>, %arg7: memref<4096xf32, #tpu.memory_space<hbm>>, %arg8: memref<90112xf32, #tpu.memory_space<hbm>>, %arg9: memref<294912x64xf32, #tpu.memory_space<hbm>>, %arg10: memref<8x2xi32, #tpu.memory_space<vmem>>, %arg11: memref<8x70xi32, #tpu.memory_space<vmem>>, %arg12: memref<576x128xf32, #tpu.memory_space<vmem>>, %arg13: memref<176xf32, #tpu.memory_space<vmem>>, %arg14: memref<128xf32, #tpu.memory_space<vmem>>, %arg15: memref<16xf32, #tpu.memory_space<vmem>>, %arg16: memref<!tpu.dma_semaphore, #tpu.memory_space<semaphore_mem>>) attributes {dimension_semantics = [#tpu.dimension_semantics<core_parallel>, #tpu.dimension_semantics<subcore_parallel>], iteration_bounds = array<i64: 2, 16>, scalar_prefetch = 0 : i64, scratch_operands = 7 : i64, tpu.core_type = #tpu.core_type<sc_vector_subcore>, window_params = [{transform_indices = #map}, {transform_indices = #map}, {transform_indices = #map1}, {transform_indices = #map}, {transform_indices = #map}, {transform_indices = #map1}, {transform_indices = #map1}, {transform_indices = #map}]} {
    %mul3A = arith.constant 2 : i32
    %mul3A_0 = arith.muli %arg1, %mul3A : i32
    %add3A = arith.addi %mul3A_0, %arg0 : i32
    "tpu.region"() ({
      %run_scoped3A = tpu.sem_alloc : memref<!tpu.dma_semaphore, #tpu.memory_space<semaphore_mem>>
      tpu.enqueue_dma source(%arg4 : memref<16xf32, #tpu.memory_space<hbm>>) target(%arg15 : memref<16xf32, #tpu.memory_space<vmem>>) target_semaphore(%run_scoped3A : memref<!tpu.dma_semaphore, #tpu.memory_space<semaphore_mem>>)
      tpu.wait_dma2 semaphore(%run_scoped3A : memref<!tpu.dma_semaphore, #tpu.memory_space<semaphore_mem>>) src(%arg4 : memref<16xf32, #tpu.memory_space<hbm>>) dst(%arg15 : memref<16xf32, #tpu.memory_space<vmem>>)
      tpu.yield
    }) : () -> ()
    %get3A = arith.constant 0 : index
    %get3A_1 = tpu.vector_load %arg15[%get3A] {strides = array<i32>} : memref<16xf32, #tpu.memory_space<vmem>>, vector<16xf32>,
    %iota3A = tpu.iota {dimensions = array<i32: 0>} : vector<16xi32>
    %eq3A = arith.constant 0 : i32
    %eq3A_2 = vector.broadcast %eq3A : i32 to vector<16xi32>
    %eq3A_3 = arith.cmpi eq, %iota3A, %eq3A_2 : vector<16xi32>
    %broadcast_in_dim3A = arith.constant 0.000000e+00 : f32
    %broadcast_in_dim3A_4 = vector.broadcast %broadcast_in_dim3A : f32 to vector<16xf32>
    %scan3A = arith.constant 0 : i32
    %scan3A_5 = arith.constant 0 : i32
    %scan3A_6 = arith.constant 16 : i32
    %scan3A_7 = arith.addi %scan3A_5, %scan3A_6 : i32
    %scan3A_8 = arith.constant 1 : i32
    scf.for %scan3A_12 = %scan3A_5 to %scan3A_7 step %scan3A_8  : i32 {
      %mul3A_13 = arith.constant 128 : i32
      %mul3A_14 = arith.muli %add3A, %mul3A_13 : i32
      %mul3A_15 = arith.constant 8 : i32
      %mul3A_16 = arith.muli %scan3A_12, %mul3A_15 : i32
      %add3A_17 = arith.addi %mul3A_14, %mul3A_16 : i32
      "tpu.region"() ({
        %run_scoped3A = tpu.sem_alloc : memref<!tpu.dma_semaphore, #tpu.memory_space<semaphore_mem>>
        %dma_start3A_2148 = arith.constant 0 : i32
        %dma_start3A_2149 = tpu.memref_slice %arg2[%add3A_17, %dma_start3A_2148] : memref<4096x2xi32, #tpu.memory_space<hbm>> -> memref<8x2xi32, #tpu.memory_space<hbm>>
        %dma_start3A_2150 = arith.constant 0 : i32
        %dma_start3A_2151 = tpu.memref_slice %arg2[%add3A_17, %dma_start3A_2150] : memref<4096x2xi32, #tpu.memory_space<hbm>> -> memref<8x2xi32, #tpu.memory_space<hbm>>
        tpu.enqueue_dma source(%dma_start3A_2151 : memref<8x2xi32, #tpu.memory_space<hbm>>) target(%arg10 : memref<8x2xi32, #tpu.memory_space<vmem>>) target_semaphore(%run_scoped3A : memref<!tpu.dma_semaphore, #tpu.memory_space<semaphore_mem>>)
        %dma_wait3A_2152 = arith.constant 0 : i32
        %dma_wait3A_2153 = tpu.memref_slice %arg2[%add3A_17, %dma_wait3A_2152] : memref<4096x2xi32, #tpu.memory_space<hbm>> -> memref<8x2xi32, #tpu.memory_space<hbm>>
        %dma_wait3A_2154 = arith.constant 0 : i32
        %dma_wait3A_2155 = tpu.memref_slice %arg2[%add3A_17, %dma_wait3A_2154] : memref<4096x2xi32, #tpu.memory_space<hbm>> -> memref<8x2xi32, #tpu.memory_space<hbm>>
        tpu.wait_dma2 semaphore(%run_scoped3A : memref<!tpu.dma_semaphore, #tpu.memory_space<semaphore_mem>>) src(%dma_wait3A_2155 : memref<8x2xi32, #tpu.memory_space<hbm>>) dst(%arg10 : memref<8x2xi32, #tpu.memory_space<vmem>>)
        tpu.yield
      }) : () -> ()
      "tpu.region"() ({
        %run_scoped3A = tpu.sem_alloc : memref<!tpu.dma_semaphore, #tpu.memory_space<semaphore_mem>>
        %dma_start3A_2148 = arith.constant 0 : i32
        %dma_start3A_2149 = tpu.memref_slice %arg3[%add3A_17, %dma_start3A_2148] : memref<4096x70xi32, #tpu.memory_space<hbm>> -> memref<8x70xi32, #tpu.memory_space<hbm>>
        %dma_start3A_2150 = arith.constant 0 : i32
        %dma_start3A_2151 = tpu.memref_slice %arg3[%add3A_17, %dma_start3A_2150] : memref<4096x70xi32, #tpu.memory_space<hbm>> -> memref<8x70xi32, #tpu.memory_space<hbm>>
        tpu.enqueue_dma source(%dma_start3A_2151 : memref<8x70xi32, #tpu.memory_space<hbm>>) target(%arg11 : memref<8x70xi32, #tpu.memory_space<vmem>>) target_semaphore(%run_scoped3A : memref<!tpu.dma_semaphore, #tpu.memory_space<semaphore_mem>>)
        %dma_wait3A_2152 = arith.constant 0 : i32
        %dma_wait3A_2153 = tpu.memref_slice %arg3[%add3A_17, %dma_wait3A_2152] : memref<4096x70xi32, #tpu.memory_space<hbm>> -> memref<8x70xi32, #tpu.memory_space<hbm>>
        %dma_wait3A_2154 = arith.constant 0 : i32
        %dma_wait3A_2155 = tpu.memref_slice %arg3[%add3A_17, %dma_wait3A_2154] : memref<4096x70xi32, #tpu.memory_space<hbm>> -> memref<8x70xi32, #tpu.memory_space<hbm>>
        tpu.wait_dma2 semaphore(%run_scoped3A : memref<!tpu.dma_semaphore, #tpu.memory_space<semaphore_mem>>) src(%dma_wait3A_2155 : memref<8x70xi32, #tpu.memory_space<hbm>>) dst(%arg11 : memref<8x70xi32, #tpu.memory_space<vmem>>)
        tpu.yield
      }) : () -> ()
      %dma_start3A = arith.constant 0 : i32
      %dma_start3A_18 = arith.constant 0 : i32
      %dma_start3A_19 = arith.constant 0 : i32
      %dma_start3A_20 = tpu.memref_slice %arg12[%dma_start3A_18, %dma_start3A_19] : memref<576x128xf32, #tpu.memory_space<vmem>> -> memref<2x128xf32, #tpu.memory_space<vmem>>
      %dma_start3A_21 = arith.constant 0 : i32
      %dma_start3A_22 = tpu.memref_slice %arg10[%dma_start3A, %dma_start3A_21] : memref<8x2xi32, #tpu.memory_space<vmem>> -> memref<1x2xi32, #tpu.memory_space<vmem>>
      %dma_start3A_23 = tpu.memref_squeeze %dma_start3A_22 : memref<1x2xi32, #tpu.memory_space<vmem>> -> memref<2xi32, #tpu.memory_space<vmem>>
      %dma_start3A_24 = arith.constant 0 : i32
      %dma_start3A_25 = arith.constant 0 : i32
      %dma_start3A_26 = tpu.memref_slice %arg5[%dma_start3A_24, %dma_start3A_25] : memref<200001x128xf32, #tpu.memory_space<hbm>> -> memref<200001x128xf32, #tpu.memory_space<hbm>>
      tpu.enqueue_indirect_dma source(%dma_start3A_26 : memref<200001x128xf32, #tpu.memory_space<hbm>>) target(%dma_start3A_20 : memref<2x128xf32, #tpu.memory_space<vmem>>) offsets(%dma_start3A_23 : memref<2xi32, #tpu.memory_space<vmem>>) semaphore(%arg16 : memref<!tpu.dma_semaphore, #tpu.memory_space<semaphore_mem>>)
      %dma_start3A_27 = arith.constant 0 : i32
      %dma_start3A_28 = arith.constant 2 : i32
      %dma_start3A_29 = arith.constant 0 : i32
      %dma_start3A_30 = tpu.memref_slice %arg12[%dma_start3A_28, %dma_start3A_29] : memref<576x128xf32, #tpu.memory_space<vmem>> -> memref<70x128xf32, #tpu.memory_space<vmem>>
      %dma_start3A_31 = arith.constant 0 : i32
      %dma_start3A_32 = tpu.memref_slice %arg11[%dma_start3A_27, %dma_start3A_31] : memref<8x70xi32, #tpu.memory_space<vmem>> -> memref<1x70xi32, #tpu.memory_space<vmem>>
      %dma_start3A_33 = tpu.memref_squeeze %dma_start3A_32 : memref<1x70xi32, #tpu.memory_space<vmem>> -> memref<70xi32, #tpu.memory_space<vmem>>
      %dma_start3A_34 = arith.constant 0 : i32
      %dma_start3A_35 = arith.constant 0 : i32
      %dma_start3A_36 = tpu.memref_slice %arg6[%dma_start3A_34, %dma_start3A_35] : memref<1000001x128xf32, #tpu.memory_space<hbm>> -> memref<1000001x128xf32, #tpu.memory_space<hbm>>
      tpu.enqueue_indirect_dma source(%dma_start3A_36 : memref<1000001x128xf32, #tpu.memory_space<hbm>>) target(%dma_start3A_30 : memref<70x128xf32, #tpu.memory_space<vmem>>) offsets(%dma_start3A_33 : memref<70xi32, #tpu.memory_space<vmem>>) semaphore(%arg16 : memref<!tpu.dma_semaphore, #tpu.memory_space<semaphore_mem>>)
      %dma_start3A_37 = arith.constant 1 : i32
      %dma_start3A_38 = arith.constant 72 : i32
      %dma_start3A_39 = arith.constant 0 : i32
      %dma_start3A_40 = tpu.memref_slice %arg12[%dma_start3A_38, %dma_start3A_39] : memref<576x128xf32, #tpu.memory_space<vmem>> -> memref<2x128xf32, #tpu.memory_space<vmem>>
      %dma_start3A_41 = arith.constant 0 : i32
      %dma_start3A_42 = tpu.memref_slice %arg10[%dma_start3A_37, %dma_start3A_41] : memref<8x2xi32, #tpu.memory_space<vmem>> -> memref<1x2xi32, #tpu.memory_space<vmem>>
      %dma_start3A_43 = tpu.memref_squeeze %dma_start3A_42 : memref<1x2xi32, #tpu.memory_space<vmem>> -> memref<2xi32, #tpu.memory_space<vmem>>
      %dma_start3A_44 = arith.constant 0 : i32
      %dma_start3A_45 = arith.constant 0 : i32
      %dma_start3A_46 = tpu.memref_slice %arg5[%dma_start3A_44, %dma_start3A_45] : memref<200001x128xf32, #tpu.memory_space<hbm>> -> memref<200001x128xf32, #tpu.memory_space<hbm>>
      tpu.enqueue_indirect_dma source(%dma_start3A_46 : memref<200001x128xf32, #tpu.memory_space<hbm>>) target(%dma_start3A_40 : memref<2x128xf32, #tpu.memory_space<vmem>>) offsets(%dma_start3A_43 : memref<2xi32, #tpu.memory_space<vmem>>) semaphore(%arg16 : memref<!tpu.dma_semaphore, #tpu.memory_space<semaphore_mem>>)
      %dma_start3A_47 = arith.constant 1 : i32
      %dma_start3A_48 = arith.constant 74 : i32
      %dma_start3A_49 = arith.constant 0 : i32
      %dma_start3A_50 = tpu.memref_slice %arg12[%dma_start3A_48, %dma_start3A_49] : memref<576x128xf32, #tpu.memory_space<vmem>> -> memref<70x128xf32, #tpu.memory_space<vmem>>
      %dma_start3A_51 = arith.constant 0 : i32
      %dma_start3A_52 = tpu.memref_slice %arg11[%dma_start3A_47, %dma_start3A_51] : memref<8x70xi32, #tpu.memory_space<vmem>> -> memref<1x70xi32, #tpu.memory_space<vmem>>
      %dma_start3A_53 = tpu.memref_squeeze %dma_start3A_52 : memref<1x70xi32, #tpu.memory_space<vmem>> -> memref<70xi32, #tpu.memory_space<vmem>>
      %dma_start3A_54 = arith.constant 0 : i32
      %dma_start3A_55 = arith.constant 0 : i32
      %dma_start3A_56 = tpu.memref_slice %arg6[%dma_start3A_54, %dma_start3A_55] : memref<1000001x128xf32, #tpu.memory_space<hbm>> -> memref<1000001x128xf32, #tpu.memory_space<hbm>>
      tpu.enqueue_indirect_dma source(%dma_start3A_56 : memref<1000001x128xf32, #tpu.memory_space<hbm>>) target(%dma_start3A_50 : memref<70x128xf32, #tpu.memory_space<vmem>>) offsets(%dma_start3A_53 : memref<70xi32, #tpu.memory_space<vmem>>) semaphore(%arg16 : memref<!tpu.dma_semaphore, #tpu.memory_space<semaphore_mem>>)
      %dma_start3A_57 = arith.constant 2 : i32
      %dma_start3A_58 = arith.constant 144 : i32
      %dma_start3A_59 = arith.constant 0 : i32
      %dma_start3A_60 = tpu.memref_slice %arg12[%dma_start3A_58, %dma_start3A_59] : memref<576x128xf32, #tpu.memory_space<vmem>> -> memref<2x128xf32, #tpu.memory_space<vmem>>
      %dma_start3A_61 = arith.constant 0 : i32
      %dma_start3A_62 = tpu.memref_slice %arg10[%dma_start3A_57, %dma_start3A_61] : memref<8x2xi32, #tpu.memory_space<vmem>> -> memref<1x2xi32, #tpu.memory_space<vmem>>
      %dma_start3A_63 = tpu.memref_squeeze %dma_start3A_62 : memref<1x2xi32, #tpu.memory_space<vmem>> -> memref<2xi32, #tpu.memory_space<vmem>>
      %dma_start3A_64 = arith.constant 0 : i32
      %dma_start3A_65 = arith.constant 0 : i32
      %dma_start3A_66 = tpu.memref_slice %arg5[%dma_start3A_64, %dma_start3A_65] : memref<200001x128xf32, #tpu.memory_space<hbm>> -> memref<200001x128xf32, #tpu.memory_space<hbm>>
      tpu.enqueue_indirect_dma source(%dma_start3A_66 : memref<200001x128xf32, #tpu.memory_space<hbm>>) target(%dma_start3A_60 : memref<2x128xf32, #tpu.memory_space<vmem>>) offsets(%dma_start3A_63 : memref<2xi32, #tpu.memory_space<vmem>>) semaphore(%arg16 : memref<!tpu.dma_semaphore, #tpu.memory_space<semaphore_mem>>)
      %dma_start3A_67 = arith.constant 2 : i32
      %dma_start3A_68 = arith.constant 146 : i32
      %dma_start3A_69 = arith.constant 0 : i32
      %dma_start3A_70 = tpu.memref_slice %arg12[%dma_start3A_68, %dma_start3A_69] : memref<576x128xf32, #tpu.memory_space<vmem>> -> memref<70x128xf32, #tpu.memory_space<vmem>>
      %dma_start3A_71 = arith.constant 0 : i32
      %dma_start3A_72 = tpu.memref_slice %arg11[%dma_start3A_67, %dma_start3A_71] : memref<8x70xi32, #tpu.memory_space<vmem>> -> memref<1x70xi32, #tpu.memory_space<vmem>>
      %dma_start3A_73 = tpu.memref_squeeze %dma_start3A_72 : memref<1x70xi32, #tpu.memory_space<vmem>> -> memref<70xi32, #tpu.memory_space<vmem>>
      %dma_start3A_74 = arith.constant 0 : i32
      %dma_start3A_75 = arith.constant 0 : i32
      %dma_start3A_76 = tpu.memref_slice %arg6[%dma_start3A_74, %dma_start3A_75] : memref<1000001x128xf32, #tpu.memory_space<hbm>> -> memref<1000001x128xf32, #tpu.memory_space<hbm>>
      tpu.enqueue_indirect_dma source(%dma_start3A_76 : memref<1000001x128xf32, #tpu.memory_space<hbm>>) target(%dma_start3A_70 : memref<70x128xf32, #tpu.memory_space<vmem>>) offsets(%dma_start3A_73 : memref<70xi32, #tpu.memory_space<vmem>>) semaphore(%arg16 : memref<!tpu.dma_semaphore, #tpu.memory_space<semaphore_mem>>)
      %dma_start3A_77 = arith.constant 3 : i32
      %dma_start3A_78 = arith.constant 216 : i32
      %dma_start3A_79 = arith.constant 0 : i32
      %dma_start3A_80 = tpu.memref_slice %arg12[%dma_start3A_78, %dma_start3A_79] : memref<576x128xf32, #tpu.memory_space<vmem>> -> memref<2x128xf32, #tpu.memory_space<vmem>>
      %dma_start3A_81 = arith.constant 0 : i32
      %dma_start3A_82 = tpu.memref_slice %arg10[%dma_start3A_77, %dma_start3A_81] : memref<8x2xi32, #tpu.memory_space<vmem>> -> memref<1x2xi32, #tpu.memory_space<vmem>>
      %dma_start3A_83 = tpu.memref_squeeze %dma_start3A_82 : memref<1x2xi32, #tpu.memory_space<vmem>> -> memref<2xi32, #tpu.memory_space<vmem>>
      %dma_start3A_84 = arith.constant 0 : i32
      %dma_start3A_85 = arith.constant 0 : i32
      %dma_start3A_86 = tpu.memref_slice %arg5[%dma_start3A_84, %dma_start3A_85] : memref<200001x128xf32, #tpu.memory_space<hbm>> -> memref<200001x128xf32, #tpu.memory_space<hbm>>
      tpu.enqueue_indirect_dma source(%dma_start3A_86 : memref<200001x128xf32, #tpu.memory_space<hbm>>) target(%dma_start3A_80 : memref<2x128xf32, #tpu.memory_space<vmem>>) offsets(%dma_start3A_83 : memref<2xi32, #tpu.memory_space<vmem>>) semaphore(%arg16 : memref<!tpu.dma_semaphore, #tpu.memory_space<semaphore_mem>>)
      %dma_start3A_87 = arith.constant 3 : i32
      %dma_start3A_88 = arith.constant 218 : i32
      %dma_start3A_89 = arith.constant 0 : i32
      %dma_start3A_90 = tpu.memref_slice %arg12[%dma_start3A_88, %dma_start3A_89] : memref<576x128xf32, #tpu.memory_space<vmem>> -> memref<70x128xf32, #tpu.memory_space<vmem>>
      %dma_start3A_91 = arith.constant 0 : i32
      %dma_start3A_92 = tpu.memref_slice %arg11[%dma_start3A_87, %dma_start3A_91] : memref<8x70xi32, #tpu.memory_space<vmem>> -> memref<1x70xi32, #tpu.memory_space<vmem>>
      %dma_start3A_93 = tpu.memref_squeeze %dma_start3A_92 : memref<1x70xi32, #tpu.memory_space<vmem>> -> memref<70xi32, #tpu.memory_space<vmem>>
      %dma_start3A_94 = arith.constant 0 : i32
      %dma_start3A_95 = arith.constant 0 : i32
      %dma_start3A_96 = tpu.memref_slice %arg6[%dma_start3A_94, %dma_start3A_95] : memref<1000001x128xf32, #tpu.memory_space<hbm>> -> memref<1000001x128xf32, #tpu.memory_space<hbm>>
      tpu.enqueue_indirect_dma source(%dma_start3A_96 : memref<1000001x128xf32, #tpu.memory_space<hbm>>) target(%dma_start3A_90 : memref<70x128xf32, #tpu.memory_space<vmem>>) offsets(%dma_start3A_93 : memref<70xi32, #tpu.memory_space<vmem>>) semaphore(%arg16 : memref<!tpu.dma_semaphore, #tpu.memory_space<semaphore_mem>>)
      %dma_start3A_97 = arith.constant 4 : i32
      %dma_start3A_98 = arith.constant 288 : i32
      %dma_start3A_99 = arith.constant 0 : i32
      %dma_start3A_100 = tpu.memref_slice %arg12[%dma_start3A_98, %dma_start3A_99] : memref<576x128xf32, #tpu.memory_space<vmem>> -> memref<2x128xf32, #tpu.memory_space<vmem>>
      %dma_start3A_101 = arith.constant 0 : i32
      %dma_start3A_102 = tpu.memref_slice %arg10[%dma_start3A_97, %dma_start3A_101] : memref<8x2xi32, #tpu.memory_space<vmem>> -> memref<1x2xi32, #tpu.memory_space<vmem>>
      %dma_start3A_103 = tpu.memref_squeeze %dma_start3A_102 : memref<1x2xi32, #tpu.memory_space<vmem>> -> memref<2xi32, #tpu.memory_space<vmem>>
      %dma_start3A_104 = arith.constant 0 : i32
      %dma_start3A_105 = arith.constant 0 : i32
      %dma_start3A_106 = tpu.memref_slice %arg5[%dma_start3A_104, %dma_start3A_105] : memref<200001x128xf32, #tpu.memory_space<hbm>> -> memref<200001x128xf32, #tpu.memory_space<hbm>>
      tpu.enqueue_indirect_dma source(%dma_start3A_106 : memref<200001x128xf32, #tpu.memory_space<hbm>>) target(%dma_start3A_100 : memref<2x128xf32, #tpu.memory_space<vmem>>) offsets(%dma_start3A_103 : memref<2xi32, #tpu.memory_space<vmem>>) semaphore(%arg16 : memref<!tpu.dma_semaphore, #tpu.memory_space<semaphore_mem>>)
      %dma_start3A_107 = arith.constant 4 : i32
      %dma_start3A_108 = arith.constant 290 : i32
      %dma_start3A_109 = arith.constant 0 : i32
      %dma_start3A_110 = tpu.memref_slice %arg12[%dma_start3A_108, %dma_start3A_109] : memref<576x128xf32, #tpu.memory_space<vmem>> -> memref<70x128xf32, #tpu.memory_space<vmem>>
      %dma_start3A_111 = arith.constant 0 : i32
      %dma_start3A_112 = tpu.memref_slice %arg11[%dma_start3A_107, %dma_start3A_111] : memref<8x70xi32, #tpu.memory_space<vmem>> -> memref<1x70xi32, #tpu.memory_space<vmem>>
      %dma_start3A_113 = tpu.memref_squeeze %dma_start3A_112 : memref<1x70xi32, #tpu.memory_space<vmem>> -> memref<70xi32, #tpu.memory_space<vmem>>
      %dma_start3A_114 = arith.constant 0 : i32
      %dma_start3A_115 = arith.constant 0 : i32
      %dma_start3A_116 = tpu.memref_slice %arg6[%dma_start3A_114, %dma_start3A_115] : memref<1000001x128xf32, #tpu.memory_space<hbm>> -> memref<1000001x128xf32, #tpu.memory_space<hbm>>
      tpu.enqueue_indirect_dma source(%dma_start3A_116 : memref<1000001x128xf32, #tpu.memory_space<hbm>>) target(%dma_start3A_110 : memref<70x128xf32, #tpu.memory_space<vmem>>) offsets(%dma_start3A_113 : memref<70xi32, #tpu.memory_space<vmem>>) semaphore(%arg16 : memref<!tpu.dma_semaphore, #tpu.memory_space<semaphore_mem>>)
      %dma_start3A_117 = arith.constant 5 : i32
      %dma_start3A_118 = arith.constant 360 : i32
      %dma_start3A_119 = arith.constant 0 : i32
      %dma_start3A_120 = tpu.memref_slice %arg12[%dma_start3A_118, %dma_start3A_119] : memref<576x128xf32, #tpu.memory_space<vmem>> -> memref<2x128xf32, #tpu.memory_space<vmem>>
      %dma_start3A_121 = arith.constant 0 : i32
      %dma_start3A_122 = tpu.memref_slice %arg10[%dma_start3A_117, %dma_start3A_121] : memref<8x2xi32, #tpu.memory_space<vmem>> -> memref<1x2xi32, #tpu.memory_space<vmem>>
      %dma_start3A_123 = tpu.memref_squeeze %dma_start3A_122 : memref<1x2xi32, #tpu.memory_space<vmem>> -> memref<2xi32, #tpu.memory_space<vmem>>
      %dma_start3A_124 = arith.constant 0 : i32
      %dma_start3A_125 = arith.constant 0 : i32
      %dma_start3A_126 = tpu.memref_slice %arg5[%dma_start3A_124, %dma_start3A_125] : memref<200001x128xf32, #tpu.memory_space<hbm>> -> memref<200001x128xf32, #tpu.memory_space<hbm>>
      tpu.enqueue_indirect_dma source(%dma_start3A_126 : memref<200001x128xf32, #tpu.memory_space<hbm>>) target(%dma_start3A_120 : memref<2x128xf32, #tpu.memory_space<vmem>>) offsets(%dma_start3A_123 : memref<2xi32, #tpu.memory_space<vmem>>) semaphore(%arg16 : memref<!tpu.dma_semaphore, #tpu.memory_space<semaphore_mem>>)
      %dma_start3A_127 = arith.constant 5 : i32
      %dma_start3A_128 = arith.constant 362 : i32
      %dma_start3A_129 = arith.constant 0 : i32
      %dma_start3A_130 = tpu.memref_slice %arg12[%dma_start3A_128, %dma_start3A_129] : memref<576x128xf32, #tpu.memory_space<vmem>> -> memref<70x128xf32, #tpu.memory_space<vmem>>
      %dma_start3A_131 = arith.constant 0 : i32
      %dma_start3A_132 = tpu.memref_slice %arg11[%dma_start3A_127, %dma_start3A_131] : memref<8x70xi32, #tpu.memory_space<vmem>> -> memref<1x70xi32, #tpu.memory_space<vmem>>
      %dma_start3A_133 = tpu.memref_squeeze %dma_start3A_132 : memref<1x70xi32, #tpu.memory_space<vmem>> -> memref<70xi32, #tpu.memory_space<vmem>>
      %dma_start3A_134 = arith.constant 0 : i32
      %dma_start3A_135 = arith.constant 0 : i32
      %dma_start3A_136 = tpu.memref_slice %arg6[%dma_start3A_134, %dma_start3A_135] : memref<1000001x128xf32, #tpu.memory_space<hbm>> -> memref<1000001x128xf32, #tpu.memory_space<hbm>>
      tpu.enqueue_indirect_dma source(%dma_start3A_136 : memref<1000001x128xf32, #tpu.memory_space<hbm>>) target(%dma_start3A_130 : memref<70x128xf32, #tpu.memory_space<vmem>>) offsets(%dma_start3A_133 : memref<70xi32, #tpu.memory_space<vmem>>) semaphore(%arg16 : memref<!tpu.dma_semaphore, #tpu.memory_space<semaphore_mem>>)
      %dma_start3A_137 = arith.constant 6 : i32
      %dma_start3A_138 = arith.constant 432 : i32
      %dma_start3A_139 = arith.constant 0 : i32
      %dma_start3A_140 = tpu.memref_slice %arg12[%dma_start3A_138, %dma_start3A_139] : memref<576x128xf32, #tpu.memory_space<vmem>> -> memref<2x128xf32, #tpu.memory_space<vmem>>
      %dma_start3A_141 = arith.constant 0 : i32
      %dma_start3A_142 = tpu.memref_slice %arg10[%dma_start3A_137, %dma_start3A_141] : memref<8x2xi32, #tpu.memory_space<vmem>> -> memref<1x2xi32, #tpu.memory_space<vmem>>
      %dma_start3A_143 = tpu.memref_squeeze %dma_start3A_142 : memref<1x2xi32, #tpu.memory_space<vmem>> -> memref<2xi32, #tpu.memory_space<vmem>>
      %dma_start3A_144 = arith.constant 0 : i32
      %dma_start3A_145 = arith.constant 0 : i32
      %dma_start3A_146 = tpu.memref_slice %arg5[%dma_start3A_144, %dma_start3A_145] : memref<200001x128xf32, #tpu.memory_space<hbm>> -> memref<200001x128xf32, #tpu.memory_space<hbm>>
      tpu.enqueue_indirect_dma source(%dma_start3A_146 : memref<200001x128xf32, #tpu.memory_space<hbm>>) target(%dma_start3A_140 : memref<2x128xf32, #tpu.memory_space<vmem>>) offsets(%dma_start3A_143 : memref<2xi32, #tpu.memory_space<vmem>>) semaphore(%arg16 : memref<!tpu.dma_semaphore, #tpu.memory_space<semaphore_mem>>)
      %dma_start3A_147 = arith.constant 6 : i32
      %dma_start3A_148 = arith.constant 434 : i32
      %dma_start3A_149 = arith.constant 0 : i32
      %dma_start3A_150 = tpu.memref_slice %arg12[%dma_start3A_148, %dma_start3A_149] : memref<576x128xf32, #tpu.memory_space<vmem>> -> memref<70x128xf32, #tpu.memory_space<vmem>>
      %dma_start3A_151 = arith.constant 0 : i32
      %dma_start3A_152 = tpu.memref_slice %arg11[%dma_start3A_147, %dma_start3A_151] : memref<8x70xi32, #tpu.memory_space<vmem>> -> memref<1x70xi32, #tpu.memory_space<vmem>>
      %dma_start3A_153 = tpu.memref_squeeze %dma_start3A_152 : memref<1x70xi32, #tpu.memory_space<vmem>> -> memref<70xi32, #tpu.memory_space<vmem>>
      %dma_start3A_154 = arith.constant 0 : i32
      %dma_start3A_155 = arith.constant 0 : i32
      %dma_start3A_156 = tpu.memref_slice %arg6[%dma_start3A_154, %dma_start3A_155] : memref<1000001x128xf32, #tpu.memory_space<hbm>> -> memref<1000001x128xf32, #tpu.memory_space<hbm>>
      tpu.enqueue_indirect_dma source(%dma_start3A_156 : memref<1000001x128xf32, #tpu.memory_space<hbm>>) target(%dma_start3A_150 : memref<70x128xf32, #tpu.memory_space<vmem>>) offsets(%dma_start3A_153 : memref<70xi32, #tpu.memory_space<vmem>>) semaphore(%arg16 : memref<!tpu.dma_semaphore, #tpu.memory_space<semaphore_mem>>)
      %dma_start3A_157 = arith.constant 7 : i32
      %dma_start3A_158 = arith.constant 504 : i32
      %dma_start3A_159 = arith.constant 0 : i32
      %dma_start3A_160 = tpu.memref_slice %arg12[%dma_start3A_158, %dma_start3A_159] : memref<576x128xf32, #tpu.memory_space<vmem>> -> memref<2x128xf32, #tpu.memory_space<vmem>>
      %dma_start3A_161 = arith.constant 0 : i32
      %dma_start3A_162 = tpu.memref_slice %arg10[%dma_start3A_157, %dma_start3A_161] : memref<8x2xi32, #tpu.memory_space<vmem>> -> memref<1x2xi32, #tpu.memory_space<vmem>>
      %dma_start3A_163 = tpu.memref_squeeze %dma_start3A_162 : memref<1x2xi32, #tpu.memory_space<vmem>> -> memref<2xi32, #tpu.memory_space<vmem>>
      %dma_start3A_164 = arith.constant 0 : i32
      %dma_start3A_165 = arith.constant 0 : i32
      %dma_start3A_166 = tpu.memref_slice %arg5[%dma_start3A_164, %dma_start3A_165] : memref<200001x128xf32, #tpu.memory_space<hbm>> -> memref<200001x128xf32, #tpu.memory_space<hbm>>
      tpu.enqueue_indirect_dma source(%dma_start3A_166 : memref<200001x128xf32, #tpu.memory_space<hbm>>) target(%dma_start3A_160 : memref<2x128xf32, #tpu.memory_space<vmem>>) offsets(%dma_start3A_163 : memref<2xi32, #tpu.memory_space<vmem>>) semaphore(%arg16 : memref<!tpu.dma_semaphore, #tpu.memory_space<semaphore_mem>>)
      %dma_start3A_167 = arith.constant 7 : i32
      %dma_start3A_168 = arith.constant 506 : i32
      %dma_start3A_169 = arith.constant 0 : i32
      %dma_start3A_170 = tpu.memref_slice %arg12[%dma_start3A_168, %dma_start3A_169] : memref<576x128xf32, #tpu.memory_space<vmem>> -> memref<70x128xf32, #tpu.memory_space<vmem>>
      %dma_start3A_171 = arith.constant 0 : i32
      %dma_start3A_172 = tpu.memref_slice %arg11[%dma_start3A_167, %dma_start3A_171] : memref<8x70xi32, #tpu.memory_space<vmem>> -> memref<1x70xi32, #tpu.memory_space<vmem>>
      %dma_start3A_173 = tpu.memref_squeeze %dma_start3A_172 : memref<1x70xi32, #tpu.memory_space<vmem>> -> memref<70xi32, #tpu.memory_space<vmem>>
      %dma_start3A_174 = arith.constant 0 : i32
      %dma_start3A_175 = arith.constant 0 : i32
      %dma_start3A_176 = tpu.memref_slice %arg6[%dma_start3A_174, %dma_start3A_175] : memref<1000001x128xf32, #tpu.memory_space<hbm>> -> memref<1000001x128xf32, #tpu.memory_space<hbm>>
      tpu.enqueue_indirect_dma source(%dma_start3A_176 : memref<1000001x128xf32, #tpu.memory_space<hbm>>) target(%dma_start3A_170 : memref<70x128xf32, #tpu.memory_space<vmem>>) offsets(%dma_start3A_173 : memref<70xi32, #tpu.memory_space<vmem>>) semaphore(%arg16 : memref<!tpu.dma_semaphore, #tpu.memory_space<semaphore_mem>>)
      %dma_wait3A = arith.constant 0 : i32
      %dma_wait3A_177 = arith.constant 0 : i32
      %dma_wait3A_178 = arith.constant 0 : i32
      %dma_wait3A_179 = tpu.memref_slice %arg12[%dma_wait3A_177, %dma_wait3A_178] : memref<576x128xf32, #tpu.memory_space<vmem>> -> memref<2x128xf32, #tpu.memory_space<vmem>>
      %dma_wait3A_180 = arith.constant 0 : i32
      %dma_wait3A_181 = tpu.memref_slice %arg10[%dma_wait3A, %dma_wait3A_180] : memref<8x2xi32, #tpu.memory_space<vmem>> -> memref<1x2xi32, #tpu.memory_space<vmem>>
      %dma_wait3A_182 = tpu.memref_squeeze %dma_wait3A_181 : memref<1x2xi32, #tpu.memory_space<vmem>> -> memref<2xi32, #tpu.memory_space<vmem>>
      %dma_wait3A_183 = arith.constant 0 : i32
      %dma_wait3A_184 = arith.constant 0 : i32
      %dma_wait3A_185 = tpu.memref_slice %arg5[%dma_wait3A_183, %dma_wait3A_184] : memref<200001x128xf32, #tpu.memory_space<hbm>> -> memref<200001x128xf32, #tpu.memory_space<hbm>>
      tpu.wait_indirect_dma semaphore(%arg16 : memref<!tpu.dma_semaphore, #tpu.memory_space<semaphore_mem>>) src(%dma_wait3A_185 : memref<200001x128xf32, #tpu.memory_space<hbm>>) dst(%dma_wait3A_179 : memref<2x128xf32, #tpu.memory_space<vmem>>)
      %dma_wait3A_186 = arith.constant 0 : i32
      %dma_wait3A_187 = arith.constant 2 : i32
      %dma_wait3A_188 = arith.constant 0 : i32
      %dma_wait3A_189 = tpu.memref_slice %arg12[%dma_wait3A_187, %dma_wait3A_188] : memref<576x128xf32, #tpu.memory_space<vmem>> -> memref<70x128xf32, #tpu.memory_space<vmem>>
      %dma_wait3A_190 = arith.constant 0 : i32
      %dma_wait3A_191 = tpu.memref_slice %arg11[%dma_wait3A_186, %dma_wait3A_190] : memref<8x70xi32, #tpu.memory_space<vmem>> -> memref<1x70xi32, #tpu.memory_space<vmem>>
      %dma_wait3A_192 = tpu.memref_squeeze %dma_wait3A_191 : memref<1x70xi32, #tpu.memory_space<vmem>> -> memref<70xi32, #tpu.memory_space<vmem>>
      %dma_wait3A_193 = arith.constant 0 : i32
      %dma_wait3A_194 = arith.constant 0 : i32
      %dma_wait3A_195 = tpu.memref_slice %arg6[%dma_wait3A_193, %dma_wait3A_194] : memref<1000001x128xf32, #tpu.memory_space<hbm>> -> memref<1000001x128xf32, #tpu.memory_space<hbm>>
      tpu.wait_indirect_dma semaphore(%arg16 : memref<!tpu.dma_semaphore, #tpu.memory_space<semaphore_mem>>) src(%dma_wait3A_195 : memref<1000001x128xf32, #tpu.memory_space<hbm>>) dst(%dma_wait3A_189 : memref<70x128xf32, #tpu.memory_space<vmem>>)
      %dma_wait3A_196 = arith.constant 1 : i32
      %dma_wait3A_197 = arith.constant 72 : i32
      %dma_wait3A_198 = arith.constant 0 : i32
      %dma_wait3A_199 = tpu.memref_slice %arg12[%dma_wait3A_197, %dma_wait3A_198] : memref<576x128xf32, #tpu.memory_space<vmem>> -> memref<2x128xf32, #tpu.memory_space<vmem>>
      %dma_wait3A_200 = arith.constant 0 : i32
      %dma_wait3A_201 = tpu.memref_slice %arg10[%dma_wait3A_196, %dma_wait3A_200] : memref<8x2xi32, #tpu.memory_space<vmem>> -> memref<1x2xi32, #tpu.memory_space<vmem>>
      %dma_wait3A_202 = tpu.memref_squeeze %dma_wait3A_201 : memref<1x2xi32, #tpu.memory_space<vmem>> -> memref<2xi32, #tpu.memory_space<vmem>>
      %dma_wait3A_203 = arith.constant 0 : i32
      %dma_wait3A_204 = arith.constant 0 : i32
      %dma_wait3A_205 = tpu.memref_slice %arg5[%dma_wait3A_203, %dma_wait3A_204] : memref<200001x128xf32, #tpu.memory_space<hbm>> -> memref<200001x128xf32, #tpu.memory_space<hbm>>
      tpu.wait_indirect_dma semaphore(%arg16 : memref<!tpu.dma_semaphore, #tpu.memory_space<semaphore_mem>>) src(%dma_wait3A_205 : memref<200001x128xf32, #tpu.memory_space<hbm>>) dst(%dma_wait3A_199 : memref<2x128xf32, #tpu.memory_space<vmem>>)
      %dma_wait3A_206 = arith.constant 1 : i32
      %dma_wait3A_207 = arith.constant 74 : i32
      %dma_wait3A_208 = arith.constant 0 : i32
      %dma_wait3A_209 = tpu.memref_slice %arg12[%dma_wait3A_207, %dma_wait3A_208] : memref<576x128xf32, #tpu.memory_space<vmem>> -> memref<70x128xf32, #tpu.memory_space<vmem>>
      %dma_wait3A_210 = arith.constant 0 : i32
      %dma_wait3A_211 = tpu.memref_slice %arg11[%dma_wait3A_206, %dma_wait3A_210] : memref<8x70xi32, #tpu.memory_space<vmem>> -> memref<1x70xi32, #tpu.memory_space<vmem>>
      %dma_wait3A_212 = tpu.memref_squeeze %dma_wait3A_211 : memref<1x70xi32, #tpu.memory_space<vmem>> -> memref<70xi32, #tpu.memory_space<vmem>>
      %dma_wait3A_213 = arith.constant 0 : i32
      %dma_wait3A_214 = arith.constant 0 : i32
      %dma_wait3A_215 = tpu.memref_slice %arg6[%dma_wait3A_213, %dma_wait3A_214] : memref<1000001x128xf32, #tpu.memory_space<hbm>> -> memref<1000001x128xf32, #tpu.memory_space<hbm>>
      tpu.wait_indirect_dma semaphore(%arg16 : memref<!tpu.dma_semaphore, #tpu.memory_space<semaphore_mem>>) src(%dma_wait3A_215 : memref<1000001x128xf32, #tpu.memory_space<hbm>>) dst(%dma_wait3A_209 : memref<70x128xf32, #tpu.memory_space<vmem>>)
      %dma_wait3A_216 = arith.constant 2 : i32
      %dma_wait3A_217 = arith.constant 144 : i32
      %dma_wait3A_218 = arith.constant 0 : i32
      %dma_wait3A_219 = tpu.memref_slice %arg12[%dma_wait3A_217, %dma_wait3A_218] : memref<576x128xf32, #tpu.memory_space<vmem>> -> memref<2x128xf32, #tpu.memory_space<vmem>>
      %dma_wait3A_220 = arith.constant 0 : i32
      %dma_wait3A_221 = tpu.memref_slice %arg10[%dma_wait3A_216, %dma_wait3A_220] : memref<8x2xi32, #tpu.memory_space<vmem>> -> memref<1x2xi32, #tpu.memory_space<vmem>>
      %dma_wait3A_222 = tpu.memref_squeeze %dma_wait3A_221 : memref<1x2xi32, #tpu.memory_space<vmem>> -> memref<2xi32, #tpu.memory_space<vmem>>
      %dma_wait3A_223 = arith.constant 0 : i32
      %dma_wait3A_224 = arith.constant 0 : i32
      %dma_wait3A_225 = tpu.memref_slice %arg5[%dma_wait3A_223, %dma_wait3A_224] : memref<200001x128xf32, #tpu.memory_space<hbm>> -> memref<200001x128xf32, #tpu.memory_space<hbm>>
      tpu.wait_indirect_dma semaphore(%arg16 : memref<!tpu.dma_semaphore, #tpu.memory_space<semaphore_mem>>) src(%dma_wait3A_225 : memref<200001x128xf32, #tpu.memory_space<hbm>>) dst(%dma_wait3A_219 : memref<2x128xf32, #tpu.memory_space<vmem>>)
      %dma_wait3A_226 = arith.constant 2 : i32
      %dma_wait3A_227 = arith.constant 146 : i32
      %dma_wait3A_228 = arith.constant 0 : i32
      %dma_wait3A_229 = tpu.memref_slice %arg12[%dma_wait3A_227, %dma_wait3A_228] : memref<576x128xf32, #tpu.memory_space<vmem>> -> memref<70x128xf32, #tpu.memory_space<vmem>>
      %dma_wait3A_230 = arith.constant 0 : i32
      %dma_wait3A_231 = tpu.memref_slice %arg11[%dma_wait3A_226, %dma_wait3A_230] : memref<8x70xi32, #tpu.memory_space<vmem>> -> memref<1x70xi32, #tpu.memory_space<vmem>>
      %dma_wait3A_232 = tpu.memref_squeeze %dma_wait3A_231 : memref<1x70xi32, #tpu.memory_space<vmem>> -> memref<70xi32, #tpu.memory_space<vmem>>
      %dma_wait3A_233 = arith.constant 0 : i32
      %dma_wait3A_234 = arith.constant 0 : i32
      %dma_wait3A_235 = tpu.memref_slice %arg6[%dma_wait3A_233, %dma_wait3A_234] : memref<1000001x128xf32, #tpu.memory_space<hbm>> -> memref<1000001x128xf32, #tpu.memory_space<hbm>>
      tpu.wait_indirect_dma semaphore(%arg16 : memref<!tpu.dma_semaphore, #tpu.memory_space<semaphore_mem>>) src(%dma_wait3A_235 : memref<1000001x128xf32, #tpu.memory_space<hbm>>) dst(%dma_wait3A_229 : memref<70x128xf32, #tpu.memory_space<vmem>>)
      %dma_wait3A_236 = arith.constant 3 : i32
      %dma_wait3A_237 = arith.constant 216 : i32
      %dma_wait3A_238 = arith.constant 0 : i32
      %dma_wait3A_239 = tpu.memref_slice %arg12[%dma_wait3A_237, %dma_wait3A_238] : memref<576x128xf32, #tpu.memory_space<vmem>> -> memref<2x128xf32, #tpu.memory_space<vmem>>
      %dma_wait3A_240 = arith.constant 0 : i32
      %dma_wait3A_241 = tpu.memref_slice %arg10[%dma_wait3A_236, %dma_wait3A_240] : memref<8x2xi32, #tpu.memory_space<vmem>> -> memref<1x2xi32, #tpu.memory_space<vmem>>
      %dma_wait3A_242 = tpu.memref_squeeze %dma_wait3A_241 : memref<1x2xi32, #tpu.memory_space<vmem>> -> memref<2xi32, #tpu.memory_space<vmem>>
      %dma_wait3A_243 = arith.constant 0 : i32
      %dma_wait3A_244 = arith.constant 0 : i32
      %dma_wait3A_245 = tpu.memref_slice %arg5[%dma_wait3A_243, %dma_wait3A_244] : memref<200001x128xf32, #tpu.memory_space<hbm>> -> memref<200001x128xf32, #tpu.memory_space<hbm>>
      tpu.wait_indirect_dma semaphore(%arg16 : memref<!tpu.dma_semaphore, #tpu.memory_space<semaphore_mem>>) src(%dma_wait3A_245 : memref<200001x128xf32, #tpu.memory_space<hbm>>) dst(%dma_wait3A_239 : memref<2x128xf32, #tpu.memory_space<vmem>>)
      %dma_wait3A_246 = arith.constant 3 : i32
      %dma_wait3A_247 = arith.constant 218 : i32
      %dma_wait3A_248 = arith.constant 0 : i32
      %dma_wait3A_249 = tpu.memref_slice %arg12[%dma_wait3A_247, %dma_wait3A_248] : memref<576x128xf32, #tpu.memory_space<vmem>> -> memref<70x128xf32, #tpu.memory_space<vmem>>
      %dma_wait3A_250 = arith.constant 0 : i32
      %dma_wait3A_251 = tpu.memref_slice %arg11[%dma_wait3A_246, %dma_wait3A_250] : memref<8x70xi32, #tpu.memory_space<vmem>> -> memref<1x70xi32, #tpu.memory_space<vmem>>
      %dma_wait3A_252 = tpu.memref_squeeze %dma_wait3A_251 : memref<1x70xi32, #tpu.memory_space<vmem>> -> memref<70xi32, #tpu.memory_space<vmem>>
      %dma_wait3A_253 = arith.constant 0 : i32
      %dma_wait3A_254 = arith.constant 0 : i32
      %dma_wait3A_255 = tpu.memref_slice %arg6[%dma_wait3A_253, %dma_wait3A_254] : memref<1000001x128xf32, #tpu.memory_space<hbm>> -> memref<1000001x128xf32, #tpu.memory_space<hbm>>
      tpu.wait_indirect_dma semaphore(%arg16 : memref<!tpu.dma_semaphore, #tpu.memory_space<semaphore_mem>>) src(%dma_wait3A_255 : memref<1000001x128xf32, #tpu.memory_space<hbm>>) dst(%dma_wait3A_249 : memref<70x128xf32, #tpu.memory_space<vmem>>)
      %dma_wait3A_256 = arith.constant 4 : i32
      %dma_wait3A_257 = arith.constant 288 : i32
      %dma_wait3A_258 = arith.constant 0 : i32
      %dma_wait3A_259 = tpu.memref_slice %arg12[%dma_wait3A_257, %dma_wait3A_258] : memref<576x128xf32, #tpu.memory_space<vmem>> -> memref<2x128xf32, #tpu.memory_space<vmem>>
      %dma_wait3A_260 = arith.constant 0 : i32
      %dma_wait3A_261 = tpu.memref_slice %arg10[%dma_wait3A_256, %dma_wait3A_260] : memref<8x2xi32, #tpu.memory_space<vmem>> -> memref<1x2xi32, #tpu.memory_space<vmem>>
      %dma_wait3A_262 = tpu.memref_squeeze %dma_wait3A_261 : memref<1x2xi32, #tpu.memory_space<vmem>> -> memref<2xi32, #tpu.memory_space<vmem>>
      %dma_wait3A_263 = arith.constant 0 : i32
      %dma_wait3A_264 = arith.constant 0 : i32
      %dma_wait3A_265 = tpu.memref_slice %arg5[%dma_wait3A_263, %dma_wait3A_264] : memref<200001x128xf32, #tpu.memory_space<hbm>> -> memref<200001x128xf32, #tpu.memory_space<hbm>>
      tpu.wait_indirect_dma semaphore(%arg16 : memref<!tpu.dma_semaphore, #tpu.memory_space<semaphore_mem>>) src(%dma_wait3A_265 : memref<200001x128xf32, #tpu.memory_space<hbm>>) dst(%dma_wait3A_259 : memref<2x128xf32, #tpu.memory_space<vmem>>)
      %dma_wait3A_266 = arith.constant 4 : i32
      %dma_wait3A_267 = arith.constant 290 : i32
      %dma_wait3A_268 = arith.constant 0 : i32
      %dma_wait3A_269 = tpu.memref_slice %arg12[%dma_wait3A_267, %dma_wait3A_268] : memref<576x128xf32, #tpu.memory_space<vmem>> -> memref<70x128xf32, #tpu.memory_space<vmem>>
      %dma_wait3A_270 = arith.constant 0 : i32
      %dma_wait3A_271 = tpu.memref_slice %arg11[%dma_wait3A_266, %dma_wait3A_270] : memref<8x70xi32, #tpu.memory_space<vmem>> -> memref<1x70xi32, #tpu.memory_space<vmem>>
      %dma_wait3A_272 = tpu.memref_squeeze %dma_wait3A_271 : memref<1x70xi32, #tpu.memory_space<vmem>> -> memref<70xi32, #tpu.memory_space<vmem>>
      %dma_wait3A_273 = arith.constant 0 : i32
      %dma_wait3A_274 = arith.constant 0 : i32
      %dma_wait3A_275 = tpu.memref_slice %arg6[%dma_wait3A_273, %dma_wait3A_274] : memref<1000001x128xf32, #tpu.memory_space<hbm>> -> memref<1000001x128xf32, #tpu.memory_space<hbm>>
      tpu.wait_indirect_dma semaphore(%arg16 : memref<!tpu.dma_semaphore, #tpu.memory_space<semaphore_mem>>) src(%dma_wait3A_275 : memref<1000001x128xf32, #tpu.memory_space<hbm>>) dst(%dma_wait3A_269 : memref<70x128xf32, #tpu.memory_space<vmem>>)
      %dma_wait3A_276 = arith.constant 5 : i32
      %dma_wait3A_277 = arith.constant 360 : i32
      %dma_wait3A_278 = arith.constant 0 : i32
      %dma_wait3A_279 = tpu.memref_slice %arg12[%dma_wait3A_277, %dma_wait3A_278] : memref<576x128xf32, #tpu.memory_space<vmem>> -> memref<2x128xf32, #tpu.memory_space<vmem>>
      %dma_wait3A_280 = arith.constant 0 : i32
      %dma_wait3A_281 = tpu.memref_slice %arg10[%dma_wait3A_276, %dma_wait3A_280] : memref<8x2xi32, #tpu.memory_space<vmem>> -> memref<1x2xi32, #tpu.memory_space<vmem>>
      %dma_wait3A_282 = tpu.memref_squeeze %dma_wait3A_281 : memref<1x2xi32, #tpu.memory_space<vmem>> -> memref<2xi32, #tpu.memory_space<vmem>>
      %dma_wait3A_283 = arith.constant 0 : i32
      %dma_wait3A_284 = arith.constant 0 : i32
      %dma_wait3A_285 = tpu.memref_slice %arg5[%dma_wait3A_283, %dma_wait3A_284] : memref<200001x128xf32, #tpu.memory_space<hbm>> -> memref<200001x128xf32, #tpu.memory_space<hbm>>
      tpu.wait_indirect_dma semaphore(%arg16 : memref<!tpu.dma_semaphore, #tpu.memory_space<semaphore_mem>>) src(%dma_wait3A_285 : memref<200001x128xf32, #tpu.memory_space<hbm>>) dst(%dma_wait3A_279 : memref<2x128xf32, #tpu.memory_space<vmem>>)
      %dma_wait3A_286 = arith.constant 5 : i32
      %dma_wait3A_287 = arith.constant 362 : i32
      %dma_wait3A_288 = arith.constant 0 : i32
      %dma_wait3A_289 = tpu.memref_slice %arg12[%dma_wait3A_287, %dma_wait3A_288] : memref<576x128xf32, #tpu.memory_space<vmem>> -> memref<70x128xf32, #tpu.memory_space<vmem>>
      %dma_wait3A_290 = arith.constant 0 : i32
      %dma_wait3A_291 = tpu.memref_slice %arg11[%dma_wait3A_286, %dma_wait3A_290] : memref<8x70xi32, #tpu.memory_space<vmem>> -> memref<1x70xi32, #tpu.memory_space<vmem>>
      %dma_wait3A_292 = tpu.memref_squeeze %dma_wait3A_291 : memref<1x70xi32, #tpu.memory_space<vmem>> -> memref<70xi32, #tpu.memory_space<vmem>>
      %dma_wait3A_293 = arith.constant 0 : i32
      %dma_wait3A_294 = arith.constant 0 : i32
      %dma_wait3A_295 = tpu.memref_slice %arg6[%dma_wait3A_293, %dma_wait3A_294] : memref<1000001x128xf32, #tpu.memory_space<hbm>> -> memref<1000001x128xf32, #tpu.memory_space<hbm>>
      tpu.wait_indirect_dma semaphore(%arg16 : memref<!tpu.dma_semaphore, #tpu.memory_space<semaphore_mem>>) src(%dma_wait3A_295 : memref<1000001x128xf32, #tpu.memory_space<hbm>>) dst(%dma_wait3A_289 : memref<70x128xf32, #tpu.memory_space<vmem>>)
      %dma_wait3A_296 = arith.constant 6 : i32
      %dma_wait3A_297 = arith.constant 432 : i32
      %dma_wait3A_298 = arith.constant 0 : i32
      %dma_wait3A_299 = tpu.memref_slice %arg12[%dma_wait3A_297, %dma_wait3A_298] : memref<576x128xf32, #tpu.memory_space<vmem>> -> memref<2x128xf32, #tpu.memory_space<vmem>>
      %dma_wait3A_300 = arith.constant 0 : i32
      %dma_wait3A_301 = tpu.memref_slice %arg10[%dma_wait3A_296, %dma_wait3A_300] : memref<8x2xi32, #tpu.memory_space<vmem>> -> memref<1x2xi32, #tpu.memory_space<vmem>>
      %dma_wait3A_302 = tpu.memref_squeeze %dma_wait3A_301 : memref<1x2xi32, #tpu.memory_space<vmem>> -> memref<2xi32, #tpu.memory_space<vmem>>
      %dma_wait3A_303 = arith.constant 0 : i32
      %dma_wait3A_304 = arith.constant 0 : i32
      %dma_wait3A_305 = tpu.memref_slice %arg5[%dma_wait3A_303, %dma_wait3A_304] : memref<200001x128xf32, #tpu.memory_space<hbm>> -> memref<200001x128xf32, #tpu.memory_space<hbm>>
      tpu.wait_indirect_dma semaphore(%arg16 : memref<!tpu.dma_semaphore, #tpu.memory_space<semaphore_mem>>) src(%dma_wait3A_305 : memref<200001x128xf32, #tpu.memory_space<hbm>>) dst(%dma_wait3A_299 : memref<2x128xf32, #tpu.memory_space<vmem>>)
      %dma_wait3A_306 = arith.constant 6 : i32
      %dma_wait3A_307 = arith.constant 434 : i32
      %dma_wait3A_308 = arith.constant 0 : i32
      %dma_wait3A_309 = tpu.memref_slice %arg12[%dma_wait3A_307, %dma_wait3A_308] : memref<576x128xf32, #tpu.memory_space<vmem>> -> memref<70x128xf32, #tpu.memory_space<vmem>>
      %dma_wait3A_310 = arith.constant 0 : i32
      %dma_wait3A_311 = tpu.memref_slice %arg11[%dma_wait3A_306, %dma_wait3A_310] : memref<8x70xi32, #tpu.memory_space<vmem>> -> memref<1x70xi32, #tpu.memory_space<vmem>>
      %dma_wait3A_312 = tpu.memref_squeeze %dma_wait3A_311 : memref<1x70xi32, #tpu.memory_space<vmem>> -> memref<70xi32, #tpu.memory_space<vmem>>
      %dma_wait3A_313 = arith.constant 0 : i32
      %dma_wait3A_314 = arith.constant 0 : i32
      %dma_wait3A_315 = tpu.memref_slice %arg6[%dma_wait3A_313, %dma_wait3A_314] : memref<1000001x128xf32, #tpu.memory_space<hbm>> -> memref<1000001x128xf32, #tpu.memory_space<hbm>>
      tpu.wait_indirect_dma semaphore(%arg16 : memref<!tpu.dma_semaphore, #tpu.memory_space<semaphore_mem>>) src(%dma_wait3A_315 : memref<1000001x128xf32, #tpu.memory_space<hbm>>) dst(%dma_wait3A_309 : memref<70x128xf32, #tpu.memory_space<vmem>>)
      %dma_wait3A_316 = arith.constant 7 : i32
      %dma_wait3A_317 = arith.constant 504 : i32
      %dma_wait3A_318 = arith.constant 0 : i32
      %dma_wait3A_319 = tpu.memref_slice %arg12[%dma_wait3A_317, %dma_wait3A_318] : memref<576x128xf32, #tpu.memory_space<vmem>> -> memref<2x128xf32, #tpu.memory_space<vmem>>
      %dma_wait3A_320 = arith.constant 0 : i32
      %dma_wait3A_321 = tpu.memref_slice %arg10[%dma_wait3A_316, %dma_wait3A_320] : memref<8x2xi32, #tpu.memory_space<vmem>> -> memref<1x2xi32, #tpu.memory_space<vmem>>
      %dma_wait3A_322 = tpu.memref_squeeze %dma_wait3A_321 : memref<1x2xi32, #tpu.memory_space<vmem>> -> memref<2xi32, #tpu.memory_space<vmem>>
      %dma_wait3A_323 = arith.constant 0 : i32
      %dma_wait3A_324 = arith.constant 0 : i32
      %dma_wait3A_325 = tpu.memref_slice %arg5[%dma_wait3A_323, %dma_wait3A_324] : memref<200001x128xf32, #tpu.memory_space<hbm>> -> memref<200001x128xf32, #tpu.memory_space<hbm>>
      tpu.wait_indirect_dma semaphore(%arg16 : memref<!tpu.dma_semaphore, #tpu.memory_space<semaphore_mem>>) src(%dma_wait3A_325 : memref<200001x128xf32, #tpu.memory_space<hbm>>) dst(%dma_wait3A_319 : memref<2x128xf32, #tpu.memory_space<vmem>>)
      %dma_wait3A_326 = arith.constant 7 : i32
      %dma_wait3A_327 = arith.constant 506 : i32
      %dma_wait3A_328 = arith.constant 0 : i32
      %dma_wait3A_329 = tpu.memref_slice %arg12[%dma_wait3A_327, %dma_wait3A_328] : memref<576x128xf32, #tpu.memory_space<vmem>> -> memref<70x128xf32, #tpu.memory_space<vmem>>
      %dma_wait3A_330 = arith.constant 0 : i32
      %dma_wait3A_331 = tpu.memref_slice %arg11[%dma_wait3A_326, %dma_wait3A_330] : memref<8x70xi32, #tpu.memory_space<vmem>> -> memref<1x70xi32, #tpu.memory_space<vmem>>
      %dma_wait3A_332 = tpu.memref_squeeze %dma_wait3A_331 : memref<1x70xi32, #tpu.memory_space<vmem>> -> memref<70xi32, #tpu.memory_space<vmem>>
      %dma_wait3A_333 = arith.constant 0 : i32
      %dma_wait3A_334 = arith.constant 0 : i32
      %dma_wait3A_335 = tpu.memref_slice %arg6[%dma_wait3A_333, %dma_wait3A_334] : memref<1000001x128xf32, #tpu.memory_space<hbm>> -> memref<1000001x128xf32, #tpu.memory_space<hbm>>
      tpu.wait_indirect_dma semaphore(%arg16 : memref<!tpu.dma_semaphore, #tpu.memory_space<semaphore_mem>>) src(%dma_wait3A_335 : memref<1000001x128xf32, #tpu.memory_space<hbm>>) dst(%dma_wait3A_329 : memref<70x128xf32, #tpu.memory_space<vmem>>)
      %scan3A_336 = arith.constant 0 : i32
      %scan3A_337 = arith.constant 10 : i32
      %scan3A_338 = arith.addi %scan3A_336, %scan3A_337 : i32
      %scan3A_339 = arith.constant 1 : i32
      %scan3A_340:4 = scf.for %scan3A_2148 = %scan3A_336 to %scan3A_338 step %scan3A_339 iter_args(%scan3A_2149 = %broadcast_in_dim3A_4, %scan3A_2150 = %broadcast_in_dim3A_4, %scan3A_2151 = %broadcast_in_dim3A_4, %scan3A_2152 = %broadcast_in_dim3A_4) -> (vector<16xf32>, vector<16xf32>, vector<16xf32>, vector<16xf32>)  : i32 {
        %mul3A_2153 = arith.constant 5 : i32
        %mul3A_2154 = arith.muli %scan3A_2148, %mul3A_2153 : i32
        %add3A_2155 = arith.constant 22 : i32
        %add3A_2156 = arith.addi %add3A_2155, %mul3A_2154 : i32
        %add3A_2157 = arith.constant 0 : i32
        %add3A_2158 = arith.addi %add3A_2156, %add3A_2157 : i32
        %get3A_2159 = arith.index_cast %add3A_2158 : i32 to index
        %get3A_2160 = arith.constant 0 : index
        %get3A_2161 = tpu.vector_load %arg12[%get3A_2159, %get3A_2160] {strides = array<i32>} : memref<576x128xf32, #tpu.memory_space<vmem>>, vector<16xf32>,
        %add3A_2162 = arith.addf %scan3A_2149, %get3A_2161 : vector<16xf32>
        %add3A_2163 = arith.constant 0 : i32
        %add3A_2164 = arith.addi %add3A_2156, %add3A_2163 : i32
        %get3A_2165 = arith.index_cast %add3A_2164 : i32 to index
        %get3A_2166 = arith.constant 16 : index
        %get3A_2167 = tpu.vector_load %arg12[%get3A_2165, %get3A_2166] {strides = array<i32>} : memref<576x128xf32, #tpu.memory_space<vmem>>, vector<16xf32>,
        %add3A_2168 = arith.addf %scan3A_2150, %get3A_2167 : vector<16xf32>
        %add3A_2169 = arith.constant 0 : i32
        %add3A_2170 = arith.addi %add3A_2156, %add3A_2169 : i32
        %get3A_2171 = arith.index_cast %add3A_2170 : i32 to index
        %get3A_2172 = arith.constant 32 : index
        %get3A_2173 = tpu.vector_load %arg12[%get3A_2171, %get3A_2172] {strides = array<i32>} : memref<576x128xf32, #tpu.memory_space<vmem>>, vector<16xf32>,
        %add3A_2174 = arith.addf %scan3A_2151, %get3A_2173 : vector<16xf32>
        %add3A_2175 = arith.constant 0 : i32
        %add3A_2176 = arith.addi %add3A_2156, %add3A_2175 : i32
        %get3A_2177 = arith.index_cast %add3A_2176 : i32 to index
        %get3A_2178 = arith.constant 48 : index
        %get3A_2179 = tpu.vector_load %arg12[%get3A_2177, %get3A_2178] {strides = array<i32>} : memref<576x128xf32, #tpu.memory_space<vmem>>, vector<16xf32>,
        %add3A_2180 = arith.addf %scan3A_2152, %get3A_2179 : vector<16xf32>
        %add3A_2181 = arith.constant 1 : i32
        %add3A_2182 = arith.addi %add3A_2156, %add3A_2181 : i32
        %get3A_2183 = arith.index_cast %add3A_2182 : i32 to index
        %get3A_2184 = arith.constant 0 : index
        %get3A_2185 = tpu.vector_load %arg12[%get3A_2183, %get3A_2184] {strides = array<i32>} : memref<576x128xf32, #tpu.memory_space<vmem>>, vector<16xf32>,
        %add3A_2186 = arith.addf %add3A_2162, %get3A_2185 : vector<16xf32>
        %add3A_2187 = arith.constant 1 : i32
        %add3A_2188 = arith.addi %add3A_2156, %add3A_2187 : i32
        %get3A_2189 = arith.index_cast %add3A_2188 : i32 to index
        %get3A_2190 = arith.constant 16 : index
        %get3A_2191 = tpu.vector_load %arg12[%get3A_2189, %get3A_2190] {strides = array<i32>} : memref<576x128xf32, #tpu.memory_space<vmem>>, vector<16xf32>,
        %add3A_2192 = arith.addf %add3A_2168, %get3A_2191 : vector<16xf32>
        %add3A_2193 = arith.constant 1 : i32
        %add3A_2194 = arith.addi %add3A_2156, %add3A_2193 : i32
        %get3A_2195 = arith.index_cast %add3A_2194 : i32 to index
        %get3A_2196 = arith.constant 32 : index
        %get3A_2197 = tpu.vector_load %arg12[%get3A_2195, %get3A_2196] {strides = array<i32>} : memref<576x128xf32, #tpu.memory_space<vmem>>, vector<16xf32>,
        %add3A_2198 = arith.addf %add3A_2174, %get3A_2197 : vector<16xf32>
        %add3A_2199 = arith.constant 1 : i32
        %add3A_2200 = arith.addi %add3A_2156, %add3A_2199 : i32
        %get3A_2201 = arith.index_cast %add3A_2200 : i32 to index
        %get3A_2202 = arith.constant 48 : index
        %get3A_2203 = tpu.vector_load %arg12[%get3A_2201, %get3A_2202] {strides = array<i32>} : memref<576x128xf32, #tpu.memory_space<vmem>>, vector<16xf32>,
        %add3A_2204 = arith.addf %add3A_2180, %get3A_2203 : vector<16xf32>
        %add3A_2205 = arith.constant 2 : i32
        %add3A_2206 = arith.addi %add3A_2156, %add3A_2205 : i32
        %get3A_2207 = arith.index_cast %add3A_2206 : i32 to index
        %get3A_2208 = arith.constant 0 : index
        %get3A_2209 = tpu.vector_load %arg12[%get3A_2207, %get3A_2208] {strides = array<i32>} : memref<576x128xf32, #tpu.memory_space<vmem>>, vector<16xf32>,
        %add3A_2210 = arith.addf %add3A_2186, %get3A_2209 : vector<16xf32>
        %add3A_2211 = arith.constant 2 : i32
        %add3A_2212 = arith.addi %add3A_2156, %add3A_2211 : i32
        %get3A_2213 = arith.index_cast %add3A_2212 : i32 to index
        %get3A_2214 = arith.constant 16 : index
        %get3A_2215 = tpu.vector_load %arg12[%get3A_2213, %get3A_2214] {strides = array<i32>} : memref<576x128xf32, #tpu.memory_space<vmem>>, vector<16xf32>,
        %add3A_2216 = arith.addf %add3A_2192, %get3A_2215 : vector<16xf32>
        %add3A_2217 = arith.constant 2 : i32
        %add3A_2218 = arith.addi %add3A_2156, %add3A_2217 : i32
        %get3A_2219 = arith.index_cast %add3A_2218 : i32 to index
        %get3A_2220 = arith.constant 32 : index
        %get3A_2221 = tpu.vector_load %arg12[%get3A_2219, %get3A_2220] {strides = array<i32>} : memref<576x128xf32, #tpu.memory_space<vmem>>, vector<16xf32>,
        %add3A_2222 = arith.addf %add3A_2198, %get3A_2221 : vector<16xf32>
        %add3A_2223 = arith.constant 2 : i32
        %add3A_2224 = arith.addi %add3A_2156, %add3A_2223 : i32
        %get3A_2225 = arith.index_cast %add3A_2224 : i32 to index
        %get3A_2226 = arith.constant 48 : index
        %get3A_2227 = tpu.vector_load %arg12[%get3A_2225, %get3A_2226] {strides = array<i32>} : memref<576x128xf32, #tpu.memory_space<vmem>>, vector<16xf32>,
        %add3A_2228 = arith.addf %add3A_2204, %get3A_2227 : vector<16xf32>
        %add3A_2229 = arith.constant 3 : i32
        %add3A_2230 = arith.addi %add3A_2156, %add3A_2229 : i32
        %get3A_2231 = arith.index_cast %add3A_2230 : i32 to index
        %get3A_2232 = arith.constant 0 : index
        %get3A_2233 = tpu.vector_load %arg12[%get3A_2231, %get3A_2232] {strides = array<i32>} : memref<576x128xf32, #tpu.memory_space<vmem>>, vector<16xf32>,
        %add3A_2234 = arith.addf %add3A_2210, %get3A_2233 : vector<16xf32>
        %add3A_2235 = arith.constant 3 : i32
        %add3A_2236 = arith.addi %add3A_2156, %add3A_2235 : i32
        %get3A_2237 = arith.index_cast %add3A_2236 : i32 to index
        %get3A_2238 = arith.constant 16 : index
        %get3A_2239 = tpu.vector_load %arg12[%get3A_2237, %get3A_2238] {strides = array<i32>} : memref<576x128xf32, #tpu.memory_space<vmem>>, vector<16xf32>,
        %add3A_2240 = arith.addf %add3A_2216, %get3A_2239 : vector<16xf32>
        %add3A_2241 = arith.constant 3 : i32
        %add3A_2242 = arith.addi %add3A_2156, %add3A_2241 : i32
        %get3A_2243 = arith.index_cast %add3A_2242 : i32 to index
        %get3A_2244 = arith.constant 32 : index
        %get3A_2245 = tpu.vector_load %arg12[%get3A_2243, %get3A_2244] {strides = array<i32>} : memref<576x128xf32, #tpu.memory_space<vmem>>, vector<16xf32>,
        %add3A_2246 = arith.addf %add3A_2222, %get3A_2245 : vector<16xf32>
        %add3A_2247 = arith.constant 3 : i32
        %add3A_2248 = arith.addi %add3A_2156, %add3A_2247 : i32
        %get3A_2249 = arith.index_cast %add3A_2248 : i32 to index
        %get3A_2250 = arith.constant 48 : index
        %get3A_2251 = tpu.vector_load %arg12[%get3A_2249, %get3A_2250] {strides = array<i32>} : memref<576x128xf32, #tpu.memory_space<vmem>>, vector<16xf32>,
        %add3A_2252 = arith.addf %add3A_2228, %get3A_2251 : vector<16xf32>
        %add3A_2253 = arith.constant 4 : i32
        %add3A_2254 = arith.addi %add3A_2156, %add3A_2253 : i32
        %get3A_2255 = arith.index_cast %add3A_2254 : i32 to index
        %get3A_2256 = arith.constant 0 : index
        %get3A_2257 = tpu.vector_load %arg12[%get3A_2255, %get3A_2256] {strides = array<i32>} : memref<576x128xf32, #tpu.memory_space<vmem>>, vector<16xf32>,
        %add3A_2258 = arith.addf %add3A_2234, %get3A_2257 : vector<16xf32>
        %add3A_2259 = arith.constant 4 : i32
        %add3A_2260 = arith.addi %add3A_2156, %add3A_2259 : i32
        %get3A_2261 = arith.index_cast %add3A_2260 : i32 to index
        %get3A_2262 = arith.constant 16 : index
        %get3A_2263 = tpu.vector_load %arg12[%get3A_2261, %get3A_2262] {strides = array<i32>} : memref<576x128xf32, #tpu.memory_space<vmem>>, vector<16xf32>,
        %add3A_2264 = arith.addf %add3A_2240, %get3A_2263 : vector<16xf32>
        %add3A_2265 = arith.constant 4 : i32
        %add3A_2266 = arith.addi %add3A_2156, %add3A_2265 : i32
        %get3A_2267 = arith.index_cast %add3A_2266 : i32 to index
        %get3A_2268 = arith.constant 32 : index
        %get3A_2269 = tpu.vector_load %arg12[%get3A_2267, %get3A_2268] {strides = array<i32>} : memref<576x128xf32, #tpu.memory_space<vmem>>, vector<16xf32>,
        %add3A_2270 = arith.addf %add3A_2246, %get3A_2269 : vector<16xf32>
        %add3A_2271 = arith.constant 4 : i32
        %add3A_2272 = arith.addi %add3A_2156, %add3A_2271 : i32
        %get3A_2273 = arith.index_cast %add3A_2272 : i32 to index
        %get3A_2274 = arith.constant 48 : index
        %get3A_2275 = tpu.vector_load %arg12[%get3A_2273, %get3A_2274] {strides = array<i32>} : memref<576x128xf32, #tpu.memory_space<vmem>>, vector<16xf32>,
        %add3A_2276 = arith.addf %add3A_2252, %get3A_2275 : vector<16xf32>
        scf.yield %add3A_2258, %add3A_2264, %add3A_2270, %add3A_2276 : vector<16xf32>, vector<16xf32>, vector<16xf32>, vector<16xf32>
      }
      %scan3A_341 = arith.constant 10 : i32
      %scan3A_342 = arith.constant 0 : i32
      %scan3A_343 = arith.constant 5 : i32
      %scan3A_344 = arith.addi %scan3A_342, %scan3A_343 : i32
      %scan3A_345 = arith.constant 1 : i32
      %scan3A_346:8 = scf.for %scan3A_2148 = %scan3A_342 to %scan3A_344 step %scan3A_345 iter_args(%scan3A_2149 = %broadcast_in_dim3A_4, %scan3A_2150 = %broadcast_in_dim3A_4, %scan3A_2151 = %broadcast_in_dim3A_4, %scan3A_2152 = %broadcast_in_dim3A_4, %scan3A_2153 = %broadcast_in_dim3A_4, %scan3A_2154 = %broadcast_in_dim3A_4, %scan3A_2155 = %broadcast_in_dim3A_4, %scan3A_2156 = %broadcast_in_dim3A_4) -> (vector<16xf32>, vector<16xf32>, vector<16xf32>, vector<16xf32>, vector<16xf32>, vector<16xf32>, vector<16xf32>, vector<16xf32>)  : i32 {
        %mul3A_2157 = arith.constant 4 : i32
        %mul3A_2158 = arith.muli %scan3A_2148, %mul3A_2157 : i32
        %add3A_2159 = arith.constant 2 : i32
        %add3A_2160 = arith.addi %add3A_2159, %mul3A_2158 : i32
        %add3A_2161 = arith.constant 0 : i32
        %add3A_2162 = arith.addi %add3A_2160, %add3A_2161 : i32
        %get3A_2163 = arith.index_cast %add3A_2162 : i32 to index
        %get3A_2164 = arith.constant 0 : index
        %get3A_2165 = tpu.vector_load %arg12[%get3A_2163, %get3A_2164] {strides = array<i32>} : memref<576x128xf32, #tpu.memory_space<vmem>>, vector<16xf32>,
        %add3A_2166 = arith.addf %scan3A_2149, %get3A_2165 : vector<16xf32>
        %mul3A_2167 = arith.mulf %get3A_2165, %get3A_2165 : vector<16xf32>
        %add3A_2168 = arith.addf %scan3A_2153, %mul3A_2167 : vector<16xf32>
        %add3A_2169 = arith.constant 0 : i32
        %add3A_2170 = arith.addi %add3A_2160, %add3A_2169 : i32
        %get3A_2171 = arith.index_cast %add3A_2170 : i32 to index
        %get3A_2172 = arith.constant 16 : index
        %get3A_2173 = tpu.vector_load %arg12[%get3A_2171, %get3A_2172] {strides = array<i32>} : memref<576x128xf32, #tpu.memory_space<vmem>>, vector<16xf32>,
        %add3A_2174 = arith.addf %scan3A_2150, %get3A_2173 : vector<16xf32>
        %mul3A_2175 = arith.mulf %get3A_2173, %get3A_2173 : vector<16xf32>
        %add3A_2176 = arith.addf %scan3A_2154, %mul3A_2175 : vector<16xf32>
        %add3A_2177 = arith.constant 0 : i32
        %add3A_2178 = arith.addi %add3A_2160, %add3A_2177 : i32
        %get3A_2179 = arith.index_cast %add3A_2178 : i32 to index
        %get3A_2180 = arith.constant 32 : index
        %get3A_2181 = tpu.vector_load %arg12[%get3A_2179, %get3A_2180] {strides = array<i32>} : memref<576x128xf32, #tpu.memory_space<vmem>>, vector<16xf32>,
        %add3A_2182 = arith.addf %scan3A_2151, %get3A_2181 : vector<16xf32>
        %mul3A_2183 = arith.mulf %get3A_2181, %get3A_2181 : vector<16xf32>
        %add3A_2184 = arith.addf %scan3A_2155, %mul3A_2183 : vector<16xf32>
        %add3A_2185 = arith.constant 0 : i32
        %add3A_2186 = arith.addi %add3A_2160, %add3A_2185 : i32
        %get3A_2187 = arith.index_cast %add3A_2186 : i32 to index
        %get3A_2188 = arith.constant 48 : index
        %get3A_2189 = tpu.vector_load %arg12[%get3A_2187, %get3A_2188] {strides = array<i32>} : memref<576x128xf32, #tpu.memory_space<vmem>>, vector<16xf32>,
        %add3A_2190 = arith.addf %scan3A_2152, %get3A_2189 : vector<16xf32>
        %mul3A_2191 = arith.mulf %get3A_2189, %get3A_2189 : vector<16xf32>
        %add3A_2192 = arith.addf %scan3A_2156, %mul3A_2191 : vector<16xf32>
        %add3A_2193 = arith.constant 1 : i32
        %add3A_2194 = arith.addi %add3A_2160, %add3A_2193 : i32
        %get3A_2195 = arith.index_cast %add3A_2194 : i32 to index
        %get3A_2196 = arith.constant 0 : index
        %get3A_2197 = tpu.vector_load %arg12[%get3A_2195, %get3A_2196] {strides = array<i32>} : memref<576x128xf32, #tpu.memory_space<vmem>>, vector<16xf32>,
        %add3A_2198 = arith.addf %add3A_2166, %get3A_2197 : vector<16xf32>
        %mul3A_2199 = arith.mulf %get3A_2197, %get3A_2197 : vector<16xf32>
        %add3A_2200 = arith.addf %add3A_2168, %mul3A_2199 : vector<16xf32>
        %add3A_2201 = arith.constant 1 : i32
        %add3A_2202 = arith.addi %add3A_2160, %add3A_2201 : i32
        %get3A_2203 = arith.index_cast %add3A_2202 : i32 to index
        %get3A_2204 = arith.constant 16 : index
        %get3A_2205 = tpu.vector_load %arg12[%get3A_2203, %get3A_2204] {strides = array<i32>} : memref<576x128xf32, #tpu.memory_space<vmem>>, vector<16xf32>,
        %add3A_2206 = arith.addf %add3A_2174, %get3A_2205 : vector<16xf32>
        %mul3A_2207 = arith.mulf %get3A_2205, %get3A_2205 : vector<16xf32>
        %add3A_2208 = arith.addf %add3A_2176, %mul3A_2207 : vector<16xf32>
        %add3A_2209 = arith.constant 1 : i32
        %add3A_2210 = arith.addi %add3A_2160, %add3A_2209 : i32
        %get3A_2211 = arith.index_cast %add3A_2210 : i32 to index
        %get3A_2212 = arith.constant 32 : index
        %get3A_2213 = tpu.vector_load %arg12[%get3A_2211, %get3A_2212] {strides = array<i32>} : memref<576x128xf32, #tpu.memory_space<vmem>>, vector<16xf32>,
        %add3A_2214 = arith.addf %add3A_2182, %get3A_2213 : vector<16xf32>
        %mul3A_2215 = arith.mulf %get3A_2213, %get3A_2213 : vector<16xf32>
        %add3A_2216 = arith.addf %add3A_2184, %mul3A_2215 : vector<16xf32>
        %add3A_2217 = arith.constant 1 : i32
        %add3A_2218 = arith.addi %add3A_2160, %add3A_2217 : i32
        %get3A_2219 = arith.index_cast %add3A_2218 : i32 to index
        %get3A_2220 = arith.constant 48 : index
        %get3A_2221 = tpu.vector_load %arg12[%get3A_2219, %get3A_2220] {strides = array<i32>} : memref<576x128xf32, #tpu.memory_space<vmem>>, vector<16xf32>,
        %add3A_2222 = arith.addf %add3A_2190, %get3A_2221 : vector<16xf32>
        %mul3A_2223 = arith.mulf %get3A_2221, %get3A_2221 : vector<16xf32>
        %add3A_2224 = arith.addf %add3A_2192, %mul3A_2223 : vector<16xf32>
        %add3A_2225 = arith.constant 2 : i32
        %add3A_2226 = arith.addi %add3A_2160, %add3A_2225 : i32
        %get3A_2227 = arith.index_cast %add3A_2226 : i32 to index
        %get3A_2228 = arith.constant 0 : index
        %get3A_2229 = tpu.vector_load %arg12[%get3A_2227, %get3A_2228] {strides = array<i32>} : memref<576x128xf32, #tpu.memory_space<vmem>>, vector<16xf32>,
        %add3A_2230 = arith.addf %add3A_2198, %get3A_2229 : vector<16xf32>
        %mul3A_2231 = arith.mulf %get3A_2229, %get3A_2229 : vector<16xf32>
        %add3A_2232 = arith.addf %add3A_2200, %mul3A_2231 : vector<16xf32>
        %add3A_2233 = arith.constant 2 : i32
        %add3A_2234 = arith.addi %add3A_2160, %add3A_2233 : i32
        %get3A_2235 = arith.index_cast %add3A_2234 : i32 to index
        %get3A_2236 = arith.constant 16 : index
        %get3A_2237 = tpu.vector_load %arg12[%get3A_2235, %get3A_2236] {strides = array<i32>} : memref<576x128xf32, #tpu.memory_space<vmem>>, vector<16xf32>,
        %add3A_2238 = arith.addf %add3A_2206, %get3A_2237 : vector<16xf32>
        %mul3A_2239 = arith.mulf %get3A_2237, %get3A_2237 : vector<16xf32>
        %add3A_2240 = arith.addf %add3A_2208, %mul3A_2239 : vector<16xf32>
        %add3A_2241 = arith.constant 2 : i32
        %add3A_2242 = arith.addi %add3A_2160, %add3A_2241 : i32
        %get3A_2243 = arith.index_cast %add3A_2242 : i32 to index
        %get3A_2244 = arith.constant 32 : index
        %get3A_2245 = tpu.vector_load %arg12[%get3A_2243, %get3A_2244] {strides = array<i32>} : memref<576x128xf32, #tpu.memory_space<vmem>>, vector<16xf32>,
        %add3A_2246 = arith.addf %add3A_2214, %get3A_2245 : vector<16xf32>
        %mul3A_2247 = arith.mulf %get3A_2245, %get3A_2245 : vector<16xf32>
        %add3A_2248 = arith.addf %add3A_2216, %mul3A_2247 : vector<16xf32>
        %add3A_2249 = arith.constant 2 : i32
        %add3A_2250 = arith.addi %add3A_2160, %add3A_2249 : i32
        %get3A_2251 = arith.index_cast %add3A_2250 : i32 to index
        %get3A_2252 = arith.constant 48 : index
        %get3A_2253 = tpu.vector_load %arg12[%get3A_2251, %get3A_2252] {strides = array<i32>} : memref<576x128xf32, #tpu.memory_space<vmem>>, vector<16xf32>,
        %add3A_2254 = arith.addf %add3A_2222, %get3A_2253 : vector<16xf32>
        %mul3A_2255 = arith.mulf %get3A_2253, %get3A_2253 : vector<16xf32>
        %add3A_2256 = arith.addf %add3A_2224, %mul3A_2255 : vector<16xf32>
        %add3A_2257 = arith.constant 3 : i32
        %add3A_2258 = arith.addi %add3A_2160, %add3A_2257 : i32
        %get3A_2259 = arith.index_cast %add3A_2258 : i32 to index
        %get3A_2260 = arith.constant 0 : index
        %get3A_2261 = tpu.vector_load %arg12[%get3A_2259, %get3A_2260] {strides = array<i32>} : memref<576x128xf32, #tpu.memory_space<vmem>>, vector<16xf32>,
        %add3A_2262 = arith.addf %add3A_2230, %get3A_2261 : vector<16xf32>
        %mul3A_2263 = arith.mulf %get3A_2261, %get3A_2261 : vector<16xf32>
        %add3A_2264 = arith.addf %add3A_2232, %mul3A_2263 : vector<16xf32>
        %add3A_2265 = arith.constant 3 : i32
        %add3A_2266 = arith.addi %add3A_2160, %add3A_2265 : i32
        %get3A_2267 = arith.index_cast %add3A_2266 : i32 to index
        %get3A_2268 = arith.constant 16 : index
        %get3A_2269 = tpu.vector_load %arg12[%get3A_2267, %get3A_2268] {strides = array<i32>} : memref<576x128xf32, #tpu.memory_space<vmem>>, vector<16xf32>,
        %add3A_2270 = arith.addf %add3A_2238, %get3A_2269 : vector<16xf32>
        %mul3A_2271 = arith.mulf %get3A_2269, %get3A_2269 : vector<16xf32>
        %add3A_2272 = arith.addf %add3A_2240, %mul3A_2271 : vector<16xf32>
        %add3A_2273 = arith.constant 3 : i32
        %add3A_2274 = arith.addi %add3A_2160, %add3A_2273 : i32
        %get3A_2275 = arith.index_cast %add3A_2274 : i32 to index
        %get3A_2276 = arith.constant 32 : index
        %get3A_2277 = tpu.vector_load %arg12[%get3A_2275, %get3A_2276] {strides = array<i32>} : memref<576x128xf32, #tpu.memory_space<vmem>>, vector<16xf32>,
        %add3A_2278 = arith.addf %add3A_2246, %get3A_2277 : vector<16xf32>
        %mul3A_2279 = arith.mulf %get3A_2277, %get3A_2277 : vector<16xf32>
        %add3A_2280 = arith.addf %add3A_2248, %mul3A_2279 : vector<16xf32>
        %add3A_2281 = arith.constant 3 : i32
        %add3A_2282 = arith.addi %add3A_2160, %add3A_2281 : i32
        %get3A_2283 = arith.index_cast %add3A_2282 : i32 to index
        %get3A_2284 = arith.constant 48 : index
        %get3A_2285 = tpu.vector_load %arg12[%get3A_2283, %get3A_2284] {strides = array<i32>} : memref<576x128xf32, #tpu.memory_space<vmem>>, vector<16xf32>,
        %add3A_2286 = arith.addf %add3A_2254, %get3A_2285 : vector<16xf32>
        %mul3A_2287 = arith.mulf %get3A_2285, %get3A_2285 : vector<16xf32>
        %add3A_2288 = arith.addf %add3A_2256, %mul3A_2287 : vector<16xf32>
        scf.yield %add3A_2262, %add3A_2270, %add3A_2278, %add3A_2286, %add3A_2264, %add3A_2272, %add3A_2280, %add3A_2288 : vector<16xf32>, vector<16xf32>, vector<16xf32>, vector<16xf32>, vector<16xf32>, vector<16xf32>, vector<16xf32>, vector<16xf32>
      }
      %scan3A_347 = arith.constant 5 : i32
      %get3A_348 = arith.constant 0 : i32
      %get3A_349 = arith.index_cast %get3A_348 : i32 to index
      %get3A_350 = arith.constant 0 : index
      %get3A_351 = tpu.vector_load %arg12[%get3A_349, %get3A_350] {strides = array<i32>} : memref<576x128xf32, #tpu.memory_space<vmem>>, vector<16xf32>,
      %get3A_352 = arith.constant 1 : i32
      %get3A_353 = arith.index_cast %get3A_352 : i32 to index
      %get3A_354 = arith.constant 0 : index
      %get3A_355 = tpu.vector_load %arg12[%get3A_353, %get3A_354] {strides = array<i32>} : memref<576x128xf32, #tpu.memory_space<vmem>>, vector<16xf32>,
      %add3A_356 = arith.addf %get3A_351, %get3A_355 : vector<16xf32>
      %mul3A_357 = arith.mulf %get3A_351, %get3A_351 : vector<16xf32>
      %mul3A_358 = arith.mulf %get3A_355, %get3A_355 : vector<16xf32>
      %add3A_359 = arith.addf %mul3A_357, %mul3A_358 : vector<16xf32>
      %add3A_360 = arith.addf %add3A_356, %scan3A_346#0 : vector<16xf32>
      %mul3A_361 = arith.mulf %add3A_360, %add3A_360 : vector<16xf32>
      %mul3A_362 = arith.constant 5.000000e-01 : f32
      %mul3A_363 = vector.broadcast %mul3A_362 : f32 to vector<16xf32>
      %mul3A_364 = arith.mulf %mul3A_363, %mul3A_361 : vector<16xf32>
      %mul3A_365 = arith.mulf %scan3A_340#0, %scan3A_346#0 : vector<16xf32>
      %add3A_366 = arith.addf %mul3A_364, %mul3A_365 : vector<16xf32>
      %mul3A_367 = arith.constant 5.000000e-01 : f32
      %mul3A_368 = vector.broadcast %mul3A_367 : f32 to vector<16xf32>
      %mul3A_369 = arith.mulf %mul3A_368, %add3A_359 : vector<16xf32>
      %sub3A = arith.subf %add3A_366, %mul3A_369 : vector<16xf32>
      %mul3A_370 = arith.constant 5.000000e-01 : f32
      %mul3A_371 = vector.broadcast %mul3A_370 : f32 to vector<16xf32>
      %mul3A_372 = arith.mulf %mul3A_371, %scan3A_346#4 : vector<16xf32>
      %sub3A_373 = arith.subf %sub3A, %mul3A_372 : vector<16xf32>
      %add3A_374 = arith.addf %broadcast_in_dim3A_4, %sub3A_373 : vector<16xf32>
      %get3A_375 = arith.constant 0 : i32
      %get3A_376 = arith.index_cast %get3A_375 : i32 to index
      %get3A_377 = arith.constant 16 : index
      %get3A_378 = tpu.vector_load %arg12[%get3A_376, %get3A_377] {strides = array<i32>} : memref<576x128xf32, #tpu.memory_space<vmem>>, vector<16xf32>,
      %get3A_379 = arith.constant 1 : i32
      %get3A_380 = arith.index_cast %get3A_379 : i32 to index
      %get3A_381 = arith.constant 16 : index
      %get3A_382 = tpu.vector_load %arg12[%get3A_380, %get3A_381] {strides = array<i32>} : memref<576x128xf32, #tpu.memory_space<vmem>>, vector<16xf32>,
      %add3A_383 = arith.addf %get3A_378, %get3A_382 : vector<16xf32>
      %mul3A_384 = arith.mulf %get3A_378, %get3A_378 : vector<16xf32>
      %mul3A_385 = arith.mulf %get3A_382, %get3A_382 : vector<16xf32>
      %add3A_386 = arith.addf %mul3A_384, %mul3A_385 : vector<16xf32>
      %add3A_387 = arith.addf %add3A_383, %scan3A_346#1 : vector<16xf32>
      %mul3A_388 = arith.mulf %add3A_387, %add3A_387 : vector<16xf32>
      %mul3A_389 = arith.constant 5.000000e-01 : f32
      %mul3A_390 = vector.broadcast %mul3A_389 : f32 to vector<16xf32>
      %mul3A_391 = arith.mulf %mul3A_390, %mul3A_388 : vector<16xf32>
      %mul3A_392 = arith.mulf %scan3A_340#1, %scan3A_346#1 : vector<16xf32>
      %add3A_393 = arith.addf %mul3A_391, %mul3A_392 : vector<16xf32>
      %mul3A_394 = arith.constant 5.000000e-01 : f32
      %mul3A_395 = vector.broadcast %mul3A_394 : f32 to vector<16xf32>
      %mul3A_396 = arith.mulf %mul3A_395, %add3A_386 : vector<16xf32>
      %sub3A_397 = arith.subf %add3A_393, %mul3A_396 : vector<16xf32>
      %mul3A_398 = arith.constant 5.000000e-01 : f32
      %mul3A_399 = vector.broadcast %mul3A_398 : f32 to vector<16xf32>
      %mul3A_400 = arith.mulf %mul3A_399, %scan3A_346#5 : vector<16xf32>
      %sub3A_401 = arith.subf %sub3A_397, %mul3A_400 : vector<16xf32>
      %add3A_402 = arith.addf %add3A_374, %sub3A_401 : vector<16xf32>
      %get3A_403 = arith.constant 0 : i32
      %get3A_404 = arith.index_cast %get3A_403 : i32 to index
      %get3A_405 = arith.constant 32 : index
      %get3A_406 = tpu.vector_load %arg12[%get3A_404, %get3A_405] {strides = array<i32>} : memref<576x128xf32, #tpu.memory_space<vmem>>, vector<16xf32>,
      %get3A_407 = arith.constant 1 : i32
      %get3A_408 = arith.index_cast %get3A_407 : i32 to index
      %get3A_409 = arith.constant 32 : index
      %get3A_410 = tpu.vector_load %arg12[%get3A_408, %get3A_409] {strides = array<i32>} : memref<576x128xf32, #tpu.memory_space<vmem>>, vector<16xf32>,
      %add3A_411 = arith.addf %get3A_406, %get3A_410 : vector<16xf32>
      %mul3A_412 = arith.mulf %get3A_406, %get3A_406 : vector<16xf32>
      %mul3A_413 = arith.mulf %get3A_410, %get3A_410 : vector<16xf32>
      %add3A_414 = arith.addf %mul3A_412, %mul3A_413 : vector<16xf32>
      %add3A_415 = arith.addf %add3A_411, %scan3A_346#2 : vector<16xf32>
      %mul3A_416 = arith.mulf %add3A_415, %add3A_415 : vector<16xf32>
      %mul3A_417 = arith.constant 5.000000e-01 : f32
      %mul3A_418 = vector.broadcast %mul3A_417 : f32 to vector<16xf32>
      %mul3A_419 = arith.mulf %mul3A_418, %mul3A_416 : vector<16xf32>
      %mul3A_420 = arith.mulf %scan3A_340#2, %scan3A_346#2 : vector<16xf32>
      %add3A_421 = arith.addf %mul3A_419, %mul3A_420 : vector<16xf32>
      %mul3A_422 = arith.constant 5.000000e-01 : f32
      %mul3A_423 = vector.broadcast %mul3A_422 : f32 to vector<16xf32>
      %mul3A_424 = arith.mulf %mul3A_423, %add3A_414 : vector<16xf32>
      %sub3A_425 = arith.subf %add3A_421, %mul3A_424 : vector<16xf32>
      %mul3A_426 = arith.constant 5.000000e-01 : f32
      %mul3A_427 = vector.broadcast %mul3A_426 : f32 to vector<16xf32>
      %mul3A_428 = arith.mulf %mul3A_427, %scan3A_346#6 : vector<16xf32>
      %sub3A_429 = arith.subf %sub3A_425, %mul3A_428 : vector<16xf32>
      %add3A_430 = arith.addf %add3A_402, %sub3A_429 : vector<16xf32>
      %get3A_431 = arith.constant 0 : i32
      %get3A_432 = arith.index_cast %get3A_431 : i32 to index
      %get3A_433 = arith.constant 48 : index
      %get3A_434 = tpu.vector_load %arg12[%get3A_432, %get3A_433] {strides = array<i32>} : memref<576x128xf32, #tpu.memory_space<vmem>>, vector<16xf32>,
      %get3A_435 = arith.constant 1 : i32
      %get3A_436 = arith.index_cast %get3A_435 : i32 to index
      %get3A_437 = arith.constant 48 : index
      %get3A_438 = tpu.vector_load %arg12[%get3A_436, %get3A_437] {strides = array<i32>} : memref<576x128xf32, #tpu.memory_space<vmem>>, vector<16xf32>,
      %add3A_439 = arith.addf %get3A_434, %get3A_438 : vector<16xf32>
      %mul3A_440 = arith.mulf %get3A_434, %get3A_434 : vector<16xf32>
      %mul3A_441 = arith.mulf %get3A_438, %get3A_438 : vector<16xf32>
      %add3A_442 = arith.addf %mul3A_440, %mul3A_441 : vector<16xf32>
      %add3A_443 = arith.addf %add3A_439, %scan3A_346#3 : vector<16xf32>
      %mul3A_444 = arith.mulf %add3A_443, %add3A_443 : vector<16xf32>
      %mul3A_445 = arith.constant 5.000000e-01 : f32
      %mul3A_446 = vector.broadcast %mul3A_445 : f32 to vector<16xf32>
      %mul3A_447 = arith.mulf %mul3A_446, %mul3A_444 : vector<16xf32>
      %mul3A_448 = arith.mulf %scan3A_340#3, %scan3A_346#3 : vector<16xf32>
      %add3A_449 = arith.addf %mul3A_447, %mul3A_448 : vector<16xf32>
      %mul3A_450 = arith.constant 5.000000e-01 : f32
      %mul3A_451 = vector.broadcast %mul3A_450 : f32 to vector<16xf32>
      %mul3A_452 = arith.mulf %mul3A_451, %add3A_442 : vector<16xf32>
      %sub3A_453 = arith.subf %add3A_449, %mul3A_452 : vector<16xf32>
      %mul3A_454 = arith.constant 5.000000e-01 : f32
      %mul3A_455 = vector.broadcast %mul3A_454 : f32 to vector<16xf32>
      %mul3A_456 = arith.mulf %mul3A_455, %scan3A_346#7 : vector<16xf32>
      %sub3A_457 = arith.subf %sub3A_453, %mul3A_456 : vector<16xf32>
      %add3A_458 = arith.addf %add3A_430, %sub3A_457 : vector<16xf32>
      %xor3A = arith.constant 8 : i32
      %xor3A_459 = vector.broadcast %xor3A : i32 to vector<16xi32>
      %xor3A_460 = arith.xori %iota3A, %xor3A_459 : vector<16xi32>
      %broadcast_in_dim3A_461 = vector.shape_cast %xor3A_460 : vector<16xi32> to vector<16x1xi32>
      %gather3A = vector.shape_cast %broadcast_in_dim3A_461 : vector<16x1xi32> to vector<16xi32>
      %gather3A_462 = tpu.dynamic_gather %add3A_458[%gather3A] in [0] : vector<16xf32>, vector<16xi32> -> vector<16xf32>
      %add3A_463 = arith.addf %add3A_458, %gather3A_462 : vector<16xf32>
      %xor3A_464 = arith.constant 4 : i32
      %xor3A_465 = vector.broadcast %xor3A_464 : i32 to vector<16xi32>
      %xor3A_466 = arith.xori %iota3A, %xor3A_465 : vector<16xi32>
      %broadcast_in_dim3A_467 = vector.shape_cast %xor3A_466 : vector<16xi32> to vector<16x1xi32>
      %gather3A_468 = vector.shape_cast %broadcast_in_dim3A_467 : vector<16x1xi32> to vector<16xi32>
      %gather3A_469 = tpu.dynamic_gather %add3A_463[%gather3A_468] in [0] : vector<16xf32>, vector<16xi32> -> vector<16xf32>
      %add3A_470 = arith.addf %add3A_463, %gather3A_469 : vector<16xf32>
      %xor3A_471 = arith.constant 2 : i32
      %xor3A_472 = vector.broadcast %xor3A_471 : i32 to vector<16xi32>
      %xor3A_473 = arith.xori %iota3A, %xor3A_472 : vector<16xi32>
      %broadcast_in_dim3A_474 = vector.shape_cast %xor3A_473 : vector<16xi32> to vector<16x1xi32>
      %gather3A_475 = vector.shape_cast %broadcast_in_dim3A_474 : vector<16x1xi32> to vector<16xi32>
      %gather3A_476 = tpu.dynamic_gather %add3A_470[%gather3A_475] in [0] : vector<16xf32>, vector<16xi32> -> vector<16xf32>
      %add3A_477 = arith.addf %add3A_470, %gather3A_476 : vector<16xf32>
      %xor3A_478 = arith.constant 1 : i32
      %xor3A_479 = vector.broadcast %xor3A_478 : i32 to vector<16xi32>
      %xor3A_480 = arith.xori %iota3A, %xor3A_479 : vector<16xi32>
      %broadcast_in_dim3A_481 = vector.shape_cast %xor3A_480 : vector<16xi32> to vector<16x1xi32>
      %gather3A_482 = vector.shape_cast %broadcast_in_dim3A_481 : vector<16x1xi32> to vector<16xi32>
      %gather3A_483 = tpu.dynamic_gather %add3A_477[%gather3A_482] in [0] : vector<16xf32>, vector<16xi32> -> vector<16xf32>
      %add3A_484 = arith.addf %add3A_477, %gather3A_483 : vector<16xf32>
      %mul3A_485 = arith.constant 8 : i32
      %mul3A_486 = arith.muli %scan3A_12, %mul3A_485 : i32
      %add3A_487 = arith.constant 0 : i32
      %add3A_488 = arith.addi %mul3A_486, %add3A_487 : i32
      %broadcast_in_dim3A_489 = vector.broadcast %add3A_488 : i32 to vector<16xi32>
      %add3A_490 = arith.addf %add3A_484, %get3A_1 : vector<16xf32>
      tpu.vector_store_idx %arg14[%broadcast_in_dim3A_489], %add3A_490 masked %eq3A_3 : memref<128xf32, #tpu.memory_space<vmem>>[vector<16xi32>], vector<16xf32>, vector<16xi1>
      %scan3A_491 = arith.constant 0 : i32
      %scan3A_492 = arith.constant 10 : i32
      %scan3A_493 = arith.addi %scan3A_491, %scan3A_492 : i32
      %scan3A_494 = arith.constant 1 : i32
      %scan3A_495:4 = scf.for %scan3A_2148 = %scan3A_491 to %scan3A_493 step %scan3A_494 iter_args(%scan3A_2149 = %broadcast_in_dim3A_4, %scan3A_2150 = %broadcast_in_dim3A_4, %scan3A_2151 = %broadcast_in_dim3A_4, %scan3A_2152 = %broadcast_in_dim3A_4) -> (vector<16xf32>, vector<16xf32>, vector<16xf32>, vector<16xf32>)  : i32 {
        %mul3A_2153 = arith.constant 5 : i32
        %mul3A_2154 = arith.muli %scan3A_2148, %mul3A_2153 : i32
        %add3A_2155 = arith.constant 94 : i32
        %add3A_2156 = arith.addi %add3A_2155, %mul3A_2154 : i32
        %add3A_2157 = arith.constant 0 : i32
        %add3A_2158 = arith.addi %add3A_2156, %add3A_2157 : i32
        %get3A_2159 = arith.index_cast %add3A_2158 : i32 to index
        %get3A_2160 = arith.constant 0 : index
        %get3A_2161 = tpu.vector_load %arg12[%get3A_2159, %get3A_2160] {strides = array<i32>} : memref<576x128xf32, #tpu.memory_space<vmem>>, vector<16xf32>,
        %add3A_2162 = arith.addf %scan3A_2149, %get3A_2161 : vector<16xf32>
        %add3A_2163 = arith.constant 0 : i32
        %add3A_2164 = arith.addi %add3A_2156, %add3A_2163 : i32
        %get3A_2165 = arith.index_cast %add3A_2164 : i32 to index
        %get3A_2166 = arith.constant 16 : index
        %get3A_2167 = tpu.vector_load %arg12[%get3A_2165, %get3A_2166] {strides = array<i32>} : memref<576x128xf32, #tpu.memory_space<vmem>>, vector<16xf32>,
        %add3A_2168 = arith.addf %scan3A_2150, %get3A_2167 : vector<16xf32>
        %add3A_2169 = arith.constant 0 : i32
        %add3A_2170 = arith.addi %add3A_2156, %add3A_2169 : i32
        %get3A_2171 = arith.index_cast %add3A_2170 : i32 to index
        %get3A_2172 = arith.constant 32 : index
        %get3A_2173 = tpu.vector_load %arg12[%get3A_2171, %get3A_2172] {strides = array<i32>} : memref<576x128xf32, #tpu.memory_space<vmem>>, vector<16xf32>,
        %add3A_2174 = arith.addf %scan3A_2151, %get3A_2173 : vector<16xf32>
        %add3A_2175 = arith.constant 0 : i32
        %add3A_2176 = arith.addi %add3A_2156, %add3A_2175 : i32
        %get3A_2177 = arith.index_cast %add3A_2176 : i32 to index
        %get3A_2178 = arith.constant 48 : index
        %get3A_2179 = tpu.vector_load %arg12[%get3A_2177, %get3A_2178] {strides = array<i32>} : memref<576x128xf32, #tpu.memory_space<vmem>>, vector<16xf32>,
        %add3A_2180 = arith.addf %scan3A_2152, %get3A_2179 : vector<16xf32>
        %add3A_2181 = arith.constant 1 : i32
        %add3A_2182 = arith.addi %add3A_2156, %add3A_2181 : i32
        %get3A_2183 = arith.index_cast %add3A_2182 : i32 to index
        %get3A_2184 = arith.constant 0 : index
        %get3A_2185 = tpu.vector_load %arg12[%get3A_2183, %get3A_2184] {strides = array<i32>} : memref<576x128xf32, #tpu.memory_space<vmem>>, vector<16xf32>,
        %add3A_2186 = arith.addf %add3A_2162, %get3A_2185 : vector<16xf32>
        %add3A_2187 = arith.constant 1 : i32
        %add3A_2188 = arith.addi %add3A_2156, %add3A_2187 : i32
        %get3A_2189 = arith.index_cast %add3A_2188 : i32 to index
        %get3A_2190 = arith.constant 16 : index
        %get3A_2191 = tpu.vector_load %arg12[%get3A_2189, %get3A_2190] {strides = array<i32>} : memref<576x128xf32, #tpu.memory_space<vmem>>, vector<16xf32>,
        %add3A_2192 = arith.addf %add3A_2168, %get3A_2191 : vector<16xf32>
        %add3A_2193 = arith.constant 1 : i32
        %add3A_2194 = arith.addi %add3A_2156, %add3A_2193 : i32
        %get3A_2195 = arith.index_cast %add3A_2194 : i32 to index
        %get3A_2196 = arith.constant 32 : index
        %get3A_2197 = tpu.vector_load %arg12[%get3A_2195, %get3A_2196] {strides = array<i32>} : memref<576x128xf32, #tpu.memory_space<vmem>>, vector<16xf32>,
        %add3A_2198 = arith.addf %add3A_2174, %get3A_2197 : vector<16xf32>
        %add3A_2199 = arith.constant 1 : i32
        %add3A_2200 = arith.addi %add3A_2156, %add3A_2199 : i32
        %get3A_2201 = arith.index_cast %add3A_2200 : i32 to index
        %get3A_2202 = arith.constant 48 : index
        %get3A_2203 = tpu.vector_load %arg12[%get3A_2201, %get3A_2202] {strides = array<i32>} : memref<576x128xf32, #tpu.memory_space<vmem>>, vector<16xf32>,
        %add3A_2204 = arith.addf %add3A_2180, %get3A_2203 : vector<16xf32>
        %add3A_2205 = arith.constant 2 : i32
        %add3A_2206 = arith.addi %add3A_2156, %add3A_2205 : i32
        %get3A_2207 = arith.index_cast %add3A_2206 : i32 to index
        %get3A_2208 = arith.constant 0 : index
        %get3A_2209 = tpu.vector_load %arg12[%get3A_2207, %get3A_2208] {strides = array<i32>} : memref<576x128xf32, #tpu.memory_space<vmem>>, vector<16xf32>,
        %add3A_2210 = arith.addf %add3A_2186, %get3A_2209 : vector<16xf32>
        %add3A_2211 = arith.constant 2 : i32
        %add3A_2212 = arith.addi %add3A_2156, %add3A_2211 : i32
        %get3A_2213 = arith.index_cast %add3A_2212 : i32 to index
        %get3A_2214 = arith.constant 16 : index
        %get3A_2215 = tpu.vector_load %arg12[%get3A_2213, %get3A_2214] {strides = array<i32>} : memref<576x128xf32, #tpu.memory_space<vmem>>, vector<16xf32>,
        %add3A_2216 = arith.addf %add3A_2192, %get3A_2215 : vector<16xf32>
        %add3A_2217 = arith.constant 2 : i32
        %add3A_2218 = arith.addi %add3A_2156, %add3A_2217 : i32
        %get3A_2219 = arith.index_cast %add3A_2218 : i32 to index
        %get3A_2220 = arith.constant 32 : index
        %get3A_2221 = tpu.vector_load %arg12[%get3A_2219, %get3A_2220] {strides = array<i32>} : memref<576x128xf32, #tpu.memory_space<vmem>>, vector<16xf32>,
        %add3A_2222 = arith.addf %add3A_2198, %get3A_2221 : vector<16xf32>
        %add3A_2223 = arith.constant 2 : i32
        %add3A_2224 = arith.addi %add3A_2156, %add3A_2223 : i32
        %get3A_2225 = arith.index_cast %add3A_2224 : i32 to index
        %get3A_2226 = arith.constant 48 : index
        %get3A_2227 = tpu.vector_load %arg12[%get3A_2225, %get3A_2226] {strides = array<i32>} : memref<576x128xf32, #tpu.memory_space<vmem>>, vector<16xf32>,
        %add3A_2228 = arith.addf %add3A_2204, %get3A_2227 : vector<16xf32>
        %add3A_2229 = arith.constant 3 : i32
        %add3A_2230 = arith.addi %add3A_2156, %add3A_2229 : i32
        %get3A_2231 = arith.index_cast %add3A_2230 : i32 to index
        %get3A_2232 = arith.constant 0 : index
        %get3A_2233 = tpu.vector_load %arg12[%get3A_2231, %get3A_2232] {strides = array<i32>} : memref<576x128xf32, #tpu.memory_space<vmem>>, vector<16xf32>,
        %add3A_2234 = arith.addf %add3A_2210, %get3A_2233 : vector<16xf32>
        %add3A_2235 = arith.constant 3 : i32
        %add3A_2236 = arith.addi %add3A_2156, %add3A_2235 : i32
        %get3A_2237 = arith.index_cast %add3A_2236 : i32 to index
        %get3A_2238 = arith.constant 16 : index
        %get3A_2239 = tpu.vector_load %arg12[%get3A_2237, %get3A_2238] {strides = array<i32>} : memref<576x128xf32, #tpu.memory_space<vmem>>, vector<16xf32>,
        %add3A_2240 = arith.addf %add3A_2216, %get3A_2239 : vector<16xf32>
        %add3A_2241 = arith.constant 3 : i32
        %add3A_2242 = arith.addi %add3A_2156, %add3A_2241 : i32
        %get3A_2243 = arith.index_cast %add3A_2242 : i32 to index
        %get3A_2244 = arith.constant 32 : index
        %get3A_2245 = tpu.vector_load %arg12[%get3A_2243, %get3A_2244] {strides = array<i32>} : memref<576x128xf32, #tpu.memory_space<vmem>>, vector<16xf32>,
        %add3A_2246 = arith.addf %add3A_2222, %get3A_2245 : vector<16xf32>
        %add3A_2247 = arith.constant 3 : i32
        %add3A_2248 = arith.addi %add3A_2156, %add3A_2247 : i32
        %get3A_2249 = arith.index_cast %add3A_2248 : i32 to index
        %get3A_2250 = arith.constant 48 : index
        %get3A_2251 = tpu.vector_load %arg12[%get3A_2249, %get3A_2250] {strides = array<i32>} : memref<576x128xf32, #tpu.memory_space<vmem>>, vector<16xf32>,
        %add3A_2252 = arith.addf %add3A_2228, %get3A_2251 : vector<16xf32>
        %add3A_2253 = arith.constant 4 : i32
        %add3A_2254 = arith.addi %add3A_2156, %add3A_2253 : i32
        %get3A_2255 = arith.index_cast %add3A_2254 : i32 to index
        %get3A_2256 = arith.constant 0 : index
        %get3A_2257 = tpu.vector_load %arg12[%get3A_2255, %get3A_2256] {strides = array<i32>} : memref<576x128xf32, #tpu.memory_space<vmem>>, vector<16xf32>,
        %add3A_2258 = arith.addf %add3A_2234, %get3A_2257 : vector<16xf32>
        %add3A_2259 = arith.constant 4 : i32
        %add3A_2260 = arith.addi %add3A_2156, %add3A_2259 : i32
        %get3A_2261 = arith.index_cast %add3A_2260 : i32 to index
        %get3A_2262 = arith.constant 16 : index
        %get3A_2263 = tpu.vector_load %arg12[%get3A_2261, %get3A_2262] {strides = array<i32>} : memref<576x128xf32, #tpu.memory_space<vmem>>, vector<16xf32>,
        %add3A_2264 = arith.addf %add3A_2240, %get3A_2263 : vector<16xf32>
        %add3A_2265 = arith.constant 4 : i32
        %add3A_2266 = arith.addi %add3A_2156, %add3A_2265 : i32
        %get3A_2267 = arith.index_cast %add3A_2266 : i32 to index
        %get3A_2268 = arith.constant 32 : index
        %get3A_2269 = tpu.vector_load %arg12[%get3A_2267, %get3A_2268] {strides = array<i32>} : memref<576x128xf32, #tpu.memory_space<vmem>>, vector<16xf32>,
        %add3A_2270 = arith.addf %add3A_2246, %get3A_2269 : vector<16xf32>
        %add3A_2271 = arith.constant 4 : i32
        %add3A_2272 = arith.addi %add3A_2156, %add3A_2271 : i32
        %get3A_2273 = arith.index_cast %add3A_2272 : i32 to index
        %get3A_2274 = arith.constant 48 : index
        %get3A_2275 = tpu.vector_load %arg12[%get3A_2273, %get3A_2274] {strides = array<i32>} : memref<576x128xf32, #tpu.memory_space<vmem>>, vector<16xf32>,
        %add3A_2276 = arith.addf %add3A_2252, %get3A_2275 : vector<16xf32>
        scf.yield %add3A_2258, %add3A_2264, %add3A_2270, %add3A_2276 : vector<16xf32>, vector<16xf32>, vector<16xf32>, vector<16xf32>
      }
      %scan3A_496 = arith.constant 10 : i32
      %scan3A_497 = arith.constant 0 : i32
      %scan3A_498 = arith.constant 5 : i32
      %scan3A_499 = arith.addi %scan3A_497, %scan3A_498 : i32
      %scan3A_500 = arith.constant 1 : i32
      %scan3A_501:8 = scf.for %scan3A_2148 = %scan3A_497 to %scan3A_499 step %scan3A_500 iter_args(%scan3A_2149 = %broadcast_in_dim3A_4, %scan3A_2150 = %broadcast_in_dim3A_4, %scan3A_2151 = %broadcast_in_dim3A_4, %scan3A_2152 = %broadcast_in_dim3A_4, %scan3A_2153 = %broadcast_in_dim3A_4, %scan3A_2154 = %broadcast_in_dim3A_4, %scan3A_2155 = %broadcast_in_dim3A_4, %scan3A_2156 = %broadcast_in_dim3A_4) -> (vector<16xf32>, vector<16xf32>, vector<16xf32>, vector<16xf32>, vector<16xf32>, vector<16xf32>, vector<16xf32>, vector<16xf32>)  : i32 {
        %mul3A_2157 = arith.constant 4 : i32
        %mul3A_2158 = arith.muli %scan3A_2148, %mul3A_2157 : i32
        %add3A_2159 = arith.constant 74 : i32
        %add3A_2160 = arith.addi %add3A_2159, %mul3A_2158 : i32
        %add3A_2161 = arith.constant 0 : i32
        %add3A_2162 = arith.addi %add3A_2160, %add3A_2161 : i32
        %get3A_2163 = arith.index_cast %add3A_2162 : i32 to index
        %get3A_2164 = arith.constant 0 : index
        %get3A_2165 = tpu.vector_load %arg12[%get3A_2163, %get3A_2164] {strides = array<i32>} : memref<576x128xf32, #tpu.memory_space<vmem>>, vector<16xf32>,
        %add3A_2166 = arith.addf %scan3A_2149, %get3A_2165 : vector<16xf32>
        %mul3A_2167 = arith.mulf %get3A_2165, %get3A_2165 : vector<16xf32>
        %add3A_2168 = arith.addf %scan3A_2153, %mul3A_2167 : vector<16xf32>
        %add3A_2169 = arith.constant 0 : i32
        %add3A_2170 = arith.addi %add3A_2160, %add3A_2169 : i32
        %get3A_2171 = arith.index_cast %add3A_2170 : i32 to index
        %get3A_2172 = arith.constant 16 : index
        %get3A_2173 = tpu.vector_load %arg12[%get3A_2171, %get3A_2172] {strides = array<i32>} : memref<576x128xf32, #tpu.memory_space<vmem>>, vector<16xf32>,
        %add3A_2174 = arith.addf %scan3A_2150, %get3A_2173 : vector<16xf32>
        %mul3A_2175 = arith.mulf %get3A_2173, %get3A_2173 : vector<16xf32>
        %add3A_2176 = arith.addf %scan3A_2154, %mul3A_2175 : vector<16xf32>
        %add3A_2177 = arith.constant 0 : i32
        %add3A_2178 = arith.addi %add3A_2160, %add3A_2177 : i32
        %get3A_2179 = arith.index_cast %add3A_2178 : i32 to index
        %get3A_2180 = arith.constant 32 : index
        %get3A_2181 = tpu.vector_load %arg12[%get3A_2179, %get3A_2180] {strides = array<i32>} : memref<576x128xf32, #tpu.memory_space<vmem>>, vector<16xf32>,
        %add3A_2182 = arith.addf %scan3A_2151, %get3A_2181 : vector<16xf32>
        %mul3A_2183 = arith.mulf %get3A_2181, %get3A_2181 : vector<16xf32>
        %add3A_2184 = arith.addf %scan3A_2155, %mul3A_2183 : vector<16xf32>
        %add3A_2185 = arith.constant 0 : i32
        %add3A_2186 = arith.addi %add3A_2160, %add3A_2185 : i32
        %get3A_2187 = arith.index_cast %add3A_2186 : i32 to index
        %get3A_2188 = arith.constant 48 : index
        %get3A_2189 = tpu.vector_load %arg12[%get3A_2187, %get3A_2188] {strides = array<i32>} : memref<576x128xf32, #tpu.memory_space<vmem>>, vector<16xf32>,
        %add3A_2190 = arith.addf %scan3A_2152, %get3A_2189 : vector<16xf32>
        %mul3A_2191 = arith.mulf %get3A_2189, %get3A_2189 : vector<16xf32>
        %add3A_2192 = arith.addf %scan3A_2156, %mul3A_2191 : vector<16xf32>
        %add3A_2193 = arith.constant 1 : i32
        %add3A_2194 = arith.addi %add3A_2160, %add3A_2193 : i32
        %get3A_2195 = arith.index_cast %add3A_2194 : i32 to index
        %get3A_2196 = arith.constant 0 : index
        %get3A_2197 = tpu.vector_load %arg12[%get3A_2195, %get3A_2196] {strides = array<i32>} : memref<576x128xf32, #tpu.memory_space<vmem>>, vector<16xf32>,
        %add3A_2198 = arith.addf %add3A_2166, %get3A_2197 : vector<16xf32>
        %mul3A_2199 = arith.mulf %get3A_2197, %get3A_2197 : vector<16xf32>
        %add3A_2200 = arith.addf %add3A_2168, %mul3A_2199 : vector<16xf32>
        %add3A_2201 = arith.constant 1 : i32
        %add3A_2202 = arith.addi %add3A_2160, %add3A_2201 : i32
        %get3A_2203 = arith.index_cast %add3A_2202 : i32 to index
        %get3A_2204 = arith.constant 16 : index
        %get3A_2205 = tpu.vector_load %arg12[%get3A_2203, %get3A_2204] {strides = array<i32>} : memref<576x128xf32, #tpu.memory_space<vmem>>, vector<16xf32>,
        %add3A_2206 = arith.addf %add3A_2174, %get3A_2205 : vector<16xf32>
        %mul3A_2207 = arith.mulf %get3A_2205, %get3A_2205 : vector<16xf32>
        %add3A_2208 = arith.addf %add3A_2176, %mul3A_2207 : vector<16xf32>
        %add3A_2209 = arith.constant 1 : i32
        %add3A_2210 = arith.addi %add3A_2160, %add3A_2209 : i32
        %get3A_2211 = arith.index_cast %add3A_2210 : i32 to index
        %get3A_2212 = arith.constant 32 : index
        %get3A_2213 = tpu.vector_load %arg12[%get3A_2211, %get3A_2212] {strides = array<i32>} : memref<576x128xf32, #tpu.memory_space<vmem>>, vector<16xf32>,
        %add3A_2214 = arith.addf %add3A_2182, %get3A_2213 : vector<16xf32>
        %mul3A_2215 = arith.mulf %get3A_2213, %get3A_2213 : vector<16xf32>
        %add3A_2216 = arith.addf %add3A_2184, %mul3A_2215 : vector<16xf32>
        %add3A_2217 = arith.constant 1 : i32
        %add3A_2218 = arith.addi %add3A_2160, %add3A_2217 : i32
        %get3A_2219 = arith.index_cast %add3A_2218 : i32 to index
        %get3A_2220 = arith.constant 48 : index
        %get3A_2221 = tpu.vector_load %arg12[%get3A_2219, %get3A_2220] {strides = array<i32>} : memref<576x128xf32, #tpu.memory_space<vmem>>, vector<16xf32>,
        %add3A_2222 = arith.addf %add3A_2190, %get3A_2221 : vector<16xf32>
        %mul3A_2223 = arith.mulf %get3A_2221, %get3A_2221 : vector<16xf32>
        %add3A_2224 = arith.addf %add3A_2192, %mul3A_2223 : vector<16xf32>
        %add3A_2225 = arith.constant 2 : i32
        %add3A_2226 = arith.addi %add3A_2160, %add3A_2225 : i32
        %get3A_2227 = arith.index_cast %add3A_2226 : i32 to index
        %get3A_2228 = arith.constant 0 : index
        %get3A_2229 = tpu.vector_load %arg12[%get3A_2227, %get3A_2228] {strides = array<i32>} : memref<576x128xf32, #tpu.memory_space<vmem>>, vector<16xf32>,
        %add3A_2230 = arith.addf %add3A_2198, %get3A_2229 : vector<16xf32>
        %mul3A_2231 = arith.mulf %get3A_2229, %get3A_2229 : vector<16xf32>
        %add3A_2232 = arith.addf %add3A_2200, %mul3A_2231 : vector<16xf32>
        %add3A_2233 = arith.constant 2 : i32
        %add3A_2234 = arith.addi %add3A_2160, %add3A_2233 : i32
        %get3A_2235 = arith.index_cast %add3A_2234 : i32 to index
        %get3A_2236 = arith.constant 16 : index
        %get3A_2237 = tpu.vector_load %arg12[%get3A_2235, %get3A_2236] {strides = array<i32>} : memref<576x128xf32, #tpu.memory_space<vmem>>, vector<16xf32>,
        %add3A_2238 = arith.addf %add3A_2206, %get3A_2237 : vector<16xf32>
        %mul3A_2239 = arith.mulf %get3A_2237, %get3A_2237 : vector<16xf32>
        %add3A_2240 = arith.addf %add3A_2208, %mul3A_2239 : vector<16xf32>
        %add3A_2241 = arith.constant 2 : i32
        %add3A_2242 = arith.addi %add3A_2160, %add3A_2241 : i32
        %get3A_2243 = arith.index_cast %add3A_2242 : i32 to index
        %get3A_2244 = arith.constant 32 : index
        %get3A_2245 = tpu.vector_load %arg12[%get3A_2243, %get3A_2244] {strides = array<i32>} : memref<576x128xf32, #tpu.memory_space<vmem>>, vector<16xf32>,
        %add3A_2246 = arith.addf %add3A_2214, %get3A_2245 : vector<16xf32>
        %mul3A_2247 = arith.mulf %get3A_2245, %get3A_2245 : vector<16xf32>
        %add3A_2248 = arith.addf %add3A_2216, %mul3A_2247 : vector<16xf32>
        %add3A_2249 = arith.constant 2 : i32
        %add3A_2250 = arith.addi %add3A_2160, %add3A_2249 : i32
        %get3A_2251 = arith.index_cast %add3A_2250 : i32 to index
        %get3A_2252 = arith.constant 48 : index
        %get3A_2253 = tpu.vector_load %arg12[%get3A_2251, %get3A_2252] {strides = array<i32>} : memref<576x128xf32, #tpu.memory_space<vmem>>, vector<16xf32>,
        %add3A_2254 = arith.addf %add3A_2222, %get3A_2253 : vector<16xf32>
        %mul3A_2255 = arith.mulf %get3A_2253, %get3A_2253 : vector<16xf32>
        %add3A_2256 = arith.addf %add3A_2224, %mul3A_2255 : vector<16xf32>
        %add3A_2257 = arith.constant 3 : i32
        %add3A_2258 = arith.addi %add3A_2160, %add3A_2257 : i32
        %get3A_2259 = arith.index_cast %add3A_2258 : i32 to index
        %get3A_2260 = arith.constant 0 : index
        %get3A_2261 = tpu.vector_load %arg12[%get3A_2259, %get3A_2260] {strides = array<i32>} : memref<576x128xf32, #tpu.memory_space<vmem>>, vector<16xf32>,
        %add3A_2262 = arith.addf %add3A_2230, %get3A_2261 : vector<16xf32>
        %mul3A_2263 = arith.mulf %get3A_2261, %get3A_2261 : vector<16xf32>
        %add3A_2264 = arith.addf %add3A_2232, %mul3A_2263 : vector<16xf32>
        %add3A_2265 = arith.constant 3 : i32
        %add3A_2266 = arith.addi %add3A_2160, %add3A_2265 : i32
        %get3A_2267 = arith.index_cast %add3A_2266 : i32 to index
        %get3A_2268 = arith.constant 16 : index
        %get3A_2269 = tpu.vector_load %arg12[%get3A_2267, %get3A_2268] {strides = array<i32>} : memref<576x128xf32, #tpu.memory_space<vmem>>, vector<16xf32>,
        %add3A_2270 = arith.addf %add3A_2238, %get3A_2269 : vector<16xf32>
        %mul3A_2271 = arith.mulf %get3A_2269, %get3A_2269 : vector<16xf32>
        %add3A_2272 = arith.addf %add3A_2240, %mul3A_2271 : vector<16xf32>
        %add3A_2273 = arith.constant 3 : i32
        %add3A_2274 = arith.addi %add3A_2160, %add3A_2273 : i32
        %get3A_2275 = arith.index_cast %add3A_2274 : i32 to index
        %get3A_2276 = arith.constant 32 : index
        %get3A_2277 = tpu.vector_load %arg12[%get3A_2275, %get3A_2276] {strides = array<i32>} : memref<576x128xf32, #tpu.memory_space<vmem>>, vector<16xf32>,
        %add3A_2278 = arith.addf %add3A_2246, %get3A_2277 : vector<16xf32>
        %mul3A_2279 = arith.mulf %get3A_2277, %get3A_2277 : vector<16xf32>
        %add3A_2280 = arith.addf %add3A_2248, %mul3A_2279 : vector<16xf32>
        %add3A_2281 = arith.constant 3 : i32
        %add3A_2282 = arith.addi %add3A_2160, %add3A_2281 : i32
        %get3A_2283 = arith.index_cast %add3A_2282 : i32 to index
        %get3A_2284 = arith.constant 48 : index
        %get3A_2285 = tpu.vector_load %arg12[%get3A_2283, %get3A_2284] {strides = array<i32>} : memref<576x128xf32, #tpu.memory_space<vmem>>, vector<16xf32>,
        %add3A_2286 = arith.addf %add3A_2254, %get3A_2285 : vector<16xf32>
        %mul3A_2287 = arith.mulf %get3A_2285, %get3A_2285 : vector<16xf32>
        %add3A_2288 = arith.addf %add3A_2256, %mul3A_2287 : vector<16xf32>
        scf.yield %add3A_2262, %add3A_2270, %add3A_2278, %add3A_2286, %add3A_2264, %add3A_2272, %add3A_2280, %add3A_2288 : vector<16xf32>, vector<16xf32>, vector<16xf32>, vector<16xf32>, vector<16xf32>, vector<16xf32>, vector<16xf32>, vector<16xf32>
      }
      %scan3A_502 = arith.constant 5 : i32
      %get3A_503 = arith.constant 72 : i32
      %get3A_504 = arith.index_cast %get3A_503 : i32 to index
      %get3A_505 = arith.constant 0 : index
      %get3A_506 = tpu.vector_load %arg12[%get3A_504, %get3A_505] {strides = array<i32>} : memref<576x128xf32, #tpu.memory_space<vmem>>, vector<16xf32>,
      %get3A_507 = arith.constant 73 : i32
      %get3A_508 = arith.index_cast %get3A_507 : i32 to index
      %get3A_509 = arith.constant 0 : index
      %get3A_510 = tpu.vector_load %arg12[%get3A_508, %get3A_509] {strides = array<i32>} : memref<576x128xf32, #tpu.memory_space<vmem>>, vector<16xf32>,
      %add3A_511 = arith.addf %get3A_506, %get3A_510 : vector<16xf32>
      %mul3A_512 = arith.mulf %get3A_506, %get3A_506 : vector<16xf32>
      %mul3A_513 = arith.mulf %get3A_510, %get3A_510 : vector<16xf32>
      %add3A_514 = arith.addf %mul3A_512, %mul3A_513 : vector<16xf32>
      %add3A_515 = arith.addf %add3A_511, %scan3A_501#0 : vector<16xf32>
      %mul3A_516 = arith.mulf %add3A_515, %add3A_515 : vector<16xf32>
      %mul3A_517 = arith.constant 5.000000e-01 : f32
      %mul3A_518 = vector.broadcast %mul3A_517 : f32 to vector<16xf32>
      %mul3A_519 = arith.mulf %mul3A_518, %mul3A_516 : vector<16xf32>
      %mul3A_520 = arith.mulf %scan3A_495#0, %scan3A_501#0 : vector<16xf32>
      %add3A_521 = arith.addf %mul3A_519, %mul3A_520 : vector<16xf32>
      %mul3A_522 = arith.constant 5.000000e-01 : f32
      %mul3A_523 = vector.broadcast %mul3A_522 : f32 to vector<16xf32>
      %mul3A_524 = arith.mulf %mul3A_523, %add3A_514 : vector<16xf32>
      %sub3A_525 = arith.subf %add3A_521, %mul3A_524 : vector<16xf32>
      %mul3A_526 = arith.constant 5.000000e-01 : f32
      %mul3A_527 = vector.broadcast %mul3A_526 : f32 to vector<16xf32>
      %mul3A_528 = arith.mulf %mul3A_527, %scan3A_501#4 : vector<16xf32>
      %sub3A_529 = arith.subf %sub3A_525, %mul3A_528 : vector<16xf32>
      %add3A_530 = arith.addf %broadcast_in_dim3A_4, %sub3A_529 : vector<16xf32>
      %get3A_531 = arith.constant 72 : i32
      %get3A_532 = arith.index_cast %get3A_531 : i32 to index
      %get3A_533 = arith.constant 16 : index
      %get3A_534 = tpu.vector_load %arg12[%get3A_532, %get3A_533] {strides = array<i32>} : memref<576x128xf32, #tpu.memory_space<vmem>>, vector<16xf32>,
      %get3A_535 = arith.constant 73 : i32
      %get3A_536 = arith.index_cast %get3A_535 : i32 to index
      %get3A_537 = arith.constant 16 : index
      %get3A_538 = tpu.vector_load %arg12[%get3A_536, %get3A_537] {strides = array<i32>} : memref<576x128xf32, #tpu.memory_space<vmem>>, vector<16xf32>,
      %add3A_539 = arith.addf %get3A_534, %get3A_538 : vector<16xf32>
      %mul3A_540 = arith.mulf %get3A_534, %get3A_534 : vector<16xf32>
      %mul3A_541 = arith.mulf %get3A_538, %get3A_538 : vector<16xf32>
      %add3A_542 = arith.addf %mul3A_540, %mul3A_541 : vector<16xf32>
      %add3A_543 = arith.addf %add3A_539, %scan3A_501#1 : vector<16xf32>
      %mul3A_544 = arith.mulf %add3A_543, %add3A_543 : vector<16xf32>
      %mul3A_545 = arith.constant 5.000000e-01 : f32
      %mul3A_546 = vector.broadcast %mul3A_545 : f32 to vector<16xf32>
      %mul3A_547 = arith.mulf %mul3A_546, %mul3A_544 : vector<16xf32>
      %mul3A_548 = arith.mulf %scan3A_495#1, %scan3A_501#1 : vector<16xf32>
      %add3A_549 = arith.addf %mul3A_547, %mul3A_548 : vector<16xf32>
      %mul3A_550 = arith.constant 5.000000e-01 : f32
      %mul3A_551 = vector.broadcast %mul3A_550 : f32 to vector<16xf32>
      %mul3A_552 = arith.mulf %mul3A_551, %add3A_542 : vector<16xf32>
      %sub3A_553 = arith.subf %add3A_549, %mul3A_552 : vector<16xf32>
      %mul3A_554 = arith.constant 5.000000e-01 : f32
      %mul3A_555 = vector.broadcast %mul3A_554 : f32 to vector<16xf32>
      %mul3A_556 = arith.mulf %mul3A_555, %scan3A_501#5 : vector<16xf32>
      %sub3A_557 = arith.subf %sub3A_553, %mul3A_556 : vector<16xf32>
      %add3A_558 = arith.addf %add3A_530, %sub3A_557 : vector<16xf32>
      %get3A_559 = arith.constant 72 : i32
      %get3A_560 = arith.index_cast %get3A_559 : i32 to index
      %get3A_561 = arith.constant 32 : index
      %get3A_562 = tpu.vector_load %arg12[%get3A_560, %get3A_561] {strides = array<i32>} : memref<576x128xf32, #tpu.memory_space<vmem>>, vector<16xf32>,
      %get3A_563 = arith.constant 73 : i32
      %get3A_564 = arith.index_cast %get3A_563 : i32 to index
      %get3A_565 = arith.constant 32 : index
      %get3A_566 = tpu.vector_load %arg12[%get3A_564, %get3A_565] {strides = array<i32>} : memref<576x128xf32, #tpu.memory_space<vmem>>, vector<16xf32>,
      %add3A_567 = arith.addf %get3A_562, %get3A_566 : vector<16xf32>
      %mul3A_568 = arith.mulf %get3A_562, %get3A_562 : vector<16xf32>
      %mul3A_569 = arith.mulf %get3A_566, %get3A_566 : vector<16xf32>
      %add3A_570 = arith.addf %mul3A_568, %mul3A_569 : vector<16xf32>
      %add3A_571 = arith.addf %add3A_567, %scan3A_501#2 : vector<16xf32>
      %mul3A_572 = arith.mulf %add3A_571, %add3A_571 : vector<16xf32>
      %mul3A_573 = arith.constant 5.000000e-01 : f32
      %mul3A_574 = vector.broadcast %mul3A_573 : f32 to vector<16xf32>
      %mul3A_575 = arith.mulf %mul3A_574, %mul3A_572 : vector<16xf32>
      %mul3A_576 = arith.mulf %scan3A_495#2, %scan3A_501#2 : vector<16xf32>
      %add3A_577 = arith.addf %mul3A_575, %mul3A_576 : vector<16xf32>
      %mul3A_578 = arith.constant 5.000000e-01 : f32
      %mul3A_579 = vector.broadcast %mul3A_578 : f32 to vector<16xf32>
      %mul3A_580 = arith.mulf %mul3A_579, %add3A_570 : vector<16xf32>
      %sub3A_581 = arith.subf %add3A_577, %mul3A_580 : vector<16xf32>
      %mul3A_582 = arith.constant 5.000000e-01 : f32
      %mul3A_583 = vector.broadcast %mul3A_582 : f32 to vector<16xf32>
      %mul3A_584 = arith.mulf %mul3A_583, %scan3A_501#6 : vector<16xf32>
      %sub3A_585 = arith.subf %sub3A_581, %mul3A_584 : vector<16xf32>
      %add3A_586 = arith.addf %add3A_558, %sub3A_585 : vector<16xf32>
      %get3A_587 = arith.constant 72 : i32
      %get3A_588 = arith.index_cast %get3A_587 : i32 to index
      %get3A_589 = arith.constant 48 : index
      %get3A_590 = tpu.vector_load %arg12[%get3A_588, %get3A_589] {strides = array<i32>} : memref<576x128xf32, #tpu.memory_space<vmem>>, vector<16xf32>,
      %get3A_591 = arith.constant 73 : i32
      %get3A_592 = arith.index_cast %get3A_591 : i32 to index
      %get3A_593 = arith.constant 48 : index
      %get3A_594 = tpu.vector_load %arg12[%get3A_592, %get3A_593] {strides = array<i32>} : memref<576x128xf32, #tpu.memory_space<vmem>>, vector<16xf32>,
      %add3A_595 = arith.addf %get3A_590, %get3A_594 : vector<16xf32>
      %mul3A_596 = arith.mulf %get3A_590, %get3A_590 : vector<16xf32>
      %mul3A_597 = arith.mulf %get3A_594, %get3A_594 : vector<16xf32>
      %add3A_598 = arith.addf %mul3A_596, %mul3A_597 : vector<16xf32>
      %add3A_599 = arith.addf %add3A_595, %scan3A_501#3 : vector<16xf32>
      %mul3A_600 = arith.mulf %add3A_599, %add3A_599 : vector<16xf32>
      %mul3A_601 = arith.constant 5.000000e-01 : f32
      %mul3A_602 = vector.broadcast %mul3A_601 : f32 to vector<16xf32>
      %mul3A_603 = arith.mulf %mul3A_602, %mul3A_600 : vector<16xf32>
      %mul3A_604 = arith.mulf %scan3A_495#3, %scan3A_501#3 : vector<16xf32>
      %add3A_605 = arith.addf %mul3A_603, %mul3A_604 : vector<16xf32>
      %mul3A_606 = arith.constant 5.000000e-01 : f32
      %mul3A_607 = vector.broadcast %mul3A_606 : f32 to vector<16xf32>
      %mul3A_608 = arith.mulf %mul3A_607, %add3A_598 : vector<16xf32>
      %sub3A_609 = arith.subf %add3A_605, %mul3A_608 : vector<16xf32>
      %mul3A_610 = arith.constant 5.000000e-01 : f32
      %mul3A_611 = vector.broadcast %mul3A_610 : f32 to vector<16xf32>
      %mul3A_612 = arith.mulf %mul3A_611, %scan3A_501#7 : vector<16xf32>
      %sub3A_613 = arith.subf %sub3A_609, %mul3A_612 : vector<16xf32>
      %add3A_614 = arith.addf %add3A_586, %sub3A_613 : vector<16xf32>
      %xor3A_615 = arith.constant 8 : i32
      %xor3A_616 = vector.broadcast %xor3A_615 : i32 to vector<16xi32>
      %xor3A_617 = arith.xori %iota3A, %xor3A_616 : vector<16xi32>
      %broadcast_in_dim3A_618 = vector.shape_cast %xor3A_617 : vector<16xi32> to vector<16x1xi32>
      %gather3A_619 = vector.shape_cast %broadcast_in_dim3A_618 : vector<16x1xi32> to vector<16xi32>
      %gather3A_620 = tpu.dynamic_gather %add3A_614[%gather3A_619] in [0] : vector<16xf32>, vector<16xi32> -> vector<16xf32>
      %add3A_621 = arith.addf %add3A_614, %gather3A_620 : vector<16xf32>
      %xor3A_622 = arith.constant 4 : i32
      %xor3A_623 = vector.broadcast %xor3A_622 : i32 to vector<16xi32>
      %xor3A_624 = arith.xori %iota3A, %xor3A_623 : vector<16xi32>
      %broadcast_in_dim3A_625 = vector.shape_cast %xor3A_624 : vector<16xi32> to vector<16x1xi32>
      %gather3A_626 = vector.shape_cast %broadcast_in_dim3A_625 : vector<16x1xi32> to vector<16xi32>
      %gather3A_627 = tpu.dynamic_gather %add3A_621[%gather3A_626] in [0] : vector<16xf32>, vector<16xi32> -> vector<16xf32>
      %add3A_628 = arith.addf %add3A_621, %gather3A_627 : vector<16xf32>
      %xor3A_629 = arith.constant 2 : i32
      %xor3A_630 = vector.broadcast %xor3A_629 : i32 to vector<16xi32>
      %xor3A_631 = arith.xori %iota3A, %xor3A_630 : vector<16xi32>
      %broadcast_in_dim3A_632 = vector.shape_cast %xor3A_631 : vector<16xi32> to vector<16x1xi32>
      %gather3A_633 = vector.shape_cast %broadcast_in_dim3A_632 : vector<16x1xi32> to vector<16xi32>
      %gather3A_634 = tpu.dynamic_gather %add3A_628[%gather3A_633] in [0] : vector<16xf32>, vector<16xi32> -> vector<16xf32>
      %add3A_635 = arith.addf %add3A_628, %gather3A_634 : vector<16xf32>
      %xor3A_636 = arith.constant 1 : i32
      %xor3A_637 = vector.broadcast %xor3A_636 : i32 to vector<16xi32>
      %xor3A_638 = arith.xori %iota3A, %xor3A_637 : vector<16xi32>
      %broadcast_in_dim3A_639 = vector.shape_cast %xor3A_638 : vector<16xi32> to vector<16x1xi32>
      %gather3A_640 = vector.shape_cast %broadcast_in_dim3A_639 : vector<16x1xi32> to vector<16xi32>
      %gather3A_641 = tpu.dynamic_gather %add3A_635[%gather3A_640] in [0] : vector<16xf32>, vector<16xi32> -> vector<16xf32>
      %add3A_642 = arith.addf %add3A_635, %gather3A_641 : vector<16xf32>
      %mul3A_643 = arith.constant 8 : i32
      %mul3A_644 = arith.muli %scan3A_12, %mul3A_643 : i32
      %add3A_645 = arith.constant 1 : i32
      %add3A_646 = arith.addi %mul3A_644, %add3A_645 : i32
      %broadcast_in_dim3A_647 = vector.broadcast %add3A_646 : i32 to vector<16xi32>
      %add3A_648 = arith.addf %add3A_642, %get3A_1 : vector<16xf32>
      tpu.vector_store_idx %arg14[%broadcast_in_dim3A_647], %add3A_648 masked %eq3A_3 : memref<128xf32, #tpu.memory_space<vmem>>[vector<16xi32>], vector<16xf32>, vector<16xi1>
      %scan3A_649 = arith.constant 0 : i32
      %scan3A_650 = arith.constant 10 : i32
      %scan3A_651 = arith.addi %scan3A_649, %scan3A_650 : i32
      %scan3A_652 = arith.constant 1 : i32
      %scan3A_653:4 = scf.for %scan3A_2148 = %scan3A_649 to %scan3A_651 step %scan3A_652 iter_args(%scan3A_2149 = %broadcast_in_dim3A_4, %scan3A_2150 = %broadcast_in_dim3A_4, %scan3A_2151 = %broadcast_in_dim3A_4, %scan3A_2152 = %broadcast_in_dim3A_4) -> (vector<16xf32>, vector<16xf32>, vector<16xf32>, vector<16xf32>)  : i32 {
        %mul3A_2153 = arith.constant 5 : i32
        %mul3A_2154 = arith.muli %scan3A_2148, %mul3A_2153 : i32
        %add3A_2155 = arith.constant 166 : i32
        %add3A_2156 = arith.addi %add3A_2155, %mul3A_2154 : i32
        %add3A_2157 = arith.constant 0 : i32
        %add3A_2158 = arith.addi %add3A_2156, %add3A_2157 : i32
        %get3A_2159 = arith.index_cast %add3A_2158 : i32 to index
        %get3A_2160 = arith.constant 0 : index
        %get3A_2161 = tpu.vector_load %arg12[%get3A_2159, %get3A_2160] {strides = array<i32>} : memref<576x128xf32, #tpu.memory_space<vmem>>, vector<16xf32>,
        %add3A_2162 = arith.addf %scan3A_2149, %get3A_2161 : vector<16xf32>
        %add3A_2163 = arith.constant 0 : i32
        %add3A_2164 = arith.addi %add3A_2156, %add3A_2163 : i32
        %get3A_2165 = arith.index_cast %add3A_2164 : i32 to index
        %get3A_2166 = arith.constant 16 : index
        %get3A_2167 = tpu.vector_load %arg12[%get3A_2165, %get3A_2166] {strides = array<i32>} : memref<576x128xf32, #tpu.memory_space<vmem>>, vector<16xf32>,
        %add3A_2168 = arith.addf %scan3A_2150, %get3A_2167 : vector<16xf32>
        %add3A_2169 = arith.constant 0 : i32
        %add3A_2170 = arith.addi %add3A_2156, %add3A_2169 : i32
        %get3A_2171 = arith.index_cast %add3A_2170 : i32 to index
        %get3A_2172 = arith.constant 32 : index
        %get3A_2173 = tpu.vector_load %arg12[%get3A_2171, %get3A_2172] {strides = array<i32>} : memref<576x128xf32, #tpu.memory_space<vmem>>, vector<16xf32>,
        %add3A_2174 = arith.addf %scan3A_2151, %get3A_2173 : vector<16xf32>
        %add3A_2175 = arith.constant 0 : i32
        %add3A_2176 = arith.addi %add3A_2156, %add3A_2175 : i32
        %get3A_2177 = arith.index_cast %add3A_2176 : i32 to index
        %get3A_2178 = arith.constant 48 : index
        %get3A_2179 = tpu.vector_load %arg12[%get3A_2177, %get3A_2178] {strides = array<i32>} : memref<576x128xf32, #tpu.memory_space<vmem>>, vector<16xf32>,
        %add3A_2180 = arith.addf %scan3A_2152, %get3A_2179 : vector<16xf32>
        %add3A_2181 = arith.constant 1 : i32
        %add3A_2182 = arith.addi %add3A_2156, %add3A_2181 : i32
        %get3A_2183 = arith.index_cast %add3A_2182 : i32 to index
        %get3A_2184 = arith.constant 0 : index
        %get3A_2185 = tpu.vector_load %arg12[%get3A_2183, %get3A_2184] {strides = array<i32>} : memref<576x128xf32, #tpu.memory_space<vmem>>, vector<16xf32>,
        %add3A_2186 = arith.addf %add3A_2162, %get3A_2185 : vector<16xf32>
        %add3A_2187 = arith.constant 1 : i32
        %add3A_2188 = arith.addi %add3A_2156, %add3A_2187 : i32
        %get3A_2189 = arith.index_cast %add3A_2188 : i32 to index
        %get3A_2190 = arith.constant 16 : index
        %get3A_2191 = tpu.vector_load %arg12[%get3A_2189, %get3A_2190] {strides = array<i32>} : memref<576x128xf32, #tpu.memory_space<vmem>>, vector<16xf32>,
        %add3A_2192 = arith.addf %add3A_2168, %get3A_2191 : vector<16xf32>
        %add3A_2193 = arith.constant 1 : i32
        %add3A_2194 = arith.addi %add3A_2156, %add3A_2193 : i32
        %get3A_2195 = arith.index_cast %add3A_2194 : i32 to index
        %get3A_2196 = arith.constant 32 : index
        %get3A_2197 = tpu.vector_load %arg12[%get3A_2195, %get3A_2196] {strides = array<i32>} : memref<576x128xf32, #tpu.memory_space<vmem>>, vector<16xf32>,
        %add3A_2198 = arith.addf %add3A_2174, %get3A_2197 : vector<16xf32>
        %add3A_2199 = arith.constant 1 : i32
        %add3A_2200 = arith.addi %add3A_2156, %add3A_2199 : i32
        %get3A_2201 = arith.index_cast %add3A_2200 : i32 to index
        %get3A_2202 = arith.constant 48 : index
        %get3A_2203 = tpu.vector_load %arg12[%get3A_2201, %get3A_2202] {strides = array<i32>} : memref<576x128xf32, #tpu.memory_space<vmem>>, vector<16xf32>,
        %add3A_2204 = arith.addf %add3A_2180, %get3A_2203 : vector<16xf32>
        %add3A_2205 = arith.constant 2 : i32
        %add3A_2206 = arith.addi %add3A_2156, %add3A_2205 : i32
        %get3A_2207 = arith.index_cast %add3A_2206 : i32 to index
        %get3A_2208 = arith.constant 0 : index
        %get3A_2209 = tpu.vector_load %arg12[%get3A_2207, %get3A_2208] {strides = array<i32>} : memref<576x128xf32, #tpu.memory_space<vmem>>, vector<16xf32>,
        %add3A_2210 = arith.addf %add3A_2186, %get3A_2209 : vector<16xf32>
        %add3A_2211 = arith.constant 2 : i32
        %add3A_2212 = arith.addi %add3A_2156, %add3A_2211 : i32
        %get3A_2213 = arith.index_cast %add3A_2212 : i32 to index
        %get3A_2214 = arith.constant 16 : index
        %get3A_2215 = tpu.vector_load %arg12[%get3A_2213, %get3A_2214] {strides = array<i32>} : memref<576x128xf32, #tpu.memory_space<vmem>>, vector<16xf32>,
        %add3A_2216 = arith.addf %add3A_2192, %get3A_2215 : vector<16xf32>
        %add3A_2217 = arith.constant 2 : i32
        %add3A_2218 = arith.addi %add3A_2156, %add3A_2217 : i32
        %get3A_2219 = arith.index_cast %add3A_2218 : i32 to index
        %get3A_2220 = arith.constant 32 : index
        %get3A_2221 = tpu.vector_load %arg12[%get3A_2219, %get3A_2220] {strides = array<i32>} : memref<576x128xf32, #tpu.memory_space<vmem>>, vector<16xf32>,
        %add3A_2222 = arith.addf %add3A_2198, %get3A_2221 : vector<16xf32>
        %add3A_2223 = arith.constant 2 : i32
        %add3A_2224 = arith.addi %add3A_2156, %add3A_2223 : i32
        %get3A_2225 = arith.index_cast %add3A_2224 : i32 to index
        %get3A_2226 = arith.constant 48 : index
        %get3A_2227 = tpu.vector_load %arg12[%get3A_2225, %get3A_2226] {strides = array<i32>} : memref<576x128xf32, #tpu.memory_space<vmem>>, vector<16xf32>,
        %add3A_2228 = arith.addf %add3A_2204, %get3A_2227 : vector<16xf32>
        %add3A_2229 = arith.constant 3 : i32
        %add3A_2230 = arith.addi %add3A_2156, %add3A_2229 : i32
        %get3A_2231 = arith.index_cast %add3A_2230 : i32 to index
        %get3A_2232 = arith.constant 0 : index
        %get3A_2233 = tpu.vector_load %arg12[%get3A_2231, %get3A_2232] {strides = array<i32>} : memref<576x128xf32, #tpu.memory_space<vmem>>, vector<16xf32>,
        %add3A_2234 = arith.addf %add3A_2210, %get3A_2233 : vector<16xf32>
        %add3A_2235 = arith.constant 3 : i32
        %add3A_2236 = arith.addi %add3A_2156, %add3A_2235 : i32
        %get3A_2237 = arith.index_cast %add3A_2236 : i32 to index
        %get3A_2238 = arith.constant 16 : index
        %get3A_2239 = tpu.vector_load %arg12[%get3A_2237, %get3A_2238] {strides = array<i32>} : memref<576x128xf32, #tpu.memory_space<vmem>>, vector<16xf32>,
        %add3A_2240 = arith.addf %add3A_2216, %get3A_2239 : vector<16xf32>
        %add3A_2241 = arith.constant 3 : i32
        %add3A_2242 = arith.addi %add3A_2156, %add3A_2241 : i32
        %get3A_2243 = arith.index_cast %add3A_2242 : i32 to index
        %get3A_2244 = arith.constant 32 : index
        %get3A_2245 = tpu.vector_load %arg12[%get3A_2243, %get3A_2244] {strides = array<i32>} : memref<576x128xf32, #tpu.memory_space<vmem>>, vector<16xf32>,
        %add3A_2246 = arith.addf %add3A_2222, %get3A_2245 : vector<16xf32>
        %add3A_2247 = arith.constant 3 : i32
        %add3A_2248 = arith.addi %add3A_2156, %add3A_2247 : i32
        %get3A_2249 = arith.index_cast %add3A_2248 : i32 to index
        %get3A_2250 = arith.constant 48 : index
        %get3A_2251 = tpu.vector_load %arg12[%get3A_2249, %get3A_2250] {strides = array<i32>} : memref<576x128xf32, #tpu.memory_space<vmem>>, vector<16xf32>,
        %add3A_2252 = arith.addf %add3A_2228, %get3A_2251 : vector<16xf32>
        %add3A_2253 = arith.constant 4 : i32
        %add3A_2254 = arith.addi %add3A_2156, %add3A_2253 : i32
        %get3A_2255 = arith.index_cast %add3A_2254 : i32 to index
        %get3A_2256 = arith.constant 0 : index
        %get3A_2257 = tpu.vector_load %arg12[%get3A_2255, %get3A_2256] {strides = array<i32>} : memref<576x128xf32, #tpu.memory_space<vmem>>, vector<16xf32>,
        %add3A_2258 = arith.addf %add3A_2234, %get3A_2257 : vector<16xf32>
        %add3A_2259 = arith.constant 4 : i32
        %add3A_2260 = arith.addi %add3A_2156, %add3A_2259 : i32
        %get3A_2261 = arith.index_cast %add3A_2260 : i32 to index
        %get3A_2262 = arith.constant 16 : index
        %get3A_2263 = tpu.vector_load %arg12[%get3A_2261, %get3A_2262] {strides = array<i32>} : memref<576x128xf32, #tpu.memory_space<vmem>>, vector<16xf32>,
        %add3A_2264 = arith.addf %add3A_2240, %get3A_2263 : vector<16xf32>
        %add3A_2265 = arith.constant 4 : i32
        %add3A_2266 = arith.addi %add3A_2156, %add3A_2265 : i32
        %get3A_2267 = arith.index_cast %add3A_2266 : i32 to index
        %get3A_2268 = arith.constant 32 : index
        %get3A_2269 = tpu.vector_load %arg12[%get3A_2267, %get3A_2268] {strides = array<i32>} : memref<576x128xf32, #tpu.memory_space<vmem>>, vector<16xf32>,
        %add3A_2270 = arith.addf %add3A_2246, %get3A_2269 : vector<16xf32>
        %add3A_2271 = arith.constant 4 : i32
        %add3A_2272 = arith.addi %add3A_2156, %add3A_2271 : i32
        %get3A_2273 = arith.index_cast %add3A_2272 : i32 to index
        %get3A_2274 = arith.constant 48 : index
        %get3A_2275 = tpu.vector_load %arg12[%get3A_2273, %get3A_2274] {strides = array<i32>} : memref<576x128xf32, #tpu.memory_space<vmem>>, vector<16xf32>,
        %add3A_2276 = arith.addf %add3A_2252, %get3A_2275 : vector<16xf32>
        scf.yield %add3A_2258, %add3A_2264, %add3A_2270, %add3A_2276 : vector<16xf32>, vector<16xf32>, vector<16xf32>, vector<16xf32>
      }
      %scan3A_654 = arith.constant 10 : i32
      %scan3A_655 = arith.constant 0 : i32
      %scan3A_656 = arith.constant 5 : i32
      %scan3A_657 = arith.addi %scan3A_655, %scan3A_656 : i32
      %scan3A_658 = arith.constant 1 : i32
      %scan3A_659:8 = scf.for %scan3A_2148 = %scan3A_655 to %scan3A_657 step %scan3A_658 iter_args(%scan3A_2149 = %broadcast_in_dim3A_4, %scan3A_2150 = %broadcast_in_dim3A_4, %scan3A_2151 = %broadcast_in_dim3A_4, %scan3A_2152 = %broadcast_in_dim3A_4, %scan3A_2153 = %broadcast_in_dim3A_4, %scan3A_2154 = %broadcast_in_dim3A_4, %scan3A_2155 = %broadcast_in_dim3A_4, %scan3A_2156 = %broadcast_in_dim3A_4) -> (vector<16xf32>, vector<16xf32>, vector<16xf32>, vector<16xf32>, vector<16xf32>, vector<16xf32>, vector<16xf32>, vector<16xf32>)  : i32 {
        %mul3A_2157 = arith.constant 4 : i32
        %mul3A_2158 = arith.muli %scan3A_2148, %mul3A_2157 : i32
        %add3A_2159 = arith.constant 146 : i32
        %add3A_2160 = arith.addi %add3A_2159, %mul3A_2158 : i32
        %add3A_2161 = arith.constant 0 : i32
        %add3A_2162 = arith.addi %add3A_2160, %add3A_2161 : i32
        %get3A_2163 = arith.index_cast %add3A_2162 : i32 to index
        %get3A_2164 = arith.constant 0 : index
        %get3A_2165 = tpu.vector_load %arg12[%get3A_2163, %get3A_2164] {strides = array<i32>} : memref<576x128xf32, #tpu.memory_space<vmem>>, vector<16xf32>,
        %add3A_2166 = arith.addf %scan3A_2149, %get3A_2165 : vector<16xf32>
        %mul3A_2167 = arith.mulf %get3A_2165, %get3A_2165 : vector<16xf32>
        %add3A_2168 = arith.addf %scan3A_2153, %mul3A_2167 : vector<16xf32>
        %add3A_2169 = arith.constant 0 : i32
        %add3A_2170 = arith.addi %add3A_2160, %add3A_2169 : i32
        %get3A_2171 = arith.index_cast %add3A_2170 : i32 to index
        %get3A_2172 = arith.constant 16 : index
        %get3A_2173 = tpu.vector_load %arg12[%get3A_2171, %get3A_2172] {strides = array<i32>} : memref<576x128xf32, #tpu.memory_space<vmem>>, vector<16xf32>,
        %add3A_2174 = arith.addf %scan3A_2150, %get3A_2173 : vector<16xf32>
        %mul3A_2175 = arith.mulf %get3A_2173, %get3A_2173 : vector<16xf32>
        %add3A_2176 = arith.addf %scan3A_2154, %mul3A_2175 : vector<16xf32>
        %add3A_2177 = arith.constant 0 : i32
        %add3A_2178 = arith.addi %add3A_2160, %add3A_2177 : i32
        %get3A_2179 = arith.index_cast %add3A_2178 : i32 to index
        %get3A_2180 = arith.constant 32 : index
        %get3A_2181 = tpu.vector_load %arg12[%get3A_2179, %get3A_2180] {strides = array<i32>} : memref<576x128xf32, #tpu.memory_space<vmem>>, vector<16xf32>,
        %add3A_2182 = arith.addf %scan3A_2151, %get3A_2181 : vector<16xf32>
        %mul3A_2183 = arith.mulf %get3A_2181, %get3A_2181 : vector<16xf32>
        %add3A_2184 = arith.addf %scan3A_2155, %mul3A_2183 : vector<16xf32>
        %add3A_2185 = arith.constant 0 : i32
        %add3A_2186 = arith.addi %add3A_2160, %add3A_2185 : i32
        %get3A_2187 = arith.index_cast %add3A_2186 : i32 to index
        %get3A_2188 = arith.constant 48 : index
        %get3A_2189 = tpu.vector_load %arg12[%get3A_2187, %get3A_2188] {strides = array<i32>} : memref<576x128xf32, #tpu.memory_space<vmem>>, vector<16xf32>,
        %add3A_2190 = arith.addf %scan3A_2152, %get3A_2189 : vector<16xf32>
        %mul3A_2191 = arith.mulf %get3A_2189, %get3A_2189 : vector<16xf32>
        %add3A_2192 = arith.addf %scan3A_2156, %mul3A_2191 : vector<16xf32>
        %add3A_2193 = arith.constant 1 : i32
        %add3A_2194 = arith.addi %add3A_2160, %add3A_2193 : i32
        %get3A_2195 = arith.index_cast %add3A_2194 : i32 to index
        %get3A_2196 = arith.constant 0 : index
        %get3A_2197 = tpu.vector_load %arg12[%get3A_2195, %get3A_2196] {strides = array<i32>} : memref<576x128xf32, #tpu.memory_space<vmem>>, vector<16xf32>,
        %add3A_2198 = arith.addf %add3A_2166, %get3A_2197 : vector<16xf32>
        %mul3A_2199 = arith.mulf %get3A_2197, %get3A_2197 : vector<16xf32>
        %add3A_2200 = arith.addf %add3A_2168, %mul3A_2199 : vector<16xf32>
        %add3A_2201 = arith.constant 1 : i32
        %add3A_2202 = arith.addi %add3A_2160, %add3A_2201 : i32
        %get3A_2203 = arith.index_cast %add3A_2202 : i32 to index
        %get3A_2204 = arith.constant 16 : index
        %get3A_2205 = tpu.vector_load %arg12[%get3A_2203, %get3A_2204] {strides = array<i32>} : memref<576x128xf32, #tpu.memory_space<vmem>>, vector<16xf32>,
        %add3A_2206 = arith.addf %add3A_2174, %get3A_2205 : vector<16xf32>
        %mul3A_2207 = arith.mulf %get3A_2205, %get3A_2205 : vector<16xf32>
        %add3A_2208 = arith.addf %add3A_2176, %mul3A_2207 : vector<16xf32>
        %add3A_2209 = arith.constant 1 : i32
        %add3A_2210 = arith.addi %add3A_2160, %add3A_2209 : i32
        %get3A_2211 = arith.index_cast %add3A_2210 : i32 to index
        %get3A_2212 = arith.constant 32 : index
        %get3A_2213 = tpu.vector_load %arg12[%get3A_2211, %get3A_2212] {strides = array<i32>} : memref<576x128xf32, #tpu.memory_space<vmem>>, vector<16xf32>,
        %add3A_2214 = arith.addf %add3A_2182, %get3A_2213 : vector<16xf32>
        %mul3A_2215 = arith.mulf %get3A_2213, %get3A_2213 : vector<16xf32>
        %add3A_2216 = arith.addf %add3A_2184, %mul3A_2215 : vector<16xf32>
        %add3A_2217 = arith.constant 1 : i32
        %add3A_2218 = arith.addi %add3A_2160, %add3A_2217 : i32
        %get3A_2219 = arith.index_cast %add3A_2218 : i32 to index
        %get3A_2220 = arith.constant 48 : index
        %get3A_2221 = tpu.vector_load %arg12[%get3A_2219, %get3A_2220] {strides = array<i32>} : memref<576x128xf32, #tpu.memory_space<vmem>>, vector<16xf32>,
        %add3A_2222 = arith.addf %add3A_2190, %get3A_2221 : vector<16xf32>
        %mul3A_2223 = arith.mulf %get3A_2221, %get3A_2221 : vector<16xf32>
        %add3A_2224 = arith.addf %add3A_2192, %mul3A_2223 : vector<16xf32>
        %add3A_2225 = arith.constant 2 : i32
        %add3A_2226 = arith.addi %add3A_2160, %add3A_2225 : i32
        %get3A_2227 = arith.index_cast %add3A_2226 : i32 to index
        %get3A_2228 = arith.constant 0 : index
        %get3A_2229 = tpu.vector_load %arg12[%get3A_2227, %get3A_2228] {strides = array<i32>} : memref<576x128xf32, #tpu.memory_space<vmem>>, vector<16xf32>,
        %add3A_2230 = arith.addf %add3A_2198, %get3A_2229 : vector<16xf32>
        %mul3A_2231 = arith.mulf %get3A_2229, %get3A_2229 : vector<16xf32>
        %add3A_2232 = arith.addf %add3A_2200, %mul3A_2231 : vector<16xf32>
        %add3A_2233 = arith.constant 2 : i32
        %add3A_2234 = arith.addi %add3A_2160, %add3A_2233 : i32
        %get3A_2235 = arith.index_cast %add3A_2234 : i32 to index
        %get3A_2236 = arith.constant 16 : index
        %get3A_2237 = tpu.vector_load %arg12[%get3A_2235, %get3A_2236] {strides = array<i32>} : memref<576x128xf32, #tpu.memory_space<vmem>>, vector<16xf32>,
        %add3A_2238 = arith.addf %add3A_2206, %get3A_2237 : vector<16xf32>
        %mul3A_2239 = arith.mulf %get3A_2237, %get3A_2237 : vector<16xf32>
        %add3A_2240 = arith.addf %add3A_2208, %mul3A_2239 : vector<16xf32>
        %add3A_2241 = arith.constant 2 : i32
        %add3A_2242 = arith.addi %add3A_2160, %add3A_2241 : i32
        %get3A_2243 = arith.index_cast %add3A_2242 : i32 to index
        %get3A_2244 = arith.constant 32 : index
        %get3A_2245 = tpu.vector_load %arg12[%get3A_2243, %get3A_2244] {strides = array<i32>} : memref<576x128xf32, #tpu.memory_space<vmem>>, vector<16xf32>,
        %add3A_2246 = arith.addf %add3A_2214, %get3A_2245 : vector<16xf32>
        %mul3A_2247 = arith.mulf %get3A_2245, %get3A_2245 : vector<16xf32>
        %add3A_2248 = arith.addf %add3A_2216, %mul3A_2247 : vector<16xf32>
        %add3A_2249 = arith.constant 2 : i32
        %add3A_2250 = arith.addi %add3A_2160, %add3A_2249 : i32
        %get3A_2251 = arith.index_cast %add3A_2250 : i32 to index
        %get3A_2252 = arith.constant 48 : index
        %get3A_2253 = tpu.vector_load %arg12[%get3A_2251, %get3A_2252] {strides = array<i32>} : memref<576x128xf32, #tpu.memory_space<vmem>>, vector<16xf32>,
        %add3A_2254 = arith.addf %add3A_2222, %get3A_2253 : vector<16xf32>
        %mul3A_2255 = arith.mulf %get3A_2253, %get3A_2253 : vector<16xf32>
        %add3A_2256 = arith.addf %add3A_2224, %mul3A_2255 : vector<16xf32>
        %add3A_2257 = arith.constant 3 : i32
        %add3A_2258 = arith.addi %add3A_2160, %add3A_2257 : i32
        %get3A_2259 = arith.index_cast %add3A_2258 : i32 to index
        %get3A_2260 = arith.constant 0 : index
        %get3A_2261 = tpu.vector_load %arg12[%get3A_2259, %get3A_2260] {strides = array<i32>} : memref<576x128xf32, #tpu.memory_space<vmem>>, vector<16xf32>,
        %add3A_2262 = arith.addf %add3A_2230, %get3A_2261 : vector<16xf32>
        %mul3A_2263 = arith.mulf %get3A_2261, %get3A_2261 : vector<16xf32>
        %add3A_2264 = arith.addf %add3A_2232, %mul3A_2263 : vector<16xf32>
        %add3A_2265 = arith.constant 3 : i32
        %add3A_2266 = arith.addi %add3A_2160, %add3A_2265 : i32
        %get3A_2267 = arith.index_cast %add3A_2266 : i32 to index
        %get3A_2268 = arith.constant 16 : index
        %get3A_2269 = tpu.vector_load %arg12[%get3A_2267, %get3A_2268] {strides = array<i32>} : memref<576x128xf32, #tpu.memory_space<vmem>>, vector<16xf32>,
        %add3A_2270 = arith.addf %add3A_2238, %get3A_2269 : vector<16xf32>
        %mul3A_2271 = arith.mulf %get3A_2269, %get3A_2269 : vector<16xf32>
        %add3A_2272 = arith.addf %add3A_2240, %mul3A_2271 : vector<16xf32>
        %add3A_2273 = arith.constant 3 : i32
        %add3A_2274 = arith.addi %add3A_2160, %add3A_2273 : i32
        %get3A_2275 = arith.index_cast %add3A_2274 : i32 to index
        %get3A_2276 = arith.constant 32 : index
        %get3A_2277 = tpu.vector_load %arg12[%get3A_2275, %get3A_2276] {strides = array<i32>} : memref<576x128xf32, #tpu.memory_space<vmem>>, vector<16xf32>,
        %add3A_2278 = arith.addf %add3A_2246, %get3A_2277 : vector<16xf32>
        %mul3A_2279 = arith.mulf %get3A_2277, %get3A_2277 : vector<16xf32>
        %add3A_2280 = arith.addf %add3A_2248, %mul3A_2279 : vector<16xf32>
        %add3A_2281 = arith.constant 3 : i32
        %add3A_2282 = arith.addi %add3A_2160, %add3A_2281 : i32
        %get3A_2283 = arith.index_cast %add3A_2282 : i32 to index
        %get3A_2284 = arith.constant 48 : index
        %get3A_2285 = tpu.vector_load %arg12[%get3A_2283, %get3A_2284] {strides = array<i32>} : memref<576x128xf32, #tpu.memory_space<vmem>>, vector<16xf32>,
        %add3A_2286 = arith.addf %add3A_2254, %get3A_2285 : vector<16xf32>
        %mul3A_2287 = arith.mulf %get3A_2285, %get3A_2285 : vector<16xf32>
        %add3A_2288 = arith.addf %add3A_2256, %mul3A_2287 : vector<16xf32>
        scf.yield %add3A_2262, %add3A_2270, %add3A_2278, %add3A_2286, %add3A_2264, %add3A_2272, %add3A_2280, %add3A_2288 : vector<16xf32>, vector<16xf32>, vector<16xf32>, vector<16xf32>, vector<16xf32>, vector<16xf32>, vector<16xf32>, vector<16xf32>
      }
      %scan3A_660 = arith.constant 5 : i32
      %get3A_661 = arith.constant 144 : i32
      %get3A_662 = arith.index_cast %get3A_661 : i32 to index
      %get3A_663 = arith.constant 0 : index
      %get3A_664 = tpu.vector_load %arg12[%get3A_662, %get3A_663] {strides = array<i32>} : memref<576x128xf32, #tpu.memory_space<vmem>>, vector<16xf32>,
      %get3A_665 = arith.constant 145 : i32
      %get3A_666 = arith.index_cast %get3A_665 : i32 to index
      %get3A_667 = arith.constant 0 : index
      %get3A_668 = tpu.vector_load %arg12[%get3A_666, %get3A_667] {strides = array<i32>} : memref<576x128xf32, #tpu.memory_space<vmem>>, vector<16xf32>,
      %add3A_669 = arith.addf %get3A_664, %get3A_668 : vector<16xf32>
      %mul3A_670 = arith.mulf %get3A_664, %get3A_664 : vector<16xf32>
      %mul3A_671 = arith.mulf %get3A_668, %get3A_668 : vector<16xf32>
      %add3A_672 = arith.addf %mul3A_670, %mul3A_671 : vector<16xf32>
      %add3A_673 = arith.addf %add3A_669, %scan3A_659#0 : vector<16xf32>
      %mul3A_674 = arith.mulf %add3A_673, %add3A_673 : vector<16xf32>
      %mul3A_675 = arith.constant 5.000000e-01 : f32
      %mul3A_676 = vector.broadcast %mul3A_675 : f32 to vector<16xf32>
      %mul3A_677 = arith.mulf %mul3A_676, %mul3A_674 : vector<16xf32>
      %mul3A_678 = arith.mulf %scan3A_653#0, %scan3A_659#0 : vector<16xf32>
      %add3A_679 = arith.addf %mul3A_677, %mul3A_678 : vector<16xf32>
      %mul3A_680 = arith.constant 5.000000e-01 : f32
      %mul3A_681 = vector.broadcast %mul3A_680 : f32 to vector<16xf32>
      %mul3A_682 = arith.mulf %mul3A_681, %add3A_672 : vector<16xf32>
      %sub3A_683 = arith.subf %add3A_679, %mul3A_682 : vector<16xf32>
      %mul3A_684 = arith.constant 5.000000e-01 : f32
      %mul3A_685 = vector.broadcast %mul3A_684 : f32 to vector<16xf32>
      %mul3A_686 = arith.mulf %mul3A_685, %scan3A_659#4 : vector<16xf32>
      %sub3A_687 = arith.subf %sub3A_683, %mul3A_686 : vector<16xf32>
      %add3A_688 = arith.addf %broadcast_in_dim3A_4, %sub3A_687 : vector<16xf32>
      %get3A_689 = arith.constant 144 : i32
      %get3A_690 = arith.index_cast %get3A_689 : i32 to index
      %get3A_691 = arith.constant 16 : index
      %get3A_692 = tpu.vector_load %arg12[%get3A_690, %get3A_691] {strides = array<i32>} : memref<576x128xf32, #tpu.memory_space<vmem>>, vector<16xf32>,
      %get3A_693 = arith.constant 145 : i32
      %get3A_694 = arith.index_cast %get3A_693 : i32 to index
      %get3A_695 = arith.constant 16 : index
      %get3A_696 = tpu.vector_load %arg12[%get3A_694, %get3A_695] {strides = array<i32>} : memref<576x128xf32, #tpu.memory_space<vmem>>, vector<16xf32>,
      %add3A_697 = arith.addf %get3A_692, %get3A_696 : vector<16xf32>
      %mul3A_698 = arith.mulf %get3A_692, %get3A_692 : vector<16xf32>
      %mul3A_699 = arith.mulf %get3A_696, %get3A_696 : vector<16xf32>
      %add3A_700 = arith.addf %mul3A_698, %mul3A_699 : vector<16xf32>
      %add3A_701 = arith.addf %add3A_697, %scan3A_659#1 : vector<16xf32>
      %mul3A_702 = arith.mulf %add3A_701, %add3A_701 : vector<16xf32>
      %mul3A_703 = arith.constant 5.000000e-01 : f32
      %mul3A_704 = vector.broadcast %mul3A_703 : f32 to vector<16xf32>
      %mul3A_705 = arith.mulf %mul3A_704, %mul3A_702 : vector<16xf32>
      %mul3A_706 = arith.mulf %scan3A_653#1, %scan3A_659#1 : vector<16xf32>
      %add3A_707 = arith.addf %mul3A_705, %mul3A_706 : vector<16xf32>
      %mul3A_708 = arith.constant 5.000000e-01 : f32
      %mul3A_709 = vector.broadcast %mul3A_708 : f32 to vector<16xf32>
      %mul3A_710 = arith.mulf %mul3A_709, %add3A_700 : vector<16xf32>
      %sub3A_711 = arith.subf %add3A_707, %mul3A_710 : vector<16xf32>
      %mul3A_712 = arith.constant 5.000000e-01 : f32
      %mul3A_713 = vector.broadcast %mul3A_712 : f32 to vector<16xf32>
      %mul3A_714 = arith.mulf %mul3A_713, %scan3A_659#5 : vector<16xf32>
      %sub3A_715 = arith.subf %sub3A_711, %mul3A_714 : vector<16xf32>
      %add3A_716 = arith.addf %add3A_688, %sub3A_715 : vector<16xf32>
      %get3A_717 = arith.constant 144 : i32
      %get3A_718 = arith.index_cast %get3A_717 : i32 to index
      %get3A_719 = arith.constant 32 : index
      %get3A_720 = tpu.vector_load %arg12[%get3A_718, %get3A_719] {strides = array<i32>} : memref<576x128xf32, #tpu.memory_space<vmem>>, vector<16xf32>,
      %get3A_721 = arith.constant 145 : i32
      %get3A_722 = arith.index_cast %get3A_721 : i32 to index
      %get3A_723 = arith.constant 32 : index
      %get3A_724 = tpu.vector_load %arg12[%get3A_722, %get3A_723] {strides = array<i32>} : memref<576x128xf32, #tpu.memory_space<vmem>>, vector<16xf32>,
      %add3A_725 = arith.addf %get3A_720, %get3A_724 : vector<16xf32>
      %mul3A_726 = arith.mulf %get3A_720, %get3A_720 : vector<16xf32>
      %mul3A_727 = arith.mulf %get3A_724, %get3A_724 : vector<16xf32>
      %add3A_728 = arith.addf %mul3A_726, %mul3A_727 : vector<16xf32>
      %add3A_729 = arith.addf %add3A_725, %scan3A_659#2 : vector<16xf32>
      %mul3A_730 = arith.mulf %add3A_729, %add3A_729 : vector<16xf32>
      %mul3A_731 = arith.constant 5.000000e-01 : f32
      %mul3A_732 = vector.broadcast %mul3A_731 : f32 to vector<16xf32>
      %mul3A_733 = arith.mulf %mul3A_732, %mul3A_730 : vector<16xf32>
      %mul3A_734 = arith.mulf %scan3A_653#2, %scan3A_659#2 : vector<16xf32>
      %add3A_735 = arith.addf %mul3A_733, %mul3A_734 : vector<16xf32>
      %mul3A_736 = arith.constant 5.000000e-01 : f32
      %mul3A_737 = vector.broadcast %mul3A_736 : f32 to vector<16xf32>
      %mul3A_738 = arith.mulf %mul3A_737, %add3A_728 : vector<16xf32>
      %sub3A_739 = arith.subf %add3A_735, %mul3A_738 : vector<16xf32>
      %mul3A_740 = arith.constant 5.000000e-01 : f32
      %mul3A_741 = vector.broadcast %mul3A_740 : f32 to vector<16xf32>
      %mul3A_742 = arith.mulf %mul3A_741, %scan3A_659#6 : vector<16xf32>
      %sub3A_743 = arith.subf %sub3A_739, %mul3A_742 : vector<16xf32>
      %add3A_744 = arith.addf %add3A_716, %sub3A_743 : vector<16xf32>
      %get3A_745 = arith.constant 144 : i32
      %get3A_746 = arith.index_cast %get3A_745 : i32 to index
      %get3A_747 = arith.constant 48 : index
      %get3A_748 = tpu.vector_load %arg12[%get3A_746, %get3A_747] {strides = array<i32>} : memref<576x128xf32, #tpu.memory_space<vmem>>, vector<16xf32>,
      %get3A_749 = arith.constant 145 : i32
      %get3A_750 = arith.index_cast %get3A_749 : i32 to index
      %get3A_751 = arith.constant 48 : index
      %get3A_752 = tpu.vector_load %arg12[%get3A_750, %get3A_751] {strides = array<i32>} : memref<576x128xf32, #tpu.memory_space<vmem>>, vector<16xf32>,
      %add3A_753 = arith.addf %get3A_748, %get3A_752 : vector<16xf32>
      %mul3A_754 = arith.mulf %get3A_748, %get3A_748 : vector<16xf32>
      %mul3A_755 = arith.mulf %get3A_752, %get3A_752 : vector<16xf32>
      %add3A_756 = arith.addf %mul3A_754, %mul3A_755 : vector<16xf32>
      %add3A_757 = arith.addf %add3A_753, %scan3A_659#3 : vector<16xf32>
      %mul3A_758 = arith.mulf %add3A_757, %add3A_757 : vector<16xf32>
      %mul3A_759 = arith.constant 5.000000e-01 : f32
      %mul3A_760 = vector.broadcast %mul3A_759 : f32 to vector<16xf32>
      %mul3A_761 = arith.mulf %mul3A_760, %mul3A_758 : vector<16xf32>
      %mul3A_762 = arith.mulf %scan3A_653#3, %scan3A_659#3 : vector<16xf32>
      %add3A_763 = arith.addf %mul3A_761, %mul3A_762 : vector<16xf32>
      %mul3A_764 = arith.constant 5.000000e-01 : f32
      %mul3A_765 = vector.broadcast %mul3A_764 : f32 to vector<16xf32>
      %mul3A_766 = arith.mulf %mul3A_765, %add3A_756 : vector<16xf32>
      %sub3A_767 = arith.subf %add3A_763, %mul3A_766 : vector<16xf32>
      %mul3A_768 = arith.constant 5.000000e-01 : f32
      %mul3A_769 = vector.broadcast %mul3A_768 : f32 to vector<16xf32>
      %mul3A_770 = arith.mulf %mul3A_769, %scan3A_659#7 : vector<16xf32>
      %sub3A_771 = arith.subf %sub3A_767, %mul3A_770 : vector<16xf32>
      %add3A_772 = arith.addf %add3A_744, %sub3A_771 : vector<16xf32>
      %xor3A_773 = arith.constant 8 : i32
      %xor3A_774 = vector.broadcast %xor3A_773 : i32 to vector<16xi32>
      %xor3A_775 = arith.xori %iota3A, %xor3A_774 : vector<16xi32>
      %broadcast_in_dim3A_776 = vector.shape_cast %xor3A_775 : vector<16xi32> to vector<16x1xi32>
      %gather3A_777 = vector.shape_cast %broadcast_in_dim3A_776 : vector<16x1xi32> to vector<16xi32>
      %gather3A_778 = tpu.dynamic_gather %add3A_772[%gather3A_777] in [0] : vector<16xf32>, vector<16xi32> -> vector<16xf32>
      %add3A_779 = arith.addf %add3A_772, %gather3A_778 : vector<16xf32>
      %xor3A_780 = arith.constant 4 : i32
      %xor3A_781 = vector.broadcast %xor3A_780 : i32 to vector<16xi32>
      %xor3A_782 = arith.xori %iota3A, %xor3A_781 : vector<16xi32>
      %broadcast_in_dim3A_783 = vector.shape_cast %xor3A_782 : vector<16xi32> to vector<16x1xi32>
      %gather3A_784 = vector.shape_cast %broadcast_in_dim3A_783 : vector<16x1xi32> to vector<16xi32>
      %gather3A_785 = tpu.dynamic_gather %add3A_779[%gather3A_784] in [0] : vector<16xf32>, vector<16xi32> -> vector<16xf32>
      %add3A_786 = arith.addf %add3A_779, %gather3A_785 : vector<16xf32>
      %xor3A_787 = arith.constant 2 : i32
      %xor3A_788 = vector.broadcast %xor3A_787 : i32 to vector<16xi32>
      %xor3A_789 = arith.xori %iota3A, %xor3A_788 : vector<16xi32>
      %broadcast_in_dim3A_790 = vector.shape_cast %xor3A_789 : vector<16xi32> to vector<16x1xi32>
      %gather3A_791 = vector.shape_cast %broadcast_in_dim3A_790 : vector<16x1xi32> to vector<16xi32>
      %gather3A_792 = tpu.dynamic_gather %add3A_786[%gather3A_791] in [0] : vector<16xf32>, vector<16xi32> -> vector<16xf32>
      %add3A_793 = arith.addf %add3A_786, %gather3A_792 : vector<16xf32>
      %xor3A_794 = arith.constant 1 : i32
      %xor3A_795 = vector.broadcast %xor3A_794 : i32 to vector<16xi32>
      %xor3A_796 = arith.xori %iota3A, %xor3A_795 : vector<16xi32>
      %broadcast_in_dim3A_797 = vector.shape_cast %xor3A_796 : vector<16xi32> to vector<16x1xi32>
      %gather3A_798 = vector.shape_cast %broadcast_in_dim3A_797 : vector<16x1xi32> to vector<16xi32>
      %gather3A_799 = tpu.dynamic_gather %add3A_793[%gather3A_798] in [0] : vector<16xf32>, vector<16xi32> -> vector<16xf32>
      %add3A_800 = arith.addf %add3A_793, %gather3A_799 : vector<16xf32>
      %mul3A_801 = arith.constant 8 : i32
      %mul3A_802 = arith.muli %scan3A_12, %mul3A_801 : i32
      %add3A_803 = arith.constant 2 : i32
      %add3A_804 = arith.addi %mul3A_802, %add3A_803 : i32
      %broadcast_in_dim3A_805 = vector.broadcast %add3A_804 : i32 to vector<16xi32>
      %add3A_806 = arith.addf %add3A_800, %get3A_1 : vector<16xf32>
      tpu.vector_store_idx %arg14[%broadcast_in_dim3A_805], %add3A_806 masked %eq3A_3 : memref<128xf32, #tpu.memory_space<vmem>>[vector<16xi32>], vector<16xf32>, vector<16xi1>
      %scan3A_807 = arith.constant 0 : i32
      %scan3A_808 = arith.constant 10 : i32
      %scan3A_809 = arith.addi %scan3A_807, %scan3A_808 : i32
      %scan3A_810 = arith.constant 1 : i32
      %scan3A_811:4 = scf.for %scan3A_2148 = %scan3A_807 to %scan3A_809 step %scan3A_810 iter_args(%scan3A_2149 = %broadcast_in_dim3A_4, %scan3A_2150 = %broadcast_in_dim3A_4, %scan3A_2151 = %broadcast_in_dim3A_4, %scan3A_2152 = %broadcast_in_dim3A_4) -> (vector<16xf32>, vector<16xf32>, vector<16xf32>, vector<16xf32>)  : i32 {
        %mul3A_2153 = arith.constant 5 : i32
        %mul3A_2154 = arith.muli %scan3A_2148, %mul3A_2153 : i32
        %add3A_2155 = arith.constant 238 : i32
        %add3A_2156 = arith.addi %add3A_2155, %mul3A_2154 : i32
        %add3A_2157 = arith.constant 0 : i32
        %add3A_2158 = arith.addi %add3A_2156, %add3A_2157 : i32
        %get3A_2159 = arith.index_cast %add3A_2158 : i32 to index
        %get3A_2160 = arith.constant 0 : index
        %get3A_2161 = tpu.vector_load %arg12[%get3A_2159, %get3A_2160] {strides = array<i32>} : memref<576x128xf32, #tpu.memory_space<vmem>>, vector<16xf32>,
        %add3A_2162 = arith.addf %scan3A_2149, %get3A_2161 : vector<16xf32>
        %add3A_2163 = arith.constant 0 : i32
        %add3A_2164 = arith.addi %add3A_2156, %add3A_2163 : i32
        %get3A_2165 = arith.index_cast %add3A_2164 : i32 to index
        %get3A_2166 = arith.constant 16 : index
        %get3A_2167 = tpu.vector_load %arg12[%get3A_2165, %get3A_2166] {strides = array<i32>} : memref<576x128xf32, #tpu.memory_space<vmem>>, vector<16xf32>,
        %add3A_2168 = arith.addf %scan3A_2150, %get3A_2167 : vector<16xf32>
        %add3A_2169 = arith.constant 0 : i32
        %add3A_2170 = arith.addi %add3A_2156, %add3A_2169 : i32
        %get3A_2171 = arith.index_cast %add3A_2170 : i32 to index
        %get3A_2172 = arith.constant 32 : index
        %get3A_2173 = tpu.vector_load %arg12[%get3A_2171, %get3A_2172] {strides = array<i32>} : memref<576x128xf32, #tpu.memory_space<vmem>>, vector<16xf32>,
        %add3A_2174 = arith.addf %scan3A_2151, %get3A_2173 : vector<16xf32>
        %add3A_2175 = arith.constant 0 : i32
        %add3A_2176 = arith.addi %add3A_2156, %add3A_2175 : i32
        %get3A_2177 = arith.index_cast %add3A_2176 : i32 to index
        %get3A_2178 = arith.constant 48 : index
        %get3A_2179 = tpu.vector_load %arg12[%get3A_2177, %get3A_2178] {strides = array<i32>} : memref<576x128xf32, #tpu.memory_space<vmem>>, vector<16xf32>,
        %add3A_2180 = arith.addf %scan3A_2152, %get3A_2179 : vector<16xf32>
        %add3A_2181 = arith.constant 1 : i32
        %add3A_2182 = arith.addi %add3A_2156, %add3A_2181 : i32
        %get3A_2183 = arith.index_cast %add3A_2182 : i32 to index
        %get3A_2184 = arith.constant 0 : index
        %get3A_2185 = tpu.vector_load %arg12[%get3A_2183, %get3A_2184] {strides = array<i32>} : memref<576x128xf32, #tpu.memory_space<vmem>>, vector<16xf32>,
        %add3A_2186 = arith.addf %add3A_2162, %get3A_2185 : vector<16xf32>
        %add3A_2187 = arith.constant 1 : i32
        %add3A_2188 = arith.addi %add3A_2156, %add3A_2187 : i32
        %get3A_2189 = arith.index_cast %add3A_2188 : i32 to index
        %get3A_2190 = arith.constant 16 : index
        %get3A_2191 = tpu.vector_load %arg12[%get3A_2189, %get3A_2190] {strides = array<i32>} : memref<576x128xf32, #tpu.memory_space<vmem>>, vector<16xf32>,
        %add3A_2192 = arith.addf %add3A_2168, %get3A_2191 : vector<16xf32>
        %add3A_2193 = arith.constant 1 : i32
        %add3A_2194 = arith.addi %add3A_2156, %add3A_2193 : i32
        %get3A_2195 = arith.index_cast %add3A_2194 : i32 to index
        %get3A_2196 = arith.constant 32 : index
        %get3A_2197 = tpu.vector_load %arg12[%get3A_2195, %get3A_2196] {strides = array<i32>} : memref<576x128xf32, #tpu.memory_space<vmem>>, vector<16xf32>,
        %add3A_2198 = arith.addf %add3A_2174, %get3A_2197 : vector<16xf32>
        %add3A_2199 = arith.constant 1 : i32
        %add3A_2200 = arith.addi %add3A_2156, %add3A_2199 : i32
        %get3A_2201 = arith.index_cast %add3A_2200 : i32 to index
        %get3A_2202 = arith.constant 48 : index
        %get3A_2203 = tpu.vector_load %arg12[%get3A_2201, %get3A_2202] {strides = array<i32>} : memref<576x128xf32, #tpu.memory_space<vmem>>, vector<16xf32>,
        %add3A_2204 = arith.addf %add3A_2180, %get3A_2203 : vector<16xf32>
        %add3A_2205 = arith.constant 2 : i32
        %add3A_2206 = arith.addi %add3A_2156, %add3A_2205 : i32
        %get3A_2207 = arith.index_cast %add3A_2206 : i32 to index
        %get3A_2208 = arith.constant 0 : index
        %get3A_2209 = tpu.vector_load %arg12[%get3A_2207, %get3A_2208] {strides = array<i32>} : memref<576x128xf32, #tpu.memory_space<vmem>>, vector<16xf32>,
        %add3A_2210 = arith.addf %add3A_2186, %get3A_2209 : vector<16xf32>
        %add3A_2211 = arith.constant 2 : i32
        %add3A_2212 = arith.addi %add3A_2156, %add3A_2211 : i32
        %get3A_2213 = arith.index_cast %add3A_2212 : i32 to index
        %get3A_2214 = arith.constant 16 : index
        %get3A_2215 = tpu.vector_load %arg12[%get3A_2213, %get3A_2214] {strides = array<i32>} : memref<576x128xf32, #tpu.memory_space<vmem>>, vector<16xf32>,
        %add3A_2216 = arith.addf %add3A_2192, %get3A_2215 : vector<16xf32>
        %add3A_2217 = arith.constant 2 : i32
        %add3A_2218 = arith.addi %add3A_2156, %add3A_2217 : i32
        %get3A_2219 = arith.index_cast %add3A_2218 : i32 to index
        %get3A_2220 = arith.constant 32 : index
        %get3A_2221 = tpu.vector_load %arg12[%get3A_2219, %get3A_2220] {strides = array<i32>} : memref<576x128xf32, #tpu.memory_space<vmem>>, vector<16xf32>,
        %add3A_2222 = arith.addf %add3A_2198, %get3A_2221 : vector<16xf32>
        %add3A_2223 = arith.constant 2 : i32
        %add3A_2224 = arith.addi %add3A_2156, %add3A_2223 : i32
        %get3A_2225 = arith.index_cast %add3A_2224 : i32 to index
        %get3A_2226 = arith.constant 48 : index
        %get3A_2227 = tpu.vector_load %arg12[%get3A_2225, %get3A_2226] {strides = array<i32>} : memref<576x128xf32, #tpu.memory_space<vmem>>, vector<16xf32>,
        %add3A_2228 = arith.addf %add3A_2204, %get3A_2227 : vector<16xf32>
        %add3A_2229 = arith.constant 3 : i32
        %add3A_2230 = arith.addi %add3A_2156, %add3A_2229 : i32
        %get3A_2231 = arith.index_cast %add3A_2230 : i32 to index
        %get3A_2232 = arith.constant 0 : index
        %get3A_2233 = tpu.vector_load %arg12[%get3A_2231, %get3A_2232] {strides = array<i32>} : memref<576x128xf32, #tpu.memory_space<vmem>>, vector<16xf32>,
        %add3A_2234 = arith.addf %add3A_2210, %get3A_2233 : vector<16xf32>
        %add3A_2235 = arith.constant 3 : i32
        %add3A_2236 = arith.addi %add3A_2156, %add3A_2235 : i32
        %get3A_2237 = arith.index_cast %add3A_2236 : i32 to index
        %get3A_2238 = arith.constant 16 : index
        %get3A_2239 = tpu.vector_load %arg12[%get3A_2237, %get3A_2238] {strides = array<i32>} : memref<576x128xf32, #tpu.memory_space<vmem>>, vector<16xf32>,
        %add3A_2240 = arith.addf %add3A_2216, %get3A_2239 : vector<16xf32>
        %add3A_2241 = arith.constant 3 : i32
        %add3A_2242 = arith.addi %add3A_2156, %add3A_2241 : i32
        %get3A_2243 = arith.index_cast %add3A_2242 : i32 to index
        %get3A_2244 = arith.constant 32 : index
        %get3A_2245 = tpu.vector_load %arg12[%get3A_2243, %get3A_2244] {strides = array<i32>} : memref<576x128xf32, #tpu.memory_space<vmem>>, vector<16xf32>,
        %add3A_2246 = arith.addf %add3A_2222, %get3A_2245 : vector<16xf32>
        %add3A_2247 = arith.constant 3 : i32
        %add3A_2248 = arith.addi %add3A_2156, %add3A_2247 : i32
        %get3A_2249 = arith.index_cast %add3A_2248 : i32 to index
        %get3A_2250 = arith.constant 48 : index
        %get3A_2251 = tpu.vector_load %arg12[%get3A_2249, %get3A_2250] {strides = array<i32>} : memref<576x128xf32, #tpu.memory_space<vmem>>, vector<16xf32>,
        %add3A_2252 = arith.addf %add3A_2228, %get3A_2251 : vector<16xf32>
        %add3A_2253 = arith.constant 4 : i32
        %add3A_2254 = arith.addi %add3A_2156, %add3A_2253 : i32
        %get3A_2255 = arith.index_cast %add3A_2254 : i32 to index
        %get3A_2256 = arith.constant 0 : index
        %get3A_2257 = tpu.vector_load %arg12[%get3A_2255, %get3A_2256] {strides = array<i32>} : memref<576x128xf32, #tpu.memory_space<vmem>>, vector<16xf32>,
        %add3A_2258 = arith.addf %add3A_2234, %get3A_2257 : vector<16xf32>
        %add3A_2259 = arith.constant 4 : i32
        %add3A_2260 = arith.addi %add3A_2156, %add3A_2259 : i32
        %get3A_2261 = arith.index_cast %add3A_2260 : i32 to index
        %get3A_2262 = arith.constant 16 : index
        %get3A_2263 = tpu.vector_load %arg12[%get3A_2261, %get3A_2262] {strides = array<i32>} : memref<576x128xf32, #tpu.memory_space<vmem>>, vector<16xf32>,
        %add3A_2264 = arith.addf %add3A_2240, %get3A_2263 : vector<16xf32>
        %add3A_2265 = arith.constant 4 : i32
        %add3A_2266 = arith.addi %add3A_2156, %add3A_2265 : i32
        %get3A_2267 = arith.index_cast %add3A_2266 : i32 to index
        %get3A_2268 = arith.constant 32 : index
        %get3A_2269 = tpu.vector_load %arg12[%get3A_2267, %get3A_2268] {strides = array<i32>} : memref<576x128xf32, #tpu.memory_space<vmem>>, vector<16xf32>,
        %add3A_2270 = arith.addf %add3A_2246, %get3A_2269 : vector<16xf32>
        %add3A_2271 = arith.constant 4 : i32
        %add3A_2272 = arith.addi %add3A_2156, %add3A_2271 : i32
        %get3A_2273 = arith.index_cast %add3A_2272 : i32 to index
        %get3A_2274 = arith.constant 48 : index
        %get3A_2275 = tpu.vector_load %arg12[%get3A_2273, %get3A_2274] {strides = array<i32>} : memref<576x128xf32, #tpu.memory_space<vmem>>, vector<16xf32>,
        %add3A_2276 = arith.addf %add3A_2252, %get3A_2275 : vector<16xf32>
        scf.yield %add3A_2258, %add3A_2264, %add3A_2270, %add3A_2276 : vector<16xf32>, vector<16xf32>, vector<16xf32>, vector<16xf32>
      }
      %scan3A_812 = arith.constant 10 : i32
      %scan3A_813 = arith.constant 0 : i32
      %scan3A_814 = arith.constant 5 : i32
      %scan3A_815 = arith.addi %scan3A_813, %scan3A_814 : i32
      %scan3A_816 = arith.constant 1 : i32
      %scan3A_817:8 = scf.for %scan3A_2148 = %scan3A_813 to %scan3A_815 step %scan3A_816 iter_args(%scan3A_2149 = %broadcast_in_dim3A_4, %scan3A_2150 = %broadcast_in_dim3A_4, %scan3A_2151 = %broadcast_in_dim3A_4, %scan3A_2152 = %broadcast_in_dim3A_4, %scan3A_2153 = %broadcast_in_dim3A_4, %scan3A_2154 = %broadcast_in_dim3A_4, %scan3A_2155 = %broadcast_in_dim3A_4, %scan3A_2156 = %broadcast_in_dim3A_4) -> (vector<16xf32>, vector<16xf32>, vector<16xf32>, vector<16xf32>, vector<16xf32>, vector<16xf32>, vector<16xf32>, vector<16xf32>)  : i32 {
        %mul3A_2157 = arith.constant 4 : i32
        %mul3A_2158 = arith.muli %scan3A_2148, %mul3A_2157 : i32
        %add3A_2159 = arith.constant 218 : i32
        %add3A_2160 = arith.addi %add3A_2159, %mul3A_2158 : i32
        %add3A_2161 = arith.constant 0 : i32
        %add3A_2162 = arith.addi %add3A_2160, %add3A_2161 : i32
        %get3A_2163 = arith.index_cast %add3A_2162 : i32 to index
        %get3A_2164 = arith.constant 0 : index
        %get3A_2165 = tpu.vector_load %arg12[%get3A_2163, %get3A_2164] {strides = array<i32>} : memref<576x128xf32, #tpu.memory_space<vmem>>, vector<16xf32>,
        %add3A_2166 = arith.addf %scan3A_2149, %get3A_2165 : vector<16xf32>
        %mul3A_2167 = arith.mulf %get3A_2165, %get3A_2165 : vector<16xf32>
        %add3A_2168 = arith.addf %scan3A_2153, %mul3A_2167 : vector<16xf32>
        %add3A_2169 = arith.constant 0 : i32
        %add3A_2170 = arith.addi %add3A_2160, %add3A_2169 : i32
        %get3A_2171 = arith.index_cast %add3A_2170 : i32 to index
        %get3A_2172 = arith.constant 16 : index
        %get3A_2173 = tpu.vector_load %arg12[%get3A_2171, %get3A_2172] {strides = array<i32>} : memref<576x128xf32, #tpu.memory_space<vmem>>, vector<16xf32>,
        %add3A_2174 = arith.addf %scan3A_2150, %get3A_2173 : vector<16xf32>
        %mul3A_2175 = arith.mulf %get3A_2173, %get3A_2173 : vector<16xf32>
        %add3A_2176 = arith.addf %scan3A_2154, %mul3A_2175 : vector<16xf32>
        %add3A_2177 = arith.constant 0 : i32
        %add3A_2178 = arith.addi %add3A_2160, %add3A_2177 : i32
        %get3A_2179 = arith.index_cast %add3A_2178 : i32 to index
        %get3A_2180 = arith.constant 32 : index
        %get3A_2181 = tpu.vector_load %arg12[%get3A_2179, %get3A_2180] {strides = array<i32>} : memref<576x128xf32, #tpu.memory_space<vmem>>, vector<16xf32>,
        %add3A_2182 = arith.addf %scan3A_2151, %get3A_2181 : vector<16xf32>
        %mul3A_2183 = arith.mulf %get3A_2181, %get3A_2181 : vector<16xf32>
        %add3A_2184 = arith.addf %scan3A_2155, %mul3A_2183 : vector<16xf32>
        %add3A_2185 = arith.constant 0 : i32
        %add3A_2186 = arith.addi %add3A_2160, %add3A_2185 : i32
        %get3A_2187 = arith.index_cast %add3A_2186 : i32 to index
        %get3A_2188 = arith.constant 48 : index
        %get3A_2189 = tpu.vector_load %arg12[%get3A_2187, %get3A_2188] {strides = array<i32>} : memref<576x128xf32, #tpu.memory_space<vmem>>, vector<16xf32>,
        %add3A_2190 = arith.addf %scan3A_2152, %get3A_2189 : vector<16xf32>
        %mul3A_2191 = arith.mulf %get3A_2189, %get3A_2189 : vector<16xf32>
        %add3A_2192 = arith.addf %scan3A_2156, %mul3A_2191 : vector<16xf32>
        %add3A_2193 = arith.constant 1 : i32
        %add3A_2194 = arith.addi %add3A_2160, %add3A_2193 : i32
        %get3A_2195 = arith.index_cast %add3A_2194 : i32 to index
        %get3A_2196 = arith.constant 0 : index
        %get3A_2197 = tpu.vector_load %arg12[%get3A_2195, %get3A_2196] {strides = array<i32>} : memref<576x128xf32, #tpu.memory_space<vmem>>, vector<16xf32>,
        %add3A_2198 = arith.addf %add3A_2166, %get3A_2197 : vector<16xf32>
        %mul3A_2199 = arith.mulf %get3A_2197, %get3A_2197 : vector<16xf32>
        %add3A_2200 = arith.addf %add3A_2168, %mul3A_2199 : vector<16xf32>
        %add3A_2201 = arith.constant 1 : i32
        %add3A_2202 = arith.addi %add3A_2160, %add3A_2201 : i32
        %get3A_2203 = arith.index_cast %add3A_2202 : i32 to index
        %get3A_2204 = arith.constant 16 : index
        %get3A_2205 = tpu.vector_load %arg12[%get3A_2203, %get3A_2204] {strides = array<i32>} : memref<576x128xf32, #tpu.memory_space<vmem>>, vector<16xf32>,
        %add3A_2206 = arith.addf %add3A_2174, %get3A_2205 : vector<16xf32>
        %mul3A_2207 = arith.mulf %get3A_2205, %get3A_2205 : vector<16xf32>
        %add3A_2208 = arith.addf %add3A_2176, %mul3A_2207 : vector<16xf32>
        %add3A_2209 = arith.constant 1 : i32
        %add3A_2210 = arith.addi %add3A_2160, %add3A_2209 : i32
        %get3A_2211 = arith.index_cast %add3A_2210 : i32 to index
        %get3A_2212 = arith.constant 32 : index
        %get3A_2213 = tpu.vector_load %arg12[%get3A_2211, %get3A_2212] {strides = array<i32>} : memref<576x128xf32, #tpu.memory_space<vmem>>, vector<16xf32>,
        %add3A_2214 = arith.addf %add3A_2182, %get3A_2213 : vector<16xf32>
        %mul3A_2215 = arith.mulf %get3A_2213, %get3A_2213 : vector<16xf32>
        %add3A_2216 = arith.addf %add3A_2184, %mul3A_2215 : vector<16xf32>
        %add3A_2217 = arith.constant 1 : i32
        %add3A_2218 = arith.addi %add3A_2160, %add3A_2217 : i32
        %get3A_2219 = arith.index_cast %add3A_2218 : i32 to index
        %get3A_2220 = arith.constant 48 : index
        %get3A_2221 = tpu.vector_load %arg12[%get3A_2219, %get3A_2220] {strides = array<i32>} : memref<576x128xf32, #tpu.memory_space<vmem>>, vector<16xf32>,
        %add3A_2222 = arith.addf %add3A_2190, %get3A_2221 : vector<16xf32>
        %mul3A_2223 = arith.mulf %get3A_2221, %get3A_2221 : vector<16xf32>
        %add3A_2224 = arith.addf %add3A_2192, %mul3A_2223 : vector<16xf32>
        %add3A_2225 = arith.constant 2 : i32
        %add3A_2226 = arith.addi %add3A_2160, %add3A_2225 : i32
        %get3A_2227 = arith.index_cast %add3A_2226 : i32 to index
        %get3A_2228 = arith.constant 0 : index
        %get3A_2229 = tpu.vector_load %arg12[%get3A_2227, %get3A_2228] {strides = array<i32>} : memref<576x128xf32, #tpu.memory_space<vmem>>, vector<16xf32>,
        %add3A_2230 = arith.addf %add3A_2198, %get3A_2229 : vector<16xf32>
        %mul3A_2231 = arith.mulf %get3A_2229, %get3A_2229 : vector<16xf32>
        %add3A_2232 = arith.addf %add3A_2200, %mul3A_2231 : vector<16xf32>
        %add3A_2233 = arith.constant 2 : i32
        %add3A_2234 = arith.addi %add3A_2160, %add3A_2233 : i32
        %get3A_2235 = arith.index_cast %add3A_2234 : i32 to index
        %get3A_2236 = arith.constant 16 : index
        %get3A_2237 = tpu.vector_load %arg12[%get3A_2235, %get3A_2236] {strides = array<i32>} : memref<576x128xf32, #tpu.memory_space<vmem>>, vector<16xf32>,
        %add3A_2238 = arith.addf %add3A_2206, %get3A_2237 : vector<16xf32>
        %mul3A_2239 = arith.mulf %get3A_2237, %get3A_2237 : vector<16xf32>
        %add3A_2240 = arith.addf %add3A_2208, %mul3A_2239 : vector<16xf32>
        %add3A_2241 = arith.constant 2 : i32
        %add3A_2242 = arith.addi %add3A_2160, %add3A_2241 : i32
        %get3A_2243 = arith.index_cast %add3A_2242 : i32 to index
        %get3A_2244 = arith.constant 32 : index
        %get3A_2245 = tpu.vector_load %arg12[%get3A_2243, %get3A_2244] {strides = array<i32>} : memref<576x128xf32, #tpu.memory_space<vmem>>, vector<16xf32>,
        %add3A_2246 = arith.addf %add3A_2214, %get3A_2245 : vector<16xf32>
        %mul3A_2247 = arith.mulf %get3A_2245, %get3A_2245 : vector<16xf32>
        %add3A_2248 = arith.addf %add3A_2216, %mul3A_2247 : vector<16xf32>
        %add3A_2249 = arith.constant 2 : i32
        %add3A_2250 = arith.addi %add3A_2160, %add3A_2249 : i32
        %get3A_2251 = arith.index_cast %add3A_2250 : i32 to index
        %get3A_2252 = arith.constant 48 : index
        %get3A_2253 = tpu.vector_load %arg12[%get3A_2251, %get3A_2252] {strides = array<i32>} : memref<576x128xf32, #tpu.memory_space<vmem>>, vector<16xf32>,
        %add3A_2254 = arith.addf %add3A_2222, %get3A_2253 : vector<16xf32>
        %mul3A_2255 = arith.mulf %get3A_2253, %get3A_2253 : vector<16xf32>
        %add3A_2256 = arith.addf %add3A_2224, %mul3A_2255 : vector<16xf32>
        %add3A_2257 = arith.constant 3 : i32
        %add3A_2258 = arith.addi %add3A_2160, %add3A_2257 : i32
        %get3A_2259 = arith.index_cast %add3A_2258 : i32 to index
        %get3A_2260 = arith.constant 0 : index
        %get3A_2261 = tpu.vector_load %arg12[%get3A_2259, %get3A_2260] {strides = array<i32>} : memref<576x128xf32, #tpu.memory_space<vmem>>, vector<16xf32>,
        %add3A_2262 = arith.addf %add3A_2230, %get3A_2261 : vector<16xf32>
        %mul3A_2263 = arith.mulf %get3A_2261, %get3A_2261 : vector<16xf32>
        %add3A_2264 = arith.addf %add3A_2232, %mul3A_2263 : vector<16xf32>
        %add3A_2265 = arith.constant 3 : i32
        %add3A_2266 = arith.addi %add3A_2160, %add3A_2265 : i32
        %get3A_2267 = arith.index_cast %add3A_2266 : i32 to index
        %get3A_2268 = arith.constant 16 : index
        %get3A_2269 = tpu.vector_load %arg12[%get3A_2267, %get3A_2268] {strides = array<i32>} : memref<576x128xf32, #tpu.memory_space<vmem>>, vector<16xf32>,
        %add3A_2270 = arith.addf %add3A_2238, %get3A_2269 : vector<16xf32>
        %mul3A_2271 = arith.mulf %get3A_2269, %get3A_2269 : vector<16xf32>
        %add3A_2272 = arith.addf %add3A_2240, %mul3A_2271 : vector<16xf32>
        %add3A_2273 = arith.constant 3 : i32
        %add3A_2274 = arith.addi %add3A_2160, %add3A_2273 : i32
        %get3A_2275 = arith.index_cast %add3A_2274 : i32 to index
        %get3A_2276 = arith.constant 32 : index
        %get3A_2277 = tpu.vector_load %arg12[%get3A_2275, %get3A_2276] {strides = array<i32>} : memref<576x128xf32, #tpu.memory_space<vmem>>, vector<16xf32>,
        %add3A_2278 = arith.addf %add3A_2246, %get3A_2277 : vector<16xf32>
        %mul3A_2279 = arith.mulf %get3A_2277, %get3A_2277 : vector<16xf32>
        %add3A_2280 = arith.addf %add3A_2248, %mul3A_2279 : vector<16xf32>
        %add3A_2281 = arith.constant 3 : i32
        %add3A_2282 = arith.addi %add3A_2160, %add3A_2281 : i32
        %get3A_2283 = arith.index_cast %add3A_2282 : i32 to index
        %get3A_2284 = arith.constant 48 : index
        %get3A_2285 = tpu.vector_load %arg12[%get3A_2283, %get3A_2284] {strides = array<i32>} : memref<576x128xf32, #tpu.memory_space<vmem>>, vector<16xf32>,
        %add3A_2286 = arith.addf %add3A_2254, %get3A_2285 : vector<16xf32>
        %mul3A_2287 = arith.mulf %get3A_2285, %get3A_2285 : vector<16xf32>
        %add3A_2288 = arith.addf %add3A_2256, %mul3A_2287 : vector<16xf32>
        scf.yield %add3A_2262, %add3A_2270, %add3A_2278, %add3A_2286, %add3A_2264, %add3A_2272, %add3A_2280, %add3A_2288 : vector<16xf32>, vector<16xf32>, vector<16xf32>, vector<16xf32>, vector<16xf32>, vector<16xf32>, vector<16xf32>, vector<16xf32>
      }
      %scan3A_818 = arith.constant 5 : i32
      %get3A_819 = arith.constant 216 : i32
      %get3A_820 = arith.index_cast %get3A_819 : i32 to index
      %get3A_821 = arith.constant 0 : index
      %get3A_822 = tpu.vector_load %arg12[%get3A_820, %get3A_821] {strides = array<i32>} : memref<576x128xf32, #tpu.memory_space<vmem>>, vector<16xf32>,
      %get3A_823 = arith.constant 217 : i32
      %get3A_824 = arith.index_cast %get3A_823 : i32 to index
      %get3A_825 = arith.constant 0 : index
      %get3A_826 = tpu.vector_load %arg12[%get3A_824, %get3A_825] {strides = array<i32>} : memref<576x128xf32, #tpu.memory_space<vmem>>, vector<16xf32>,
      %add3A_827 = arith.addf %get3A_822, %get3A_826 : vector<16xf32>
      %mul3A_828 = arith.mulf %get3A_822, %get3A_822 : vector<16xf32>
      %mul3A_829 = arith.mulf %get3A_826, %get3A_826 : vector<16xf32>
      %add3A_830 = arith.addf %mul3A_828, %mul3A_829 : vector<16xf32>
      %add3A_831 = arith.addf %add3A_827, %scan3A_817#0 : vector<16xf32>
      %mul3A_832 = arith.mulf %add3A_831, %add3A_831 : vector<16xf32>
      %mul3A_833 = arith.constant 5.000000e-01 : f32
      %mul3A_834 = vector.broadcast %mul3A_833 : f32 to vector<16xf32>
      %mul3A_835 = arith.mulf %mul3A_834, %mul3A_832 : vector<16xf32>
      %mul3A_836 = arith.mulf %scan3A_811#0, %scan3A_817#0 : vector<16xf32>
      %add3A_837 = arith.addf %mul3A_835, %mul3A_836 : vector<16xf32>
      %mul3A_838 = arith.constant 5.000000e-01 : f32
      %mul3A_839 = vector.broadcast %mul3A_838 : f32 to vector<16xf32>
      %mul3A_840 = arith.mulf %mul3A_839, %add3A_830 : vector<16xf32>
      %sub3A_841 = arith.subf %add3A_837, %mul3A_840 : vector<16xf32>
      %mul3A_842 = arith.constant 5.000000e-01 : f32
      %mul3A_843 = vector.broadcast %mul3A_842 : f32 to vector<16xf32>
      %mul3A_844 = arith.mulf %mul3A_843, %scan3A_817#4 : vector<16xf32>
      %sub3A_845 = arith.subf %sub3A_841, %mul3A_844 : vector<16xf32>
      %add3A_846 = arith.addf %broadcast_in_dim3A_4, %sub3A_845 : vector<16xf32>
      %get3A_847 = arith.constant 216 : i32
      %get3A_848 = arith.index_cast %get3A_847 : i32 to index
      %get3A_849 = arith.constant 16 : index
      %get3A_850 = tpu.vector_load %arg12[%get3A_848, %get3A_849] {strides = array<i32>} : memref<576x128xf32, #tpu.memory_space<vmem>>, vector<16xf32>,
      %get3A_851 = arith.constant 217 : i32
      %get3A_852 = arith.index_cast %get3A_851 : i32 to index
      %get3A_853 = arith.constant 16 : index
      %get3A_854 = tpu.vector_load %arg12[%get3A_852, %get3A_853] {strides = array<i32>} : memref<576x128xf32, #tpu.memory_space<vmem>>, vector<16xf32>,
      %add3A_855 = arith.addf %get3A_850, %get3A_854 : vector<16xf32>
      %mul3A_856 = arith.mulf %get3A_850, %get3A_850 : vector<16xf32>
      %mul3A_857 = arith.mulf %get3A_854, %get3A_854 : vector<16xf32>
      %add3A_858 = arith.addf %mul3A_856, %mul3A_857 : vector<16xf32>
      %add3A_859 = arith.addf %add3A_855, %scan3A_817#1 : vector<16xf32>
      %mul3A_860 = arith.mulf %add3A_859, %add3A_859 : vector<16xf32>
      %mul3A_861 = arith.constant 5.000000e-01 : f32
      %mul3A_862 = vector.broadcast %mul3A_861 : f32 to vector<16xf32>
      %mul3A_863 = arith.mulf %mul3A_862, %mul3A_860 : vector<16xf32>
      %mul3A_864 = arith.mulf %scan3A_811#1, %scan3A_817#1 : vector<16xf32>
      %add3A_865 = arith.addf %mul3A_863, %mul3A_864 : vector<16xf32>
      %mul3A_866 = arith.constant 5.000000e-01 : f32
      %mul3A_867 = vector.broadcast %mul3A_866 : f32 to vector<16xf32>
      %mul3A_868 = arith.mulf %mul3A_867, %add3A_858 : vector<16xf32>
      %sub3A_869 = arith.subf %add3A_865, %mul3A_868 : vector<16xf32>
      %mul3A_870 = arith.constant 5.000000e-01 : f32
      %mul3A_871 = vector.broadcast %mul3A_870 : f32 to vector<16xf32>
      %mul3A_872 = arith.mulf %mul3A_871, %scan3A_817#5 : vector<16xf32>
      %sub3A_873 = arith.subf %sub3A_869, %mul3A_872 : vector<16xf32>
      %add3A_874 = arith.addf %add3A_846, %sub3A_873 : vector<16xf32>
      %get3A_875 = arith.constant 216 : i32
      %get3A_876 = arith.index_cast %get3A_875 : i32 to index
      %get3A_877 = arith.constant 32 : index
      %get3A_878 = tpu.vector_load %arg12[%get3A_876, %get3A_877] {strides = array<i32>} : memref<576x128xf32, #tpu.memory_space<vmem>>, vector<16xf32>,
      %get3A_879 = arith.constant 217 : i32
      %get3A_880 = arith.index_cast %get3A_879 : i32 to index
      %get3A_881 = arith.constant 32 : index
      %get3A_882 = tpu.vector_load %arg12[%get3A_880, %get3A_881] {strides = array<i32>} : memref<576x128xf32, #tpu.memory_space<vmem>>, vector<16xf32>,
      %add3A_883 = arith.addf %get3A_878, %get3A_882 : vector<16xf32>
      %mul3A_884 = arith.mulf %get3A_878, %get3A_878 : vector<16xf32>
      %mul3A_885 = arith.mulf %get3A_882, %get3A_882 : vector<16xf32>
      %add3A_886 = arith.addf %mul3A_884, %mul3A_885 : vector<16xf32>
      %add3A_887 = arith.addf %add3A_883, %scan3A_817#2 : vector<16xf32>
      %mul3A_888 = arith.mulf %add3A_887, %add3A_887 : vector<16xf32>
      %mul3A_889 = arith.constant 5.000000e-01 : f32
      %mul3A_890 = vector.broadcast %mul3A_889 : f32 to vector<16xf32>
      %mul3A_891 = arith.mulf %mul3A_890, %mul3A_888 : vector<16xf32>
      %mul3A_892 = arith.mulf %scan3A_811#2, %scan3A_817#2 : vector<16xf32>
      %add3A_893 = arith.addf %mul3A_891, %mul3A_892 : vector<16xf32>
      %mul3A_894 = arith.constant 5.000000e-01 : f32
      %mul3A_895 = vector.broadcast %mul3A_894 : f32 to vector<16xf32>
      %mul3A_896 = arith.mulf %mul3A_895, %add3A_886 : vector<16xf32>
      %sub3A_897 = arith.subf %add3A_893, %mul3A_896 : vector<16xf32>
      %mul3A_898 = arith.constant 5.000000e-01 : f32
      %mul3A_899 = vector.broadcast %mul3A_898 : f32 to vector<16xf32>
      %mul3A_900 = arith.mulf %mul3A_899, %scan3A_817#6 : vector<16xf32>
      %sub3A_901 = arith.subf %sub3A_897, %mul3A_900 : vector<16xf32>
      %add3A_902 = arith.addf %add3A_874, %sub3A_901 : vector<16xf32>
      %get3A_903 = arith.constant 216 : i32
      %get3A_904 = arith.index_cast %get3A_903 : i32 to index
      %get3A_905 = arith.constant 48 : index
      %get3A_906 = tpu.vector_load %arg12[%get3A_904, %get3A_905] {strides = array<i32>} : memref<576x128xf32, #tpu.memory_space<vmem>>, vector<16xf32>,
      %get3A_907 = arith.constant 217 : i32
      %get3A_908 = arith.index_cast %get3A_907 : i32 to index
      %get3A_909 = arith.constant 48 : index
      %get3A_910 = tpu.vector_load %arg12[%get3A_908, %get3A_909] {strides = array<i32>} : memref<576x128xf32, #tpu.memory_space<vmem>>, vector<16xf32>,
      %add3A_911 = arith.addf %get3A_906, %get3A_910 : vector<16xf32>
      %mul3A_912 = arith.mulf %get3A_906, %get3A_906 : vector<16xf32>
      %mul3A_913 = arith.mulf %get3A_910, %get3A_910 : vector<16xf32>
      %add3A_914 = arith.addf %mul3A_912, %mul3A_913 : vector<16xf32>
      %add3A_915 = arith.addf %add3A_911, %scan3A_817#3 : vector<16xf32>
      %mul3A_916 = arith.mulf %add3A_915, %add3A_915 : vector<16xf32>
      %mul3A_917 = arith.constant 5.000000e-01 : f32
      %mul3A_918 = vector.broadcast %mul3A_917 : f32 to vector<16xf32>
      %mul3A_919 = arith.mulf %mul3A_918, %mul3A_916 : vector<16xf32>
      %mul3A_920 = arith.mulf %scan3A_811#3, %scan3A_817#3 : vector<16xf32>
      %add3A_921 = arith.addf %mul3A_919, %mul3A_920 : vector<16xf32>
      %mul3A_922 = arith.constant 5.000000e-01 : f32
      %mul3A_923 = vector.broadcast %mul3A_922 : f32 to vector<16xf32>
      %mul3A_924 = arith.mulf %mul3A_923, %add3A_914 : vector<16xf32>
      %sub3A_925 = arith.subf %add3A_921, %mul3A_924 : vector<16xf32>
      %mul3A_926 = arith.constant 5.000000e-01 : f32
      %mul3A_927 = vector.broadcast %mul3A_926 : f32 to vector<16xf32>
      %mul3A_928 = arith.mulf %mul3A_927, %scan3A_817#7 : vector<16xf32>
      %sub3A_929 = arith.subf %sub3A_925, %mul3A_928 : vector<16xf32>
      %add3A_930 = arith.addf %add3A_902, %sub3A_929 : vector<16xf32>
      %xor3A_931 = arith.constant 8 : i32
      %xor3A_932 = vector.broadcast %xor3A_931 : i32 to vector<16xi32>
      %xor3A_933 = arith.xori %iota3A, %xor3A_932 : vector<16xi32>
      %broadcast_in_dim3A_934 = vector.shape_cast %xor3A_933 : vector<16xi32> to vector<16x1xi32>
      %gather3A_935 = vector.shape_cast %broadcast_in_dim3A_934 : vector<16x1xi32> to vector<16xi32>
      %gather3A_936 = tpu.dynamic_gather %add3A_930[%gather3A_935] in [0] : vector<16xf32>, vector<16xi32> -> vector<16xf32>
      %add3A_937 = arith.addf %add3A_930, %gather3A_936 : vector<16xf32>
      %xor3A_938 = arith.constant 4 : i32
      %xor3A_939 = vector.broadcast %xor3A_938 : i32 to vector<16xi32>
      %xor3A_940 = arith.xori %iota3A, %xor3A_939 : vector<16xi32>
      %broadcast_in_dim3A_941 = vector.shape_cast %xor3A_940 : vector<16xi32> to vector<16x1xi32>
      %gather3A_942 = vector.shape_cast %broadcast_in_dim3A_941 : vector<16x1xi32> to vector<16xi32>
      %gather3A_943 = tpu.dynamic_gather %add3A_937[%gather3A_942] in [0] : vector<16xf32>, vector<16xi32> -> vector<16xf32>
      %add3A_944 = arith.addf %add3A_937, %gather3A_943 : vector<16xf32>
      %xor3A_945 = arith.constant 2 : i32
      %xor3A_946 = vector.broadcast %xor3A_945 : i32 to vector<16xi32>
      %xor3A_947 = arith.xori %iota3A, %xor3A_946 : vector<16xi32>
      %broadcast_in_dim3A_948 = vector.shape_cast %xor3A_947 : vector<16xi32> to vector<16x1xi32>
      %gather3A_949 = vector.shape_cast %broadcast_in_dim3A_948 : vector<16x1xi32> to vector<16xi32>
      %gather3A_950 = tpu.dynamic_gather %add3A_944[%gather3A_949] in [0] : vector<16xf32>, vector<16xi32> -> vector<16xf32>
      %add3A_951 = arith.addf %add3A_944, %gather3A_950 : vector<16xf32>
      %xor3A_952 = arith.constant 1 : i32
      %xor3A_953 = vector.broadcast %xor3A_952 : i32 to vector<16xi32>
      %xor3A_954 = arith.xori %iota3A, %xor3A_953 : vector<16xi32>
      %broadcast_in_dim3A_955 = vector.shape_cast %xor3A_954 : vector<16xi32> to vector<16x1xi32>
      %gather3A_956 = vector.shape_cast %broadcast_in_dim3A_955 : vector<16x1xi32> to vector<16xi32>
      %gather3A_957 = tpu.dynamic_gather %add3A_951[%gather3A_956] in [0] : vector<16xf32>, vector<16xi32> -> vector<16xf32>
      %add3A_958 = arith.addf %add3A_951, %gather3A_957 : vector<16xf32>
      %mul3A_959 = arith.constant 8 : i32
      %mul3A_960 = arith.muli %scan3A_12, %mul3A_959 : i32
      %add3A_961 = arith.constant 3 : i32
      %add3A_962 = arith.addi %mul3A_960, %add3A_961 : i32
      %broadcast_in_dim3A_963 = vector.broadcast %add3A_962 : i32 to vector<16xi32>
      %add3A_964 = arith.addf %add3A_958, %get3A_1 : vector<16xf32>
      tpu.vector_store_idx %arg14[%broadcast_in_dim3A_963], %add3A_964 masked %eq3A_3 : memref<128xf32, #tpu.memory_space<vmem>>[vector<16xi32>], vector<16xf32>, vector<16xi1>
      %scan3A_965 = arith.constant 0 : i32
      %scan3A_966 = arith.constant 10 : i32
      %scan3A_967 = arith.addi %scan3A_965, %scan3A_966 : i32
      %scan3A_968 = arith.constant 1 : i32
      %scan3A_969:4 = scf.for %scan3A_2148 = %scan3A_965 to %scan3A_967 step %scan3A_968 iter_args(%scan3A_2149 = %broadcast_in_dim3A_4, %scan3A_2150 = %broadcast_in_dim3A_4, %scan3A_2151 = %broadcast_in_dim3A_4, %scan3A_2152 = %broadcast_in_dim3A_4) -> (vector<16xf32>, vector<16xf32>, vector<16xf32>, vector<16xf32>)  : i32 {
        %mul3A_2153 = arith.constant 5 : i32
        %mul3A_2154 = arith.muli %scan3A_2148, %mul3A_2153 : i32
        %add3A_2155 = arith.constant 310 : i32
        %add3A_2156 = arith.addi %add3A_2155, %mul3A_2154 : i32
        %add3A_2157 = arith.constant 0 : i32
        %add3A_2158 = arith.addi %add3A_2156, %add3A_2157 : i32
        %get3A_2159 = arith.index_cast %add3A_2158 : i32 to index
        %get3A_2160 = arith.constant 0 : index
        %get3A_2161 = tpu.vector_load %arg12[%get3A_2159, %get3A_2160] {strides = array<i32>} : memref<576x128xf32, #tpu.memory_space<vmem>>, vector<16xf32>,
        %add3A_2162 = arith.addf %scan3A_2149, %get3A_2161 : vector<16xf32>
        %add3A_2163 = arith.constant 0 : i32
        %add3A_2164 = arith.addi %add3A_2156, %add3A_2163 : i32
        %get3A_2165 = arith.index_cast %add3A_2164 : i32 to index
        %get3A_2166 = arith.constant 16 : index
        %get3A_2167 = tpu.vector_load %arg12[%get3A_2165, %get3A_2166] {strides = array<i32>} : memref<576x128xf32, #tpu.memory_space<vmem>>, vector<16xf32>,
        %add3A_2168 = arith.addf %scan3A_2150, %get3A_2167 : vector<16xf32>
        %add3A_2169 = arith.constant 0 : i32
        %add3A_2170 = arith.addi %add3A_2156, %add3A_2169 : i32
        %get3A_2171 = arith.index_cast %add3A_2170 : i32 to index
        %get3A_2172 = arith.constant 32 : index
        %get3A_2173 = tpu.vector_load %arg12[%get3A_2171, %get3A_2172] {strides = array<i32>} : memref<576x128xf32, #tpu.memory_space<vmem>>, vector<16xf32>,
        %add3A_2174 = arith.addf %scan3A_2151, %get3A_2173 : vector<16xf32>
        %add3A_2175 = arith.constant 0 : i32
        %add3A_2176 = arith.addi %add3A_2156, %add3A_2175 : i32
        %get3A_2177 = arith.index_cast %add3A_2176 : i32 to index
        %get3A_2178 = arith.constant 48 : index
        %get3A_2179 = tpu.vector_load %arg12[%get3A_2177, %get3A_2178] {strides = array<i32>} : memref<576x128xf32, #tpu.memory_space<vmem>>, vector<16xf32>,
        %add3A_2180 = arith.addf %scan3A_2152, %get3A_2179 : vector<16xf32>
        %add3A_2181 = arith.constant 1 : i32
        %add3A_2182 = arith.addi %add3A_2156, %add3A_2181 : i32
        %get3A_2183 = arith.index_cast %add3A_2182 : i32 to index
        %get3A_2184 = arith.constant 0 : index
        %get3A_2185 = tpu.vector_load %arg12[%get3A_2183, %get3A_2184] {strides = array<i32>} : memref<576x128xf32, #tpu.memory_space<vmem>>, vector<16xf32>,
        %add3A_2186 = arith.addf %add3A_2162, %get3A_2185 : vector<16xf32>
        %add3A_2187 = arith.constant 1 : i32
        %add3A_2188 = arith.addi %add3A_2156, %add3A_2187 : i32
        %get3A_2189 = arith.index_cast %add3A_2188 : i32 to index
        %get3A_2190 = arith.constant 16 : index
        %get3A_2191 = tpu.vector_load %arg12[%get3A_2189, %get3A_2190] {strides = array<i32>} : memref<576x128xf32, #tpu.memory_space<vmem>>, vector<16xf32>,
        %add3A_2192 = arith.addf %add3A_2168, %get3A_2191 : vector<16xf32>
        %add3A_2193 = arith.constant 1 : i32
        %add3A_2194 = arith.addi %add3A_2156, %add3A_2193 : i32
        %get3A_2195 = arith.index_cast %add3A_2194 : i32 to index
        %get3A_2196 = arith.constant 32 : index
        %get3A_2197 = tpu.vector_load %arg12[%get3A_2195, %get3A_2196] {strides = array<i32>} : memref<576x128xf32, #tpu.memory_space<vmem>>, vector<16xf32>,
        %add3A_2198 = arith.addf %add3A_2174, %get3A_2197 : vector<16xf32>
        %add3A_2199 = arith.constant 1 : i32
        %add3A_2200 = arith.addi %add3A_2156, %add3A_2199 : i32
        %get3A_2201 = arith.index_cast %add3A_2200 : i32 to index
        %get3A_2202 = arith.constant 48 : index
        %get3A_2203 = tpu.vector_load %arg12[%get3A_2201, %get3A_2202] {strides = array<i32>} : memref<576x128xf32, #tpu.memory_space<vmem>>, vector<16xf32>,
        %add3A_2204 = arith.addf %add3A_2180, %get3A_2203 : vector<16xf32>
        %add3A_2205 = arith.constant 2 : i32
        %add3A_2206 = arith.addi %add3A_2156, %add3A_2205 : i32
        %get3A_2207 = arith.index_cast %add3A_2206 : i32 to index
        %get3A_2208 = arith.constant 0 : index
        %get3A_2209 = tpu.vector_load %arg12[%get3A_2207, %get3A_2208] {strides = array<i32>} : memref<576x128xf32, #tpu.memory_space<vmem>>, vector<16xf32>,
        %add3A_2210 = arith.addf %add3A_2186, %get3A_2209 : vector<16xf32>
        %add3A_2211 = arith.constant 2 : i32
        %add3A_2212 = arith.addi %add3A_2156, %add3A_2211 : i32
        %get3A_2213 = arith.index_cast %add3A_2212 : i32 to index
        %get3A_2214 = arith.constant 16 : index
        %get3A_2215 = tpu.vector_load %arg12[%get3A_2213, %get3A_2214] {strides = array<i32>} : memref<576x128xf32, #tpu.memory_space<vmem>>, vector<16xf32>,
        %add3A_2216 = arith.addf %add3A_2192, %get3A_2215 : vector<16xf32>
        %add3A_2217 = arith.constant 2 : i32
        %add3A_2218 = arith.addi %add3A_2156, %add3A_2217 : i32
        %get3A_2219 = arith.index_cast %add3A_2218 : i32 to index
        %get3A_2220 = arith.constant 32 : index
        %get3A_2221 = tpu.vector_load %arg12[%get3A_2219, %get3A_2220] {strides = array<i32>} : memref<576x128xf32, #tpu.memory_space<vmem>>, vector<16xf32>,
        %add3A_2222 = arith.addf %add3A_2198, %get3A_2221 : vector<16xf32>
        %add3A_2223 = arith.constant 2 : i32
        %add3A_2224 = arith.addi %add3A_2156, %add3A_2223 : i32
        %get3A_2225 = arith.index_cast %add3A_2224 : i32 to index
        %get3A_2226 = arith.constant 48 : index
        %get3A_2227 = tpu.vector_load %arg12[%get3A_2225, %get3A_2226] {strides = array<i32>} : memref<576x128xf32, #tpu.memory_space<vmem>>, vector<16xf32>,
        %add3A_2228 = arith.addf %add3A_2204, %get3A_2227 : vector<16xf32>
        %add3A_2229 = arith.constant 3 : i32
        %add3A_2230 = arith.addi %add3A_2156, %add3A_2229 : i32
        %get3A_2231 = arith.index_cast %add3A_2230 : i32 to index
        %get3A_2232 = arith.constant 0 : index
        %get3A_2233 = tpu.vector_load %arg12[%get3A_2231, %get3A_2232] {strides = array<i32>} : memref<576x128xf32, #tpu.memory_space<vmem>>, vector<16xf32>,
        %add3A_2234 = arith.addf %add3A_2210, %get3A_2233 : vector<16xf32>
        %add3A_2235 = arith.constant 3 : i32
        %add3A_2236 = arith.addi %add3A_2156, %add3A_2235 : i32
        %get3A_2237 = arith.index_cast %add3A_2236 : i32 to index
        %get3A_2238 = arith.constant 16 : index
        %get3A_2239 = tpu.vector_load %arg12[%get3A_2237, %get3A_2238] {strides = array<i32>} : memref<576x128xf32, #tpu.memory_space<vmem>>, vector<16xf32>,
        %add3A_2240 = arith.addf %add3A_2216, %get3A_2239 : vector<16xf32>
        %add3A_2241 = arith.constant 3 : i32
        %add3A_2242 = arith.addi %add3A_2156, %add3A_2241 : i32
        %get3A_2243 = arith.index_cast %add3A_2242 : i32 to index
        %get3A_2244 = arith.constant 32 : index
        %get3A_2245 = tpu.vector_load %arg12[%get3A_2243, %get3A_2244] {strides = array<i32>} : memref<576x128xf32, #tpu.memory_space<vmem>>, vector<16xf32>,
        %add3A_2246 = arith.addf %add3A_2222, %get3A_2245 : vector<16xf32>
        %add3A_2247 = arith.constant 3 : i32
        %add3A_2248 = arith.addi %add3A_2156, %add3A_2247 : i32
        %get3A_2249 = arith.index_cast %add3A_2248 : i32 to index
        %get3A_2250 = arith.constant 48 : index
        %get3A_2251 = tpu.vector_load %arg12[%get3A_2249, %get3A_2250] {strides = array<i32>} : memref<576x128xf32, #tpu.memory_space<vmem>>, vector<16xf32>,
        %add3A_2252 = arith.addf %add3A_2228, %get3A_2251 : vector<16xf32>
        %add3A_2253 = arith.constant 4 : i32
        %add3A_2254 = arith.addi %add3A_2156, %add3A_2253 : i32
        %get3A_2255 = arith.index_cast %add3A_2254 : i32 to index
        %get3A_2256 = arith.constant 0 : index
        %get3A_2257 = tpu.vector_load %arg12[%get3A_2255, %get3A_2256] {strides = array<i32>} : memref<576x128xf32, #tpu.memory_space<vmem>>, vector<16xf32>,
        %add3A_2258 = arith.addf %add3A_2234, %get3A_2257 : vector<16xf32>
        %add3A_2259 = arith.constant 4 : i32
        %add3A_2260 = arith.addi %add3A_2156, %add3A_2259 : i32
        %get3A_2261 = arith.index_cast %add3A_2260 : i32 to index
        %get3A_2262 = arith.constant 16 : index
        %get3A_2263 = tpu.vector_load %arg12[%get3A_2261, %get3A_2262] {strides = array<i32>} : memref<576x128xf32, #tpu.memory_space<vmem>>, vector<16xf32>,
        %add3A_2264 = arith.addf %add3A_2240, %get3A_2263 : vector<16xf32>
        %add3A_2265 = arith.constant 4 : i32
        %add3A_2266 = arith.addi %add3A_2156, %add3A_2265 : i32
        %get3A_2267 = arith.index_cast %add3A_2266 : i32 to index
        %get3A_2268 = arith.constant 32 : index
        %get3A_2269 = tpu.vector_load %arg12[%get3A_2267, %get3A_2268] {strides = array<i32>} : memref<576x128xf32, #tpu.memory_space<vmem>>, vector<16xf32>,
        %add3A_2270 = arith.addf %add3A_2246, %get3A_2269 : vector<16xf32>
        %add3A_2271 = arith.constant 4 : i32
        %add3A_2272 = arith.addi %add3A_2156, %add3A_2271 : i32
        %get3A_2273 = arith.index_cast %add3A_2272 : i32 to index
        %get3A_2274 = arith.constant 48 : index
        %get3A_2275 = tpu.vector_load %arg12[%get3A_2273, %get3A_2274] {strides = array<i32>} : memref<576x128xf32, #tpu.memory_space<vmem>>, vector<16xf32>,
        %add3A_2276 = arith.addf %add3A_2252, %get3A_2275 : vector<16xf32>
        scf.yield %add3A_2258, %add3A_2264, %add3A_2270, %add3A_2276 : vector<16xf32>, vector<16xf32>, vector<16xf32>, vector<16xf32>
      }
      %scan3A_970 = arith.constant 10 : i32
      %scan3A_971 = arith.constant 0 : i32
      %scan3A_972 = arith.constant 5 : i32
      %scan3A_973 = arith.addi %scan3A_971, %scan3A_972 : i32
      %scan3A_974 = arith.constant 1 : i32
      %scan3A_975:8 = scf.for %scan3A_2148 = %scan3A_971 to %scan3A_973 step %scan3A_974 iter_args(%scan3A_2149 = %broadcast_in_dim3A_4, %scan3A_2150 = %broadcast_in_dim3A_4, %scan3A_2151 = %broadcast_in_dim3A_4, %scan3A_2152 = %broadcast_in_dim3A_4, %scan3A_2153 = %broadcast_in_dim3A_4, %scan3A_2154 = %broadcast_in_dim3A_4, %scan3A_2155 = %broadcast_in_dim3A_4, %scan3A_2156 = %broadcast_in_dim3A_4) -> (vector<16xf32>, vector<16xf32>, vector<16xf32>, vector<16xf32>, vector<16xf32>, vector<16xf32>, vector<16xf32>, vector<16xf32>)  : i32 {
        %mul3A_2157 = arith.constant 4 : i32
        %mul3A_2158 = arith.muli %scan3A_2148, %mul3A_2157 : i32
        %add3A_2159 = arith.constant 290 : i32
        %add3A_2160 = arith.addi %add3A_2159, %mul3A_2158 : i32
        %add3A_2161 = arith.constant 0 : i32
        %add3A_2162 = arith.addi %add3A_2160, %add3A_2161 : i32
        %get3A_2163 = arith.index_cast %add3A_2162 : i32 to index
        %get3A_2164 = arith.constant 0 : index
        %get3A_2165 = tpu.vector_load %arg12[%get3A_2163, %get3A_2164] {strides = array<i32>} : memref<576x128xf32, #tpu.memory_space<vmem>>, vector<16xf32>,
        %add3A_2166 = arith.addf %scan3A_2149, %get3A_2165 : vector<16xf32>
        %mul3A_2167 = arith.mulf %get3A_2165, %get3A_2165 : vector<16xf32>
        %add3A_2168 = arith.addf %scan3A_2153, %mul3A_2167 : vector<16xf32>
        %add3A_2169 = arith.constant 0 : i32
        %add3A_2170 = arith.addi %add3A_2160, %add3A_2169 : i32
        %get3A_2171 = arith.index_cast %add3A_2170 : i32 to index
        %get3A_2172 = arith.constant 16 : index
        %get3A_2173 = tpu.vector_load %arg12[%get3A_2171, %get3A_2172] {strides = array<i32>} : memref<576x128xf32, #tpu.memory_space<vmem>>, vector<16xf32>,
        %add3A_2174 = arith.addf %scan3A_2150, %get3A_2173 : vector<16xf32>
        %mul3A_2175 = arith.mulf %get3A_2173, %get3A_2173 : vector<16xf32>
        %add3A_2176 = arith.addf %scan3A_2154, %mul3A_2175 : vector<16xf32>
        %add3A_2177 = arith.constant 0 : i32
        %add3A_2178 = arith.addi %add3A_2160, %add3A_2177 : i32
        %get3A_2179 = arith.index_cast %add3A_2178 : i32 to index
        %get3A_2180 = arith.constant 32 : index
        %get3A_2181 = tpu.vector_load %arg12[%get3A_2179, %get3A_2180] {strides = array<i32>} : memref<576x128xf32, #tpu.memory_space<vmem>>, vector<16xf32>,
        %add3A_2182 = arith.addf %scan3A_2151, %get3A_2181 : vector<16xf32>
        %mul3A_2183 = arith.mulf %get3A_2181, %get3A_2181 : vector<16xf32>
        %add3A_2184 = arith.addf %scan3A_2155, %mul3A_2183 : vector<16xf32>
        %add3A_2185 = arith.constant 0 : i32
        %add3A_2186 = arith.addi %add3A_2160, %add3A_2185 : i32
        %get3A_2187 = arith.index_cast %add3A_2186 : i32 to index
        %get3A_2188 = arith.constant 48 : index
        %get3A_2189 = tpu.vector_load %arg12[%get3A_2187, %get3A_2188] {strides = array<i32>} : memref<576x128xf32, #tpu.memory_space<vmem>>, vector<16xf32>,
        %add3A_2190 = arith.addf %scan3A_2152, %get3A_2189 : vector<16xf32>
        %mul3A_2191 = arith.mulf %get3A_2189, %get3A_2189 : vector<16xf32>
        %add3A_2192 = arith.addf %scan3A_2156, %mul3A_2191 : vector<16xf32>
        %add3A_2193 = arith.constant 1 : i32
        %add3A_2194 = arith.addi %add3A_2160, %add3A_2193 : i32
        %get3A_2195 = arith.index_cast %add3A_2194 : i32 to index
        %get3A_2196 = arith.constant 0 : index
        %get3A_2197 = tpu.vector_load %arg12[%get3A_2195, %get3A_2196] {strides = array<i32>} : memref<576x128xf32, #tpu.memory_space<vmem>>, vector<16xf32>,
        %add3A_2198 = arith.addf %add3A_2166, %get3A_2197 : vector<16xf32>
        %mul3A_2199 = arith.mulf %get3A_2197, %get3A_2197 : vector<16xf32>
        %add3A_2200 = arith.addf %add3A_2168, %mul3A_2199 : vector<16xf32>
        %add3A_2201 = arith.constant 1 : i32
        %add3A_2202 = arith.addi %add3A_2160, %add3A_2201 : i32
        %get3A_2203 = arith.index_cast %add3A_2202 : i32 to index
        %get3A_2204 = arith.constant 16 : index
        %get3A_2205 = tpu.vector_load %arg12[%get3A_2203, %get3A_2204] {strides = array<i32>} : memref<576x128xf32, #tpu.memory_space<vmem>>, vector<16xf32>,
        %add3A_2206 = arith.addf %add3A_2174, %get3A_2205 : vector<16xf32>
        %mul3A_2207 = arith.mulf %get3A_2205, %get3A_2205 : vector<16xf32>
        %add3A_2208 = arith.addf %add3A_2176, %mul3A_2207 : vector<16xf32>
        %add3A_2209 = arith.constant 1 : i32
        %add3A_2210 = arith.addi %add3A_2160, %add3A_2209 : i32
        %get3A_2211 = arith.index_cast %add3A_2210 : i32 to index
        %get3A_2212 = arith.constant 32 : index
        %get3A_2213 = tpu.vector_load %arg12[%get3A_2211, %get3A_2212] {strides = array<i32>} : memref<576x128xf32, #tpu.memory_space<vmem>>, vector<16xf32>,
        %add3A_2214 = arith.addf %add3A_2182, %get3A_2213 : vector<16xf32>
        %mul3A_2215 = arith.mulf %get3A_2213, %get3A_2213 : vector<16xf32>
        %add3A_2216 = arith.addf %add3A_2184, %mul3A_2215 : vector<16xf32>
        %add3A_2217 = arith.constant 1 : i32
        %add3A_2218 = arith.addi %add3A_2160, %add3A_2217 : i32
        %get3A_2219 = arith.index_cast %add3A_2218 : i32 to index
        %get3A_2220 = arith.constant 48 : index
        %get3A_2221 = tpu.vector_load %arg12[%get3A_2219, %get3A_2220] {strides = array<i32>} : memref<576x128xf32, #tpu.memory_space<vmem>>, vector<16xf32>,
        %add3A_2222 = arith.addf %add3A_2190, %get3A_2221 : vector<16xf32>
        %mul3A_2223 = arith.mulf %get3A_2221, %get3A_2221 : vector<16xf32>
        %add3A_2224 = arith.addf %add3A_2192, %mul3A_2223 : vector<16xf32>
        %add3A_2225 = arith.constant 2 : i32
        %add3A_2226 = arith.addi %add3A_2160, %add3A_2225 : i32
        %get3A_2227 = arith.index_cast %add3A_2226 : i32 to index
        %get3A_2228 = arith.constant 0 : index
        %get3A_2229 = tpu.vector_load %arg12[%get3A_2227, %get3A_2228] {strides = array<i32>} : memref<576x128xf32, #tpu.memory_space<vmem>>, vector<16xf32>,
        %add3A_2230 = arith.addf %add3A_2198, %get3A_2229 : vector<16xf32>
        %mul3A_2231 = arith.mulf %get3A_2229, %get3A_2229 : vector<16xf32>
        %add3A_2232 = arith.addf %add3A_2200, %mul3A_2231 : vector<16xf32>
        %add3A_2233 = arith.constant 2 : i32
        %add3A_2234 = arith.addi %add3A_2160, %add3A_2233 : i32
        %get3A_2235 = arith.index_cast %add3A_2234 : i32 to index
        %get3A_2236 = arith.constant 16 : index
        %get3A_2237 = tpu.vector_load %arg12[%get3A_2235, %get3A_2236] {strides = array<i32>} : memref<576x128xf32, #tpu.memory_space<vmem>>, vector<16xf32>,
        %add3A_2238 = arith.addf %add3A_2206, %get3A_2237 : vector<16xf32>
        %mul3A_2239 = arith.mulf %get3A_2237, %get3A_2237 : vector<16xf32>
        %add3A_2240 = arith.addf %add3A_2208, %mul3A_2239 : vector<16xf32>
        %add3A_2241 = arith.constant 2 : i32
        %add3A_2242 = arith.addi %add3A_2160, %add3A_2241 : i32
        %get3A_2243 = arith.index_cast %add3A_2242 : i32 to index
        %get3A_2244 = arith.constant 32 : index
        %get3A_2245 = tpu.vector_load %arg12[%get3A_2243, %get3A_2244] {strides = array<i32>} : memref<576x128xf32, #tpu.memory_space<vmem>>, vector<16xf32>,
        %add3A_2246 = arith.addf %add3A_2214, %get3A_2245 : vector<16xf32>
        %mul3A_2247 = arith.mulf %get3A_2245, %get3A_2245 : vector<16xf32>
        %add3A_2248 = arith.addf %add3A_2216, %mul3A_2247 : vector<16xf32>
        %add3A_2249 = arith.constant 2 : i32
        %add3A_2250 = arith.addi %add3A_2160, %add3A_2249 : i32
        %get3A_2251 = arith.index_cast %add3A_2250 : i32 to index
        %get3A_2252 = arith.constant 48 : index
        %get3A_2253 = tpu.vector_load %arg12[%get3A_2251, %get3A_2252] {strides = array<i32>} : memref<576x128xf32, #tpu.memory_space<vmem>>, vector<16xf32>,
        %add3A_2254 = arith.addf %add3A_2222, %get3A_2253 : vector<16xf32>
        %mul3A_2255 = arith.mulf %get3A_2253, %get3A_2253 : vector<16xf32>
        %add3A_2256 = arith.addf %add3A_2224, %mul3A_2255 : vector<16xf32>
        %add3A_2257 = arith.constant 3 : i32
        %add3A_2258 = arith.addi %add3A_2160, %add3A_2257 : i32
        %get3A_2259 = arith.index_cast %add3A_2258 : i32 to index
        %get3A_2260 = arith.constant 0 : index
        %get3A_2261 = tpu.vector_load %arg12[%get3A_2259, %get3A_2260] {strides = array<i32>} : memref<576x128xf32, #tpu.memory_space<vmem>>, vector<16xf32>,
        %add3A_2262 = arith.addf %add3A_2230, %get3A_2261 : vector<16xf32>
        %mul3A_2263 = arith.mulf %get3A_2261, %get3A_2261 : vector<16xf32>
        %add3A_2264 = arith.addf %add3A_2232, %mul3A_2263 : vector<16xf32>
        %add3A_2265 = arith.constant 3 : i32
        %add3A_2266 = arith.addi %add3A_2160, %add3A_2265 : i32
        %get3A_2267 = arith.index_cast %add3A_2266 : i32 to index
        %get3A_2268 = arith.constant 16 : index
        %get3A_2269 = tpu.vector_load %arg12[%get3A_2267, %get3A_2268] {strides = array<i32>} : memref<576x128xf32, #tpu.memory_space<vmem>>, vector<16xf32>,
        %add3A_2270 = arith.addf %add3A_2238, %get3A_2269 : vector<16xf32>
        %mul3A_2271 = arith.mulf %get3A_2269, %get3A_2269 : vector<16xf32>
        %add3A_2272 = arith.addf %add3A_2240, %mul3A_2271 : vector<16xf32>
        %add3A_2273 = arith.constant 3 : i32
        %add3A_2274 = arith.addi %add3A_2160, %add3A_2273 : i32
        %get3A_2275 = arith.index_cast %add3A_2274 : i32 to index
        %get3A_2276 = arith.constant 32 : index
        %get3A_2277 = tpu.vector_load %arg12[%get3A_2275, %get3A_2276] {strides = array<i32>} : memref<576x128xf32, #tpu.memory_space<vmem>>, vector<16xf32>,
        %add3A_2278 = arith.addf %add3A_2246, %get3A_2277 : vector<16xf32>
        %mul3A_2279 = arith.mulf %get3A_2277, %get3A_2277 : vector<16xf32>
        %add3A_2280 = arith.addf %add3A_2248, %mul3A_2279 : vector<16xf32>
        %add3A_2281 = arith.constant 3 : i32
        %add3A_2282 = arith.addi %add3A_2160, %add3A_2281 : i32
        %get3A_2283 = arith.index_cast %add3A_2282 : i32 to index
        %get3A_2284 = arith.constant 48 : index
        %get3A_2285 = tpu.vector_load %arg12[%get3A_2283, %get3A_2284] {strides = array<i32>} : memref<576x128xf32, #tpu.memory_space<vmem>>, vector<16xf32>,
        %add3A_2286 = arith.addf %add3A_2254, %get3A_2285 : vector<16xf32>
        %mul3A_2287 = arith.mulf %get3A_2285, %get3A_2285 : vector<16xf32>
        %add3A_2288 = arith.addf %add3A_2256, %mul3A_2287 : vector<16xf32>
        scf.yield %add3A_2262, %add3A_2270, %add3A_2278, %add3A_2286, %add3A_2264, %add3A_2272, %add3A_2280, %add3A_2288 : vector<16xf32>, vector<16xf32>, vector<16xf32>, vector<16xf32>, vector<16xf32>, vector<16xf32>, vector<16xf32>, vector<16xf32>
      }
      %scan3A_976 = arith.constant 5 : i32
      %get3A_977 = arith.constant 288 : i32
      %get3A_978 = arith.index_cast %get3A_977 : i32 to index
      %get3A_979 = arith.constant 0 : index
      %get3A_980 = tpu.vector_load %arg12[%get3A_978, %get3A_979] {strides = array<i32>} : memref<576x128xf32, #tpu.memory_space<vmem>>, vector<16xf32>,
      %get3A_981 = arith.constant 289 : i32
      %get3A_982 = arith.index_cast %get3A_981 : i32 to index
      %get3A_983 = arith.constant 0 : index
      %get3A_984 = tpu.vector_load %arg12[%get3A_982, %get3A_983] {strides = array<i32>} : memref<576x128xf32, #tpu.memory_space<vmem>>, vector<16xf32>,
      %add3A_985 = arith.addf %get3A_980, %get3A_984 : vector<16xf32>
      %mul3A_986 = arith.mulf %get3A_980, %get3A_980 : vector<16xf32>
      %mul3A_987 = arith.mulf %get3A_984, %get3A_984 : vector<16xf32>
      %add3A_988 = arith.addf %mul3A_986, %mul3A_987 : vector<16xf32>
      %add3A_989 = arith.addf %add3A_985, %scan3A_975#0 : vector<16xf32>
      %mul3A_990 = arith.mulf %add3A_989, %add3A_989 : vector<16xf32>
      %mul3A_991 = arith.constant 5.000000e-01 : f32
      %mul3A_992 = vector.broadcast %mul3A_991 : f32 to vector<16xf32>
      %mul3A_993 = arith.mulf %mul3A_992, %mul3A_990 : vector<16xf32>
      %mul3A_994 = arith.mulf %scan3A_969#0, %scan3A_975#0 : vector<16xf32>
      %add3A_995 = arith.addf %mul3A_993, %mul3A_994 : vector<16xf32>
      %mul3A_996 = arith.constant 5.000000e-01 : f32
      %mul3A_997 = vector.broadcast %mul3A_996 : f32 to vector<16xf32>
      %mul3A_998 = arith.mulf %mul3A_997, %add3A_988 : vector<16xf32>
      %sub3A_999 = arith.subf %add3A_995, %mul3A_998 : vector<16xf32>
      %mul3A_1000 = arith.constant 5.000000e-01 : f32
      %mul3A_1001 = vector.broadcast %mul3A_1000 : f32 to vector<16xf32>
      %mul3A_1002 = arith.mulf %mul3A_1001, %scan3A_975#4 : vector<16xf32>
      %sub3A_1003 = arith.subf %sub3A_999, %mul3A_1002 : vector<16xf32>
      %add3A_1004 = arith.addf %broadcast_in_dim3A_4, %sub3A_1003 : vector<16xf32>
      %get3A_1005 = arith.constant 288 : i32
      %get3A_1006 = arith.index_cast %get3A_1005 : i32 to index
      %get3A_1007 = arith.constant 16 : index
      %get3A_1008 = tpu.vector_load %arg12[%get3A_1006, %get3A_1007] {strides = array<i32>} : memref<576x128xf32, #tpu.memory_space<vmem>>, vector<16xf32>,
      %get3A_1009 = arith.constant 289 : i32
      %get3A_1010 = arith.index_cast %get3A_1009 : i32 to index
      %get3A_1011 = arith.constant 16 : index
      %get3A_1012 = tpu.vector_load %arg12[%get3A_1010, %get3A_1011] {strides = array<i32>} : memref<576x128xf32, #tpu.memory_space<vmem>>, vector<16xf32>,
      %add3A_1013 = arith.addf %get3A_1008, %get3A_1012 : vector<16xf32>
      %mul3A_1014 = arith.mulf %get3A_1008, %get3A_1008 : vector<16xf32>
      %mul3A_1015 = arith.mulf %get3A_1012, %get3A_1012 : vector<16xf32>
      %add3A_1016 = arith.addf %mul3A_1014, %mul3A_1015 : vector<16xf32>
      %add3A_1017 = arith.addf %add3A_1013, %scan3A_975#1 : vector<16xf32>
      %mul3A_1018 = arith.mulf %add3A_1017, %add3A_1017 : vector<16xf32>
      %mul3A_1019 = arith.constant 5.000000e-01 : f32
      %mul3A_1020 = vector.broadcast %mul3A_1019 : f32 to vector<16xf32>
      %mul3A_1021 = arith.mulf %mul3A_1020, %mul3A_1018 : vector<16xf32>
      %mul3A_1022 = arith.mulf %scan3A_969#1, %scan3A_975#1 : vector<16xf32>
      %add3A_1023 = arith.addf %mul3A_1021, %mul3A_1022 : vector<16xf32>
      %mul3A_1024 = arith.constant 5.000000e-01 : f32
      %mul3A_1025 = vector.broadcast %mul3A_1024 : f32 to vector<16xf32>
      %mul3A_1026 = arith.mulf %mul3A_1025, %add3A_1016 : vector<16xf32>
      %sub3A_1027 = arith.subf %add3A_1023, %mul3A_1026 : vector<16xf32>
      %mul3A_1028 = arith.constant 5.000000e-01 : f32
      %mul3A_1029 = vector.broadcast %mul3A_1028 : f32 to vector<16xf32>
      %mul3A_1030 = arith.mulf %mul3A_1029, %scan3A_975#5 : vector<16xf32>
      %sub3A_1031 = arith.subf %sub3A_1027, %mul3A_1030 : vector<16xf32>
      %add3A_1032 = arith.addf %add3A_1004, %sub3A_1031 : vector<16xf32>
      %get3A_1033 = arith.constant 288 : i32
      %get3A_1034 = arith.index_cast %get3A_1033 : i32 to index
      %get3A_1035 = arith.constant 32 : index
      %get3A_1036 = tpu.vector_load %arg12[%get3A_1034, %get3A_1035] {strides = array<i32>} : memref<576x128xf32, #tpu.memory_space<vmem>>, vector<16xf32>,
      %get3A_1037 = arith.constant 289 : i32
      %get3A_1038 = arith.index_cast %get3A_1037 : i32 to index
      %get3A_1039 = arith.constant 32 : index
      %get3A_1040 = tpu.vector_load %arg12[%get3A_1038, %get3A_1039] {strides = array<i32>} : memref<576x128xf32, #tpu.memory_space<vmem>>, vector<16xf32>,
      %add3A_1041 = arith.addf %get3A_1036, %get3A_1040 : vector<16xf32>
      %mul3A_1042 = arith.mulf %get3A_1036, %get3A_1036 : vector<16xf32>
      %mul3A_1043 = arith.mulf %get3A_1040, %get3A_1040 : vector<16xf32>
      %add3A_1044 = arith.addf %mul3A_1042, %mul3A_1043 : vector<16xf32>
      %add3A_1045 = arith.addf %add3A_1041, %scan3A_975#2 : vector<16xf32>
      %mul3A_1046 = arith.mulf %add3A_1045, %add3A_1045 : vector<16xf32>
      %mul3A_1047 = arith.constant 5.000000e-01 : f32
      %mul3A_1048 = vector.broadcast %mul3A_1047 : f32 to vector<16xf32>
      %mul3A_1049 = arith.mulf %mul3A_1048, %mul3A_1046 : vector<16xf32>
      %mul3A_1050 = arith.mulf %scan3A_969#2, %scan3A_975#2 : vector<16xf32>
      %add3A_1051 = arith.addf %mul3A_1049, %mul3A_1050 : vector<16xf32>
      %mul3A_1052 = arith.constant 5.000000e-01 : f32
      %mul3A_1053 = vector.broadcast %mul3A_1052 : f32 to vector<16xf32>
      %mul3A_1054 = arith.mulf %mul3A_1053, %add3A_1044 : vector<16xf32>
      %sub3A_1055 = arith.subf %add3A_1051, %mul3A_1054 : vector<16xf32>
      %mul3A_1056 = arith.constant 5.000000e-01 : f32
      %mul3A_1057 = vector.broadcast %mul3A_1056 : f32 to vector<16xf32>
      %mul3A_1058 = arith.mulf %mul3A_1057, %scan3A_975#6 : vector<16xf32>
      %sub3A_1059 = arith.subf %sub3A_1055, %mul3A_1058 : vector<16xf32>
      %add3A_1060 = arith.addf %add3A_1032, %sub3A_1059 : vector<16xf32>
      %get3A_1061 = arith.constant 288 : i32
      %get3A_1062 = arith.index_cast %get3A_1061 : i32 to index
      %get3A_1063 = arith.constant 48 : index
      %get3A_1064 = tpu.vector_load %arg12[%get3A_1062, %get3A_1063] {strides = array<i32>} : memref<576x128xf32, #tpu.memory_space<vmem>>, vector<16xf32>,
      %get3A_1065 = arith.constant 289 : i32
      %get3A_1066 = arith.index_cast %get3A_1065 : i32 to index
      %get3A_1067 = arith.constant 48 : index
      %get3A_1068 = tpu.vector_load %arg12[%get3A_1066, %get3A_1067] {strides = array<i32>} : memref<576x128xf32, #tpu.memory_space<vmem>>, vector<16xf32>,
      %add3A_1069 = arith.addf %get3A_1064, %get3A_1068 : vector<16xf32>
      %mul3A_1070 = arith.mulf %get3A_1064, %get3A_1064 : vector<16xf32>
      %mul3A_1071 = arith.mulf %get3A_1068, %get3A_1068 : vector<16xf32>
      %add3A_1072 = arith.addf %mul3A_1070, %mul3A_1071 : vector<16xf32>
      %add3A_1073 = arith.addf %add3A_1069, %scan3A_975#3 : vector<16xf32>
      %mul3A_1074 = arith.mulf %add3A_1073, %add3A_1073 : vector<16xf32>
      %mul3A_1075 = arith.constant 5.000000e-01 : f32
      %mul3A_1076 = vector.broadcast %mul3A_1075 : f32 to vector<16xf32>
      %mul3A_1077 = arith.mulf %mul3A_1076, %mul3A_1074 : vector<16xf32>
      %mul3A_1078 = arith.mulf %scan3A_969#3, %scan3A_975#3 : vector<16xf32>
      %add3A_1079 = arith.addf %mul3A_1077, %mul3A_1078 : vector<16xf32>
      %mul3A_1080 = arith.constant 5.000000e-01 : f32
      %mul3A_1081 = vector.broadcast %mul3A_1080 : f32 to vector<16xf32>
      %mul3A_1082 = arith.mulf %mul3A_1081, %add3A_1072 : vector<16xf32>
      %sub3A_1083 = arith.subf %add3A_1079, %mul3A_1082 : vector<16xf32>
      %mul3A_1084 = arith.constant 5.000000e-01 : f32
      %mul3A_1085 = vector.broadcast %mul3A_1084 : f32 to vector<16xf32>
      %mul3A_1086 = arith.mulf %mul3A_1085, %scan3A_975#7 : vector<16xf32>
      %sub3A_1087 = arith.subf %sub3A_1083, %mul3A_1086 : vector<16xf32>
      %add3A_1088 = arith.addf %add3A_1060, %sub3A_1087 : vector<16xf32>
      %xor3A_1089 = arith.constant 8 : i32
      %xor3A_1090 = vector.broadcast %xor3A_1089 : i32 to vector<16xi32>
      %xor3A_1091 = arith.xori %iota3A, %xor3A_1090 : vector<16xi32>
      %broadcast_in_dim3A_1092 = vector.shape_cast %xor3A_1091 : vector<16xi32> to vector<16x1xi32>
      %gather3A_1093 = vector.shape_cast %broadcast_in_dim3A_1092 : vector<16x1xi32> to vector<16xi32>
      %gather3A_1094 = tpu.dynamic_gather %add3A_1088[%gather3A_1093] in [0] : vector<16xf32>, vector<16xi32> -> vector<16xf32>
      %add3A_1095 = arith.addf %add3A_1088, %gather3A_1094 : vector<16xf32>
      %xor3A_1096 = arith.constant 4 : i32
      %xor3A_1097 = vector.broadcast %xor3A_1096 : i32 to vector<16xi32>
      %xor3A_1098 = arith.xori %iota3A, %xor3A_1097 : vector<16xi32>
      %broadcast_in_dim3A_1099 = vector.shape_cast %xor3A_1098 : vector<16xi32> to vector<16x1xi32>
      %gather3A_1100 = vector.shape_cast %broadcast_in_dim3A_1099 : vector<16x1xi32> to vector<16xi32>
      %gather3A_1101 = tpu.dynamic_gather %add3A_1095[%gather3A_1100] in [0] : vector<16xf32>, vector<16xi32> -> vector<16xf32>
      %add3A_1102 = arith.addf %add3A_1095, %gather3A_1101 : vector<16xf32>
      %xor3A_1103 = arith.constant 2 : i32
      %xor3A_1104 = vector.broadcast %xor3A_1103 : i32 to vector<16xi32>
      %xor3A_1105 = arith.xori %iota3A, %xor3A_1104 : vector<16xi32>
      %broadcast_in_dim3A_1106 = vector.shape_cast %xor3A_1105 : vector<16xi32> to vector<16x1xi32>
      %gather3A_1107 = vector.shape_cast %broadcast_in_dim3A_1106 : vector<16x1xi32> to vector<16xi32>
      %gather3A_1108 = tpu.dynamic_gather %add3A_1102[%gather3A_1107] in [0] : vector<16xf32>, vector<16xi32> -> vector<16xf32>
      %add3A_1109 = arith.addf %add3A_1102, %gather3A_1108 : vector<16xf32>
      %xor3A_1110 = arith.constant 1 : i32
      %xor3A_1111 = vector.broadcast %xor3A_1110 : i32 to vector<16xi32>
      %xor3A_1112 = arith.xori %iota3A, %xor3A_1111 : vector<16xi32>
      %broadcast_in_dim3A_1113 = vector.shape_cast %xor3A_1112 : vector<16xi32> to vector<16x1xi32>
      %gather3A_1114 = vector.shape_cast %broadcast_in_dim3A_1113 : vector<16x1xi32> to vector<16xi32>
      %gather3A_1115 = tpu.dynamic_gather %add3A_1109[%gather3A_1114] in [0] : vector<16xf32>, vector<16xi32> -> vector<16xf32>
      %add3A_1116 = arith.addf %add3A_1109, %gather3A_1115 : vector<16xf32>
      %mul3A_1117 = arith.constant 8 : i32
      %mul3A_1118 = arith.muli %scan3A_12, %mul3A_1117 : i32
      %add3A_1119 = arith.constant 4 : i32
      %add3A_1120 = arith.addi %mul3A_1118, %add3A_1119 : i32
      %broadcast_in_dim3A_1121 = vector.broadcast %add3A_1120 : i32 to vector<16xi32>
      %add3A_1122 = arith.addf %add3A_1116, %get3A_1 : vector<16xf32>
      tpu.vector_store_idx %arg14[%broadcast_in_dim3A_1121], %add3A_1122 masked %eq3A_3 : memref<128xf32, #tpu.memory_space<vmem>>[vector<16xi32>], vector<16xf32>, vector<16xi1>
      %scan3A_1123 = arith.constant 0 : i32
      %scan3A_1124 = arith.constant 10 : i32
      %scan3A_1125 = arith.addi %scan3A_1123, %scan3A_1124 : i32
      %scan3A_1126 = arith.constant 1 : i32
      %scan3A_1127:4 = scf.for %scan3A_2148 = %scan3A_1123 to %scan3A_1125 step %scan3A_1126 iter_args(%scan3A_2149 = %broadcast_in_dim3A_4, %scan3A_2150 = %broadcast_in_dim3A_4, %scan3A_2151 = %broadcast_in_dim3A_4, %scan3A_2152 = %broadcast_in_dim3A_4) -> (vector<16xf32>, vector<16xf32>, vector<16xf32>, vector<16xf32>)  : i32 {
        %mul3A_2153 = arith.constant 5 : i32
        %mul3A_2154 = arith.muli %scan3A_2148, %mul3A_2153 : i32
        %add3A_2155 = arith.constant 382 : i32
        %add3A_2156 = arith.addi %add3A_2155, %mul3A_2154 : i32
        %add3A_2157 = arith.constant 0 : i32
        %add3A_2158 = arith.addi %add3A_2156, %add3A_2157 : i32
        %get3A_2159 = arith.index_cast %add3A_2158 : i32 to index
        %get3A_2160 = arith.constant 0 : index
        %get3A_2161 = tpu.vector_load %arg12[%get3A_2159, %get3A_2160] {strides = array<i32>} : memref<576x128xf32, #tpu.memory_space<vmem>>, vector<16xf32>,
        %add3A_2162 = arith.addf %scan3A_2149, %get3A_2161 : vector<16xf32>
        %add3A_2163 = arith.constant 0 : i32
        %add3A_2164 = arith.addi %add3A_2156, %add3A_2163 : i32
        %get3A_2165 = arith.index_cast %add3A_2164 : i32 to index
        %get3A_2166 = arith.constant 16 : index
        %get3A_2167 = tpu.vector_load %arg12[%get3A_2165, %get3A_2166] {strides = array<i32>} : memref<576x128xf32, #tpu.memory_space<vmem>>, vector<16xf32>,
        %add3A_2168 = arith.addf %scan3A_2150, %get3A_2167 : vector<16xf32>
        %add3A_2169 = arith.constant 0 : i32
        %add3A_2170 = arith.addi %add3A_2156, %add3A_2169 : i32
        %get3A_2171 = arith.index_cast %add3A_2170 : i32 to index
        %get3A_2172 = arith.constant 32 : index
        %get3A_2173 = tpu.vector_load %arg12[%get3A_2171, %get3A_2172] {strides = array<i32>} : memref<576x128xf32, #tpu.memory_space<vmem>>, vector<16xf32>,
        %add3A_2174 = arith.addf %scan3A_2151, %get3A_2173 : vector<16xf32>
        %add3A_2175 = arith.constant 0 : i32
        %add3A_2176 = arith.addi %add3A_2156, %add3A_2175 : i32
        %get3A_2177 = arith.index_cast %add3A_2176 : i32 to index
        %get3A_2178 = arith.constant 48 : index
        %get3A_2179 = tpu.vector_load %arg12[%get3A_2177, %get3A_2178] {strides = array<i32>} : memref<576x128xf32, #tpu.memory_space<vmem>>, vector<16xf32>,
        %add3A_2180 = arith.addf %scan3A_2152, %get3A_2179 : vector<16xf32>
        %add3A_2181 = arith.constant 1 : i32
        %add3A_2182 = arith.addi %add3A_2156, %add3A_2181 : i32
        %get3A_2183 = arith.index_cast %add3A_2182 : i32 to index
        %get3A_2184 = arith.constant 0 : index
        %get3A_2185 = tpu.vector_load %arg12[%get3A_2183, %get3A_2184] {strides = array<i32>} : memref<576x128xf32, #tpu.memory_space<vmem>>, vector<16xf32>,
        %add3A_2186 = arith.addf %add3A_2162, %get3A_2185 : vector<16xf32>
        %add3A_2187 = arith.constant 1 : i32
        %add3A_2188 = arith.addi %add3A_2156, %add3A_2187 : i32
        %get3A_2189 = arith.index_cast %add3A_2188 : i32 to index
        %get3A_2190 = arith.constant 16 : index
        %get3A_2191 = tpu.vector_load %arg12[%get3A_2189, %get3A_2190] {strides = array<i32>} : memref<576x128xf32, #tpu.memory_space<vmem>>, vector<16xf32>,
        %add3A_2192 = arith.addf %add3A_2168, %get3A_2191 : vector<16xf32>
        %add3A_2193 = arith.constant 1 : i32
        %add3A_2194 = arith.addi %add3A_2156, %add3A_2193 : i32
        %get3A_2195 = arith.index_cast %add3A_2194 : i32 to index
        %get3A_2196 = arith.constant 32 : index
        %get3A_2197 = tpu.vector_load %arg12[%get3A_2195, %get3A_2196] {strides = array<i32>} : memref<576x128xf32, #tpu.memory_space<vmem>>, vector<16xf32>,
        %add3A_2198 = arith.addf %add3A_2174, %get3A_2197 : vector<16xf32>
        %add3A_2199 = arith.constant 1 : i32
        %add3A_2200 = arith.addi %add3A_2156, %add3A_2199 : i32
        %get3A_2201 = arith.index_cast %add3A_2200 : i32 to index
        %get3A_2202 = arith.constant 48 : index
        %get3A_2203 = tpu.vector_load %arg12[%get3A_2201, %get3A_2202] {strides = array<i32>} : memref<576x128xf32, #tpu.memory_space<vmem>>, vector<16xf32>,
        %add3A_2204 = arith.addf %add3A_2180, %get3A_2203 : vector<16xf32>
        %add3A_2205 = arith.constant 2 : i32
        %add3A_2206 = arith.addi %add3A_2156, %add3A_2205 : i32
        %get3A_2207 = arith.index_cast %add3A_2206 : i32 to index
        %get3A_2208 = arith.constant 0 : index
        %get3A_2209 = tpu.vector_load %arg12[%get3A_2207, %get3A_2208] {strides = array<i32>} : memref<576x128xf32, #tpu.memory_space<vmem>>, vector<16xf32>,
        %add3A_2210 = arith.addf %add3A_2186, %get3A_2209 : vector<16xf32>
        %add3A_2211 = arith.constant 2 : i32
        %add3A_2212 = arith.addi %add3A_2156, %add3A_2211 : i32
        %get3A_2213 = arith.index_cast %add3A_2212 : i32 to index
        %get3A_2214 = arith.constant 16 : index
        %get3A_2215 = tpu.vector_load %arg12[%get3A_2213, %get3A_2214] {strides = array<i32>} : memref<576x128xf32, #tpu.memory_space<vmem>>, vector<16xf32>,
        %add3A_2216 = arith.addf %add3A_2192, %get3A_2215 : vector<16xf32>
        %add3A_2217 = arith.constant 2 : i32
        %add3A_2218 = arith.addi %add3A_2156, %add3A_2217 : i32
        %get3A_2219 = arith.index_cast %add3A_2218 : i32 to index
        %get3A_2220 = arith.constant 32 : index
        %get3A_2221 = tpu.vector_load %arg12[%get3A_2219, %get3A_2220] {strides = array<i32>} : memref<576x128xf32, #tpu.memory_space<vmem>>, vector<16xf32>,
        %add3A_2222 = arith.addf %add3A_2198, %get3A_2221 : vector<16xf32>
        %add3A_2223 = arith.constant 2 : i32
        %add3A_2224 = arith.addi %add3A_2156, %add3A_2223 : i32
        %get3A_2225 = arith.index_cast %add3A_2224 : i32 to index
        %get3A_2226 = arith.constant 48 : index
        %get3A_2227 = tpu.vector_load %arg12[%get3A_2225, %get3A_2226] {strides = array<i32>} : memref<576x128xf32, #tpu.memory_space<vmem>>, vector<16xf32>,
        %add3A_2228 = arith.addf %add3A_2204, %get3A_2227 : vector<16xf32>
        %add3A_2229 = arith.constant 3 : i32
        %add3A_2230 = arith.addi %add3A_2156, %add3A_2229 : i32
        %get3A_2231 = arith.index_cast %add3A_2230 : i32 to index
        %get3A_2232 = arith.constant 0 : index
        %get3A_2233 = tpu.vector_load %arg12[%get3A_2231, %get3A_2232] {strides = array<i32>} : memref<576x128xf32, #tpu.memory_space<vmem>>, vector<16xf32>,
        %add3A_2234 = arith.addf %add3A_2210, %get3A_2233 : vector<16xf32>
        %add3A_2235 = arith.constant 3 : i32
        %add3A_2236 = arith.addi %add3A_2156, %add3A_2235 : i32
        %get3A_2237 = arith.index_cast %add3A_2236 : i32 to index
        %get3A_2238 = arith.constant 16 : index
        %get3A_2239 = tpu.vector_load %arg12[%get3A_2237, %get3A_2238] {strides = array<i32>} : memref<576x128xf32, #tpu.memory_space<vmem>>, vector<16xf32>,
        %add3A_2240 = arith.addf %add3A_2216, %get3A_2239 : vector<16xf32>
        %add3A_2241 = arith.constant 3 : i32
        %add3A_2242 = arith.addi %add3A_2156, %add3A_2241 : i32
        %get3A_2243 = arith.index_cast %add3A_2242 : i32 to index
        %get3A_2244 = arith.constant 32 : index
        %get3A_2245 = tpu.vector_load %arg12[%get3A_2243, %get3A_2244] {strides = array<i32>} : memref<576x128xf32, #tpu.memory_space<vmem>>, vector<16xf32>,
        %add3A_2246 = arith.addf %add3A_2222, %get3A_2245 : vector<16xf32>
        %add3A_2247 = arith.constant 3 : i32
        %add3A_2248 = arith.addi %add3A_2156, %add3A_2247 : i32
        %get3A_2249 = arith.index_cast %add3A_2248 : i32 to index
        %get3A_2250 = arith.constant 48 : index
        %get3A_2251 = tpu.vector_load %arg12[%get3A_2249, %get3A_2250] {strides = array<i32>} : memref<576x128xf32, #tpu.memory_space<vmem>>, vector<16xf32>,
        %add3A_2252 = arith.addf %add3A_2228, %get3A_2251 : vector<16xf32>
        %add3A_2253 = arith.constant 4 : i32
        %add3A_2254 = arith.addi %add3A_2156, %add3A_2253 : i32
        %get3A_2255 = arith.index_cast %add3A_2254 : i32 to index
        %get3A_2256 = arith.constant 0 : index
        %get3A_2257 = tpu.vector_load %arg12[%get3A_2255, %get3A_2256] {strides = array<i32>} : memref<576x128xf32, #tpu.memory_space<vmem>>, vector<16xf32>,
        %add3A_2258 = arith.addf %add3A_2234, %get3A_2257 : vector<16xf32>
        %add3A_2259 = arith.constant 4 : i32
        %add3A_2260 = arith.addi %add3A_2156, %add3A_2259 : i32
        %get3A_2261 = arith.index_cast %add3A_2260 : i32 to index
        %get3A_2262 = arith.constant 16 : index
        %get3A_2263 = tpu.vector_load %arg12[%get3A_2261, %get3A_2262] {strides = array<i32>} : memref<576x128xf32, #tpu.memory_space<vmem>>, vector<16xf32>,
        %add3A_2264 = arith.addf %add3A_2240, %get3A_2263 : vector<16xf32>
        %add3A_2265 = arith.constant 4 : i32
        %add3A_2266 = arith.addi %add3A_2156, %add3A_2265 : i32
        %get3A_2267 = arith.index_cast %add3A_2266 : i32 to index
        %get3A_2268 = arith.constant 32 : index
        %get3A_2269 = tpu.vector_load %arg12[%get3A_2267, %get3A_2268] {strides = array<i32>} : memref<576x128xf32, #tpu.memory_space<vmem>>, vector<16xf32>,
        %add3A_2270 = arith.addf %add3A_2246, %get3A_2269 : vector<16xf32>
        %add3A_2271 = arith.constant 4 : i32
        %add3A_2272 = arith.addi %add3A_2156, %add3A_2271 : i32
        %get3A_2273 = arith.index_cast %add3A_2272 : i32 to index
        %get3A_2274 = arith.constant 48 : index
        %get3A_2275 = tpu.vector_load %arg12[%get3A_2273, %get3A_2274] {strides = array<i32>} : memref<576x128xf32, #tpu.memory_space<vmem>>, vector<16xf32>,
        %add3A_2276 = arith.addf %add3A_2252, %get3A_2275 : vector<16xf32>
        scf.yield %add3A_2258, %add3A_2264, %add3A_2270, %add3A_2276 : vector<16xf32>, vector<16xf32>, vector<16xf32>, vector<16xf32>
      }
      %scan3A_1128 = arith.constant 10 : i32
      %scan3A_1129 = arith.constant 0 : i32
      %scan3A_1130 = arith.constant 5 : i32
      %scan3A_1131 = arith.addi %scan3A_1129, %scan3A_1130 : i32
      %scan3A_1132 = arith.constant 1 : i32
      %scan3A_1133:8 = scf.for %scan3A_2148 = %scan3A_1129 to %scan3A_1131 step %scan3A_1132 iter_args(%scan3A_2149 = %broadcast_in_dim3A_4, %scan3A_2150 = %broadcast_in_dim3A_4, %scan3A_2151 = %broadcast_in_dim3A_4, %scan3A_2152 = %broadcast_in_dim3A_4, %scan3A_2153 = %broadcast_in_dim3A_4, %scan3A_2154 = %broadcast_in_dim3A_4, %scan3A_2155 = %broadcast_in_dim3A_4, %scan3A_2156 = %broadcast_in_dim3A_4) -> (vector<16xf32>, vector<16xf32>, vector<16xf32>, vector<16xf32>, vector<16xf32>, vector<16xf32>, vector<16xf32>, vector<16xf32>)  : i32 {
        %mul3A_2157 = arith.constant 4 : i32
        %mul3A_2158 = arith.muli %scan3A_2148, %mul3A_2157 : i32
        %add3A_2159 = arith.constant 362 : i32
        %add3A_2160 = arith.addi %add3A_2159, %mul3A_2158 : i32
        %add3A_2161 = arith.constant 0 : i32
        %add3A_2162 = arith.addi %add3A_2160, %add3A_2161 : i32
        %get3A_2163 = arith.index_cast %add3A_2162 : i32 to index
        %get3A_2164 = arith.constant 0 : index
        %get3A_2165 = tpu.vector_load %arg12[%get3A_2163, %get3A_2164] {strides = array<i32>} : memref<576x128xf32, #tpu.memory_space<vmem>>, vector<16xf32>,
        %add3A_2166 = arith.addf %scan3A_2149, %get3A_2165 : vector<16xf32>
        %mul3A_2167 = arith.mulf %get3A_2165, %get3A_2165 : vector<16xf32>
        %add3A_2168 = arith.addf %scan3A_2153, %mul3A_2167 : vector<16xf32>
        %add3A_2169 = arith.constant 0 : i32
        %add3A_2170 = arith.addi %add3A_2160, %add3A_2169 : i32
        %get3A_2171 = arith.index_cast %add3A_2170 : i32 to index
        %get3A_2172 = arith.constant 16 : index
        %get3A_2173 = tpu.vector_load %arg12[%get3A_2171, %get3A_2172] {strides = array<i32>} : memref<576x128xf32, #tpu.memory_space<vmem>>, vector<16xf32>,
        %add3A_2174 = arith.addf %scan3A_2150, %get3A_2173 : vector<16xf32>
        %mul3A_2175 = arith.mulf %get3A_2173, %get3A_2173 : vector<16xf32>
        %add3A_2176 = arith.addf %scan3A_2154, %mul3A_2175 : vector<16xf32>
        %add3A_2177 = arith.constant 0 : i32
        %add3A_2178 = arith.addi %add3A_2160, %add3A_2177 : i32
        %get3A_2179 = arith.index_cast %add3A_2178 : i32 to index
        %get3A_2180 = arith.constant 32 : index
        %get3A_2181 = tpu.vector_load %arg12[%get3A_2179, %get3A_2180] {strides = array<i32>} : memref<576x128xf32, #tpu.memory_space<vmem>>, vector<16xf32>,
        %add3A_2182 = arith.addf %scan3A_2151, %get3A_2181 : vector<16xf32>
        %mul3A_2183 = arith.mulf %get3A_2181, %get3A_2181 : vector<16xf32>
        %add3A_2184 = arith.addf %scan3A_2155, %mul3A_2183 : vector<16xf32>
        %add3A_2185 = arith.constant 0 : i32
        %add3A_2186 = arith.addi %add3A_2160, %add3A_2185 : i32
        %get3A_2187 = arith.index_cast %add3A_2186 : i32 to index
        %get3A_2188 = arith.constant 48 : index
        %get3A_2189 = tpu.vector_load %arg12[%get3A_2187, %get3A_2188] {strides = array<i32>} : memref<576x128xf32, #tpu.memory_space<vmem>>, vector<16xf32>,
        %add3A_2190 = arith.addf %scan3A_2152, %get3A_2189 : vector<16xf32>
        %mul3A_2191 = arith.mulf %get3A_2189, %get3A_2189 : vector<16xf32>
        %add3A_2192 = arith.addf %scan3A_2156, %mul3A_2191 : vector<16xf32>
        %add3A_2193 = arith.constant 1 : i32
        %add3A_2194 = arith.addi %add3A_2160, %add3A_2193 : i32
        %get3A_2195 = arith.index_cast %add3A_2194 : i32 to index
        %get3A_2196 = arith.constant 0 : index
        %get3A_2197 = tpu.vector_load %arg12[%get3A_2195, %get3A_2196] {strides = array<i32>} : memref<576x128xf32, #tpu.memory_space<vmem>>, vector<16xf32>,
        %add3A_2198 = arith.addf %add3A_2166, %get3A_2197 : vector<16xf32>
        %mul3A_2199 = arith.mulf %get3A_2197, %get3A_2197 : vector<16xf32>
        %add3A_2200 = arith.addf %add3A_2168, %mul3A_2199 : vector<16xf32>
        %add3A_2201 = arith.constant 1 : i32
        %add3A_2202 = arith.addi %add3A_2160, %add3A_2201 : i32
        %get3A_2203 = arith.index_cast %add3A_2202 : i32 to index
        %get3A_2204 = arith.constant 16 : index
        %get3A_2205 = tpu.vector_load %arg12[%get3A_2203, %get3A_2204] {strides = array<i32>} : memref<576x128xf32, #tpu.memory_space<vmem>>, vector<16xf32>,
        %add3A_2206 = arith.addf %add3A_2174, %get3A_2205 : vector<16xf32>
        %mul3A_2207 = arith.mulf %get3A_2205, %get3A_2205 : vector<16xf32>
        %add3A_2208 = arith.addf %add3A_2176, %mul3A_2207 : vector<16xf32>
        %add3A_2209 = arith.constant 1 : i32
        %add3A_2210 = arith.addi %add3A_2160, %add3A_2209 : i32
        %get3A_2211 = arith.index_cast %add3A_2210 : i32 to index
        %get3A_2212 = arith.constant 32 : index
        %get3A_2213 = tpu.vector_load %arg12[%get3A_2211, %get3A_2212] {strides = array<i32>} : memref<576x128xf32, #tpu.memory_space<vmem>>, vector<16xf32>,
        %add3A_2214 = arith.addf %add3A_2182, %get3A_2213 : vector<16xf32>
        %mul3A_2215 = arith.mulf %get3A_2213, %get3A_2213 : vector<16xf32>
        %add3A_2216 = arith.addf %add3A_2184, %mul3A_2215 : vector<16xf32>
        %add3A_2217 = arith.constant 1 : i32
        %add3A_2218 = arith.addi %add3A_2160, %add3A_2217 : i32
        %get3A_2219 = arith.index_cast %add3A_2218 : i32 to index
        %get3A_2220 = arith.constant 48 : index
        %get3A_2221 = tpu.vector_load %arg12[%get3A_2219, %get3A_2220] {strides = array<i32>} : memref<576x128xf32, #tpu.memory_space<vmem>>, vector<16xf32>,
        %add3A_2222 = arith.addf %add3A_2190, %get3A_2221 : vector<16xf32>
        %mul3A_2223 = arith.mulf %get3A_2221, %get3A_2221 : vector<16xf32>
        %add3A_2224 = arith.addf %add3A_2192, %mul3A_2223 : vector<16xf32>
        %add3A_2225 = arith.constant 2 : i32
        %add3A_2226 = arith.addi %add3A_2160, %add3A_2225 : i32
        %get3A_2227 = arith.index_cast %add3A_2226 : i32 to index
        %get3A_2228 = arith.constant 0 : index
        %get3A_2229 = tpu.vector_load %arg12[%get3A_2227, %get3A_2228] {strides = array<i32>} : memref<576x128xf32, #tpu.memory_space<vmem>>, vector<16xf32>,
        %add3A_2230 = arith.addf %add3A_2198, %get3A_2229 : vector<16xf32>
        %mul3A_2231 = arith.mulf %get3A_2229, %get3A_2229 : vector<16xf32>
        %add3A_2232 = arith.addf %add3A_2200, %mul3A_2231 : vector<16xf32>
        %add3A_2233 = arith.constant 2 : i32
        %add3A_2234 = arith.addi %add3A_2160, %add3A_2233 : i32
        %get3A_2235 = arith.index_cast %add3A_2234 : i32 to index
        %get3A_2236 = arith.constant 16 : index
        %get3A_2237 = tpu.vector_load %arg12[%get3A_2235, %get3A_2236] {strides = array<i32>} : memref<576x128xf32, #tpu.memory_space<vmem>>, vector<16xf32>,
        %add3A_2238 = arith.addf %add3A_2206, %get3A_2237 : vector<16xf32>
        %mul3A_2239 = arith.mulf %get3A_2237, %get3A_2237 : vector<16xf32>
        %add3A_2240 = arith.addf %add3A_2208, %mul3A_2239 : vector<16xf32>
        %add3A_2241 = arith.constant 2 : i32
        %add3A_2242 = arith.addi %add3A_2160, %add3A_2241 : i32
        %get3A_2243 = arith.index_cast %add3A_2242 : i32 to index
        %get3A_2244 = arith.constant 32 : index
        %get3A_2245 = tpu.vector_load %arg12[%get3A_2243, %get3A_2244] {strides = array<i32>} : memref<576x128xf32, #tpu.memory_space<vmem>>, vector<16xf32>,
        %add3A_2246 = arith.addf %add3A_2214, %get3A_2245 : vector<16xf32>
        %mul3A_2247 = arith.mulf %get3A_2245, %get3A_2245 : vector<16xf32>
        %add3A_2248 = arith.addf %add3A_2216, %mul3A_2247 : vector<16xf32>
        %add3A_2249 = arith.constant 2 : i32
        %add3A_2250 = arith.addi %add3A_2160, %add3A_2249 : i32
        %get3A_2251 = arith.index_cast %add3A_2250 : i32 to index
        %get3A_2252 = arith.constant 48 : index
        %get3A_2253 = tpu.vector_load %arg12[%get3A_2251, %get3A_2252] {strides = array<i32>} : memref<576x128xf32, #tpu.memory_space<vmem>>, vector<16xf32>,
        %add3A_2254 = arith.addf %add3A_2222, %get3A_2253 : vector<16xf32>
        %mul3A_2255 = arith.mulf %get3A_2253, %get3A_2253 : vector<16xf32>
        %add3A_2256 = arith.addf %add3A_2224, %mul3A_2255 : vector<16xf32>
        %add3A_2257 = arith.constant 3 : i32
        %add3A_2258 = arith.addi %add3A_2160, %add3A_2257 : i32
        %get3A_2259 = arith.index_cast %add3A_2258 : i32 to index
        %get3A_2260 = arith.constant 0 : index
        %get3A_2261 = tpu.vector_load %arg12[%get3A_2259, %get3A_2260] {strides = array<i32>} : memref<576x128xf32, #tpu.memory_space<vmem>>, vector<16xf32>,
        %add3A_2262 = arith.addf %add3A_2230, %get3A_2261 : vector<16xf32>
        %mul3A_2263 = arith.mulf %get3A_2261, %get3A_2261 : vector<16xf32>
        %add3A_2264 = arith.addf %add3A_2232, %mul3A_2263 : vector<16xf32>
        %add3A_2265 = arith.constant 3 : i32
        %add3A_2266 = arith.addi %add3A_2160, %add3A_2265 : i32
        %get3A_2267 = arith.index_cast %add3A_2266 : i32 to index
        %get3A_2268 = arith.constant 16 : index
        %get3A_2269 = tpu.vector_load %arg12[%get3A_2267, %get3A_2268] {strides = array<i32>} : memref<576x128xf32, #tpu.memory_space<vmem>>, vector<16xf32>,
        %add3A_2270 = arith.addf %add3A_2238, %get3A_2269 : vector<16xf32>
        %mul3A_2271 = arith.mulf %get3A_2269, %get3A_2269 : vector<16xf32>
        %add3A_2272 = arith.addf %add3A_2240, %mul3A_2271 : vector<16xf32>
        %add3A_2273 = arith.constant 3 : i32
        %add3A_2274 = arith.addi %add3A_2160, %add3A_2273 : i32
        %get3A_2275 = arith.index_cast %add3A_2274 : i32 to index
        %get3A_2276 = arith.constant 32 : index
        %get3A_2277 = tpu.vector_load %arg12[%get3A_2275, %get3A_2276] {strides = array<i32>} : memref<576x128xf32, #tpu.memory_space<vmem>>, vector<16xf32>,
        %add3A_2278 = arith.addf %add3A_2246, %get3A_2277 : vector<16xf32>
        %mul3A_2279 = arith.mulf %get3A_2277, %get3A_2277 : vector<16xf32>
        %add3A_2280 = arith.addf %add3A_2248, %mul3A_2279 : vector<16xf32>
        %add3A_2281 = arith.constant 3 : i32
        %add3A_2282 = arith.addi %add3A_2160, %add3A_2281 : i32
        %get3A_2283 = arith.index_cast %add3A_2282 : i32 to index
        %get3A_2284 = arith.constant 48 : index
        %get3A_2285 = tpu.vector_load %arg12[%get3A_2283, %get3A_2284] {strides = array<i32>} : memref<576x128xf32, #tpu.memory_space<vmem>>, vector<16xf32>,
        %add3A_2286 = arith.addf %add3A_2254, %get3A_2285 : vector<16xf32>
        %mul3A_2287 = arith.mulf %get3A_2285, %get3A_2285 : vector<16xf32>
        %add3A_2288 = arith.addf %add3A_2256, %mul3A_2287 : vector<16xf32>
        scf.yield %add3A_2262, %add3A_2270, %add3A_2278, %add3A_2286, %add3A_2264, %add3A_2272, %add3A_2280, %add3A_2288 : vector<16xf32>, vector<16xf32>, vector<16xf32>, vector<16xf32>, vector<16xf32>, vector<16xf32>, vector<16xf32>, vector<16xf32>
      }
      %scan3A_1134 = arith.constant 5 : i32
      %get3A_1135 = arith.constant 360 : i32
      %get3A_1136 = arith.index_cast %get3A_1135 : i32 to index
      %get3A_1137 = arith.constant 0 : index
      %get3A_1138 = tpu.vector_load %arg12[%get3A_1136, %get3A_1137] {strides = array<i32>} : memref<576x128xf32, #tpu.memory_space<vmem>>, vector<16xf32>,
      %get3A_1139 = arith.constant 361 : i32
      %get3A_1140 = arith.index_cast %get3A_1139 : i32 to index
      %get3A_1141 = arith.constant 0 : index
      %get3A_1142 = tpu.vector_load %arg12[%get3A_1140, %get3A_1141] {strides = array<i32>} : memref<576x128xf32, #tpu.memory_space<vmem>>, vector<16xf32>,
      %add3A_1143 = arith.addf %get3A_1138, %get3A_1142 : vector<16xf32>
      %mul3A_1144 = arith.mulf %get3A_1138, %get3A_1138 : vector<16xf32>
      %mul3A_1145 = arith.mulf %get3A_1142, %get3A_1142 : vector<16xf32>
      %add3A_1146 = arith.addf %mul3A_1144, %mul3A_1145 : vector<16xf32>
      %add3A_1147 = arith.addf %add3A_1143, %scan3A_1133#0 : vector<16xf32>
      %mul3A_1148 = arith.mulf %add3A_1147, %add3A_1147 : vector<16xf32>
      %mul3A_1149 = arith.constant 5.000000e-01 : f32
      %mul3A_1150 = vector.broadcast %mul3A_1149 : f32 to vector<16xf32>
      %mul3A_1151 = arith.mulf %mul3A_1150, %mul3A_1148 : vector<16xf32>
      %mul3A_1152 = arith.mulf %scan3A_1127#0, %scan3A_1133#0 : vector<16xf32>
      %add3A_1153 = arith.addf %mul3A_1151, %mul3A_1152 : vector<16xf32>
      %mul3A_1154 = arith.constant 5.000000e-01 : f32
      %mul3A_1155 = vector.broadcast %mul3A_1154 : f32 to vector<16xf32>
      %mul3A_1156 = arith.mulf %mul3A_1155, %add3A_1146 : vector<16xf32>
      %sub3A_1157 = arith.subf %add3A_1153, %mul3A_1156 : vector<16xf32>
      %mul3A_1158 = arith.constant 5.000000e-01 : f32
      %mul3A_1159 = vector.broadcast %mul3A_1158 : f32 to vector<16xf32>
      %mul3A_1160 = arith.mulf %mul3A_1159, %scan3A_1133#4 : vector<16xf32>
      %sub3A_1161 = arith.subf %sub3A_1157, %mul3A_1160 : vector<16xf32>
      %add3A_1162 = arith.addf %broadcast_in_dim3A_4, %sub3A_1161 : vector<16xf32>
      %get3A_1163 = arith.constant 360 : i32
      %get3A_1164 = arith.index_cast %get3A_1163 : i32 to index
      %get3A_1165 = arith.constant 16 : index
      %get3A_1166 = tpu.vector_load %arg12[%get3A_1164, %get3A_1165] {strides = array<i32>} : memref<576x128xf32, #tpu.memory_space<vmem>>, vector<16xf32>,
      %get3A_1167 = arith.constant 361 : i32
      %get3A_1168 = arith.index_cast %get3A_1167 : i32 to index
      %get3A_1169 = arith.constant 16 : index
      %get3A_1170 = tpu.vector_load %arg12[%get3A_1168, %get3A_1169] {strides = array<i32>} : memref<576x128xf32, #tpu.memory_space<vmem>>, vector<16xf32>,
      %add3A_1171 = arith.addf %get3A_1166, %get3A_1170 : vector<16xf32>
      %mul3A_1172 = arith.mulf %get3A_1166, %get3A_1166 : vector<16xf32>
      %mul3A_1173 = arith.mulf %get3A_1170, %get3A_1170 : vector<16xf32>
      %add3A_1174 = arith.addf %mul3A_1172, %mul3A_1173 : vector<16xf32>
      %add3A_1175 = arith.addf %add3A_1171, %scan3A_1133#1 : vector<16xf32>
      %mul3A_1176 = arith.mulf %add3A_1175, %add3A_1175 : vector<16xf32>
      %mul3A_1177 = arith.constant 5.000000e-01 : f32
      %mul3A_1178 = vector.broadcast %mul3A_1177 : f32 to vector<16xf32>
      %mul3A_1179 = arith.mulf %mul3A_1178, %mul3A_1176 : vector<16xf32>
      %mul3A_1180 = arith.mulf %scan3A_1127#1, %scan3A_1133#1 : vector<16xf32>
      %add3A_1181 = arith.addf %mul3A_1179, %mul3A_1180 : vector<16xf32>
      %mul3A_1182 = arith.constant 5.000000e-01 : f32
      %mul3A_1183 = vector.broadcast %mul3A_1182 : f32 to vector<16xf32>
      %mul3A_1184 = arith.mulf %mul3A_1183, %add3A_1174 : vector<16xf32>
      %sub3A_1185 = arith.subf %add3A_1181, %mul3A_1184 : vector<16xf32>
      %mul3A_1186 = arith.constant 5.000000e-01 : f32
      %mul3A_1187 = vector.broadcast %mul3A_1186 : f32 to vector<16xf32>
      %mul3A_1188 = arith.mulf %mul3A_1187, %scan3A_1133#5 : vector<16xf32>
      %sub3A_1189 = arith.subf %sub3A_1185, %mul3A_1188 : vector<16xf32>
      %add3A_1190 = arith.addf %add3A_1162, %sub3A_1189 : vector<16xf32>
      %get3A_1191 = arith.constant 360 : i32
      %get3A_1192 = arith.index_cast %get3A_1191 : i32 to index
      %get3A_1193 = arith.constant 32 : index
      %get3A_1194 = tpu.vector_load %arg12[%get3A_1192, %get3A_1193] {strides = array<i32>} : memref<576x128xf32, #tpu.memory_space<vmem>>, vector<16xf32>,
      %get3A_1195 = arith.constant 361 : i32
      %get3A_1196 = arith.index_cast %get3A_1195 : i32 to index
      %get3A_1197 = arith.constant 32 : index
      %get3A_1198 = tpu.vector_load %arg12[%get3A_1196, %get3A_1197] {strides = array<i32>} : memref<576x128xf32, #tpu.memory_space<vmem>>, vector<16xf32>,
      %add3A_1199 = arith.addf %get3A_1194, %get3A_1198 : vector<16xf32>
      %mul3A_1200 = arith.mulf %get3A_1194, %get3A_1194 : vector<16xf32>
      %mul3A_1201 = arith.mulf %get3A_1198, %get3A_1198 : vector<16xf32>
      %add3A_1202 = arith.addf %mul3A_1200, %mul3A_1201 : vector<16xf32>
      %add3A_1203 = arith.addf %add3A_1199, %scan3A_1133#2 : vector<16xf32>
      %mul3A_1204 = arith.mulf %add3A_1203, %add3A_1203 : vector<16xf32>
      %mul3A_1205 = arith.constant 5.000000e-01 : f32
      %mul3A_1206 = vector.broadcast %mul3A_1205 : f32 to vector<16xf32>
      %mul3A_1207 = arith.mulf %mul3A_1206, %mul3A_1204 : vector<16xf32>
      %mul3A_1208 = arith.mulf %scan3A_1127#2, %scan3A_1133#2 : vector<16xf32>
      %add3A_1209 = arith.addf %mul3A_1207, %mul3A_1208 : vector<16xf32>
      %mul3A_1210 = arith.constant 5.000000e-01 : f32
      %mul3A_1211 = vector.broadcast %mul3A_1210 : f32 to vector<16xf32>
      %mul3A_1212 = arith.mulf %mul3A_1211, %add3A_1202 : vector<16xf32>
      %sub3A_1213 = arith.subf %add3A_1209, %mul3A_1212 : vector<16xf32>
      %mul3A_1214 = arith.constant 5.000000e-01 : f32
      %mul3A_1215 = vector.broadcast %mul3A_1214 : f32 to vector<16xf32>
      %mul3A_1216 = arith.mulf %mul3A_1215, %scan3A_1133#6 : vector<16xf32>
      %sub3A_1217 = arith.subf %sub3A_1213, %mul3A_1216 : vector<16xf32>
      %add3A_1218 = arith.addf %add3A_1190, %sub3A_1217 : vector<16xf32>
      %get3A_1219 = arith.constant 360 : i32
      %get3A_1220 = arith.index_cast %get3A_1219 : i32 to index
      %get3A_1221 = arith.constant 48 : index
      %get3A_1222 = tpu.vector_load %arg12[%get3A_1220, %get3A_1221] {strides = array<i32>} : memref<576x128xf32, #tpu.memory_space<vmem>>, vector<16xf32>,
      %get3A_1223 = arith.constant 361 : i32
      %get3A_1224 = arith.index_cast %get3A_1223 : i32 to index
      %get3A_1225 = arith.constant 48 : index
      %get3A_1226 = tpu.vector_load %arg12[%get3A_1224, %get3A_1225] {strides = array<i32>} : memref<576x128xf32, #tpu.memory_space<vmem>>, vector<16xf32>,
      %add3A_1227 = arith.addf %get3A_1222, %get3A_1226 : vector<16xf32>
      %mul3A_1228 = arith.mulf %get3A_1222, %get3A_1222 : vector<16xf32>
      %mul3A_1229 = arith.mulf %get3A_1226, %get3A_1226 : vector<16xf32>
      %add3A_1230 = arith.addf %mul3A_1228, %mul3A_1229 : vector<16xf32>
      %add3A_1231 = arith.addf %add3A_1227, %scan3A_1133#3 : vector<16xf32>
      %mul3A_1232 = arith.mulf %add3A_1231, %add3A_1231 : vector<16xf32>
      %mul3A_1233 = arith.constant 5.000000e-01 : f32
      %mul3A_1234 = vector.broadcast %mul3A_1233 : f32 to vector<16xf32>
      %mul3A_1235 = arith.mulf %mul3A_1234, %mul3A_1232 : vector<16xf32>
      %mul3A_1236 = arith.mulf %scan3A_1127#3, %scan3A_1133#3 : vector<16xf32>
      %add3A_1237 = arith.addf %mul3A_1235, %mul3A_1236 : vector<16xf32>
      %mul3A_1238 = arith.constant 5.000000e-01 : f32
      %mul3A_1239 = vector.broadcast %mul3A_1238 : f32 to vector<16xf32>
      %mul3A_1240 = arith.mulf %mul3A_1239, %add3A_1230 : vector<16xf32>
      %sub3A_1241 = arith.subf %add3A_1237, %mul3A_1240 : vector<16xf32>
      %mul3A_1242 = arith.constant 5.000000e-01 : f32
      %mul3A_1243 = vector.broadcast %mul3A_1242 : f32 to vector<16xf32>
      %mul3A_1244 = arith.mulf %mul3A_1243, %scan3A_1133#7 : vector<16xf32>
      %sub3A_1245 = arith.subf %sub3A_1241, %mul3A_1244 : vector<16xf32>
      %add3A_1246 = arith.addf %add3A_1218, %sub3A_1245 : vector<16xf32>
      %xor3A_1247 = arith.constant 8 : i32
      %xor3A_1248 = vector.broadcast %xor3A_1247 : i32 to vector<16xi32>
      %xor3A_1249 = arith.xori %iota3A, %xor3A_1248 : vector<16xi32>
      %broadcast_in_dim3A_1250 = vector.shape_cast %xor3A_1249 : vector<16xi32> to vector<16x1xi32>
      %gather3A_1251 = vector.shape_cast %broadcast_in_dim3A_1250 : vector<16x1xi32> to vector<16xi32>
      %gather3A_1252 = tpu.dynamic_gather %add3A_1246[%gather3A_1251] in [0] : vector<16xf32>, vector<16xi32> -> vector<16xf32>
      %add3A_1253 = arith.addf %add3A_1246, %gather3A_1252 : vector<16xf32>
      %xor3A_1254 = arith.constant 4 : i32
      %xor3A_1255 = vector.broadcast %xor3A_1254 : i32 to vector<16xi32>
      %xor3A_1256 = arith.xori %iota3A, %xor3A_1255 : vector<16xi32>
      %broadcast_in_dim3A_1257 = vector.shape_cast %xor3A_1256 : vector<16xi32> to vector<16x1xi32>
      %gather3A_1258 = vector.shape_cast %broadcast_in_dim3A_1257 : vector<16x1xi32> to vector<16xi32>
      %gather3A_1259 = tpu.dynamic_gather %add3A_1253[%gather3A_1258] in [0] : vector<16xf32>, vector<16xi32> -> vector<16xf32>
      %add3A_1260 = arith.addf %add3A_1253, %gather3A_1259 : vector<16xf32>
      %xor3A_1261 = arith.constant 2 : i32
      %xor3A_1262 = vector.broadcast %xor3A_1261 : i32 to vector<16xi32>
      %xor3A_1263 = arith.xori %iota3A, %xor3A_1262 : vector<16xi32>
      %broadcast_in_dim3A_1264 = vector.shape_cast %xor3A_1263 : vector<16xi32> to vector<16x1xi32>
      %gather3A_1265 = vector.shape_cast %broadcast_in_dim3A_1264 : vector<16x1xi32> to vector<16xi32>
      %gather3A_1266 = tpu.dynamic_gather %add3A_1260[%gather3A_1265] in [0] : vector<16xf32>, vector<16xi32> -> vector<16xf32>
      %add3A_1267 = arith.addf %add3A_1260, %gather3A_1266 : vector<16xf32>
      %xor3A_1268 = arith.constant 1 : i32
      %xor3A_1269 = vector.broadcast %xor3A_1268 : i32 to vector<16xi32>
      %xor3A_1270 = arith.xori %iota3A, %xor3A_1269 : vector<16xi32>
      %broadcast_in_dim3A_1271 = vector.shape_cast %xor3A_1270 : vector<16xi32> to vector<16x1xi32>
      %gather3A_1272 = vector.shape_cast %broadcast_in_dim3A_1271 : vector<16x1xi32> to vector<16xi32>
      %gather3A_1273 = tpu.dynamic_gather %add3A_1267[%gather3A_1272] in [0] : vector<16xf32>, vector<16xi32> -> vector<16xf32>
      %add3A_1274 = arith.addf %add3A_1267, %gather3A_1273 : vector<16xf32>
      %mul3A_1275 = arith.constant 8 : i32
      %mul3A_1276 = arith.muli %scan3A_12, %mul3A_1275 : i32
      %add3A_1277 = arith.constant 5 : i32
      %add3A_1278 = arith.addi %mul3A_1276, %add3A_1277 : i32
      %broadcast_in_dim3A_1279 = vector.broadcast %add3A_1278 : i32 to vector<16xi32>
      %add3A_1280 = arith.addf %add3A_1274, %get3A_1 : vector<16xf32>
      tpu.vector_store_idx %arg14[%broadcast_in_dim3A_1279], %add3A_1280 masked %eq3A_3 : memref<128xf32, #tpu.memory_space<vmem>>[vector<16xi32>], vector<16xf32>, vector<16xi1>
      %scan3A_1281 = arith.constant 0 : i32
      %scan3A_1282 = arith.constant 10 : i32
      %scan3A_1283 = arith.addi %scan3A_1281, %scan3A_1282 : i32
      %scan3A_1284 = arith.constant 1 : i32
      %scan3A_1285:4 = scf.for %scan3A_2148 = %scan3A_1281 to %scan3A_1283 step %scan3A_1284 iter_args(%scan3A_2149 = %broadcast_in_dim3A_4, %scan3A_2150 = %broadcast_in_dim3A_4, %scan3A_2151 = %broadcast_in_dim3A_4, %scan3A_2152 = %broadcast_in_dim3A_4) -> (vector<16xf32>, vector<16xf32>, vector<16xf32>, vector<16xf32>)  : i32 {
        %mul3A_2153 = arith.constant 5 : i32
        %mul3A_2154 = arith.muli %scan3A_2148, %mul3A_2153 : i32
        %add3A_2155 = arith.constant 454 : i32
        %add3A_2156 = arith.addi %add3A_2155, %mul3A_2154 : i32
        %add3A_2157 = arith.constant 0 : i32
        %add3A_2158 = arith.addi %add3A_2156, %add3A_2157 : i32
        %get3A_2159 = arith.index_cast %add3A_2158 : i32 to index
        %get3A_2160 = arith.constant 0 : index
        %get3A_2161 = tpu.vector_load %arg12[%get3A_2159, %get3A_2160] {strides = array<i32>} : memref<576x128xf32, #tpu.memory_space<vmem>>, vector<16xf32>,
        %add3A_2162 = arith.addf %scan3A_2149, %get3A_2161 : vector<16xf32>
        %add3A_2163 = arith.constant 0 : i32
        %add3A_2164 = arith.addi %add3A_2156, %add3A_2163 : i32
        %get3A_2165 = arith.index_cast %add3A_2164 : i32 to index
        %get3A_2166 = arith.constant 16 : index
        %get3A_2167 = tpu.vector_load %arg12[%get3A_2165, %get3A_2166] {strides = array<i32>} : memref<576x128xf32, #tpu.memory_space<vmem>>, vector<16xf32>,
        %add3A_2168 = arith.addf %scan3A_2150, %get3A_2167 : vector<16xf32>
        %add3A_2169 = arith.constant 0 : i32
        %add3A_2170 = arith.addi %add3A_2156, %add3A_2169 : i32
        %get3A_2171 = arith.index_cast %add3A_2170 : i32 to index
        %get3A_2172 = arith.constant 32 : index
        %get3A_2173 = tpu.vector_load %arg12[%get3A_2171, %get3A_2172] {strides = array<i32>} : memref<576x128xf32, #tpu.memory_space<vmem>>, vector<16xf32>,
        %add3A_2174 = arith.addf %scan3A_2151, %get3A_2173 : vector<16xf32>
        %add3A_2175 = arith.constant 0 : i32
        %add3A_2176 = arith.addi %add3A_2156, %add3A_2175 : i32
        %get3A_2177 = arith.index_cast %add3A_2176 : i32 to index
        %get3A_2178 = arith.constant 48 : index
        %get3A_2179 = tpu.vector_load %arg12[%get3A_2177, %get3A_2178] {strides = array<i32>} : memref<576x128xf32, #tpu.memory_space<vmem>>, vector<16xf32>,
        %add3A_2180 = arith.addf %scan3A_2152, %get3A_2179 : vector<16xf32>
        %add3A_2181 = arith.constant 1 : i32
        %add3A_2182 = arith.addi %add3A_2156, %add3A_2181 : i32
        %get3A_2183 = arith.index_cast %add3A_2182 : i32 to index
        %get3A_2184 = arith.constant 0 : index
        %get3A_2185 = tpu.vector_load %arg12[%get3A_2183, %get3A_2184] {strides = array<i32>} : memref<576x128xf32, #tpu.memory_space<vmem>>, vector<16xf32>,
        %add3A_2186 = arith.addf %add3A_2162, %get3A_2185 : vector<16xf32>
        %add3A_2187 = arith.constant 1 : i32
        %add3A_2188 = arith.addi %add3A_2156, %add3A_2187 : i32
        %get3A_2189 = arith.index_cast %add3A_2188 : i32 to index
        %get3A_2190 = arith.constant 16 : index
        %get3A_2191 = tpu.vector_load %arg12[%get3A_2189, %get3A_2190] {strides = array<i32>} : memref<576x128xf32, #tpu.memory_space<vmem>>, vector<16xf32>,
        %add3A_2192 = arith.addf %add3A_2168, %get3A_2191 : vector<16xf32>
        %add3A_2193 = arith.constant 1 : i32
        %add3A_2194 = arith.addi %add3A_2156, %add3A_2193 : i32
        %get3A_2195 = arith.index_cast %add3A_2194 : i32 to index
        %get3A_2196 = arith.constant 32 : index
        %get3A_2197 = tpu.vector_load %arg12[%get3A_2195, %get3A_2196] {strides = array<i32>} : memref<576x128xf32, #tpu.memory_space<vmem>>, vector<16xf32>,
        %add3A_2198 = arith.addf %add3A_2174, %get3A_2197 : vector<16xf32>
        %add3A_2199 = arith.constant 1 : i32
        %add3A_2200 = arith.addi %add3A_2156, %add3A_2199 : i32
        %get3A_2201 = arith.index_cast %add3A_2200 : i32 to index
        %get3A_2202 = arith.constant 48 : index
        %get3A_2203 = tpu.vector_load %arg12[%get3A_2201, %get3A_2202] {strides = array<i32>} : memref<576x128xf32, #tpu.memory_space<vmem>>, vector<16xf32>,
        %add3A_2204 = arith.addf %add3A_2180, %get3A_2203 : vector<16xf32>
        %add3A_2205 = arith.constant 2 : i32
        %add3A_2206 = arith.addi %add3A_2156, %add3A_2205 : i32
        %get3A_2207 = arith.index_cast %add3A_2206 : i32 to index
        %get3A_2208 = arith.constant 0 : index
        %get3A_2209 = tpu.vector_load %arg12[%get3A_2207, %get3A_2208] {strides = array<i32>} : memref<576x128xf32, #tpu.memory_space<vmem>>, vector<16xf32>,
        %add3A_2210 = arith.addf %add3A_2186, %get3A_2209 : vector<16xf32>
        %add3A_2211 = arith.constant 2 : i32
        %add3A_2212 = arith.addi %add3A_2156, %add3A_2211 : i32
        %get3A_2213 = arith.index_cast %add3A_2212 : i32 to index
        %get3A_2214 = arith.constant 16 : index
        %get3A_2215 = tpu.vector_load %arg12[%get3A_2213, %get3A_2214] {strides = array<i32>} : memref<576x128xf32, #tpu.memory_space<vmem>>, vector<16xf32>,
        %add3A_2216 = arith.addf %add3A_2192, %get3A_2215 : vector<16xf32>
        %add3A_2217 = arith.constant 2 : i32
        %add3A_2218 = arith.addi %add3A_2156, %add3A_2217 : i32
        %get3A_2219 = arith.index_cast %add3A_2218 : i32 to index
        %get3A_2220 = arith.constant 32 : index
        %get3A_2221 = tpu.vector_load %arg12[%get3A_2219, %get3A_2220] {strides = array<i32>} : memref<576x128xf32, #tpu.memory_space<vmem>>, vector<16xf32>,
        %add3A_2222 = arith.addf %add3A_2198, %get3A_2221 : vector<16xf32>
        %add3A_2223 = arith.constant 2 : i32
        %add3A_2224 = arith.addi %add3A_2156, %add3A_2223 : i32
        %get3A_2225 = arith.index_cast %add3A_2224 : i32 to index
        %get3A_2226 = arith.constant 48 : index
        %get3A_2227 = tpu.vector_load %arg12[%get3A_2225, %get3A_2226] {strides = array<i32>} : memref<576x128xf32, #tpu.memory_space<vmem>>, vector<16xf32>,
        %add3A_2228 = arith.addf %add3A_2204, %get3A_2227 : vector<16xf32>
        %add3A_2229 = arith.constant 3 : i32
        %add3A_2230 = arith.addi %add3A_2156, %add3A_2229 : i32
        %get3A_2231 = arith.index_cast %add3A_2230 : i32 to index
        %get3A_2232 = arith.constant 0 : index
        %get3A_2233 = tpu.vector_load %arg12[%get3A_2231, %get3A_2232] {strides = array<i32>} : memref<576x128xf32, #tpu.memory_space<vmem>>, vector<16xf32>,
        %add3A_2234 = arith.addf %add3A_2210, %get3A_2233 : vector<16xf32>
        %add3A_2235 = arith.constant 3 : i32
        %add3A_2236 = arith.addi %add3A_2156, %add3A_2235 : i32
        %get3A_2237 = arith.index_cast %add3A_2236 : i32 to index
        %get3A_2238 = arith.constant 16 : index
        %get3A_2239 = tpu.vector_load %arg12[%get3A_2237, %get3A_2238] {strides = array<i32>} : memref<576x128xf32, #tpu.memory_space<vmem>>, vector<16xf32>,
        %add3A_2240 = arith.addf %add3A_2216, %get3A_2239 : vector<16xf32>
        %add3A_2241 = arith.constant 3 : i32
        %add3A_2242 = arith.addi %add3A_2156, %add3A_2241 : i32
        %get3A_2243 = arith.index_cast %add3A_2242 : i32 to index
        %get3A_2244 = arith.constant 32 : index
        %get3A_2245 = tpu.vector_load %arg12[%get3A_2243, %get3A_2244] {strides = array<i32>} : memref<576x128xf32, #tpu.memory_space<vmem>>, vector<16xf32>,
        %add3A_2246 = arith.addf %add3A_2222, %get3A_2245 : vector<16xf32>
        %add3A_2247 = arith.constant 3 : i32
        %add3A_2248 = arith.addi %add3A_2156, %add3A_2247 : i32
        %get3A_2249 = arith.index_cast %add3A_2248 : i32 to index
        %get3A_2250 = arith.constant 48 : index
        %get3A_2251 = tpu.vector_load %arg12[%get3A_2249, %get3A_2250] {strides = array<i32>} : memref<576x128xf32, #tpu.memory_space<vmem>>, vector<16xf32>,
        %add3A_2252 = arith.addf %add3A_2228, %get3A_2251 : vector<16xf32>
        %add3A_2253 = arith.constant 4 : i32
        %add3A_2254 = arith.addi %add3A_2156, %add3A_2253 : i32
        %get3A_2255 = arith.index_cast %add3A_2254 : i32 to index
        %get3A_2256 = arith.constant 0 : index
        %get3A_2257 = tpu.vector_load %arg12[%get3A_2255, %get3A_2256] {strides = array<i32>} : memref<576x128xf32, #tpu.memory_space<vmem>>, vector<16xf32>,
        %add3A_2258 = arith.addf %add3A_2234, %get3A_2257 : vector<16xf32>
        %add3A_2259 = arith.constant 4 : i32
        %add3A_2260 = arith.addi %add3A_2156, %add3A_2259 : i32
        %get3A_2261 = arith.index_cast %add3A_2260 : i32 to index
        %get3A_2262 = arith.constant 16 : index
        %get3A_2263 = tpu.vector_load %arg12[%get3A_2261, %get3A_2262] {strides = array<i32>} : memref<576x128xf32, #tpu.memory_space<vmem>>, vector<16xf32>,
        %add3A_2264 = arith.addf %add3A_2240, %get3A_2263 : vector<16xf32>
        %add3A_2265 = arith.constant 4 : i32
        %add3A_2266 = arith.addi %add3A_2156, %add3A_2265 : i32
        %get3A_2267 = arith.index_cast %add3A_2266 : i32 to index
        %get3A_2268 = arith.constant 32 : index
        %get3A_2269 = tpu.vector_load %arg12[%get3A_2267, %get3A_2268] {strides = array<i32>} : memref<576x128xf32, #tpu.memory_space<vmem>>, vector<16xf32>,
        %add3A_2270 = arith.addf %add3A_2246, %get3A_2269 : vector<16xf32>
        %add3A_2271 = arith.constant 4 : i32
        %add3A_2272 = arith.addi %add3A_2156, %add3A_2271 : i32
        %get3A_2273 = arith.index_cast %add3A_2272 : i32 to index
        %get3A_2274 = arith.constant 48 : index
        %get3A_2275 = tpu.vector_load %arg12[%get3A_2273, %get3A_2274] {strides = array<i32>} : memref<576x128xf32, #tpu.memory_space<vmem>>, vector<16xf32>,
        %add3A_2276 = arith.addf %add3A_2252, %get3A_2275 : vector<16xf32>
        scf.yield %add3A_2258, %add3A_2264, %add3A_2270, %add3A_2276 : vector<16xf32>, vector<16xf32>, vector<16xf32>, vector<16xf32>
      }
      %scan3A_1286 = arith.constant 10 : i32
      %scan3A_1287 = arith.constant 0 : i32
      %scan3A_1288 = arith.constant 5 : i32
      %scan3A_1289 = arith.addi %scan3A_1287, %scan3A_1288 : i32
      %scan3A_1290 = arith.constant 1 : i32
      %scan3A_1291:8 = scf.for %scan3A_2148 = %scan3A_1287 to %scan3A_1289 step %scan3A_1290 iter_args(%scan3A_2149 = %broadcast_in_dim3A_4, %scan3A_2150 = %broadcast_in_dim3A_4, %scan3A_2151 = %broadcast_in_dim3A_4, %scan3A_2152 = %broadcast_in_dim3A_4, %scan3A_2153 = %broadcast_in_dim3A_4, %scan3A_2154 = %broadcast_in_dim3A_4, %scan3A_2155 = %broadcast_in_dim3A_4, %scan3A_2156 = %broadcast_in_dim3A_4) -> (vector<16xf32>, vector<16xf32>, vector<16xf32>, vector<16xf32>, vector<16xf32>, vector<16xf32>, vector<16xf32>, vector<16xf32>)  : i32 {
        %mul3A_2157 = arith.constant 4 : i32
        %mul3A_2158 = arith.muli %scan3A_2148, %mul3A_2157 : i32
        %add3A_2159 = arith.constant 434 : i32
        %add3A_2160 = arith.addi %add3A_2159, %mul3A_2158 : i32
        %add3A_2161 = arith.constant 0 : i32
        %add3A_2162 = arith.addi %add3A_2160, %add3A_2161 : i32
        %get3A_2163 = arith.index_cast %add3A_2162 : i32 to index
        %get3A_2164 = arith.constant 0 : index
        %get3A_2165 = tpu.vector_load %arg12[%get3A_2163, %get3A_2164] {strides = array<i32>} : memref<576x128xf32, #tpu.memory_space<vmem>>, vector<16xf32>,
        %add3A_2166 = arith.addf %scan3A_2149, %get3A_2165 : vector<16xf32>
        %mul3A_2167 = arith.mulf %get3A_2165, %get3A_2165 : vector<16xf32>
        %add3A_2168 = arith.addf %scan3A_2153, %mul3A_2167 : vector<16xf32>
        %add3A_2169 = arith.constant 0 : i32
        %add3A_2170 = arith.addi %add3A_2160, %add3A_2169 : i32
        %get3A_2171 = arith.index_cast %add3A_2170 : i32 to index
        %get3A_2172 = arith.constant 16 : index
        %get3A_2173 = tpu.vector_load %arg12[%get3A_2171, %get3A_2172] {strides = array<i32>} : memref<576x128xf32, #tpu.memory_space<vmem>>, vector<16xf32>,
        %add3A_2174 = arith.addf %scan3A_2150, %get3A_2173 : vector<16xf32>
        %mul3A_2175 = arith.mulf %get3A_2173, %get3A_2173 : vector<16xf32>
        %add3A_2176 = arith.addf %scan3A_2154, %mul3A_2175 : vector<16xf32>
        %add3A_2177 = arith.constant 0 : i32
        %add3A_2178 = arith.addi %add3A_2160, %add3A_2177 : i32
        %get3A_2179 = arith.index_cast %add3A_2178 : i32 to index
        %get3A_2180 = arith.constant 32 : index
        %get3A_2181 = tpu.vector_load %arg12[%get3A_2179, %get3A_2180] {strides = array<i32>} : memref<576x128xf32, #tpu.memory_space<vmem>>, vector<16xf32>,
        %add3A_2182 = arith.addf %scan3A_2151, %get3A_2181 : vector<16xf32>
        %mul3A_2183 = arith.mulf %get3A_2181, %get3A_2181 : vector<16xf32>
        %add3A_2184 = arith.addf %scan3A_2155, %mul3A_2183 : vector<16xf32>
        %add3A_2185 = arith.constant 0 : i32
        %add3A_2186 = arith.addi %add3A_2160, %add3A_2185 : i32
        %get3A_2187 = arith.index_cast %add3A_2186 : i32 to index
        %get3A_2188 = arith.constant 48 : index
        %get3A_2189 = tpu.vector_load %arg12[%get3A_2187, %get3A_2188] {strides = array<i32>} : memref<576x128xf32, #tpu.memory_space<vmem>>, vector<16xf32>,
        %add3A_2190 = arith.addf %scan3A_2152, %get3A_2189 : vector<16xf32>
        %mul3A_2191 = arith.mulf %get3A_2189, %get3A_2189 : vector<16xf32>
        %add3A_2192 = arith.addf %scan3A_2156, %mul3A_2191 : vector<16xf32>
        %add3A_2193 = arith.constant 1 : i32
        %add3A_2194 = arith.addi %add3A_2160, %add3A_2193 : i32
        %get3A_2195 = arith.index_cast %add3A_2194 : i32 to index
        %get3A_2196 = arith.constant 0 : index
        %get3A_2197 = tpu.vector_load %arg12[%get3A_2195, %get3A_2196] {strides = array<i32>} : memref<576x128xf32, #tpu.memory_space<vmem>>, vector<16xf32>,
        %add3A_2198 = arith.addf %add3A_2166, %get3A_2197 : vector<16xf32>
        %mul3A_2199 = arith.mulf %get3A_2197, %get3A_2197 : vector<16xf32>
        %add3A_2200 = arith.addf %add3A_2168, %mul3A_2199 : vector<16xf32>
        %add3A_2201 = arith.constant 1 : i32
        %add3A_2202 = arith.addi %add3A_2160, %add3A_2201 : i32
        %get3A_2203 = arith.index_cast %add3A_2202 : i32 to index
        %get3A_2204 = arith.constant 16 : index
        %get3A_2205 = tpu.vector_load %arg12[%get3A_2203, %get3A_2204] {strides = array<i32>} : memref<576x128xf32, #tpu.memory_space<vmem>>, vector<16xf32>,
        %add3A_2206 = arith.addf %add3A_2174, %get3A_2205 : vector<16xf32>
        %mul3A_2207 = arith.mulf %get3A_2205, %get3A_2205 : vector<16xf32>
        %add3A_2208 = arith.addf %add3A_2176, %mul3A_2207 : vector<16xf32>
        %add3A_2209 = arith.constant 1 : i32
        %add3A_2210 = arith.addi %add3A_2160, %add3A_2209 : i32
        %get3A_2211 = arith.index_cast %add3A_2210 : i32 to index
        %get3A_2212 = arith.constant 32 : index
        %get3A_2213 = tpu.vector_load %arg12[%get3A_2211, %get3A_2212] {strides = array<i32>} : memref<576x128xf32, #tpu.memory_space<vmem>>, vector<16xf32>,
        %add3A_2214 = arith.addf %add3A_2182, %get3A_2213 : vector<16xf32>
        %mul3A_2215 = arith.mulf %get3A_2213, %get3A_2213 : vector<16xf32>
        %add3A_2216 = arith.addf %add3A_2184, %mul3A_2215 : vector<16xf32>
        %add3A_2217 = arith.constant 1 : i32
        %add3A_2218 = arith.addi %add3A_2160, %add3A_2217 : i32
        %get3A_2219 = arith.index_cast %add3A_2218 : i32 to index
        %get3A_2220 = arith.constant 48 : index
        %get3A_2221 = tpu.vector_load %arg12[%get3A_2219, %get3A_2220] {strides = array<i32>} : memref<576x128xf32, #tpu.memory_space<vmem>>, vector<16xf32>,
        %add3A_2222 = arith.addf %add3A_2190, %get3A_2221 : vector<16xf32>
        %mul3A_2223 = arith.mulf %get3A_2221, %get3A_2221 : vector<16xf32>
        %add3A_2224 = arith.addf %add3A_2192, %mul3A_2223 : vector<16xf32>
        %add3A_2225 = arith.constant 2 : i32
        %add3A_2226 = arith.addi %add3A_2160, %add3A_2225 : i32
        %get3A_2227 = arith.index_cast %add3A_2226 : i32 to index
        %get3A_2228 = arith.constant 0 : index
        %get3A_2229 = tpu.vector_load %arg12[%get3A_2227, %get3A_2228] {strides = array<i32>} : memref<576x128xf32, #tpu.memory_space<vmem>>, vector<16xf32>,
        %add3A_2230 = arith.addf %add3A_2198, %get3A_2229 : vector<16xf32>
        %mul3A_2231 = arith.mulf %get3A_2229, %get3A_2229 : vector<16xf32>
        %add3A_2232 = arith.addf %add3A_2200, %mul3A_2231 : vector<16xf32>
        %add3A_2233 = arith.constant 2 : i32
        %add3A_2234 = arith.addi %add3A_2160, %add3A_2233 : i32
        %get3A_2235 = arith.index_cast %add3A_2234 : i32 to index
        %get3A_2236 = arith.constant 16 : index
        %get3A_2237 = tpu.vector_load %arg12[%get3A_2235, %get3A_2236] {strides = array<i32>} : memref<576x128xf32, #tpu.memory_space<vmem>>, vector<16xf32>,
        %add3A_2238 = arith.addf %add3A_2206, %get3A_2237 : vector<16xf32>
        %mul3A_2239 = arith.mulf %get3A_2237, %get3A_2237 : vector<16xf32>
        %add3A_2240 = arith.addf %add3A_2208, %mul3A_2239 : vector<16xf32>
        %add3A_2241 = arith.constant 2 : i32
        %add3A_2242 = arith.addi %add3A_2160, %add3A_2241 : i32
        %get3A_2243 = arith.index_cast %add3A_2242 : i32 to index
        %get3A_2244 = arith.constant 32 : index
        %get3A_2245 = tpu.vector_load %arg12[%get3A_2243, %get3A_2244] {strides = array<i32>} : memref<576x128xf32, #tpu.memory_space<vmem>>, vector<16xf32>,
        %add3A_2246 = arith.addf %add3A_2214, %get3A_2245 : vector<16xf32>
        %mul3A_2247 = arith.mulf %get3A_2245, %get3A_2245 : vector<16xf32>
        %add3A_2248 = arith.addf %add3A_2216, %mul3A_2247 : vector<16xf32>
        %add3A_2249 = arith.constant 2 : i32
        %add3A_2250 = arith.addi %add3A_2160, %add3A_2249 : i32
        %get3A_2251 = arith.index_cast %add3A_2250 : i32 to index
        %get3A_2252 = arith.constant 48 : index
        %get3A_2253 = tpu.vector_load %arg12[%get3A_2251, %get3A_2252] {strides = array<i32>} : memref<576x128xf32, #tpu.memory_space<vmem>>, vector<16xf32>,
        %add3A_2254 = arith.addf %add3A_2222, %get3A_2253 : vector<16xf32>
        %mul3A_2255 = arith.mulf %get3A_2253, %get3A_2253 : vector<16xf32>
        %add3A_2256 = arith.addf %add3A_2224, %mul3A_2255 : vector<16xf32>
        %add3A_2257 = arith.constant 3 : i32
        %add3A_2258 = arith.addi %add3A_2160, %add3A_2257 : i32
        %get3A_2259 = arith.index_cast %add3A_2258 : i32 to index
        %get3A_2260 = arith.constant 0 : index
        %get3A_2261 = tpu.vector_load %arg12[%get3A_2259, %get3A_2260] {strides = array<i32>} : memref<576x128xf32, #tpu.memory_space<vmem>>, vector<16xf32>,
        %add3A_2262 = arith.addf %add3A_2230, %get3A_2261 : vector<16xf32>
        %mul3A_2263 = arith.mulf %get3A_2261, %get3A_2261 : vector<16xf32>
        %add3A_2264 = arith.addf %add3A_2232, %mul3A_2263 : vector<16xf32>
        %add3A_2265 = arith.constant 3 : i32
        %add3A_2266 = arith.addi %add3A_2160, %add3A_2265 : i32
        %get3A_2267 = arith.index_cast %add3A_2266 : i32 to index
        %get3A_2268 = arith.constant 16 : index
        %get3A_2269 = tpu.vector_load %arg12[%get3A_2267, %get3A_2268] {strides = array<i32>} : memref<576x128xf32, #tpu.memory_space<vmem>>, vector<16xf32>,
        %add3A_2270 = arith.addf %add3A_2238, %get3A_2269 : vector<16xf32>
        %mul3A_2271 = arith.mulf %get3A_2269, %get3A_2269 : vector<16xf32>
        %add3A_2272 = arith.addf %add3A_2240, %mul3A_2271 : vector<16xf32>
        %add3A_2273 = arith.constant 3 : i32
        %add3A_2274 = arith.addi %add3A_2160, %add3A_2273 : i32
        %get3A_2275 = arith.index_cast %add3A_2274 : i32 to index
        %get3A_2276 = arith.constant 32 : index
        %get3A_2277 = tpu.vector_load %arg12[%get3A_2275, %get3A_2276] {strides = array<i32>} : memref<576x128xf32, #tpu.memory_space<vmem>>, vector<16xf32>,
        %add3A_2278 = arith.addf %add3A_2246, %get3A_2277 : vector<16xf32>
        %mul3A_2279 = arith.mulf %get3A_2277, %get3A_2277 : vector<16xf32>
        %add3A_2280 = arith.addf %add3A_2248, %mul3A_2279 : vector<16xf32>
        %add3A_2281 = arith.constant 3 : i32
        %add3A_2282 = arith.addi %add3A_2160, %add3A_2281 : i32
        %get3A_2283 = arith.index_cast %add3A_2282 : i32 to index
        %get3A_2284 = arith.constant 48 : index
        %get3A_2285 = tpu.vector_load %arg12[%get3A_2283, %get3A_2284] {strides = array<i32>} : memref<576x128xf32, #tpu.memory_space<vmem>>, vector<16xf32>,
        %add3A_2286 = arith.addf %add3A_2254, %get3A_2285 : vector<16xf32>
        %mul3A_2287 = arith.mulf %get3A_2285, %get3A_2285 : vector<16xf32>
        %add3A_2288 = arith.addf %add3A_2256, %mul3A_2287 : vector<16xf32>
        scf.yield %add3A_2262, %add3A_2270, %add3A_2278, %add3A_2286, %add3A_2264, %add3A_2272, %add3A_2280, %add3A_2288 : vector<16xf32>, vector<16xf32>, vector<16xf32>, vector<16xf32>, vector<16xf32>, vector<16xf32>, vector<16xf32>, vector<16xf32>
      }
      %scan3A_1292 = arith.constant 5 : i32
      %get3A_1293 = arith.constant 432 : i32
      %get3A_1294 = arith.index_cast %get3A_1293 : i32 to index
      %get3A_1295 = arith.constant 0 : index
      %get3A_1296 = tpu.vector_load %arg12[%get3A_1294, %get3A_1295] {strides = array<i32>} : memref<576x128xf32, #tpu.memory_space<vmem>>, vector<16xf32>,
      %get3A_1297 = arith.constant 433 : i32
      %get3A_1298 = arith.index_cast %get3A_1297 : i32 to index
      %get3A_1299 = arith.constant 0 : index
      %get3A_1300 = tpu.vector_load %arg12[%get3A_1298, %get3A_1299] {strides = array<i32>} : memref<576x128xf32, #tpu.memory_space<vmem>>, vector<16xf32>,
      %add3A_1301 = arith.addf %get3A_1296, %get3A_1300 : vector<16xf32>
      %mul3A_1302 = arith.mulf %get3A_1296, %get3A_1296 : vector<16xf32>
      %mul3A_1303 = arith.mulf %get3A_1300, %get3A_1300 : vector<16xf32>
      %add3A_1304 = arith.addf %mul3A_1302, %mul3A_1303 : vector<16xf32>
      %add3A_1305 = arith.addf %add3A_1301, %scan3A_1291#0 : vector<16xf32>
      %mul3A_1306 = arith.mulf %add3A_1305, %add3A_1305 : vector<16xf32>
      %mul3A_1307 = arith.constant 5.000000e-01 : f32
      %mul3A_1308 = vector.broadcast %mul3A_1307 : f32 to vector<16xf32>
      %mul3A_1309 = arith.mulf %mul3A_1308, %mul3A_1306 : vector<16xf32>
      %mul3A_1310 = arith.mulf %scan3A_1285#0, %scan3A_1291#0 : vector<16xf32>
      %add3A_1311 = arith.addf %mul3A_1309, %mul3A_1310 : vector<16xf32>
      %mul3A_1312 = arith.constant 5.000000e-01 : f32
      %mul3A_1313 = vector.broadcast %mul3A_1312 : f32 to vector<16xf32>
      %mul3A_1314 = arith.mulf %mul3A_1313, %add3A_1304 : vector<16xf32>
      %sub3A_1315 = arith.subf %add3A_1311, %mul3A_1314 : vector<16xf32>
      %mul3A_1316 = arith.constant 5.000000e-01 : f32
      %mul3A_1317 = vector.broadcast %mul3A_1316 : f32 to vector<16xf32>
      %mul3A_1318 = arith.mulf %mul3A_1317, %scan3A_1291#4 : vector<16xf32>
      %sub3A_1319 = arith.subf %sub3A_1315, %mul3A_1318 : vector<16xf32>
      %add3A_1320 = arith.addf %broadcast_in_dim3A_4, %sub3A_1319 : vector<16xf32>
      %get3A_1321 = arith.constant 432 : i32
      %get3A_1322 = arith.index_cast %get3A_1321 : i32 to index
      %get3A_1323 = arith.constant 16 : index
      %get3A_1324 = tpu.vector_load %arg12[%get3A_1322, %get3A_1323] {strides = array<i32>} : memref<576x128xf32, #tpu.memory_space<vmem>>, vector<16xf32>,
      %get3A_1325 = arith.constant 433 : i32
      %get3A_1326 = arith.index_cast %get3A_1325 : i32 to index
      %get3A_1327 = arith.constant 16 : index
      %get3A_1328 = tpu.vector_load %arg12[%get3A_1326, %get3A_1327] {strides = array<i32>} : memref<576x128xf32, #tpu.memory_space<vmem>>, vector<16xf32>,
      %add3A_1329 = arith.addf %get3A_1324, %get3A_1328 : vector<16xf32>
      %mul3A_1330 = arith.mulf %get3A_1324, %get3A_1324 : vector<16xf32>
      %mul3A_1331 = arith.mulf %get3A_1328, %get3A_1328 : vector<16xf32>
      %add3A_1332 = arith.addf %mul3A_1330, %mul3A_1331 : vector<16xf32>
      %add3A_1333 = arith.addf %add3A_1329, %scan3A_1291#1 : vector<16xf32>
      %mul3A_1334 = arith.mulf %add3A_1333, %add3A_1333 : vector<16xf32>
      %mul3A_1335 = arith.constant 5.000000e-01 : f32
      %mul3A_1336 = vector.broadcast %mul3A_1335 : f32 to vector<16xf32>
      %mul3A_1337 = arith.mulf %mul3A_1336, %mul3A_1334 : vector<16xf32>
      %mul3A_1338 = arith.mulf %scan3A_1285#1, %scan3A_1291#1 : vector<16xf32>
      %add3A_1339 = arith.addf %mul3A_1337, %mul3A_1338 : vector<16xf32>
      %mul3A_1340 = arith.constant 5.000000e-01 : f32
      %mul3A_1341 = vector.broadcast %mul3A_1340 : f32 to vector<16xf32>
      %mul3A_1342 = arith.mulf %mul3A_1341, %add3A_1332 : vector<16xf32>
      %sub3A_1343 = arith.subf %add3A_1339, %mul3A_1342 : vector<16xf32>
      %mul3A_1344 = arith.constant 5.000000e-01 : f32
      %mul3A_1345 = vector.broadcast %mul3A_1344 : f32 to vector<16xf32>
      %mul3A_1346 = arith.mulf %mul3A_1345, %scan3A_1291#5 : vector<16xf32>
      %sub3A_1347 = arith.subf %sub3A_1343, %mul3A_1346 : vector<16xf32>
      %add3A_1348 = arith.addf %add3A_1320, %sub3A_1347 : vector<16xf32>
      %get3A_1349 = arith.constant 432 : i32
      %get3A_1350 = arith.index_cast %get3A_1349 : i32 to index
      %get3A_1351 = arith.constant 32 : index
      %get3A_1352 = tpu.vector_load %arg12[%get3A_1350, %get3A_1351] {strides = array<i32>} : memref<576x128xf32, #tpu.memory_space<vmem>>, vector<16xf32>,
      %get3A_1353 = arith.constant 433 : i32
      %get3A_1354 = arith.index_cast %get3A_1353 : i32 to index
      %get3A_1355 = arith.constant 32 : index
      %get3A_1356 = tpu.vector_load %arg12[%get3A_1354, %get3A_1355] {strides = array<i32>} : memref<576x128xf32, #tpu.memory_space<vmem>>, vector<16xf32>,
      %add3A_1357 = arith.addf %get3A_1352, %get3A_1356 : vector<16xf32>
      %mul3A_1358 = arith.mulf %get3A_1352, %get3A_1352 : vector<16xf32>
      %mul3A_1359 = arith.mulf %get3A_1356, %get3A_1356 : vector<16xf32>
      %add3A_1360 = arith.addf %mul3A_1358, %mul3A_1359 : vector<16xf32>
      %add3A_1361 = arith.addf %add3A_1357, %scan3A_1291#2 : vector<16xf32>
      %mul3A_1362 = arith.mulf %add3A_1361, %add3A_1361 : vector<16xf32>
      %mul3A_1363 = arith.constant 5.000000e-01 : f32
      %mul3A_1364 = vector.broadcast %mul3A_1363 : f32 to vector<16xf32>
      %mul3A_1365 = arith.mulf %mul3A_1364, %mul3A_1362 : vector<16xf32>
      %mul3A_1366 = arith.mulf %scan3A_1285#2, %scan3A_1291#2 : vector<16xf32>
      %add3A_1367 = arith.addf %mul3A_1365, %mul3A_1366 : vector<16xf32>
      %mul3A_1368 = arith.constant 5.000000e-01 : f32
      %mul3A_1369 = vector.broadcast %mul3A_1368 : f32 to vector<16xf32>
      %mul3A_1370 = arith.mulf %mul3A_1369, %add3A_1360 : vector<16xf32>
      %sub3A_1371 = arith.subf %add3A_1367, %mul3A_1370 : vector<16xf32>
      %mul3A_1372 = arith.constant 5.000000e-01 : f32
      %mul3A_1373 = vector.broadcast %mul3A_1372 : f32 to vector<16xf32>
      %mul3A_1374 = arith.mulf %mul3A_1373, %scan3A_1291#6 : vector<16xf32>
      %sub3A_1375 = arith.subf %sub3A_1371, %mul3A_1374 : vector<16xf32>
      %add3A_1376 = arith.addf %add3A_1348, %sub3A_1375 : vector<16xf32>
      %get3A_1377 = arith.constant 432 : i32
      %get3A_1378 = arith.index_cast %get3A_1377 : i32 to index
      %get3A_1379 = arith.constant 48 : index
      %get3A_1380 = tpu.vector_load %arg12[%get3A_1378, %get3A_1379] {strides = array<i32>} : memref<576x128xf32, #tpu.memory_space<vmem>>, vector<16xf32>,
      %get3A_1381 = arith.constant 433 : i32
      %get3A_1382 = arith.index_cast %get3A_1381 : i32 to index
      %get3A_1383 = arith.constant 48 : index
      %get3A_1384 = tpu.vector_load %arg12[%get3A_1382, %get3A_1383] {strides = array<i32>} : memref<576x128xf32, #tpu.memory_space<vmem>>, vector<16xf32>,
      %add3A_1385 = arith.addf %get3A_1380, %get3A_1384 : vector<16xf32>
      %mul3A_1386 = arith.mulf %get3A_1380, %get3A_1380 : vector<16xf32>
      %mul3A_1387 = arith.mulf %get3A_1384, %get3A_1384 : vector<16xf32>
      %add3A_1388 = arith.addf %mul3A_1386, %mul3A_1387 : vector<16xf32>
      %add3A_1389 = arith.addf %add3A_1385, %scan3A_1291#3 : vector<16xf32>
      %mul3A_1390 = arith.mulf %add3A_1389, %add3A_1389 : vector<16xf32>
      %mul3A_1391 = arith.constant 5.000000e-01 : f32
      %mul3A_1392 = vector.broadcast %mul3A_1391 : f32 to vector<16xf32>
      %mul3A_1393 = arith.mulf %mul3A_1392, %mul3A_1390 : vector<16xf32>
      %mul3A_1394 = arith.mulf %scan3A_1285#3, %scan3A_1291#3 : vector<16xf32>
      %add3A_1395 = arith.addf %mul3A_1393, %mul3A_1394 : vector<16xf32>
      %mul3A_1396 = arith.constant 5.000000e-01 : f32
      %mul3A_1397 = vector.broadcast %mul3A_1396 : f32 to vector<16xf32>
      %mul3A_1398 = arith.mulf %mul3A_1397, %add3A_1388 : vector<16xf32>
      %sub3A_1399 = arith.subf %add3A_1395, %mul3A_1398 : vector<16xf32>
      %mul3A_1400 = arith.constant 5.000000e-01 : f32
      %mul3A_1401 = vector.broadcast %mul3A_1400 : f32 to vector<16xf32>
      %mul3A_1402 = arith.mulf %mul3A_1401, %scan3A_1291#7 : vector<16xf32>
      %sub3A_1403 = arith.subf %sub3A_1399, %mul3A_1402 : vector<16xf32>
      %add3A_1404 = arith.addf %add3A_1376, %sub3A_1403 : vector<16xf32>
      %xor3A_1405 = arith.constant 8 : i32
      %xor3A_1406 = vector.broadcast %xor3A_1405 : i32 to vector<16xi32>
      %xor3A_1407 = arith.xori %iota3A, %xor3A_1406 : vector<16xi32>
      %broadcast_in_dim3A_1408 = vector.shape_cast %xor3A_1407 : vector<16xi32> to vector<16x1xi32>
      %gather3A_1409 = vector.shape_cast %broadcast_in_dim3A_1408 : vector<16x1xi32> to vector<16xi32>
      %gather3A_1410 = tpu.dynamic_gather %add3A_1404[%gather3A_1409] in [0] : vector<16xf32>, vector<16xi32> -> vector<16xf32>
      %add3A_1411 = arith.addf %add3A_1404, %gather3A_1410 : vector<16xf32>
      %xor3A_1412 = arith.constant 4 : i32
      %xor3A_1413 = vector.broadcast %xor3A_1412 : i32 to vector<16xi32>
      %xor3A_1414 = arith.xori %iota3A, %xor3A_1413 : vector<16xi32>
      %broadcast_in_dim3A_1415 = vector.shape_cast %xor3A_1414 : vector<16xi32> to vector<16x1xi32>
      %gather3A_1416 = vector.shape_cast %broadcast_in_dim3A_1415 : vector<16x1xi32> to vector<16xi32>
      %gather3A_1417 = tpu.dynamic_gather %add3A_1411[%gather3A_1416] in [0] : vector<16xf32>, vector<16xi32> -> vector<16xf32>
      %add3A_1418 = arith.addf %add3A_1411, %gather3A_1417 : vector<16xf32>
      %xor3A_1419 = arith.constant 2 : i32
      %xor3A_1420 = vector.broadcast %xor3A_1419 : i32 to vector<16xi32>
      %xor3A_1421 = arith.xori %iota3A, %xor3A_1420 : vector<16xi32>
      %broadcast_in_dim3A_1422 = vector.shape_cast %xor3A_1421 : vector<16xi32> to vector<16x1xi32>
      %gather3A_1423 = vector.shape_cast %broadcast_in_dim3A_1422 : vector<16x1xi32> to vector<16xi32>
      %gather3A_1424 = tpu.dynamic_gather %add3A_1418[%gather3A_1423] in [0] : vector<16xf32>, vector<16xi32> -> vector<16xf32>
      %add3A_1425 = arith.addf %add3A_1418, %gather3A_1424 : vector<16xf32>
      %xor3A_1426 = arith.constant 1 : i32
      %xor3A_1427 = vector.broadcast %xor3A_1426 : i32 to vector<16xi32>
      %xor3A_1428 = arith.xori %iota3A, %xor3A_1427 : vector<16xi32>
      %broadcast_in_dim3A_1429 = vector.shape_cast %xor3A_1428 : vector<16xi32> to vector<16x1xi32>
      %gather3A_1430 = vector.shape_cast %broadcast_in_dim3A_1429 : vector<16x1xi32> to vector<16xi32>
      %gather3A_1431 = tpu.dynamic_gather %add3A_1425[%gather3A_1430] in [0] : vector<16xf32>, vector<16xi32> -> vector<16xf32>
      %add3A_1432 = arith.addf %add3A_1425, %gather3A_1431 : vector<16xf32>
      %mul3A_1433 = arith.constant 8 : i32
      %mul3A_1434 = arith.muli %scan3A_12, %mul3A_1433 : i32
      %add3A_1435 = arith.constant 6 : i32
      %add3A_1436 = arith.addi %mul3A_1434, %add3A_1435 : i32
      %broadcast_in_dim3A_1437 = vector.broadcast %add3A_1436 : i32 to vector<16xi32>
      %add3A_1438 = arith.addf %add3A_1432, %get3A_1 : vector<16xf32>
      tpu.vector_store_idx %arg14[%broadcast_in_dim3A_1437], %add3A_1438 masked %eq3A_3 : memref<128xf32, #tpu.memory_space<vmem>>[vector<16xi32>], vector<16xf32>, vector<16xi1>
      %scan3A_1439 = arith.constant 0 : i32
      %scan3A_1440 = arith.constant 10 : i32
      %scan3A_1441 = arith.addi %scan3A_1439, %scan3A_1440 : i32
      %scan3A_1442 = arith.constant 1 : i32
      %scan3A_1443:4 = scf.for %scan3A_2148 = %scan3A_1439 to %scan3A_1441 step %scan3A_1442 iter_args(%scan3A_2149 = %broadcast_in_dim3A_4, %scan3A_2150 = %broadcast_in_dim3A_4, %scan3A_2151 = %broadcast_in_dim3A_4, %scan3A_2152 = %broadcast_in_dim3A_4) -> (vector<16xf32>, vector<16xf32>, vector<16xf32>, vector<16xf32>)  : i32 {
        %mul3A_2153 = arith.constant 5 : i32
        %mul3A_2154 = arith.muli %scan3A_2148, %mul3A_2153 : i32
        %add3A_2155 = arith.constant 526 : i32
        %add3A_2156 = arith.addi %add3A_2155, %mul3A_2154 : i32
        %add3A_2157 = arith.constant 0 : i32
        %add3A_2158 = arith.addi %add3A_2156, %add3A_2157 : i32
        %get3A_2159 = arith.index_cast %add3A_2158 : i32 to index
        %get3A_2160 = arith.constant 0 : index
        %get3A_2161 = tpu.vector_load %arg12[%get3A_2159, %get3A_2160] {strides = array<i32>} : memref<576x128xf32, #tpu.memory_space<vmem>>, vector<16xf32>,
        %add3A_2162 = arith.addf %scan3A_2149, %get3A_2161 : vector<16xf32>
        %add3A_2163 = arith.constant 0 : i32
        %add3A_2164 = arith.addi %add3A_2156, %add3A_2163 : i32
        %get3A_2165 = arith.index_cast %add3A_2164 : i32 to index
        %get3A_2166 = arith.constant 16 : index
        %get3A_2167 = tpu.vector_load %arg12[%get3A_2165, %get3A_2166] {strides = array<i32>} : memref<576x128xf32, #tpu.memory_space<vmem>>, vector<16xf32>,
        %add3A_2168 = arith.addf %scan3A_2150, %get3A_2167 : vector<16xf32>
        %add3A_2169 = arith.constant 0 : i32
        %add3A_2170 = arith.addi %add3A_2156, %add3A_2169 : i32
        %get3A_2171 = arith.index_cast %add3A_2170 : i32 to index
        %get3A_2172 = arith.constant 32 : index
        %get3A_2173 = tpu.vector_load %arg12[%get3A_2171, %get3A_2172] {strides = array<i32>} : memref<576x128xf32, #tpu.memory_space<vmem>>, vector<16xf32>,
        %add3A_2174 = arith.addf %scan3A_2151, %get3A_2173 : vector<16xf32>
        %add3A_2175 = arith.constant 0 : i32
        %add3A_2176 = arith.addi %add3A_2156, %add3A_2175 : i32
        %get3A_2177 = arith.index_cast %add3A_2176 : i32 to index
        %get3A_2178 = arith.constant 48 : index
        %get3A_2179 = tpu.vector_load %arg12[%get3A_2177, %get3A_2178] {strides = array<i32>} : memref<576x128xf32, #tpu.memory_space<vmem>>, vector<16xf32>,
        %add3A_2180 = arith.addf %scan3A_2152, %get3A_2179 : vector<16xf32>
        %add3A_2181 = arith.constant 1 : i32
        %add3A_2182 = arith.addi %add3A_2156, %add3A_2181 : i32
        %get3A_2183 = arith.index_cast %add3A_2182 : i32 to index
        %get3A_2184 = arith.constant 0 : index
        %get3A_2185 = tpu.vector_load %arg12[%get3A_2183, %get3A_2184] {strides = array<i32>} : memref<576x128xf32, #tpu.memory_space<vmem>>, vector<16xf32>,
        %add3A_2186 = arith.addf %add3A_2162, %get3A_2185 : vector<16xf32>
        %add3A_2187 = arith.constant 1 : i32
        %add3A_2188 = arith.addi %add3A_2156, %add3A_2187 : i32
        %get3A_2189 = arith.index_cast %add3A_2188 : i32 to index
        %get3A_2190 = arith.constant 16 : index
        %get3A_2191 = tpu.vector_load %arg12[%get3A_2189, %get3A_2190] {strides = array<i32>} : memref<576x128xf32, #tpu.memory_space<vmem>>, vector<16xf32>,
        %add3A_2192 = arith.addf %add3A_2168, %get3A_2191 : vector<16xf32>
        %add3A_2193 = arith.constant 1 : i32
        %add3A_2194 = arith.addi %add3A_2156, %add3A_2193 : i32
        %get3A_2195 = arith.index_cast %add3A_2194 : i32 to index
        %get3A_2196 = arith.constant 32 : index
        %get3A_2197 = tpu.vector_load %arg12[%get3A_2195, %get3A_2196] {strides = array<i32>} : memref<576x128xf32, #tpu.memory_space<vmem>>, vector<16xf32>,
        %add3A_2198 = arith.addf %add3A_2174, %get3A_2197 : vector<16xf32>
        %add3A_2199 = arith.constant 1 : i32
        %add3A_2200 = arith.addi %add3A_2156, %add3A_2199 : i32
        %get3A_2201 = arith.index_cast %add3A_2200 : i32 to index
        %get3A_2202 = arith.constant 48 : index
        %get3A_2203 = tpu.vector_load %arg12[%get3A_2201, %get3A_2202] {strides = array<i32>} : memref<576x128xf32, #tpu.memory_space<vmem>>, vector<16xf32>,
        %add3A_2204 = arith.addf %add3A_2180, %get3A_2203 : vector<16xf32>
        %add3A_2205 = arith.constant 2 : i32
        %add3A_2206 = arith.addi %add3A_2156, %add3A_2205 : i32
        %get3A_2207 = arith.index_cast %add3A_2206 : i32 to index
        %get3A_2208 = arith.constant 0 : index
        %get3A_2209 = tpu.vector_load %arg12[%get3A_2207, %get3A_2208] {strides = array<i32>} : memref<576x128xf32, #tpu.memory_space<vmem>>, vector<16xf32>,
        %add3A_2210 = arith.addf %add3A_2186, %get3A_2209 : vector<16xf32>
        %add3A_2211 = arith.constant 2 : i32
        %add3A_2212 = arith.addi %add3A_2156, %add3A_2211 : i32
        %get3A_2213 = arith.index_cast %add3A_2212 : i32 to index
        %get3A_2214 = arith.constant 16 : index
        %get3A_2215 = tpu.vector_load %arg12[%get3A_2213, %get3A_2214] {strides = array<i32>} : memref<576x128xf32, #tpu.memory_space<vmem>>, vector<16xf32>,
        %add3A_2216 = arith.addf %add3A_2192, %get3A_2215 : vector<16xf32>
        %add3A_2217 = arith.constant 2 : i32
        %add3A_2218 = arith.addi %add3A_2156, %add3A_2217 : i32
        %get3A_2219 = arith.index_cast %add3A_2218 : i32 to index
        %get3A_2220 = arith.constant 32 : index
        %get3A_2221 = tpu.vector_load %arg12[%get3A_2219, %get3A_2220] {strides = array<i32>} : memref<576x128xf32, #tpu.memory_space<vmem>>, vector<16xf32>,
        %add3A_2222 = arith.addf %add3A_2198, %get3A_2221 : vector<16xf32>
        %add3A_2223 = arith.constant 2 : i32
        %add3A_2224 = arith.addi %add3A_2156, %add3A_2223 : i32
        %get3A_2225 = arith.index_cast %add3A_2224 : i32 to index
        %get3A_2226 = arith.constant 48 : index
        %get3A_2227 = tpu.vector_load %arg12[%get3A_2225, %get3A_2226] {strides = array<i32>} : memref<576x128xf32, #tpu.memory_space<vmem>>, vector<16xf32>,
        %add3A_2228 = arith.addf %add3A_2204, %get3A_2227 : vector<16xf32>
        %add3A_2229 = arith.constant 3 : i32
        %add3A_2230 = arith.addi %add3A_2156, %add3A_2229 : i32
        %get3A_2231 = arith.index_cast %add3A_2230 : i32 to index
        %get3A_2232 = arith.constant 0 : index
        %get3A_2233 = tpu.vector_load %arg12[%get3A_2231, %get3A_2232] {strides = array<i32>} : memref<576x128xf32, #tpu.memory_space<vmem>>, vector<16xf32>,
        %add3A_2234 = arith.addf %add3A_2210, %get3A_2233 : vector<16xf32>
        %add3A_2235 = arith.constant 3 : i32
        %add3A_2236 = arith.addi %add3A_2156, %add3A_2235 : i32
        %get3A_2237 = arith.index_cast %add3A_2236 : i32 to index
        %get3A_2238 = arith.constant 16 : index
        %get3A_2239 = tpu.vector_load %arg12[%get3A_2237, %get3A_2238] {strides = array<i32>} : memref<576x128xf32, #tpu.memory_space<vmem>>, vector<16xf32>,
        %add3A_2240 = arith.addf %add3A_2216, %get3A_2239 : vector<16xf32>
        %add3A_2241 = arith.constant 3 : i32
        %add3A_2242 = arith.addi %add3A_2156, %add3A_2241 : i32
        %get3A_2243 = arith.index_cast %add3A_2242 : i32 to index
        %get3A_2244 = arith.constant 32 : index
        %get3A_2245 = tpu.vector_load %arg12[%get3A_2243, %get3A_2244] {strides = array<i32>} : memref<576x128xf32, #tpu.memory_space<vmem>>, vector<16xf32>,
        %add3A_2246 = arith.addf %add3A_2222, %get3A_2245 : vector<16xf32>
        %add3A_2247 = arith.constant 3 : i32
        %add3A_2248 = arith.addi %add3A_2156, %add3A_2247 : i32
        %get3A_2249 = arith.index_cast %add3A_2248 : i32 to index
        %get3A_2250 = arith.constant 48 : index
        %get3A_2251 = tpu.vector_load %arg12[%get3A_2249, %get3A_2250] {strides = array<i32>} : memref<576x128xf32, #tpu.memory_space<vmem>>, vector<16xf32>,
        %add3A_2252 = arith.addf %add3A_2228, %get3A_2251 : vector<16xf32>
        %add3A_2253 = arith.constant 4 : i32
        %add3A_2254 = arith.addi %add3A_2156, %add3A_2253 : i32
        %get3A_2255 = arith.index_cast %add3A_2254 : i32 to index
        %get3A_2256 = arith.constant 0 : index
        %get3A_2257 = tpu.vector_load %arg12[%get3A_2255, %get3A_2256] {strides = array<i32>} : memref<576x128xf32, #tpu.memory_space<vmem>>, vector<16xf32>,
        %add3A_2258 = arith.addf %add3A_2234, %get3A_2257 : vector<16xf32>
        %add3A_2259 = arith.constant 4 : i32
        %add3A_2260 = arith.addi %add3A_2156, %add3A_2259 : i32
        %get3A_2261 = arith.index_cast %add3A_2260 : i32 to index
        %get3A_2262 = arith.constant 16 : index
        %get3A_2263 = tpu.vector_load %arg12[%get3A_2261, %get3A_2262] {strides = array<i32>} : memref<576x128xf32, #tpu.memory_space<vmem>>, vector<16xf32>,
        %add3A_2264 = arith.addf %add3A_2240, %get3A_2263 : vector<16xf32>
        %add3A_2265 = arith.constant 4 : i32
        %add3A_2266 = arith.addi %add3A_2156, %add3A_2265 : i32
        %get3A_2267 = arith.index_cast %add3A_2266 : i32 to index
        %get3A_2268 = arith.constant 32 : index
        %get3A_2269 = tpu.vector_load %arg12[%get3A_2267, %get3A_2268] {strides = array<i32>} : memref<576x128xf32, #tpu.memory_space<vmem>>, vector<16xf32>,
        %add3A_2270 = arith.addf %add3A_2246, %get3A_2269 : vector<16xf32>
        %add3A_2271 = arith.constant 4 : i32
        %add3A_2272 = arith.addi %add3A_2156, %add3A_2271 : i32
        %get3A_2273 = arith.index_cast %add3A_2272 : i32 to index
        %get3A_2274 = arith.constant 48 : index
        %get3A_2275 = tpu.vector_load %arg12[%get3A_2273, %get3A_2274] {strides = array<i32>} : memref<576x128xf32, #tpu.memory_space<vmem>>, vector<16xf32>,
        %add3A_2276 = arith.addf %add3A_2252, %get3A_2275 : vector<16xf32>
        scf.yield %add3A_2258, %add3A_2264, %add3A_2270, %add3A_2276 : vector<16xf32>, vector<16xf32>, vector<16xf32>, vector<16xf32>
      }
      %scan3A_1444 = arith.constant 10 : i32
      %scan3A_1445 = arith.constant 0 : i32
      %scan3A_1446 = arith.constant 5 : i32
      %scan3A_1447 = arith.addi %scan3A_1445, %scan3A_1446 : i32
      %scan3A_1448 = arith.constant 1 : i32
      %scan3A_1449:8 = scf.for %scan3A_2148 = %scan3A_1445 to %scan3A_1447 step %scan3A_1448 iter_args(%scan3A_2149 = %broadcast_in_dim3A_4, %scan3A_2150 = %broadcast_in_dim3A_4, %scan3A_2151 = %broadcast_in_dim3A_4, %scan3A_2152 = %broadcast_in_dim3A_4, %scan3A_2153 = %broadcast_in_dim3A_4, %scan3A_2154 = %broadcast_in_dim3A_4, %scan3A_2155 = %broadcast_in_dim3A_4, %scan3A_2156 = %broadcast_in_dim3A_4) -> (vector<16xf32>, vector<16xf32>, vector<16xf32>, vector<16xf32>, vector<16xf32>, vector<16xf32>, vector<16xf32>, vector<16xf32>)  : i32 {
        %mul3A_2157 = arith.constant 4 : i32
        %mul3A_2158 = arith.muli %scan3A_2148, %mul3A_2157 : i32
        %add3A_2159 = arith.constant 506 : i32
        %add3A_2160 = arith.addi %add3A_2159, %mul3A_2158 : i32
        %add3A_2161 = arith.constant 0 : i32
        %add3A_2162 = arith.addi %add3A_2160, %add3A_2161 : i32
        %get3A_2163 = arith.index_cast %add3A_2162 : i32 to index
        %get3A_2164 = arith.constant 0 : index
        %get3A_2165 = tpu.vector_load %arg12[%get3A_2163, %get3A_2164] {strides = array<i32>} : memref<576x128xf32, #tpu.memory_space<vmem>>, vector<16xf32>,
        %add3A_2166 = arith.addf %scan3A_2149, %get3A_2165 : vector<16xf32>
        %mul3A_2167 = arith.mulf %get3A_2165, %get3A_2165 : vector<16xf32>
        %add3A_2168 = arith.addf %scan3A_2153, %mul3A_2167 : vector<16xf32>
        %add3A_2169 = arith.constant 0 : i32
        %add3A_2170 = arith.addi %add3A_2160, %add3A_2169 : i32
        %get3A_2171 = arith.index_cast %add3A_2170 : i32 to index
        %get3A_2172 = arith.constant 16 : index
        %get3A_2173 = tpu.vector_load %arg12[%get3A_2171, %get3A_2172] {strides = array<i32>} : memref<576x128xf32, #tpu.memory_space<vmem>>, vector<16xf32>,
        %add3A_2174 = arith.addf %scan3A_2150, %get3A_2173 : vector<16xf32>
        %mul3A_2175 = arith.mulf %get3A_2173, %get3A_2173 : vector<16xf32>
        %add3A_2176 = arith.addf %scan3A_2154, %mul3A_2175 : vector<16xf32>
        %add3A_2177 = arith.constant 0 : i32
        %add3A_2178 = arith.addi %add3A_2160, %add3A_2177 : i32
        %get3A_2179 = arith.index_cast %add3A_2178 : i32 to index
        %get3A_2180 = arith.constant 32 : index
        %get3A_2181 = tpu.vector_load %arg12[%get3A_2179, %get3A_2180] {strides = array<i32>} : memref<576x128xf32, #tpu.memory_space<vmem>>, vector<16xf32>,
        %add3A_2182 = arith.addf %scan3A_2151, %get3A_2181 : vector<16xf32>
        %mul3A_2183 = arith.mulf %get3A_2181, %get3A_2181 : vector<16xf32>
        %add3A_2184 = arith.addf %scan3A_2155, %mul3A_2183 : vector<16xf32>
        %add3A_2185 = arith.constant 0 : i32
        %add3A_2186 = arith.addi %add3A_2160, %add3A_2185 : i32
        %get3A_2187 = arith.index_cast %add3A_2186 : i32 to index
        %get3A_2188 = arith.constant 48 : index
        %get3A_2189 = tpu.vector_load %arg12[%get3A_2187, %get3A_2188] {strides = array<i32>} : memref<576x128xf32, #tpu.memory_space<vmem>>, vector<16xf32>,
        %add3A_2190 = arith.addf %scan3A_2152, %get3A_2189 : vector<16xf32>
        %mul3A_2191 = arith.mulf %get3A_2189, %get3A_2189 : vector<16xf32>
        %add3A_2192 = arith.addf %scan3A_2156, %mul3A_2191 : vector<16xf32>
        %add3A_2193 = arith.constant 1 : i32
        %add3A_2194 = arith.addi %add3A_2160, %add3A_2193 : i32
        %get3A_2195 = arith.index_cast %add3A_2194 : i32 to index
        %get3A_2196 = arith.constant 0 : index
        %get3A_2197 = tpu.vector_load %arg12[%get3A_2195, %get3A_2196] {strides = array<i32>} : memref<576x128xf32, #tpu.memory_space<vmem>>, vector<16xf32>,
        %add3A_2198 = arith.addf %add3A_2166, %get3A_2197 : vector<16xf32>
        %mul3A_2199 = arith.mulf %get3A_2197, %get3A_2197 : vector<16xf32>
        %add3A_2200 = arith.addf %add3A_2168, %mul3A_2199 : vector<16xf32>
        %add3A_2201 = arith.constant 1 : i32
        %add3A_2202 = arith.addi %add3A_2160, %add3A_2201 : i32
        %get3A_2203 = arith.index_cast %add3A_2202 : i32 to index
        %get3A_2204 = arith.constant 16 : index
        %get3A_2205 = tpu.vector_load %arg12[%get3A_2203, %get3A_2204] {strides = array<i32>} : memref<576x128xf32, #tpu.memory_space<vmem>>, vector<16xf32>,
        %add3A_2206 = arith.addf %add3A_2174, %get3A_2205 : vector<16xf32>
        %mul3A_2207 = arith.mulf %get3A_2205, %get3A_2205 : vector<16xf32>
        %add3A_2208 = arith.addf %add3A_2176, %mul3A_2207 : vector<16xf32>
        %add3A_2209 = arith.constant 1 : i32
        %add3A_2210 = arith.addi %add3A_2160, %add3A_2209 : i32
        %get3A_2211 = arith.index_cast %add3A_2210 : i32 to index
        %get3A_2212 = arith.constant 32 : index
        %get3A_2213 = tpu.vector_load %arg12[%get3A_2211, %get3A_2212] {strides = array<i32>} : memref<576x128xf32, #tpu.memory_space<vmem>>, vector<16xf32>,
        %add3A_2214 = arith.addf %add3A_2182, %get3A_2213 : vector<16xf32>
        %mul3A_2215 = arith.mulf %get3A_2213, %get3A_2213 : vector<16xf32>
        %add3A_2216 = arith.addf %add3A_2184, %mul3A_2215 : vector<16xf32>
        %add3A_2217 = arith.constant 1 : i32
        %add3A_2218 = arith.addi %add3A_2160, %add3A_2217 : i32
        %get3A_2219 = arith.index_cast %add3A_2218 : i32 to index
        %get3A_2220 = arith.constant 48 : index
        %get3A_2221 = tpu.vector_load %arg12[%get3A_2219, %get3A_2220] {strides = array<i32>} : memref<576x128xf32, #tpu.memory_space<vmem>>, vector<16xf32>,
        %add3A_2222 = arith.addf %add3A_2190, %get3A_2221 : vector<16xf32>
        %mul3A_2223 = arith.mulf %get3A_2221, %get3A_2221 : vector<16xf32>
        %add3A_2224 = arith.addf %add3A_2192, %mul3A_2223 : vector<16xf32>
        %add3A_2225 = arith.constant 2 : i32
        %add3A_2226 = arith.addi %add3A_2160, %add3A_2225 : i32
        %get3A_2227 = arith.index_cast %add3A_2226 : i32 to index
        %get3A_2228 = arith.constant 0 : index
        %get3A_2229 = tpu.vector_load %arg12[%get3A_2227, %get3A_2228] {strides = array<i32>} : memref<576x128xf32, #tpu.memory_space<vmem>>, vector<16xf32>,
        %add3A_2230 = arith.addf %add3A_2198, %get3A_2229 : vector<16xf32>
        %mul3A_2231 = arith.mulf %get3A_2229, %get3A_2229 : vector<16xf32>
        %add3A_2232 = arith.addf %add3A_2200, %mul3A_2231 : vector<16xf32>
        %add3A_2233 = arith.constant 2 : i32
        %add3A_2234 = arith.addi %add3A_2160, %add3A_2233 : i32
        %get3A_2235 = arith.index_cast %add3A_2234 : i32 to index
        %get3A_2236 = arith.constant 16 : index
        %get3A_2237 = tpu.vector_load %arg12[%get3A_2235, %get3A_2236] {strides = array<i32>} : memref<576x128xf32, #tpu.memory_space<vmem>>, vector<16xf32>,
        %add3A_2238 = arith.addf %add3A_2206, %get3A_2237 : vector<16xf32>
        %mul3A_2239 = arith.mulf %get3A_2237, %get3A_2237 : vector<16xf32>
        %add3A_2240 = arith.addf %add3A_2208, %mul3A_2239 : vector<16xf32>
        %add3A_2241 = arith.constant 2 : i32
        %add3A_2242 = arith.addi %add3A_2160, %add3A_2241 : i32
        %get3A_2243 = arith.index_cast %add3A_2242 : i32 to index
        %get3A_2244 = arith.constant 32 : index
        %get3A_2245 = tpu.vector_load %arg12[%get3A_2243, %get3A_2244] {strides = array<i32>} : memref<576x128xf32, #tpu.memory_space<vmem>>, vector<16xf32>,
        %add3A_2246 = arith.addf %add3A_2214, %get3A_2245 : vector<16xf32>
        %mul3A_2247 = arith.mulf %get3A_2245, %get3A_2245 : vector<16xf32>
        %add3A_2248 = arith.addf %add3A_2216, %mul3A_2247 : vector<16xf32>
        %add3A_2249 = arith.constant 2 : i32
        %add3A_2250 = arith.addi %add3A_2160, %add3A_2249 : i32
        %get3A_2251 = arith.index_cast %add3A_2250 : i32 to index
        %get3A_2252 = arith.constant 48 : index
        %get3A_2253 = tpu.vector_load %arg12[%get3A_2251, %get3A_2252] {strides = array<i32>} : memref<576x128xf32, #tpu.memory_space<vmem>>, vector<16xf32>,
        %add3A_2254 = arith.addf %add3A_2222, %get3A_2253 : vector<16xf32>
        %mul3A_2255 = arith.mulf %get3A_2253, %get3A_2253 : vector<16xf32>
        %add3A_2256 = arith.addf %add3A_2224, %mul3A_2255 : vector<16xf32>
        %add3A_2257 = arith.constant 3 : i32
        %add3A_2258 = arith.addi %add3A_2160, %add3A_2257 : i32
        %get3A_2259 = arith.index_cast %add3A_2258 : i32 to index
        %get3A_2260 = arith.constant 0 : index
        %get3A_2261 = tpu.vector_load %arg12[%get3A_2259, %get3A_2260] {strides = array<i32>} : memref<576x128xf32, #tpu.memory_space<vmem>>, vector<16xf32>,
        %add3A_2262 = arith.addf %add3A_2230, %get3A_2261 : vector<16xf32>
        %mul3A_2263 = arith.mulf %get3A_2261, %get3A_2261 : vector<16xf32>
        %add3A_2264 = arith.addf %add3A_2232, %mul3A_2263 : vector<16xf32>
        %add3A_2265 = arith.constant 3 : i32
        %add3A_2266 = arith.addi %add3A_2160, %add3A_2265 : i32
        %get3A_2267 = arith.index_cast %add3A_2266 : i32 to index
        %get3A_2268 = arith.constant 16 : index
        %get3A_2269 = tpu.vector_load %arg12[%get3A_2267, %get3A_2268] {strides = array<i32>} : memref<576x128xf32, #tpu.memory_space<vmem>>, vector<16xf32>,
        %add3A_2270 = arith.addf %add3A_2238, %get3A_2269 : vector<16xf32>
        %mul3A_2271 = arith.mulf %get3A_2269, %get3A_2269 : vector<16xf32>
        %add3A_2272 = arith.addf %add3A_2240, %mul3A_2271 : vector<16xf32>
        %add3A_2273 = arith.constant 3 : i32
        %add3A_2274 = arith.addi %add3A_2160, %add3A_2273 : i32
        %get3A_2275 = arith.index_cast %add3A_2274 : i32 to index
        %get3A_2276 = arith.constant 32 : index
        %get3A_2277 = tpu.vector_load %arg12[%get3A_2275, %get3A_2276] {strides = array<i32>} : memref<576x128xf32, #tpu.memory_space<vmem>>, vector<16xf32>,
        %add3A_2278 = arith.addf %add3A_2246, %get3A_2277 : vector<16xf32>
        %mul3A_2279 = arith.mulf %get3A_2277, %get3A_2277 : vector<16xf32>
        %add3A_2280 = arith.addf %add3A_2248, %mul3A_2279 : vector<16xf32>
        %add3A_2281 = arith.constant 3 : i32
        %add3A_2282 = arith.addi %add3A_2160, %add3A_2281 : i32
        %get3A_2283 = arith.index_cast %add3A_2282 : i32 to index
        %get3A_2284 = arith.constant 48 : index
        %get3A_2285 = tpu.vector_load %arg12[%get3A_2283, %get3A_2284] {strides = array<i32>} : memref<576x128xf32, #tpu.memory_space<vmem>>, vector<16xf32>,
        %add3A_2286 = arith.addf %add3A_2254, %get3A_2285 : vector<16xf32>
        %mul3A_2287 = arith.mulf %get3A_2285, %get3A_2285 : vector<16xf32>
        %add3A_2288 = arith.addf %add3A_2256, %mul3A_2287 : vector<16xf32>
        scf.yield %add3A_2262, %add3A_2270, %add3A_2278, %add3A_2286, %add3A_2264, %add3A_2272, %add3A_2280, %add3A_2288 : vector<16xf32>, vector<16xf32>, vector<16xf32>, vector<16xf32>, vector<16xf32>, vector<16xf32>, vector<16xf32>, vector<16xf32>
      }
      %scan3A_1450 = arith.constant 5 : i32
      %get3A_1451 = arith.constant 504 : i32
      %get3A_1452 = arith.index_cast %get3A_1451 : i32 to index
      %get3A_1453 = arith.constant 0 : index
      %get3A_1454 = tpu.vector_load %arg12[%get3A_1452, %get3A_1453] {strides = array<i32>} : memref<576x128xf32, #tpu.memory_space<vmem>>, vector<16xf32>,
      %get3A_1455 = arith.constant 505 : i32
      %get3A_1456 = arith.index_cast %get3A_1455 : i32 to index
      %get3A_1457 = arith.constant 0 : index
      %get3A_1458 = tpu.vector_load %arg12[%get3A_1456, %get3A_1457] {strides = array<i32>} : memref<576x128xf32, #tpu.memory_space<vmem>>, vector<16xf32>,
      %add3A_1459 = arith.addf %get3A_1454, %get3A_1458 : vector<16xf32>
      %mul3A_1460 = arith.mulf %get3A_1454, %get3A_1454 : vector<16xf32>
      %mul3A_1461 = arith.mulf %get3A_1458, %get3A_1458 : vector<16xf32>
      %add3A_1462 = arith.addf %mul3A_1460, %mul3A_1461 : vector<16xf32>
      %add3A_1463 = arith.addf %add3A_1459, %scan3A_1449#0 : vector<16xf32>
      %mul3A_1464 = arith.mulf %add3A_1463, %add3A_1463 : vector<16xf32>
      %mul3A_1465 = arith.constant 5.000000e-01 : f32
      %mul3A_1466 = vector.broadcast %mul3A_1465 : f32 to vector<16xf32>
      %mul3A_1467 = arith.mulf %mul3A_1466, %mul3A_1464 : vector<16xf32>
      %mul3A_1468 = arith.mulf %scan3A_1443#0, %scan3A_1449#0 : vector<16xf32>
      %add3A_1469 = arith.addf %mul3A_1467, %mul3A_1468 : vector<16xf32>
      %mul3A_1470 = arith.constant 5.000000e-01 : f32
      %mul3A_1471 = vector.broadcast %mul3A_1470 : f32 to vector<16xf32>
      %mul3A_1472 = arith.mulf %mul3A_1471, %add3A_1462 : vector<16xf32>
      %sub3A_1473 = arith.subf %add3A_1469, %mul3A_1472 : vector<16xf32>
      %mul3A_1474 = arith.constant 5.000000e-01 : f32
      %mul3A_1475 = vector.broadcast %mul3A_1474 : f32 to vector<16xf32>
      %mul3A_1476 = arith.mulf %mul3A_1475, %scan3A_1449#4 : vector<16xf32>
      %sub3A_1477 = arith.subf %sub3A_1473, %mul3A_1476 : vector<16xf32>
      %add3A_1478 = arith.addf %broadcast_in_dim3A_4, %sub3A_1477 : vector<16xf32>
      %get3A_1479 = arith.constant 504 : i32
      %get3A_1480 = arith.index_cast %get3A_1479 : i32 to index
      %get3A_1481 = arith.constant 16 : index
      %get3A_1482 = tpu.vector_load %arg12[%get3A_1480, %get3A_1481] {strides = array<i32>} : memref<576x128xf32, #tpu.memory_space<vmem>>, vector<16xf32>,
      %get3A_1483 = arith.constant 505 : i32
      %get3A_1484 = arith.index_cast %get3A_1483 : i32 to index
      %get3A_1485 = arith.constant 16 : index
      %get3A_1486 = tpu.vector_load %arg12[%get3A_1484, %get3A_1485] {strides = array<i32>} : memref<576x128xf32, #tpu.memory_space<vmem>>, vector<16xf32>,
      %add3A_1487 = arith.addf %get3A_1482, %get3A_1486 : vector<16xf32>
      %mul3A_1488 = arith.mulf %get3A_1482, %get3A_1482 : vector<16xf32>
      %mul3A_1489 = arith.mulf %get3A_1486, %get3A_1486 : vector<16xf32>
      %add3A_1490 = arith.addf %mul3A_1488, %mul3A_1489 : vector<16xf32>
      %add3A_1491 = arith.addf %add3A_1487, %scan3A_1449#1 : vector<16xf32>
      %mul3A_1492 = arith.mulf %add3A_1491, %add3A_1491 : vector<16xf32>
      %mul3A_1493 = arith.constant 5.000000e-01 : f32
      %mul3A_1494 = vector.broadcast %mul3A_1493 : f32 to vector<16xf32>
      %mul3A_1495 = arith.mulf %mul3A_1494, %mul3A_1492 : vector<16xf32>
      %mul3A_1496 = arith.mulf %scan3A_1443#1, %scan3A_1449#1 : vector<16xf32>
      %add3A_1497 = arith.addf %mul3A_1495, %mul3A_1496 : vector<16xf32>
      %mul3A_1498 = arith.constant 5.000000e-01 : f32
      %mul3A_1499 = vector.broadcast %mul3A_1498 : f32 to vector<16xf32>
      %mul3A_1500 = arith.mulf %mul3A_1499, %add3A_1490 : vector<16xf32>
      %sub3A_1501 = arith.subf %add3A_1497, %mul3A_1500 : vector<16xf32>
      %mul3A_1502 = arith.constant 5.000000e-01 : f32
      %mul3A_1503 = vector.broadcast %mul3A_1502 : f32 to vector<16xf32>
      %mul3A_1504 = arith.mulf %mul3A_1503, %scan3A_1449#5 : vector<16xf32>
      %sub3A_1505 = arith.subf %sub3A_1501, %mul3A_1504 : vector<16xf32>
      %add3A_1506 = arith.addf %add3A_1478, %sub3A_1505 : vector<16xf32>
      %get3A_1507 = arith.constant 504 : i32
      %get3A_1508 = arith.index_cast %get3A_1507 : i32 to index
      %get3A_1509 = arith.constant 32 : index
      %get3A_1510 = tpu.vector_load %arg12[%get3A_1508, %get3A_1509] {strides = array<i32>} : memref<576x128xf32, #tpu.memory_space<vmem>>, vector<16xf32>,
      %get3A_1511 = arith.constant 505 : i32
      %get3A_1512 = arith.index_cast %get3A_1511 : i32 to index
      %get3A_1513 = arith.constant 32 : index
      %get3A_1514 = tpu.vector_load %arg12[%get3A_1512, %get3A_1513] {strides = array<i32>} : memref<576x128xf32, #tpu.memory_space<vmem>>, vector<16xf32>,
      %add3A_1515 = arith.addf %get3A_1510, %get3A_1514 : vector<16xf32>
      %mul3A_1516 = arith.mulf %get3A_1510, %get3A_1510 : vector<16xf32>
      %mul3A_1517 = arith.mulf %get3A_1514, %get3A_1514 : vector<16xf32>
      %add3A_1518 = arith.addf %mul3A_1516, %mul3A_1517 : vector<16xf32>
      %add3A_1519 = arith.addf %add3A_1515, %scan3A_1449#2 : vector<16xf32>
      %mul3A_1520 = arith.mulf %add3A_1519, %add3A_1519 : vector<16xf32>
      %mul3A_1521 = arith.constant 5.000000e-01 : f32
      %mul3A_1522 = vector.broadcast %mul3A_1521 : f32 to vector<16xf32>
      %mul3A_1523 = arith.mulf %mul3A_1522, %mul3A_1520 : vector<16xf32>
      %mul3A_1524 = arith.mulf %scan3A_1443#2, %scan3A_1449#2 : vector<16xf32>
      %add3A_1525 = arith.addf %mul3A_1523, %mul3A_1524 : vector<16xf32>
      %mul3A_1526 = arith.constant 5.000000e-01 : f32
      %mul3A_1527 = vector.broadcast %mul3A_1526 : f32 to vector<16xf32>
      %mul3A_1528 = arith.mulf %mul3A_1527, %add3A_1518 : vector<16xf32>
      %sub3A_1529 = arith.subf %add3A_1525, %mul3A_1528 : vector<16xf32>
      %mul3A_1530 = arith.constant 5.000000e-01 : f32
      %mul3A_1531 = vector.broadcast %mul3A_1530 : f32 to vector<16xf32>
      %mul3A_1532 = arith.mulf %mul3A_1531, %scan3A_1449#6 : vector<16xf32>
      %sub3A_1533 = arith.subf %sub3A_1529, %mul3A_1532 : vector<16xf32>
      %add3A_1534 = arith.addf %add3A_1506, %sub3A_1533 : vector<16xf32>
      %get3A_1535 = arith.constant 504 : i32
      %get3A_1536 = arith.index_cast %get3A_1535 : i32 to index
      %get3A_1537 = arith.constant 48 : index
      %get3A_1538 = tpu.vector_load %arg12[%get3A_1536, %get3A_1537] {strides = array<i32>} : memref<576x128xf32, #tpu.memory_space<vmem>>, vector<16xf32>,
      %get3A_1539 = arith.constant 505 : i32
      %get3A_1540 = arith.index_cast %get3A_1539 : i32 to index
      %get3A_1541 = arith.constant 48 : index
      %get3A_1542 = tpu.vector_load %arg12[%get3A_1540, %get3A_1541] {strides = array<i32>} : memref<576x128xf32, #tpu.memory_space<vmem>>, vector<16xf32>,
      %add3A_1543 = arith.addf %get3A_1538, %get3A_1542 : vector<16xf32>
      %mul3A_1544 = arith.mulf %get3A_1538, %get3A_1538 : vector<16xf32>
      %mul3A_1545 = arith.mulf %get3A_1542, %get3A_1542 : vector<16xf32>
      %add3A_1546 = arith.addf %mul3A_1544, %mul3A_1545 : vector<16xf32>
      %add3A_1547 = arith.addf %add3A_1543, %scan3A_1449#3 : vector<16xf32>
      %mul3A_1548 = arith.mulf %add3A_1547, %add3A_1547 : vector<16xf32>
      %mul3A_1549 = arith.constant 5.000000e-01 : f32
      %mul3A_1550 = vector.broadcast %mul3A_1549 : f32 to vector<16xf32>
      %mul3A_1551 = arith.mulf %mul3A_1550, %mul3A_1548 : vector<16xf32>
      %mul3A_1552 = arith.mulf %scan3A_1443#3, %scan3A_1449#3 : vector<16xf32>
      %add3A_1553 = arith.addf %mul3A_1551, %mul3A_1552 : vector<16xf32>
      %mul3A_1554 = arith.constant 5.000000e-01 : f32
      %mul3A_1555 = vector.broadcast %mul3A_1554 : f32 to vector<16xf32>
      %mul3A_1556 = arith.mulf %mul3A_1555, %add3A_1546 : vector<16xf32>
      %sub3A_1557 = arith.subf %add3A_1553, %mul3A_1556 : vector<16xf32>
      %mul3A_1558 = arith.constant 5.000000e-01 : f32
      %mul3A_1559 = vector.broadcast %mul3A_1558 : f32 to vector<16xf32>
      %mul3A_1560 = arith.mulf %mul3A_1559, %scan3A_1449#7 : vector<16xf32>
      %sub3A_1561 = arith.subf %sub3A_1557, %mul3A_1560 : vector<16xf32>
      %add3A_1562 = arith.addf %add3A_1534, %sub3A_1561 : vector<16xf32>
      %xor3A_1563 = arith.constant 8 : i32
      %xor3A_1564 = vector.broadcast %xor3A_1563 : i32 to vector<16xi32>
      %xor3A_1565 = arith.xori %iota3A, %xor3A_1564 : vector<16xi32>
      %broadcast_in_dim3A_1566 = vector.shape_cast %xor3A_1565 : vector<16xi32> to vector<16x1xi32>
      %gather3A_1567 = vector.shape_cast %broadcast_in_dim3A_1566 : vector<16x1xi32> to vector<16xi32>
      %gather3A_1568 = tpu.dynamic_gather %add3A_1562[%gather3A_1567] in [0] : vector<16xf32>, vector<16xi32> -> vector<16xf32>
      %add3A_1569 = arith.addf %add3A_1562, %gather3A_1568 : vector<16xf32>
      %xor3A_1570 = arith.constant 4 : i32
      %xor3A_1571 = vector.broadcast %xor3A_1570 : i32 to vector<16xi32>
      %xor3A_1572 = arith.xori %iota3A, %xor3A_1571 : vector<16xi32>
      %broadcast_in_dim3A_1573 = vector.shape_cast %xor3A_1572 : vector<16xi32> to vector<16x1xi32>
      %gather3A_1574 = vector.shape_cast %broadcast_in_dim3A_1573 : vector<16x1xi32> to vector<16xi32>
      %gather3A_1575 = tpu.dynamic_gather %add3A_1569[%gather3A_1574] in [0] : vector<16xf32>, vector<16xi32> -> vector<16xf32>
      %add3A_1576 = arith.addf %add3A_1569, %gather3A_1575 : vector<16xf32>
      %xor3A_1577 = arith.constant 2 : i32
      %xor3A_1578 = vector.broadcast %xor3A_1577 : i32 to vector<16xi32>
      %xor3A_1579 = arith.xori %iota3A, %xor3A_1578 : vector<16xi32>
      %broadcast_in_dim3A_1580 = vector.shape_cast %xor3A_1579 : vector<16xi32> to vector<16x1xi32>
      %gather3A_1581 = vector.shape_cast %broadcast_in_dim3A_1580 : vector<16x1xi32> to vector<16xi32>
      %gather3A_1582 = tpu.dynamic_gather %add3A_1576[%gather3A_1581] in [0] : vector<16xf32>, vector<16xi32> -> vector<16xf32>
      %add3A_1583 = arith.addf %add3A_1576, %gather3A_1582 : vector<16xf32>
      %xor3A_1584 = arith.constant 1 : i32
      %xor3A_1585 = vector.broadcast %xor3A_1584 : i32 to vector<16xi32>
      %xor3A_1586 = arith.xori %iota3A, %xor3A_1585 : vector<16xi32>
      %broadcast_in_dim3A_1587 = vector.shape_cast %xor3A_1586 : vector<16xi32> to vector<16x1xi32>
      %gather3A_1588 = vector.shape_cast %broadcast_in_dim3A_1587 : vector<16x1xi32> to vector<16xi32>
      %gather3A_1589 = tpu.dynamic_gather %add3A_1583[%gather3A_1588] in [0] : vector<16xf32>, vector<16xi32> -> vector<16xf32>
      %add3A_1590 = arith.addf %add3A_1583, %gather3A_1589 : vector<16xf32>
      %mul3A_1591 = arith.constant 8 : i32
      %mul3A_1592 = arith.muli %scan3A_12, %mul3A_1591 : i32
      %add3A_1593 = arith.constant 7 : i32
      %add3A_1594 = arith.addi %mul3A_1592, %add3A_1593 : i32
      %broadcast_in_dim3A_1595 = vector.broadcast %add3A_1594 : i32 to vector<16xi32>
      %add3A_1596 = arith.addf %add3A_1590, %get3A_1 : vector<16xf32>
      tpu.vector_store_idx %arg14[%broadcast_in_dim3A_1595], %add3A_1596 masked %eq3A_3 : memref<128xf32, #tpu.memory_space<vmem>>[vector<16xi32>], vector<16xf32>, vector<16xi1>
      %broadcast_in_dim3A_1597 = arith.constant 64 : i32
      %broadcast_in_dim3A_1598 = vector.broadcast %broadcast_in_dim3A_1597 : i32 to vector<16xi32>
      %shift_right_arithmetic3A = arith.constant 1 : i32
      %shift_right_arithmetic3A_1599 = vector.broadcast %shift_right_arithmetic3A : i32 to vector<16xi32>
      %shift_right_arithmetic3A_1600 = arith.shrsi %iota3A, %shift_right_arithmetic3A_1599 : vector<16xi32>
      %mul3A_1601 = arith.constant 72 : i32
      %mul3A_1602 = vector.broadcast %mul3A_1601 : i32 to vector<16xi32>
      %mul3A_1603 = arith.muli %shift_right_arithmetic3A_1600, %mul3A_1602 : vector<16xi32>
      %and3A = arith.constant 1 : i32
      %and3A_1604 = vector.broadcast %and3A : i32 to vector<16xi32>
      %and3A_1605 = arith.andi %iota3A, %and3A_1604 : vector<16xi32>
      %add3A_1606 = arith.addi %mul3A_1603, %and3A_1605 : vector<16xi32>
      %gather3A_1607 = tpu.vector_load_idx %arg12[%add3A_1606, %broadcast_in_dim3A_1598] : memref<576x128xf32, #tpu.memory_space<vmem>>[vector<16xi32>, vector<16xi32>], vector<16xf32>,
      %shift_right_arithmetic3A_1608 = arith.constant 1 : i32
      %shift_right_arithmetic3A_1609 = vector.broadcast %shift_right_arithmetic3A_1608 : i32 to vector<16xi32>
      %shift_right_arithmetic3A_1610 = arith.shrsi %iota3A, %shift_right_arithmetic3A_1609 : vector<16xi32>
      %mul3A_1611 = arith.constant 22 : i32
      %mul3A_1612 = vector.broadcast %mul3A_1611 : i32 to vector<16xi32>
      %mul3A_1613 = arith.muli %shift_right_arithmetic3A_1610, %mul3A_1612 : vector<16xi32>
      %and3A_1614 = arith.constant 1 : i32
      %and3A_1615 = vector.broadcast %and3A_1614 : i32 to vector<16xi32>
      %and3A_1616 = arith.andi %iota3A, %and3A_1615 : vector<16xi32>
      %add3A_1617 = arith.addi %mul3A_1613, %and3A_1616 : vector<16xi32>
      tpu.vector_store_idx %arg13[%add3A_1617], %gather3A_1607 : memref<176xf32, #tpu.memory_space<vmem>>[vector<16xi32>], vector<16xf32>,
      %add3A_1618 = arith.constant 0 : i32
      %add3A_1619 = vector.broadcast %add3A_1618 : i32 to vector<16xi32>
      %add3A_1620 = arith.addi %add3A_1619, %iota3A : vector<16xi32>
      %jit3A = arith.constant 20 : i32
      %div3A = vector.broadcast %jit3A : i32 to vector<16xi32>
      %div3A_1621 = arith.divsi %add3A_1620, %div3A : vector<16xi32>
      %sign3A = arith.constant 0 : i32
      %sign3A_1622 = vector.broadcast %sign3A : i32 to vector<16xi32>
      %sign3A_1623 = arith.cmpi sgt, %add3A_1620, %sign3A_1622 : vector<16xi32>
      %sign3A_1624 = arith.extui %sign3A_1623 : vector<16xi1> to vector<16xi32>
      %sign3A_1625 = arith.constant 0 : i32
      %sign3A_1626 = vector.broadcast %sign3A_1625 : i32 to vector<16xi32>
      %sign3A_1627 = arith.cmpi slt, %add3A_1620, %sign3A_1626 : vector<16xi32>
      %sign3A_1628 = arith.extui %sign3A_1627 : vector<16xi1> to vector<16xi32>
      %sign3A_1629 = arith.subi %sign3A_1624, %sign3A_1628 : vector<16xi32>
      %sign3A_1630 = arith.constant 0 : i32
      %sign3A_1631 = arith.cmpi sgt, %jit3A, %sign3A_1630 : i32
      %sign3A_1632 = arith.extui %sign3A_1631 : i1 to i32
      %sign3A_1633 = arith.constant 0 : i32
      %sign3A_1634 = arith.cmpi slt, %jit3A, %sign3A_1633 : i32
      %sign3A_1635 = arith.extui %sign3A_1634 : i1 to i32
      %sign3A_1636 = arith.subi %sign3A_1632, %sign3A_1635 : i32
      %ne3A = vector.broadcast %sign3A_1636 : i32 to vector<16xi32>
      %ne3A_1637 = arith.cmpi ne, %sign3A_1629, %ne3A : vector<16xi32>
      %rem3A = vector.broadcast %jit3A : i32 to vector<16xi32>
      %rem3A_1638 = arith.remsi %add3A_1620, %rem3A : vector<16xi32>
      %ne3A_1639 = arith.constant 0 : i32
      %ne3A_1640 = vector.broadcast %ne3A_1639 : i32 to vector<16xi32>
      %ne3A_1641 = arith.cmpi ne, %rem3A_1638, %ne3A_1640 : vector<16xi32>
      %and3A_1642 = arith.andi %ne3A_1637, %ne3A_1641 : vector<16xi1>
      %sub3A_1643 = arith.constant 1 : i32
      %sub3A_1644 = vector.broadcast %sub3A_1643 : i32 to vector<16xi32>
      %sub3A_1645 = arith.subi %div3A_1621, %sub3A_1644 : vector<16xi32>
      %select_n3A = arith.select %and3A_1642, %sub3A_1645, %div3A_1621 : vector<16xi1>, vector<16xi32>
      %mul3A_1646 = arith.constant 20 : i32
      %mul3A_1647 = vector.broadcast %mul3A_1646 : i32 to vector<16xi32>
      %mul3A_1648 = arith.muli %select_n3A, %mul3A_1647 : vector<16xi32>
      %sub3A_1649 = arith.subi %add3A_1620, %mul3A_1648 : vector<16xi32>
      %mul3A_1650 = arith.constant 72 : i32
      %mul3A_1651 = vector.broadcast %mul3A_1650 : i32 to vector<16xi32>
      %mul3A_1652 = arith.muli %select_n3A, %mul3A_1651 : vector<16xi32>
      %add3A_1653 = arith.constant 2 : i32
      %add3A_1654 = vector.broadcast %add3A_1653 : i32 to vector<16xi32>
      %add3A_1655 = arith.addi %mul3A_1652, %add3A_1654 : vector<16xi32>
      %add3A_1656 = arith.addi %add3A_1655, %sub3A_1649 : vector<16xi32>
      %gather3A_1657 = tpu.vector_load_idx %arg12[%add3A_1656, %broadcast_in_dim3A_1598] : memref<576x128xf32, #tpu.memory_space<vmem>>[vector<16xi32>, vector<16xi32>], vector<16xf32>,
      %mul3A_1658 = arith.constant 22 : i32
      %mul3A_1659 = vector.broadcast %mul3A_1658 : i32 to vector<16xi32>
      %mul3A_1660 = arith.muli %select_n3A, %mul3A_1659 : vector<16xi32>
      %add3A_1661 = arith.constant 2 : i32
      %add3A_1662 = vector.broadcast %add3A_1661 : i32 to vector<16xi32>
      %add3A_1663 = arith.addi %mul3A_1660, %add3A_1662 : vector<16xi32>
      %add3A_1664 = arith.addi %add3A_1663, %sub3A_1649 : vector<16xi32>
      tpu.vector_store_idx %arg13[%add3A_1664], %gather3A_1657 : memref<176xf32, #tpu.memory_space<vmem>>[vector<16xi32>], vector<16xf32>,
      %add3A_1665 = arith.constant 16 : i32
      %add3A_1666 = vector.broadcast %add3A_1665 : i32 to vector<16xi32>
      %add3A_1667 = arith.addi %add3A_1666, %iota3A : vector<16xi32>
      %jit3A_1668 = arith.constant 20 : i32
      %div3A_1669 = vector.broadcast %jit3A_1668 : i32 to vector<16xi32>
      %div3A_1670 = arith.divsi %add3A_1667, %div3A_1669 : vector<16xi32>
      %sign3A_1671 = arith.constant 0 : i32
      %sign3A_1672 = vector.broadcast %sign3A_1671 : i32 to vector<16xi32>
      %sign3A_1673 = arith.cmpi sgt, %add3A_1667, %sign3A_1672 : vector<16xi32>
      %sign3A_1674 = arith.extui %sign3A_1673 : vector<16xi1> to vector<16xi32>
      %sign3A_1675 = arith.constant 0 : i32
      %sign3A_1676 = vector.broadcast %sign3A_1675 : i32 to vector<16xi32>
      %sign3A_1677 = arith.cmpi slt, %add3A_1667, %sign3A_1676 : vector<16xi32>
      %sign3A_1678 = arith.extui %sign3A_1677 : vector<16xi1> to vector<16xi32>
      %sign3A_1679 = arith.subi %sign3A_1674, %sign3A_1678 : vector<16xi32>
      %sign3A_1680 = arith.constant 0 : i32
      %sign3A_1681 = arith.cmpi sgt, %jit3A_1668, %sign3A_1680 : i32
      %sign3A_1682 = arith.extui %sign3A_1681 : i1 to i32
      %sign3A_1683 = arith.constant 0 : i32
      %sign3A_1684 = arith.cmpi slt, %jit3A_1668, %sign3A_1683 : i32
      %sign3A_1685 = arith.extui %sign3A_1684 : i1 to i32
      %sign3A_1686 = arith.subi %sign3A_1682, %sign3A_1685 : i32
      %ne3A_1687 = vector.broadcast %sign3A_1686 : i32 to vector<16xi32>
      %ne3A_1688 = arith.cmpi ne, %sign3A_1679, %ne3A_1687 : vector<16xi32>
      %rem3A_1689 = vector.broadcast %jit3A_1668 : i32 to vector<16xi32>
      %rem3A_1690 = arith.remsi %add3A_1667, %rem3A_1689 : vector<16xi32>
      %ne3A_1691 = arith.constant 0 : i32
      %ne3A_1692 = vector.broadcast %ne3A_1691 : i32 to vector<16xi32>
      %ne3A_1693 = arith.cmpi ne, %rem3A_1690, %ne3A_1692 : vector<16xi32>
      %and3A_1694 = arith.andi %ne3A_1688, %ne3A_1693 : vector<16xi1>
      %sub3A_1695 = arith.constant 1 : i32
      %sub3A_1696 = vector.broadcast %sub3A_1695 : i32 to vector<16xi32>
      %sub3A_1697 = arith.subi %div3A_1670, %sub3A_1696 : vector<16xi32>
      %select_n3A_1698 = arith.select %and3A_1694, %sub3A_1697, %div3A_1670 : vector<16xi1>, vector<16xi32>
      %mul3A_1699 = arith.constant 20 : i32
      %mul3A_1700 = vector.broadcast %mul3A_1699 : i32 to vector<16xi32>
      %mul3A_1701 = arith.muli %select_n3A_1698, %mul3A_1700 : vector<16xi32>
      %sub3A_1702 = arith.subi %add3A_1667, %mul3A_1701 : vector<16xi32>
      %mul3A_1703 = arith.constant 72 : i32
      %mul3A_1704 = vector.broadcast %mul3A_1703 : i32 to vector<16xi32>
      %mul3A_1705 = arith.muli %select_n3A_1698, %mul3A_1704 : vector<16xi32>
      %add3A_1706 = arith.constant 2 : i32
      %add3A_1707 = vector.broadcast %add3A_1706 : i32 to vector<16xi32>
      %add3A_1708 = arith.addi %mul3A_1705, %add3A_1707 : vector<16xi32>
      %add3A_1709 = arith.addi %add3A_1708, %sub3A_1702 : vector<16xi32>
      %gather3A_1710 = tpu.vector_load_idx %arg12[%add3A_1709, %broadcast_in_dim3A_1598] : memref<576x128xf32, #tpu.memory_space<vmem>>[vector<16xi32>, vector<16xi32>], vector<16xf32>,
      %mul3A_1711 = arith.constant 22 : i32
      %mul3A_1712 = vector.broadcast %mul3A_1711 : i32 to vector<16xi32>
      %mul3A_1713 = arith.muli %select_n3A_1698, %mul3A_1712 : vector<16xi32>
      %add3A_1714 = arith.constant 2 : i32
      %add3A_1715 = vector.broadcast %add3A_1714 : i32 to vector<16xi32>
      %add3A_1716 = arith.addi %mul3A_1713, %add3A_1715 : vector<16xi32>
      %add3A_1717 = arith.addi %add3A_1716, %sub3A_1702 : vector<16xi32>
      tpu.vector_store_idx %arg13[%add3A_1717], %gather3A_1710 : memref<176xf32, #tpu.memory_space<vmem>>[vector<16xi32>], vector<16xf32>,
      %add3A_1718 = arith.constant 32 : i32
      %add3A_1719 = vector.broadcast %add3A_1718 : i32 to vector<16xi32>
      %add3A_1720 = arith.addi %add3A_1719, %iota3A : vector<16xi32>
      %jit3A_1721 = arith.constant 20 : i32
      %div3A_1722 = vector.broadcast %jit3A_1721 : i32 to vector<16xi32>
      %div3A_1723 = arith.divsi %add3A_1720, %div3A_1722 : vector<16xi32>
      %sign3A_1724 = arith.constant 0 : i32
      %sign3A_1725 = vector.broadcast %sign3A_1724 : i32 to vector<16xi32>
      %sign3A_1726 = arith.cmpi sgt, %add3A_1720, %sign3A_1725 : vector<16xi32>
      %sign3A_1727 = arith.extui %sign3A_1726 : vector<16xi1> to vector<16xi32>
      %sign3A_1728 = arith.constant 0 : i32
      %sign3A_1729 = vector.broadcast %sign3A_1728 : i32 to vector<16xi32>
      %sign3A_1730 = arith.cmpi slt, %add3A_1720, %sign3A_1729 : vector<16xi32>
      %sign3A_1731 = arith.extui %sign3A_1730 : vector<16xi1> to vector<16xi32>
      %sign3A_1732 = arith.subi %sign3A_1727, %sign3A_1731 : vector<16xi32>
      %sign3A_1733 = arith.constant 0 : i32
      %sign3A_1734 = arith.cmpi sgt, %jit3A_1721, %sign3A_1733 : i32
      %sign3A_1735 = arith.extui %sign3A_1734 : i1 to i32
      %sign3A_1736 = arith.constant 0 : i32
      %sign3A_1737 = arith.cmpi slt, %jit3A_1721, %sign3A_1736 : i32
      %sign3A_1738 = arith.extui %sign3A_1737 : i1 to i32
      %sign3A_1739 = arith.subi %sign3A_1735, %sign3A_1738 : i32
      %ne3A_1740 = vector.broadcast %sign3A_1739 : i32 to vector<16xi32>
      %ne3A_1741 = arith.cmpi ne, %sign3A_1732, %ne3A_1740 : vector<16xi32>
      %rem3A_1742 = vector.broadcast %jit3A_1721 : i32 to vector<16xi32>
      %rem3A_1743 = arith.remsi %add3A_1720, %rem3A_1742 : vector<16xi32>
      %ne3A_1744 = arith.constant 0 : i32
      %ne3A_1745 = vector.broadcast %ne3A_1744 : i32 to vector<16xi32>
      %ne3A_1746 = arith.cmpi ne, %rem3A_1743, %ne3A_1745 : vector<16xi32>
      %and3A_1747 = arith.andi %ne3A_1741, %ne3A_1746 : vector<16xi1>
      %sub3A_1748 = arith.constant 1 : i32
      %sub3A_1749 = vector.broadcast %sub3A_1748 : i32 to vector<16xi32>
      %sub3A_1750 = arith.subi %div3A_1723, %sub3A_1749 : vector<16xi32>
      %select_n3A_1751 = arith.select %and3A_1747, %sub3A_1750, %div3A_1723 : vector<16xi1>, vector<16xi32>
      %mul3A_1752 = arith.constant 20 : i32
      %mul3A_1753 = vector.broadcast %mul3A_1752 : i32 to vector<16xi32>
      %mul3A_1754 = arith.muli %select_n3A_1751, %mul3A_1753 : vector<16xi32>
      %sub3A_1755 = arith.subi %add3A_1720, %mul3A_1754 : vector<16xi32>
      %mul3A_1756 = arith.constant 72 : i32
      %mul3A_1757 = vector.broadcast %mul3A_1756 : i32 to vector<16xi32>
      %mul3A_1758 = arith.muli %select_n3A_1751, %mul3A_1757 : vector<16xi32>
      %add3A_1759 = arith.constant 2 : i32
      %add3A_1760 = vector.broadcast %add3A_1759 : i32 to vector<16xi32>
      %add3A_1761 = arith.addi %mul3A_1758, %add3A_1760 : vector<16xi32>
      %add3A_1762 = arith.addi %add3A_1761, %sub3A_1755 : vector<16xi32>
      %gather3A_1763 = tpu.vector_load_idx %arg12[%add3A_1762, %broadcast_in_dim3A_1598] : memref<576x128xf32, #tpu.memory_space<vmem>>[vector<16xi32>, vector<16xi32>], vector<16xf32>,
      %mul3A_1764 = arith.constant 22 : i32
      %mul3A_1765 = vector.broadcast %mul3A_1764 : i32 to vector<16xi32>
      %mul3A_1766 = arith.muli %select_n3A_1751, %mul3A_1765 : vector<16xi32>
      %add3A_1767 = arith.constant 2 : i32
      %add3A_1768 = vector.broadcast %add3A_1767 : i32 to vector<16xi32>
      %add3A_1769 = arith.addi %mul3A_1766, %add3A_1768 : vector<16xi32>
      %add3A_1770 = arith.addi %add3A_1769, %sub3A_1755 : vector<16xi32>
      tpu.vector_store_idx %arg13[%add3A_1770], %gather3A_1763 : memref<176xf32, #tpu.memory_space<vmem>>[vector<16xi32>], vector<16xf32>,
      %add3A_1771 = arith.constant 48 : i32
      %add3A_1772 = vector.broadcast %add3A_1771 : i32 to vector<16xi32>
      %add3A_1773 = arith.addi %add3A_1772, %iota3A : vector<16xi32>
      %jit3A_1774 = arith.constant 20 : i32
      %div3A_1775 = vector.broadcast %jit3A_1774 : i32 to vector<16xi32>
      %div3A_1776 = arith.divsi %add3A_1773, %div3A_1775 : vector<16xi32>
      %sign3A_1777 = arith.constant 0 : i32
      %sign3A_1778 = vector.broadcast %sign3A_1777 : i32 to vector<16xi32>
      %sign3A_1779 = arith.cmpi sgt, %add3A_1773, %sign3A_1778 : vector<16xi32>
      %sign3A_1780 = arith.extui %sign3A_1779 : vector<16xi1> to vector<16xi32>
      %sign3A_1781 = arith.constant 0 : i32
      %sign3A_1782 = vector.broadcast %sign3A_1781 : i32 to vector<16xi32>
      %sign3A_1783 = arith.cmpi slt, %add3A_1773, %sign3A_1782 : vector<16xi32>
      %sign3A_1784 = arith.extui %sign3A_1783 : vector<16xi1> to vector<16xi32>
      %sign3A_1785 = arith.subi %sign3A_1780, %sign3A_1784 : vector<16xi32>
      %sign3A_1786 = arith.constant 0 : i32
      %sign3A_1787 = arith.cmpi sgt, %jit3A_1774, %sign3A_1786 : i32
      %sign3A_1788 = arith.extui %sign3A_1787 : i1 to i32
      %sign3A_1789 = arith.constant 0 : i32
      %sign3A_1790 = arith.cmpi slt, %jit3A_1774, %sign3A_1789 : i32
      %sign3A_1791 = arith.extui %sign3A_1790 : i1 to i32
      %sign3A_1792 = arith.subi %sign3A_1788, %sign3A_1791 : i32
      %ne3A_1793 = vector.broadcast %sign3A_1792 : i32 to vector<16xi32>
      %ne3A_1794 = arith.cmpi ne, %sign3A_1785, %ne3A_1793 : vector<16xi32>
      %rem3A_1795 = vector.broadcast %jit3A_1774 : i32 to vector<16xi32>
      %rem3A_1796 = arith.remsi %add3A_1773, %rem3A_1795 : vector<16xi32>
      %ne3A_1797 = arith.constant 0 : i32
      %ne3A_1798 = vector.broadcast %ne3A_1797 : i32 to vector<16xi32>
      %ne3A_1799 = arith.cmpi ne, %rem3A_1796, %ne3A_1798 : vector<16xi32>
      %and3A_1800 = arith.andi %ne3A_1794, %ne3A_1799 : vector<16xi1>
      %sub3A_1801 = arith.constant 1 : i32
      %sub3A_1802 = vector.broadcast %sub3A_1801 : i32 to vector<16xi32>
      %sub3A_1803 = arith.subi %div3A_1776, %sub3A_1802 : vector<16xi32>
      %select_n3A_1804 = arith.select %and3A_1800, %sub3A_1803, %div3A_1776 : vector<16xi1>, vector<16xi32>
      %mul3A_1805 = arith.constant 20 : i32
      %mul3A_1806 = vector.broadcast %mul3A_1805 : i32 to vector<16xi32>
      %mul3A_1807 = arith.muli %select_n3A_1804, %mul3A_1806 : vector<16xi32>
      %sub3A_1808 = arith.subi %add3A_1773, %mul3A_1807 : vector<16xi32>
      %mul3A_1809 = arith.constant 72 : i32
      %mul3A_1810 = vector.broadcast %mul3A_1809 : i32 to vector<16xi32>
      %mul3A_1811 = arith.muli %select_n3A_1804, %mul3A_1810 : vector<16xi32>
      %add3A_1812 = arith.constant 2 : i32
      %add3A_1813 = vector.broadcast %add3A_1812 : i32 to vector<16xi32>
      %add3A_1814 = arith.addi %mul3A_1811, %add3A_1813 : vector<16xi32>
      %add3A_1815 = arith.addi %add3A_1814, %sub3A_1808 : vector<16xi32>
      %gather3A_1816 = tpu.vector_load_idx %arg12[%add3A_1815, %broadcast_in_dim3A_1598] : memref<576x128xf32, #tpu.memory_space<vmem>>[vector<16xi32>, vector<16xi32>], vector<16xf32>,
      %mul3A_1817 = arith.constant 22 : i32
      %mul3A_1818 = vector.broadcast %mul3A_1817 : i32 to vector<16xi32>
      %mul3A_1819 = arith.muli %select_n3A_1804, %mul3A_1818 : vector<16xi32>
      %add3A_1820 = arith.constant 2 : i32
      %add3A_1821 = vector.broadcast %add3A_1820 : i32 to vector<16xi32>
      %add3A_1822 = arith.addi %mul3A_1819, %add3A_1821 : vector<16xi32>
      %add3A_1823 = arith.addi %add3A_1822, %sub3A_1808 : vector<16xi32>
      tpu.vector_store_idx %arg13[%add3A_1823], %gather3A_1816 : memref<176xf32, #tpu.memory_space<vmem>>[vector<16xi32>], vector<16xf32>,
      %add3A_1824 = arith.constant 64 : i32
      %add3A_1825 = vector.broadcast %add3A_1824 : i32 to vector<16xi32>
      %add3A_1826 = arith.addi %add3A_1825, %iota3A : vector<16xi32>
      %jit3A_1827 = arith.constant 20 : i32
      %div3A_1828 = vector.broadcast %jit3A_1827 : i32 to vector<16xi32>
      %div3A_1829 = arith.divsi %add3A_1826, %div3A_1828 : vector<16xi32>
      %sign3A_1830 = arith.constant 0 : i32
      %sign3A_1831 = vector.broadcast %sign3A_1830 : i32 to vector<16xi32>
      %sign3A_1832 = arith.cmpi sgt, %add3A_1826, %sign3A_1831 : vector<16xi32>
      %sign3A_1833 = arith.extui %sign3A_1832 : vector<16xi1> to vector<16xi32>
      %sign3A_1834 = arith.constant 0 : i32
      %sign3A_1835 = vector.broadcast %sign3A_1834 : i32 to vector<16xi32>
      %sign3A_1836 = arith.cmpi slt, %add3A_1826, %sign3A_1835 : vector<16xi32>
      %sign3A_1837 = arith.extui %sign3A_1836 : vector<16xi1> to vector<16xi32>
      %sign3A_1838 = arith.subi %sign3A_1833, %sign3A_1837 : vector<16xi32>
      %sign3A_1839 = arith.constant 0 : i32
      %sign3A_1840 = arith.cmpi sgt, %jit3A_1827, %sign3A_1839 : i32
      %sign3A_1841 = arith.extui %sign3A_1840 : i1 to i32
      %sign3A_1842 = arith.constant 0 : i32
      %sign3A_1843 = arith.cmpi slt, %jit3A_1827, %sign3A_1842 : i32
      %sign3A_1844 = arith.extui %sign3A_1843 : i1 to i32
      %sign3A_1845 = arith.subi %sign3A_1841, %sign3A_1844 : i32
      %ne3A_1846 = vector.broadcast %sign3A_1845 : i32 to vector<16xi32>
      %ne3A_1847 = arith.cmpi ne, %sign3A_1838, %ne3A_1846 : vector<16xi32>
      %rem3A_1848 = vector.broadcast %jit3A_1827 : i32 to vector<16xi32>
      %rem3A_1849 = arith.remsi %add3A_1826, %rem3A_1848 : vector<16xi32>
      %ne3A_1850 = arith.constant 0 : i32
      %ne3A_1851 = vector.broadcast %ne3A_1850 : i32 to vector<16xi32>
      %ne3A_1852 = arith.cmpi ne, %rem3A_1849, %ne3A_1851 : vector<16xi32>
      %and3A_1853 = arith.andi %ne3A_1847, %ne3A_1852 : vector<16xi1>
      %sub3A_1854 = arith.constant 1 : i32
      %sub3A_1855 = vector.broadcast %sub3A_1854 : i32 to vector<16xi32>
      %sub3A_1856 = arith.subi %div3A_1829, %sub3A_1855 : vector<16xi32>
      %select_n3A_1857 = arith.select %and3A_1853, %sub3A_1856, %div3A_1829 : vector<16xi1>, vector<16xi32>
      %mul3A_1858 = arith.constant 20 : i32
      %mul3A_1859 = vector.broadcast %mul3A_1858 : i32 to vector<16xi32>
      %mul3A_1860 = arith.muli %select_n3A_1857, %mul3A_1859 : vector<16xi32>
      %sub3A_1861 = arith.subi %add3A_1826, %mul3A_1860 : vector<16xi32>
      %mul3A_1862 = arith.constant 72 : i32
      %mul3A_1863 = vector.broadcast %mul3A_1862 : i32 to vector<16xi32>
      %mul3A_1864 = arith.muli %select_n3A_1857, %mul3A_1863 : vector<16xi32>
      %add3A_1865 = arith.constant 2 : i32
      %add3A_1866 = vector.broadcast %add3A_1865 : i32 to vector<16xi32>
      %add3A_1867 = arith.addi %mul3A_1864, %add3A_1866 : vector<16xi32>
      %add3A_1868 = arith.addi %add3A_1867, %sub3A_1861 : vector<16xi32>
      %gather3A_1869 = tpu.vector_load_idx %arg12[%add3A_1868, %broadcast_in_dim3A_1598] : memref<576x128xf32, #tpu.memory_space<vmem>>[vector<16xi32>, vector<16xi32>], vector<16xf32>,
      %mul3A_1870 = arith.constant 22 : i32
      %mul3A_1871 = vector.broadcast %mul3A_1870 : i32 to vector<16xi32>
      %mul3A_1872 = arith.muli %select_n3A_1857, %mul3A_1871 : vector<16xi32>
      %add3A_1873 = arith.constant 2 : i32
      %add3A_1874 = vector.broadcast %add3A_1873 : i32 to vector<16xi32>
      %add3A_1875 = arith.addi %mul3A_1872, %add3A_1874 : vector<16xi32>
      %add3A_1876 = arith.addi %add3A_1875, %sub3A_1861 : vector<16xi32>
      tpu.vector_store_idx %arg13[%add3A_1876], %gather3A_1869 : memref<176xf32, #tpu.memory_space<vmem>>[vector<16xi32>], vector<16xf32>,
      %add3A_1877 = arith.constant 80 : i32
      %add3A_1878 = vector.broadcast %add3A_1877 : i32 to vector<16xi32>
      %add3A_1879 = arith.addi %add3A_1878, %iota3A : vector<16xi32>
      %jit3A_1880 = arith.constant 20 : i32
      %div3A_1881 = vector.broadcast %jit3A_1880 : i32 to vector<16xi32>
      %div3A_1882 = arith.divsi %add3A_1879, %div3A_1881 : vector<16xi32>
      %sign3A_1883 = arith.constant 0 : i32
      %sign3A_1884 = vector.broadcast %sign3A_1883 : i32 to vector<16xi32>
      %sign3A_1885 = arith.cmpi sgt, %add3A_1879, %sign3A_1884 : vector<16xi32>
      %sign3A_1886 = arith.extui %sign3A_1885 : vector<16xi1> to vector<16xi32>
      %sign3A_1887 = arith.constant 0 : i32
      %sign3A_1888 = vector.broadcast %sign3A_1887 : i32 to vector<16xi32>
      %sign3A_1889 = arith.cmpi slt, %add3A_1879, %sign3A_1888 : vector<16xi32>
      %sign3A_1890 = arith.extui %sign3A_1889 : vector<16xi1> to vector<16xi32>
      %sign3A_1891 = arith.subi %sign3A_1886, %sign3A_1890 : vector<16xi32>
      %sign3A_1892 = arith.constant 0 : i32
      %sign3A_1893 = arith.cmpi sgt, %jit3A_1880, %sign3A_1892 : i32
      %sign3A_1894 = arith.extui %sign3A_1893 : i1 to i32
      %sign3A_1895 = arith.constant 0 : i32
      %sign3A_1896 = arith.cmpi slt, %jit3A_1880, %sign3A_1895 : i32
      %sign3A_1897 = arith.extui %sign3A_1896 : i1 to i32
      %sign3A_1898 = arith.subi %sign3A_1894, %sign3A_1897 : i32
      %ne3A_1899 = vector.broadcast %sign3A_1898 : i32 to vector<16xi32>
      %ne3A_1900 = arith.cmpi ne, %sign3A_1891, %ne3A_1899 : vector<16xi32>
      %rem3A_1901 = vector.broadcast %jit3A_1880 : i32 to vector<16xi32>
      %rem3A_1902 = arith.remsi %add3A_1879, %rem3A_1901 : vector<16xi32>
      %ne3A_1903 = arith.constant 0 : i32
      %ne3A_1904 = vector.broadcast %ne3A_1903 : i32 to vector<16xi32>
      %ne3A_1905 = arith.cmpi ne, %rem3A_1902, %ne3A_1904 : vector<16xi32>
      %and3A_1906 = arith.andi %ne3A_1900, %ne3A_1905 : vector<16xi1>
      %sub3A_1907 = arith.constant 1 : i32
      %sub3A_1908 = vector.broadcast %sub3A_1907 : i32 to vector<16xi32>
      %sub3A_1909 = arith.subi %div3A_1882, %sub3A_1908 : vector<16xi32>
      %select_n3A_1910 = arith.select %and3A_1906, %sub3A_1909, %div3A_1882 : vector<16xi1>, vector<16xi32>
      %mul3A_1911 = arith.constant 20 : i32
      %mul3A_1912 = vector.broadcast %mul3A_1911 : i32 to vector<16xi32>
      %mul3A_1913 = arith.muli %select_n3A_1910, %mul3A_1912 : vector<16xi32>
      %sub3A_1914 = arith.subi %add3A_1879, %mul3A_1913 : vector<16xi32>
      %mul3A_1915 = arith.constant 72 : i32
      %mul3A_1916 = vector.broadcast %mul3A_1915 : i32 to vector<16xi32>
      %mul3A_1917 = arith.muli %select_n3A_1910, %mul3A_1916 : vector<16xi32>
      %add3A_1918 = arith.constant 2 : i32
      %add3A_1919 = vector.broadcast %add3A_1918 : i32 to vector<16xi32>
      %add3A_1920 = arith.addi %mul3A_1917, %add3A_1919 : vector<16xi32>
      %add3A_1921 = arith.addi %add3A_1920, %sub3A_1914 : vector<16xi32>
      %gather3A_1922 = tpu.vector_load_idx %arg12[%add3A_1921, %broadcast_in_dim3A_1598] : memref<576x128xf32, #tpu.memory_space<vmem>>[vector<16xi32>, vector<16xi32>], vector<16xf32>,
      %mul3A_1923 = arith.constant 22 : i32
      %mul3A_1924 = vector.broadcast %mul3A_1923 : i32 to vector<16xi32>
      %mul3A_1925 = arith.muli %select_n3A_1910, %mul3A_1924 : vector<16xi32>
      %add3A_1926 = arith.constant 2 : i32
      %add3A_1927 = vector.broadcast %add3A_1926 : i32 to vector<16xi32>
      %add3A_1928 = arith.addi %mul3A_1925, %add3A_1927 : vector<16xi32>
      %add3A_1929 = arith.addi %add3A_1928, %sub3A_1914 : vector<16xi32>
      tpu.vector_store_idx %arg13[%add3A_1929], %gather3A_1922 : memref<176xf32, #tpu.memory_space<vmem>>[vector<16xi32>], vector<16xf32>,
      %add3A_1930 = arith.constant 96 : i32
      %add3A_1931 = vector.broadcast %add3A_1930 : i32 to vector<16xi32>
      %add3A_1932 = arith.addi %add3A_1931, %iota3A : vector<16xi32>
      %jit3A_1933 = arith.constant 20 : i32
      %div3A_1934 = vector.broadcast %jit3A_1933 : i32 to vector<16xi32>
      %div3A_1935 = arith.divsi %add3A_1932, %div3A_1934 : vector<16xi32>
      %sign3A_1936 = arith.constant 0 : i32
      %sign3A_1937 = vector.broadcast %sign3A_1936 : i32 to vector<16xi32>
      %sign3A_1938 = arith.cmpi sgt, %add3A_1932, %sign3A_1937 : vector<16xi32>
      %sign3A_1939 = arith.extui %sign3A_1938 : vector<16xi1> to vector<16xi32>
      %sign3A_1940 = arith.constant 0 : i32
      %sign3A_1941 = vector.broadcast %sign3A_1940 : i32 to vector<16xi32>
      %sign3A_1942 = arith.cmpi slt, %add3A_1932, %sign3A_1941 : vector<16xi32>
      %sign3A_1943 = arith.extui %sign3A_1942 : vector<16xi1> to vector<16xi32>
      %sign3A_1944 = arith.subi %sign3A_1939, %sign3A_1943 : vector<16xi32>
      %sign3A_1945 = arith.constant 0 : i32
      %sign3A_1946 = arith.cmpi sgt, %jit3A_1933, %sign3A_1945 : i32
      %sign3A_1947 = arith.extui %sign3A_1946 : i1 to i32
      %sign3A_1948 = arith.constant 0 : i32
      %sign3A_1949 = arith.cmpi slt, %jit3A_1933, %sign3A_1948 : i32
      %sign3A_1950 = arith.extui %sign3A_1949 : i1 to i32
      %sign3A_1951 = arith.subi %sign3A_1947, %sign3A_1950 : i32
      %ne3A_1952 = vector.broadcast %sign3A_1951 : i32 to vector<16xi32>
      %ne3A_1953 = arith.cmpi ne, %sign3A_1944, %ne3A_1952 : vector<16xi32>
      %rem3A_1954 = vector.broadcast %jit3A_1933 : i32 to vector<16xi32>
      %rem3A_1955 = arith.remsi %add3A_1932, %rem3A_1954 : vector<16xi32>
      %ne3A_1956 = arith.constant 0 : i32
      %ne3A_1957 = vector.broadcast %ne3A_1956 : i32 to vector<16xi32>
      %ne3A_1958 = arith.cmpi ne, %rem3A_1955, %ne3A_1957 : vector<16xi32>
      %and3A_1959 = arith.andi %ne3A_1953, %ne3A_1958 : vector<16xi1>
      %sub3A_1960 = arith.constant 1 : i32
      %sub3A_1961 = vector.broadcast %sub3A_1960 : i32 to vector<16xi32>
      %sub3A_1962 = arith.subi %div3A_1935, %sub3A_1961 : vector<16xi32>
      %select_n3A_1963 = arith.select %and3A_1959, %sub3A_1962, %div3A_1935 : vector<16xi1>, vector<16xi32>
      %mul3A_1964 = arith.constant 20 : i32
      %mul3A_1965 = vector.broadcast %mul3A_1964 : i32 to vector<16xi32>
      %mul3A_1966 = arith.muli %select_n3A_1963, %mul3A_1965 : vector<16xi32>
      %sub3A_1967 = arith.subi %add3A_1932, %mul3A_1966 : vector<16xi32>
      %mul3A_1968 = arith.constant 72 : i32
      %mul3A_1969 = vector.broadcast %mul3A_1968 : i32 to vector<16xi32>
      %mul3A_1970 = arith.muli %select_n3A_1963, %mul3A_1969 : vector<16xi32>
      %add3A_1971 = arith.constant 2 : i32
      %add3A_1972 = vector.broadcast %add3A_1971 : i32 to vector<16xi32>
      %add3A_1973 = arith.addi %mul3A_1970, %add3A_1972 : vector<16xi32>
      %add3A_1974 = arith.addi %add3A_1973, %sub3A_1967 : vector<16xi32>
      %gather3A_1975 = tpu.vector_load_idx %arg12[%add3A_1974, %broadcast_in_dim3A_1598] : memref<576x128xf32, #tpu.memory_space<vmem>>[vector<16xi32>, vector<16xi32>], vector<16xf32>,
      %mul3A_1976 = arith.constant 22 : i32
      %mul3A_1977 = vector.broadcast %mul3A_1976 : i32 to vector<16xi32>
      %mul3A_1978 = arith.muli %select_n3A_1963, %mul3A_1977 : vector<16xi32>
      %add3A_1979 = arith.constant 2 : i32
      %add3A_1980 = vector.broadcast %add3A_1979 : i32 to vector<16xi32>
      %add3A_1981 = arith.addi %mul3A_1978, %add3A_1980 : vector<16xi32>
      %add3A_1982 = arith.addi %add3A_1981, %sub3A_1967 : vector<16xi32>
      tpu.vector_store_idx %arg13[%add3A_1982], %gather3A_1975 : memref<176xf32, #tpu.memory_space<vmem>>[vector<16xi32>], vector<16xf32>,
      %add3A_1983 = arith.constant 112 : i32
      %add3A_1984 = vector.broadcast %add3A_1983 : i32 to vector<16xi32>
      %add3A_1985 = arith.addi %add3A_1984, %iota3A : vector<16xi32>
      %jit3A_1986 = arith.constant 20 : i32
      %div3A_1987 = vector.broadcast %jit3A_1986 : i32 to vector<16xi32>
      %div3A_1988 = arith.divsi %add3A_1985, %div3A_1987 : vector<16xi32>
      %sign3A_1989 = arith.constant 0 : i32
      %sign3A_1990 = vector.broadcast %sign3A_1989 : i32 to vector<16xi32>
      %sign3A_1991 = arith.cmpi sgt, %add3A_1985, %sign3A_1990 : vector<16xi32>
      %sign3A_1992 = arith.extui %sign3A_1991 : vector<16xi1> to vector<16xi32>
      %sign3A_1993 = arith.constant 0 : i32
      %sign3A_1994 = vector.broadcast %sign3A_1993 : i32 to vector<16xi32>
      %sign3A_1995 = arith.cmpi slt, %add3A_1985, %sign3A_1994 : vector<16xi32>
      %sign3A_1996 = arith.extui %sign3A_1995 : vector<16xi1> to vector<16xi32>
      %sign3A_1997 = arith.subi %sign3A_1992, %sign3A_1996 : vector<16xi32>
      %sign3A_1998 = arith.constant 0 : i32
      %sign3A_1999 = arith.cmpi sgt, %jit3A_1986, %sign3A_1998 : i32
      %sign3A_2000 = arith.extui %sign3A_1999 : i1 to i32
      %sign3A_2001 = arith.constant 0 : i32
      %sign3A_2002 = arith.cmpi slt, %jit3A_1986, %sign3A_2001 : i32
      %sign3A_2003 = arith.extui %sign3A_2002 : i1 to i32
      %sign3A_2004 = arith.subi %sign3A_2000, %sign3A_2003 : i32
      %ne3A_2005 = vector.broadcast %sign3A_2004 : i32 to vector<16xi32>
      %ne3A_2006 = arith.cmpi ne, %sign3A_1997, %ne3A_2005 : vector<16xi32>
      %rem3A_2007 = vector.broadcast %jit3A_1986 : i32 to vector<16xi32>
      %rem3A_2008 = arith.remsi %add3A_1985, %rem3A_2007 : vector<16xi32>
      %ne3A_2009 = arith.constant 0 : i32
      %ne3A_2010 = vector.broadcast %ne3A_2009 : i32 to vector<16xi32>
      %ne3A_2011 = arith.cmpi ne, %rem3A_2008, %ne3A_2010 : vector<16xi32>
      %and3A_2012 = arith.andi %ne3A_2006, %ne3A_2011 : vector<16xi1>
      %sub3A_2013 = arith.constant 1 : i32
      %sub3A_2014 = vector.broadcast %sub3A_2013 : i32 to vector<16xi32>
      %sub3A_2015 = arith.subi %div3A_1988, %sub3A_2014 : vector<16xi32>
      %select_n3A_2016 = arith.select %and3A_2012, %sub3A_2015, %div3A_1988 : vector<16xi1>, vector<16xi32>
      %mul3A_2017 = arith.constant 20 : i32
      %mul3A_2018 = vector.broadcast %mul3A_2017 : i32 to vector<16xi32>
      %mul3A_2019 = arith.muli %select_n3A_2016, %mul3A_2018 : vector<16xi32>
      %sub3A_2020 = arith.subi %add3A_1985, %mul3A_2019 : vector<16xi32>
      %mul3A_2021 = arith.constant 72 : i32
      %mul3A_2022 = vector.broadcast %mul3A_2021 : i32 to vector<16xi32>
      %mul3A_2023 = arith.muli %select_n3A_2016, %mul3A_2022 : vector<16xi32>
      %add3A_2024 = arith.constant 2 : i32
      %add3A_2025 = vector.broadcast %add3A_2024 : i32 to vector<16xi32>
      %add3A_2026 = arith.addi %mul3A_2023, %add3A_2025 : vector<16xi32>
      %add3A_2027 = arith.addi %add3A_2026, %sub3A_2020 : vector<16xi32>
      %gather3A_2028 = tpu.vector_load_idx %arg12[%add3A_2027, %broadcast_in_dim3A_1598] : memref<576x128xf32, #tpu.memory_space<vmem>>[vector<16xi32>, vector<16xi32>], vector<16xf32>,
      %mul3A_2029 = arith.constant 22 : i32
      %mul3A_2030 = vector.broadcast %mul3A_2029 : i32 to vector<16xi32>
      %mul3A_2031 = arith.muli %select_n3A_2016, %mul3A_2030 : vector<16xi32>
      %add3A_2032 = arith.constant 2 : i32
      %add3A_2033 = vector.broadcast %add3A_2032 : i32 to vector<16xi32>
      %add3A_2034 = arith.addi %mul3A_2031, %add3A_2033 : vector<16xi32>
      %add3A_2035 = arith.addi %add3A_2034, %sub3A_2020 : vector<16xi32>
      tpu.vector_store_idx %arg13[%add3A_2035], %gather3A_2028 : memref<176xf32, #tpu.memory_space<vmem>>[vector<16xi32>], vector<16xf32>,
      %add3A_2036 = arith.constant 128 : i32
      %add3A_2037 = vector.broadcast %add3A_2036 : i32 to vector<16xi32>
      %add3A_2038 = arith.addi %add3A_2037, %iota3A : vector<16xi32>
      %jit3A_2039 = arith.constant 20 : i32
      %div3A_2040 = vector.broadcast %jit3A_2039 : i32 to vector<16xi32>
      %div3A_2041 = arith.divsi %add3A_2038, %div3A_2040 : vector<16xi32>
      %sign3A_2042 = arith.constant 0 : i32
      %sign3A_2043 = vector.broadcast %sign3A_2042 : i32 to vector<16xi32>
      %sign3A_2044 = arith.cmpi sgt, %add3A_2038, %sign3A_2043 : vector<16xi32>
      %sign3A_2045 = arith.extui %sign3A_2044 : vector<16xi1> to vector<16xi32>
      %sign3A_2046 = arith.constant 0 : i32
      %sign3A_2047 = vector.broadcast %sign3A_2046 : i32 to vector<16xi32>
      %sign3A_2048 = arith.cmpi slt, %add3A_2038, %sign3A_2047 : vector<16xi32>
      %sign3A_2049 = arith.extui %sign3A_2048 : vector<16xi1> to vector<16xi32>
      %sign3A_2050 = arith.subi %sign3A_2045, %sign3A_2049 : vector<16xi32>
      %sign3A_2051 = arith.constant 0 : i32
      %sign3A_2052 = arith.cmpi sgt, %jit3A_2039, %sign3A_2051 : i32
      %sign3A_2053 = arith.extui %sign3A_2052 : i1 to i32
      %sign3A_2054 = arith.constant 0 : i32
      %sign3A_2055 = arith.cmpi slt, %jit3A_2039, %sign3A_2054 : i32
      %sign3A_2056 = arith.extui %sign3A_2055 : i1 to i32
      %sign3A_2057 = arith.subi %sign3A_2053, %sign3A_2056 : i32
      %ne3A_2058 = vector.broadcast %sign3A_2057 : i32 to vector<16xi32>
      %ne3A_2059 = arith.cmpi ne, %sign3A_2050, %ne3A_2058 : vector<16xi32>
      %rem3A_2060 = vector.broadcast %jit3A_2039 : i32 to vector<16xi32>
      %rem3A_2061 = arith.remsi %add3A_2038, %rem3A_2060 : vector<16xi32>
      %ne3A_2062 = arith.constant 0 : i32
      %ne3A_2063 = vector.broadcast %ne3A_2062 : i32 to vector<16xi32>
      %ne3A_2064 = arith.cmpi ne, %rem3A_2061, %ne3A_2063 : vector<16xi32>
      %and3A_2065 = arith.andi %ne3A_2059, %ne3A_2064 : vector<16xi1>
      %sub3A_2066 = arith.constant 1 : i32
      %sub3A_2067 = vector.broadcast %sub3A_2066 : i32 to vector<16xi32>
      %sub3A_2068 = arith.subi %div3A_2041, %sub3A_2067 : vector<16xi32>
      %select_n3A_2069 = arith.select %and3A_2065, %sub3A_2068, %div3A_2041 : vector<16xi1>, vector<16xi32>
      %mul3A_2070 = arith.constant 20 : i32
      %mul3A_2071 = vector.broadcast %mul3A_2070 : i32 to vector<16xi32>
      %mul3A_2072 = arith.muli %select_n3A_2069, %mul3A_2071 : vector<16xi32>
      %sub3A_2073 = arith.subi %add3A_2038, %mul3A_2072 : vector<16xi32>
      %mul3A_2074 = arith.constant 72 : i32
      %mul3A_2075 = vector.broadcast %mul3A_2074 : i32 to vector<16xi32>
      %mul3A_2076 = arith.muli %select_n3A_2069, %mul3A_2075 : vector<16xi32>
      %add3A_2077 = arith.constant 2 : i32
      %add3A_2078 = vector.broadcast %add3A_2077 : i32 to vector<16xi32>
      %add3A_2079 = arith.addi %mul3A_2076, %add3A_2078 : vector<16xi32>
      %add3A_2080 = arith.addi %add3A_2079, %sub3A_2073 : vector<16xi32>
      %gather3A_2081 = tpu.vector_load_idx %arg12[%add3A_2080, %broadcast_in_dim3A_1598] : memref<576x128xf32, #tpu.memory_space<vmem>>[vector<16xi32>, vector<16xi32>], vector<16xf32>,
      %mul3A_2082 = arith.constant 22 : i32
      %mul3A_2083 = vector.broadcast %mul3A_2082 : i32 to vector<16xi32>
      %mul3A_2084 = arith.muli %select_n3A_2069, %mul3A_2083 : vector<16xi32>
      %add3A_2085 = arith.constant 2 : i32
      %add3A_2086 = vector.broadcast %add3A_2085 : i32 to vector<16xi32>
      %add3A_2087 = arith.addi %mul3A_2084, %add3A_2086 : vector<16xi32>
      %add3A_2088 = arith.addi %add3A_2087, %sub3A_2073 : vector<16xi32>
      tpu.vector_store_idx %arg13[%add3A_2088], %gather3A_2081 : memref<176xf32, #tpu.memory_space<vmem>>[vector<16xi32>], vector<16xf32>,
      %add3A_2089 = arith.constant 144 : i32
      %add3A_2090 = vector.broadcast %add3A_2089 : i32 to vector<16xi32>
      %add3A_2091 = arith.addi %add3A_2090, %iota3A : vector<16xi32>
      %jit3A_2092 = arith.constant 20 : i32
      %div3A_2093 = vector.broadcast %jit3A_2092 : i32 to vector<16xi32>
      %div3A_2094 = arith.divsi %add3A_2091, %div3A_2093 : vector<16xi32>
      %sign3A_2095 = arith.constant 0 : i32
      %sign3A_2096 = vector.broadcast %sign3A_2095 : i32 to vector<16xi32>
      %sign3A_2097 = arith.cmpi sgt, %add3A_2091, %sign3A_2096 : vector<16xi32>
      %sign3A_2098 = arith.extui %sign3A_2097 : vector<16xi1> to vector<16xi32>
      %sign3A_2099 = arith.constant 0 : i32
      %sign3A_2100 = vector.broadcast %sign3A_2099 : i32 to vector<16xi32>
      %sign3A_2101 = arith.cmpi slt, %add3A_2091, %sign3A_2100 : vector<16xi32>
      %sign3A_2102 = arith.extui %sign3A_2101 : vector<16xi1> to vector<16xi32>
      %sign3A_2103 = arith.subi %sign3A_2098, %sign3A_2102 : vector<16xi32>
      %sign3A_2104 = arith.constant 0 : i32
      %sign3A_2105 = arith.cmpi sgt, %jit3A_2092, %sign3A_2104 : i32
      %sign3A_2106 = arith.extui %sign3A_2105 : i1 to i32
      %sign3A_2107 = arith.constant 0 : i32
      %sign3A_2108 = arith.cmpi slt, %jit3A_2092, %sign3A_2107 : i32
      %sign3A_2109 = arith.extui %sign3A_2108 : i1 to i32
      %sign3A_2110 = arith.subi %sign3A_2106, %sign3A_2109 : i32
      %ne3A_2111 = vector.broadcast %sign3A_2110 : i32 to vector<16xi32>
      %ne3A_2112 = arith.cmpi ne, %sign3A_2103, %ne3A_2111 : vector<16xi32>
      %rem3A_2113 = vector.broadcast %jit3A_2092 : i32 to vector<16xi32>
      %rem3A_2114 = arith.remsi %add3A_2091, %rem3A_2113 : vector<16xi32>
      %ne3A_2115 = arith.constant 0 : i32
      %ne3A_2116 = vector.broadcast %ne3A_2115 : i32 to vector<16xi32>
      %ne3A_2117 = arith.cmpi ne, %rem3A_2114, %ne3A_2116 : vector<16xi32>
      %and3A_2118 = arith.andi %ne3A_2112, %ne3A_2117 : vector<16xi1>
      %sub3A_2119 = arith.constant 1 : i32
      %sub3A_2120 = vector.broadcast %sub3A_2119 : i32 to vector<16xi32>
      %sub3A_2121 = arith.subi %div3A_2094, %sub3A_2120 : vector<16xi32>
      %select_n3A_2122 = arith.select %and3A_2118, %sub3A_2121, %div3A_2094 : vector<16xi1>, vector<16xi32>
      %mul3A_2123 = arith.constant 20 : i32
      %mul3A_2124 = vector.broadcast %mul3A_2123 : i32 to vector<16xi32>
      %mul3A_2125 = arith.muli %select_n3A_2122, %mul3A_2124 : vector<16xi32>
      %sub3A_2126 = arith.subi %add3A_2091, %mul3A_2125 : vector<16xi32>
      %mul3A_2127 = arith.constant 72 : i32
      %mul3A_2128 = vector.broadcast %mul3A_2127 : i32 to vector<16xi32>
      %mul3A_2129 = arith.muli %select_n3A_2122, %mul3A_2128 : vector<16xi32>
      %add3A_2130 = arith.constant 2 : i32
      %add3A_2131 = vector.broadcast %add3A_2130 : i32 to vector<16xi32>
      %add3A_2132 = arith.addi %mul3A_2129, %add3A_2131 : vector<16xi32>
      %add3A_2133 = arith.addi %add3A_2132, %sub3A_2126 : vector<16xi32>
      %gather3A_2134 = tpu.vector_load_idx %arg12[%add3A_2133, %broadcast_in_dim3A_1598] : memref<576x128xf32, #tpu.memory_space<vmem>>[vector<16xi32>, vector<16xi32>], vector<16xf32>,
      %mul3A_2135 = arith.constant 22 : i32
      %mul3A_2136 = vector.broadcast %mul3A_2135 : i32 to vector<16xi32>
      %mul3A_2137 = arith.muli %select_n3A_2122, %mul3A_2136 : vector<16xi32>
      %add3A_2138 = arith.constant 2 : i32
      %add3A_2139 = vector.broadcast %add3A_2138 : i32 to vector<16xi32>
      %add3A_2140 = arith.addi %mul3A_2137, %add3A_2139 : vector<16xi32>
      %add3A_2141 = arith.addi %add3A_2140, %sub3A_2126 : vector<16xi32>
      tpu.vector_store_idx %arg13[%add3A_2141], %gather3A_2134 : memref<176xf32, #tpu.memory_space<vmem>>[vector<16xi32>], vector<16xf32>,
      %mul3A_2142 = arith.constant 22 : i32
      %mul3A_2143 = arith.muli %add3A_17, %mul3A_2142 : i32
      %multiple_of3A_2144 = tpu.assume_multiple %mul3A_2143, 8 : i32
      "tpu.region"() ({
        %run_scoped3A = tpu.sem_alloc : memref<!tpu.dma_semaphore, #tpu.memory_space<semaphore_mem>>
        %dma_start3A_2148 = tpu.memref_slice %arg8[%multiple_of3A_2144] : memref<90112xf32, #tpu.memory_space<hbm>> -> memref<176xf32, #tpu.memory_space<hbm>>
        %dma_start3A_2149 = tpu.memref_slice %arg8[%multiple_of3A_2144] : memref<90112xf32, #tpu.memory_space<hbm>> -> memref<176xf32, #tpu.memory_space<hbm>>
        tpu.enqueue_dma source(%arg13 : memref<176xf32, #tpu.memory_space<vmem>>) target(%dma_start3A_2149 : memref<176xf32, #tpu.memory_space<hbm>>) target_semaphore(%run_scoped3A : memref<!tpu.dma_semaphore, #tpu.memory_space<semaphore_mem>>)
        %dma_wait3A_2150 = tpu.memref_slice %arg8[%multiple_of3A_2144] : memref<90112xf32, #tpu.memory_space<hbm>> -> memref<176xf32, #tpu.memory_space<hbm>>
        %dma_wait3A_2151 = tpu.memref_slice %arg8[%multiple_of3A_2144] : memref<90112xf32, #tpu.memory_space<hbm>> -> memref<176xf32, #tpu.memory_space<hbm>>
        tpu.wait_dma2 semaphore(%run_scoped3A : memref<!tpu.dma_semaphore, #tpu.memory_space<semaphore_mem>>) src(%arg13 : memref<176xf32, #tpu.memory_space<vmem>>) dst(%dma_wait3A_2151 : memref<176xf32, #tpu.memory_space<hbm>>)
        tpu.yield
      }) : () -> ()
      %mul3A_2145 = arith.constant 72 : i32
      %mul3A_2146 = arith.muli %add3A_17, %mul3A_2145 : i32
      %multiple_of3A_2147 = tpu.assume_multiple %mul3A_2146, 8 : i32
      "tpu.region"() ({
        %run_scoped3A = tpu.sem_alloc : memref<!tpu.dma_semaphore, #tpu.memory_space<semaphore_mem>>
        %dma_start3A_2148 = arith.constant 0 : i32
        %dma_start3A_2149 = arith.constant 0 : i32
        %dma_start3A_2150 = tpu.memref_slice %arg12[%dma_start3A_2148, %dma_start3A_2149] : memref<576x128xf32, #tpu.memory_space<vmem>> -> memref<576x64xf32, #tpu.memory_space<vmem>>
        %dma_start3A_2151 = arith.constant 0 : i32
        %dma_start3A_2152 = tpu.memref_slice %arg9[%multiple_of3A_2147, %dma_start3A_2151] : memref<294912x64xf32, #tpu.memory_space<hbm>> -> memref<576x64xf32, #tpu.memory_space<hbm>>
        %dma_start3A_2153 = arith.constant 0 : i32
        %dma_start3A_2154 = tpu.memref_slice %arg9[%multiple_of3A_2147, %dma_start3A_2153] : memref<294912x64xf32, #tpu.memory_space<hbm>> -> memref<576x64xf32, #tpu.memory_space<hbm>>
        %dma_start3A_2155 = arith.constant 0 : i32
        %dma_start3A_2156 = arith.constant 0 : i32
        %dma_start3A_2157 = tpu.memref_slice %arg12[%dma_start3A_2155, %dma_start3A_2156] : memref<576x128xf32, #tpu.memory_space<vmem>> -> memref<576x64xf32, #tpu.memory_space<vmem>>
        tpu.enqueue_dma source(%dma_start3A_2157 : memref<576x64xf32, #tpu.memory_space<vmem>>) target(%dma_start3A_2154 : memref<576x64xf32, #tpu.memory_space<hbm>>) target_semaphore(%run_scoped3A : memref<!tpu.dma_semaphore, #tpu.memory_space<semaphore_mem>>)
        %dma_wait3A_2158 = arith.constant 0 : i32
        %dma_wait3A_2159 = arith.constant 0 : i32
        %dma_wait3A_2160 = tpu.memref_slice %arg12[%dma_wait3A_2158, %dma_wait3A_2159] : memref<576x128xf32, #tpu.memory_space<vmem>> -> memref<576x64xf32, #tpu.memory_space<vmem>>
        %dma_wait3A_2161 = arith.constant 0 : i32
        %dma_wait3A_2162 = tpu.memref_slice %arg9[%multiple_of3A_2147, %dma_wait3A_2161] : memref<294912x64xf32, #tpu.memory_space<hbm>> -> memref<576x64xf32, #tpu.memory_space<hbm>>
        %dma_wait3A_2163 = arith.constant 0 : i32
        %dma_wait3A_2164 = tpu.memref_slice %arg9[%multiple_of3A_2147, %dma_wait3A_2163] : memref<294912x64xf32, #tpu.memory_space<hbm>> -> memref<576x64xf32, #tpu.memory_space<hbm>>
        %dma_wait3A_2165 = arith.constant 0 : i32
        %dma_wait3A_2166 = arith.constant 0 : i32
        %dma_wait3A_2167 = tpu.memref_slice %arg12[%dma_wait3A_2165, %dma_wait3A_2166] : memref<576x128xf32, #tpu.memory_space<vmem>> -> memref<576x64xf32, #tpu.memory_space<vmem>>
        tpu.wait_dma2 semaphore(%run_scoped3A : memref<!tpu.dma_semaphore, #tpu.memory_space<semaphore_mem>>) src(%dma_wait3A_2167 : memref<576x64xf32, #tpu.memory_space<vmem>>) dst(%dma_wait3A_2164 : memref<576x64xf32, #tpu.memory_space<hbm>>)
        tpu.yield
      }) : () -> ()
    }
    %scan3A_9 = arith.constant 16 : i32
    %mul3A_10 = arith.constant 128 : i32
    %mul3A_11 = arith.muli %add3A, %mul3A_10 : i32
    %multiple_of3A = tpu.assume_multiple %mul3A_11, 8 : i32
    "tpu.region"() ({
      %run_scoped3A = tpu.sem_alloc : memref<!tpu.dma_semaphore, #tpu.memory_space<semaphore_mem>>
      %dma_start3A = tpu.memref_slice %arg7[%multiple_of3A] : memref<4096xf32, #tpu.memory_space<hbm>> -> memref<128xf32, #tpu.memory_space<hbm>>
      %dma_start3A_12 = tpu.memref_slice %arg7[%multiple_of3A] : memref<4096xf32, #tpu.memory_space<hbm>> -> memref<128xf32, #tpu.memory_space<hbm>>
      tpu.enqueue_dma source(%arg14 : memref<128xf32, #tpu.memory_space<vmem>>) target(%dma_start3A_12 : memref<128xf32, #tpu.memory_space<hbm>>) target_semaphore(%run_scoped3A : memref<!tpu.dma_semaphore, #tpu.memory_space<semaphore_mem>>)
      %dma_wait3A = tpu.memref_slice %arg7[%multiple_of3A] : memref<4096xf32, #tpu.memory_space<hbm>> -> memref<128xf32, #tpu.memory_space<hbm>>
      %dma_wait3A_13 = tpu.memref_slice %arg7[%multiple_of3A] : memref<4096xf32, #tpu.memory_space<hbm>> -> memref<128xf32, #tpu.memory_space<hbm>>
      tpu.wait_dma2 semaphore(%run_scoped3A : memref<!tpu.dma_semaphore, #tpu.memory_space<semaphore_mem>>) src(%arg14 : memref<128xf32, #tpu.memory_space<vmem>>) dst(%dma_wait3A_13 : memref<128xf32, #tpu.memory_space<hbm>>)
      tpu.yield
    }) : () -> ()
    return
  }
}

</mosaic_0001>

<sc_bundles>
// kernel: kernel.3.cloned.1.call-start
scs
__scs_entry_jumppad:
0x0: {  	(pc) =	sbr.rel $0x88, $3  }
0x1: {  	(tag) =	ssettag $0x0;
	lr =	simm.s32 $0x1  }
0x2: {  	[smem:$0x3F9B] =	sst lr;
	_ =	strace $0xD0000000  }
0x3: {  	_ = 	snop  }
0x4: {  	_ = 	snop  }
0x5: {  	_ = 	snop  }
0x6: {  	_ = 	snop  }
0x7: {  	_ = 	snop  }
__scs_overlays_trampoline_lowered:
0x8: {  	[smem:$0x3FAA] =	sst s0  }
0x9: {  	[smem:$0x3FAB] =	sst s1  }
0xa: {  	[smem:$0x3FAC] =	sst s2  }
0xb: {  	[smem:$0x3FAD] =	sst s3  }
0xc: {  	[smem:$0x3FAE] =	sst s4  }
0xd: {  	[smem:$0x3FAF] =	sst s5  }
0xe: {  	[smem:$0x3FB0] =	sst s6  }
0xf: {  	[smem:$0x3FB1] =	sst s7  }
0x10: {  	[smem:$0x3FB2] =	sst s8  }
0x11: {  	[smem:$0x3FB3] =	sst s9;
	s0 =	simm.s32 @!p0 $0x0  }
0x12: {  	s1 =	sld [smem:$0x3F99];
	s0 =	simm.s32 @p0 $0x1  }
0x13: {  	[smem:$0x3FB4] =	sst s0;
	s0 =	simm.s32 @!p1 $0x0  }
0x14: {  	s2 =	sld [smem:$0x3F98];
	s0 =	simm.s32 @p1 $0x1  }
0x15: {  	[smem:$0x3FB5] =	sst s0;
	s0 =	simm.s32 @!p2 $0x0  }
0x16: {  	s3 =	sld [smem:$0x3FDB];
	s0 =	simm.s32 @p2 $0x1  }
0x17: {  	s4 =	simm.s32 $0x1BF5;
	[smem:$0x3FB7] =	sst s0  }
0x18: {  	s0 =	sld [smem:$0x3F9A];
	_ =	swait.ge [sflag:s4], $0x0  }
0x19: {  	s7 =	sld [smem:$0x3F9B]  }
0x1a: {  	s8 =	sadd.s32 $0xFFFFE003, lr  }
0x1b: {  	s9 =	sadd.s32 $0xFFFFFEF7, lr;
	s5 =	simm.s32 $0xFFFFFFFF;
	p2 =	slt.u32 s8, $0xFFFFF086  }
0x1c: {  	p1 =	slt.u32 s9, $0xF7A;
	s5 =	simm.s32 @!p2 $0x0  }
0x1d: {  	s5 =	simm.s32 @p1 $0x1;
	p0 =	seq.s32 s7, s2  }
0x1e: {  	s7 =	smul.u32 @!p0 $0xF7A, s2;
	p2 =	seq.s32 @!p0 s5, $0x0  }
0x1f: {  	s9 =	smul.u32 $0xF7A, s1;
	s8 =	simm.s32 @!p0 $0x1BF5;
	p2 =	por !p2, p0  }
0x20: {  	[sflag:s8] =	ssyncset.s32 @!p0 $0xFFFFF086;
	s6 =	sadd.s32 @!p0 s3, s7;
	s7 =	simm.s32 @!p0 $0x108  }
0x21: {  	s3 =	sadd.s32 s3, s9;
	s6 =	sadd.s32 @!p0 $0x88, s6;
	s7 =	simm.s32 @p2 $0x1082  }
0x22: {  	[simem:s7], [sflag:s8] =	dma.local @!p0 [hbm:s6], $0xF7A  }
0x23: {  	s9 =	sor.u32 $0xD0000000, s2;
	s6 =	simm.s32 $0x108;
	_ =	swait.ge @!p0 [sflag:s8], $0x0  }
0x24: {  	s3 =	sadd.s32 $0x88, s3;
	s6 =	simm.s32 @!p1 $0x1082;
	[sflag:s4] =	ssyncset.s32 $0xFFFFF086  }
0x25: {  	[simem:s6], [sflag:s4] =	dma.local [hbm:s3], $0xF7A  }
0x26: {  	[smem:$0x3F9B] =	sst s1;
	(tag) =	ssettag s2;
	_ =	strace s9  }
0x27: {  	s1 =	sld [smem:$0x3FAB]  }
0x28: {  	s2 =	sld [smem:$0x3FAC]  }
0x29: {  	s4 =	sld [smem:$0x3FAE]  }
0x2a: {  	p0 =	seq.s32 s5, $0x0;
	s5 =	sld [smem:$0x3FAF]  }
0x2b: {  	s6 =	sld [smem:$0x3FB0]  }
0x2c: {  	s7 =	sld [smem:$0x3FB1]  }
0x2d: {  	s3 =	simm.s32 $0x108;
	s8 =	sld [smem:$0x3FB2]  }
0x2e: {  	s3 =	simm.s32 @!p0 $0x1082;
	s9 =	sld [smem:$0x3FB3]  }
0x2f: {  	lr =	sadd.s32 s0, s3;
	s0 =	sld [smem:$0x3FAA]  }
0x30: {  	s3 =	sld [smem:$0x3FAD]  }
0x31: {  	[smem:$0x3FB6] =	sst s10  }
0x32: {  	s10 =	sld [smem:$0x3FB4];
	_ =	sdelay $0x3  }
0x33: {  	p0 =	seq.s32 s10, $0x1;
	s10 =	sld [smem:$0x3FB6];
	_ =	sdelay $0x3  }
0x34: {  	[smem:$0x3FB6] =	sst s10  }
0x35: {  	s10 =	sld [smem:$0x3FB5];
	_ =	sdelay $0x3  }
0x36: {  	p1 =	seq.s32 s10, $0x1;
	s10 =	sld [smem:$0x3FB6];
	_ =	sdelay $0x3  }
0x37: {  	[smem:$0x3FB6] =	sst s10  }
0x38: {  	s10 =	sld [smem:$0x3FB7]  }
0x39: {  	_ = 	snop;
	(pc) =	sbr.ind lr, $3  }
0x3a: {  	_ = 	snop  }
0x3b: {  	_ = 	snop  }
0x3c: {  	p2 =	seq.s32 s10, $0x1;
	s10 =	sld [smem:$0x3FB6]  }
0x3d: {  	_ =	shalt  }
0x3e: {  	_ =	shalt  }
0x3f: {  	_ =	shalt  }
0x40: {  	_ =	shalt  }
0x41: {  	_ =	shalt  }
0x42: {  	_ =	shalt  }
0x43: {  	_ =	shalt  }
0x44: {  	_ =	shalt  }
0x45: {  	_ =	shalt  }
0x46: {  	_ =	shalt  }
0x47: {  	_ =	shalt  }
0x48: {  	_ =	shalt  }
0x49: {  	_ =	shalt  }
0x4a: {  	_ =	shalt  }
0x4b: {  	_ =	shalt  }
0x4c: {  	_ =	shalt  }
0x4d: {  	_ =	shalt  }
0x4e: {  	_ =	shalt  }
0x4f: {  	_ =	shalt  }
0x50: {  	_ =	shalt  }
0x51: {  	_ =	shalt  }
0x52: {  	_ =	shalt  }
0x53: {  	_ =	shalt  }
0x54: {  	_ =	shalt  }
0x55: {  	_ =	shalt  }
0x56: {  	_ =	shalt  }
0x57: {  	_ =	shalt  }
0x58: {  	_ =	shalt  }
0x59: {  	_ =	shalt  }
0x5a: {  	_ =	shalt  }
0x5b: {  	_ =	shalt  }
0x5c: {  	_ =	shalt  }
0x5d: {  	_ =	shalt  }
0x5e: {  	_ =	shalt  }
0x5f: {  	_ =	shalt  }
0x60: {  	_ =	shalt  }
0x61: {  	_ =	shalt  }
0x62: {  	_ =	shalt  }
0x63: {  	_ =	shalt  }
0x64: {  	_ =	shalt  }
0x65: {  	_ =	shalt  }
0x66: {  	_ =	shalt  }
0x67: {  	_ =	shalt  }
0x68: {  	_ =	shalt  }
0x69: {  	_ =	shalt  }
0x6a: {  	_ =	shalt  }
0x6b: {  	_ =	shalt  }
0x6c: {  	_ =	shalt  }
0x6d: {  	_ =	shalt  }
0x6e: {  	_ =	shalt  }
0x6f: {  	_ =	shalt  }
0x70: {  	_ =	shalt  }
0x71: {  	_ =	shalt  }
0x72: {  	_ =	shalt  }
0x73: {  	_ =	shalt  }
0x74: {  	_ =	shalt  }
0x75: {  	_ =	shalt  }
0x76: {  	_ =	shalt  }
0x77: {  	_ =	shalt  }
0x78: {  	_ =	shalt  }
0x79: {  	_ =	shalt  }
0x7a: {  	_ =	shalt  }
0x7b: {  	_ =	shalt  }
0x7c: {  	_ =	shalt  }
0x7d: {  	_ =	shalt  }
0x7e: {  	_ =	shalt  }
0x7f: {  	_ =	shalt  }
0x80: {  	_ =	shalt  }
0x81: {  	_ =	shalt  }
0x82: {  	_ =	shalt  }
0x83: {  	_ =	shalt  }
0x84: {  	_ =	shalt  }
0x85: {  	_ =	shalt  }
0x86: {  	_ =	shalt  }
0x87: {  	_ =	shalt  }
.Lfunc_end0:
.L_simem_size_0:
called_computation.1_lowered:
.L_overlay_start_0:
0x88: {  	s2 =	sld [smem:$0x3FD9]  }
0x89: {  	s3 =	sld [smem:$0x3FFE];
	_ =	sdelay $0x1  }
0x8a: {  	s1 =	srdreg.scid  }
0x8b: {  	s0 =	sand.u32 $0x1, s1  }
0x8c: {  	s14 =	sshll.u32 s0, $0xA;
	s2 =	sadd.s32 s3, s2  }
0x8d: {  	s2 =	sadd.s32 s2, s14  }
0x8e: {  	[smem:$0x3FC2] =	sst s2  }
0x8f: {  	_ = 	snop  }
0x90: {  	s2 =	sld [smem:$0x3FD0];
	_ =	sdelay $0x2  }
0x91: {  	s15 =	simm.s32 $0xA;
	s4 =	simm.s32 $0x10  }
0x92: {  	[smem:s4], [sflag:s15] =	dma.local [hbm:s2], $0x1  }
0x93: {  	_ =	swait.eq [sflag:s15], $0x1  }
0x94: {  	s16 =	sld [smem:$0x10];
	[sflag:s15] =	ssyncset.done $0x0  }
0x95: {  	s17 =	sld [smem:$0x11];
	[sflag:s15] =	ssyncadd.s32 $0xFFFFFFFF  }
0x96: {  	s18 =	sld [smem:$0x12];
	(tm) =	ssettm $0x1  }
0x97: {  	s5 =	sld [smem:$0x3FFB];
	_ =	sdelay $0x3  }
0x98: {  	_ =	strace s5  }
0x99: {  	s5 =	sld [smem:$0x3FFC];
	_ =	sdelay $0x3  }
0x9a: {  	_ =	strace s5  }
0x9b: {  	s5 =	sld [smem:$0x3FFD];
	_ =	sdelay $0x3  }
0x9c: {  	_ =	strace s5  }
0x9d: {  	_ =	strace $0x8FFFFFFF  }
0x9e: {  	s19 =	sld [smem:$0x3FDB];
	_ =	sdelay $0x1  }
0x9f: {  	s6 =	simm.s32 $_scs_section_size  }
0xa0: {  	s7 =	simm.s32 $_size__tile_overlayer_lowered;
	s8 =	simm.s32 $_tile_overlayer_lowered  }
0xa1: {  	s22 =	simm.s32 $0x1BFF;
	s21 =	sshll.u32 s8, $0x1;
	s5 =	sadd.s32 s6, s19  }
0xa2: {  	s9 =	simm.s32 $0x0;
	s20 =	sshll.u32 s7, $0x1;
	s7 =	sadd.s32 s21, s5  }
0xa3: {  	[timem:s9], [sflag:s22] =	dma.local [hbm:s7], s20  }
0xa4: {  	_ =	swait.ge [sflag:s22], s20  }
0xa5: {  	s6 =	ssub.s32 $0x0, s20;
	[sflag:s22] =	ssyncset.done $0x0  }
0xa6: {  	[sflag:s22] =	ssyncadd.s32 s6;
	_ =	sdelay $0x1  }
0xa7: {  	s23 =	simm.s32 $0x1B8B  }
0xa8: {  	_ =	swait.ge [sflag:s23], $0x1  }
0xa9: {  	[sflag:s23] =	ssyncset.done $0x0  }
0xaa: {  	s25 =	simm.s32 $0x1B8E;
	s24 =	sld [smem:$0x3FFE];
	[sflag:s23] =	ssyncadd.s32 $0xFFFFFFFF  }
0xab: {  	s26 =	simm.s32 $execute0_lowered;
	[smem:$0x3FD2] =	sst s25  }
0xac: {  	s7 =	sshll.u32 s26, $0x1;
	_ =	strace $0x80000046;
	[dreg:$0x1] =	wrdreg $0xFFFFFFFF  }
0xad: {  	s28 =	simm.s32 $_size_execute0_lowered;
	s5 =	sadd.s32 s5, s7;
	[dreg:$0x0] =	wrdreg $0x0  }
0xae: {  	s7 =	sshll.u32 s28, $0x1;
	[dreg:$0x2] =	wrdreg s5  }
0xaf: {  	[dreg:$0x3] =	wrdreg s7  }
0xb0: {  	[dreg:$0x4] =	wrdreg $0xC0  }
0xb1: {  	_ =	task [dreg:s9], $0x5FFFF  }
0xb2: {  	[dreg:$0x1] =	wrdreg $0xFFFFFFFF  }
0xb3: {  	[dreg:$0x0] =	wrdreg $0x60  }
0xb4: {  	[dreg:$0x2] =	wrdreg s24  }
0xb5: {  	[dreg:$0x3] =	wrdreg s16  }
0xb6: {  	[dreg:$0x4] =	wrdreg s17  }
0xb7: {  	[dreg:$0x5] =	wrdreg s18  }
0xb8: {  	[dreg:$0x6] =	wrdreg $0x9  }
0xb9: {  	_ =	task.clear_ibuf [dreg:s9], $0x7FFFF;
	_ =	strace $0x90000046  }
0xba: {  	s29 =	simm.s32 $0x9;
	_ =	strace $0x80000048  }
0xbb: {  	_ =	swait.ge [sflag:s29], $0x1  }
0xbc: {  	[sflag:s29] =	ssyncadd.s32 $0xFFFFFFFF  }
0xbd: {  	_ =	strace $0x90000048  }
0xbe: {  	_ =	sfence  }
0xbf: {  	s30 =	sld [smem:$0x0];
	_ =	sdelay $0x2  }
0xc0: {  	s31 =	sshll.u32 s1, $0xD;
	s1 =	sshrl.u32 s1, $0x2  }
0xc1: {  	s3 =	sand.u32 $0x4000, s31;
	s1 =	sadd.s32 s1, s30  }
0xc2: {  	s0 =	sor.u32 s3, s0;
	s1 =	sshll.u32 s1, $0x11  }
0xc3: {  	s0 =	sor.u32 s1, s0  }
0xc4: {  	s0 =	sadd.s32 $0x8F2B, s0  }
0xc5: {  	[sflag:s0] =	ssyncadd.remote.s32 $0x1  }
0xc6: {  	_ =	sfence.sel $0xFFFF  }
0xc7: {  	[dreg:$0x0] =	wrdreg $0xFFFFFFFF;
	(pc) =	sbr.abs _section_cstart, $3  }
0xc8: {  	[dreg:$0x1] =	wrdreg $0xFFFFFFFF  }
0xc9: {  	_ =	task.clear_ibuf [dreg:s9], $0x2FFFF;
	_ =	strace $0x9FFFFFFF  }
0xca: {  	(tm) =	ssettm $0x7FFFFFFF  }
0xcb: {  	_ =	shalt  }
tec
execute0_lowered:
.L_overlay_start_1:
0x0: {  	(tag) =	ssettag $0x1  }
0x1: {  	v0 =	vimm.s32 $0xFEDCBA98;
	v1 =	vimm.s32 $0x76543210;
	v2 =	vimm.s32 $0xBA98FEDC  }
0x2: {  	v3 =	vimm.s32 $0x32107654;
	v4 =	vimm.s32 $0xDCFE98BA;
	vm14 =	vcmask $0x300  }
0x3: {  	vm13 =	vcmask $0x704;
	vm12 =	vcmask $0xB08;
	v5 =	vimm.s32 $0xEFCDAB89  }
0x4: {  	vm11 =	vcmask $0xF0C;
	vm10 =	vcmask $0x1310;
	v6 =	vimm.s32 $0x67452301  }
0x5: {  	vm9 =	vcmask $0x1714;
	vm8 =	vcmask $0x1B18;
	vm7 =	vcmask $0x1F1C  }
0x6: {  	vm6 =	vcmask $0x2320;
	vm5 =	vcmask $0x2724;
	vm4 =	vcmask $0x2B28  }
0x7: {  	vm1 =	vcmask $0x2F2C;
	vm0 =	vcmask $0x3330;
	v7 =	vimm.s32 $0x17160100  }
0x8: {  	v8 =	vimm.s32 $0x43422D2C;
	v9 =	vimm.s32 $0x0;
	vm15 =	vcmask $0x1F10  }
0x9: {  	vm3 =	vcmask $0x3734;
	vm2 =	vcmask $0x3B38;
	v0 =	vunpack.c.l.s4.s8 v0  }
0xa: {  	v10 =	vimm.s32 $0x15141312;
	v11 =	vimm.s32 $0x1B1A1918;
	v1 =	vunpack.c.l.s4.s8 v1  }
0xb: {  	v2 =	vunpack.c.l.s4.s8 v2;
	v3 =	vunpack.c.l.s4.s8 v3;
	v0 =	vunpack.c.0.s8.s32 v0  }
0xc: {  	v13 =	vimm.s32 $0x2B2A2928;
	v14 =	vimm.s32 $0x41403F3E;
	v1 =	vunpack.c.0.s8.s32 v1  }
0xd: {  	v2 =	vunpack.c.0.s8.s32 v2;
	v3 =	vunpack.c.0.s8.s32 v3;
	v0 =	vand.u32 $0xF, v0  }
0xe: {  	v15 =	vimm.s32 $0x47464544;
	v16 =	vimm.s32 $0x39383736;
	v0 =	vcombine.low v0, v1  }
0xf: {  	v1 =	vcombine.low v3, v2;
	v2 =	vunpack.c.l.s4.s8 v4;
	v4 =	vimm.s32 $0xFCC0  }
0x10: {  	v17 =	vimm.s32 $0x3D3C3B3A;
	v5 =	vunpack.c.l.s4.s8 v5;
	v4 =	vsel vm14, $0x40, v4  }
0x11: {  	v6 =	vunpack.c.l.s4.s8 v6;
	v3 =	vimm.s32 $0x54761032;
	v4 =	vsel vm13, $0xC0, v4  }
0x12: {  	v19 =	vimm.s32 $0x83828180;
	v3 =	vunpack.c.l.s4.s8 v3;
	v4 =	vsel vm12, $0x2440, v4  }
0x13: {  	v5 =	vunpack.c.0.s8.s32 v5;
	v6 =	vunpack.c.0.s8.s32 v6;
	v4 =	vsel vm11, $0x24C0, v4  }
0x14: {  	v2 =	vunpack.c.0.s8.s32 v2;
	v3 =	vunpack.c.0.s8.s32 v3;
	v4 =	vsel vm10, $0x4840, v4  }
0x15: {  	v7 =	vunpack.c.0.s8.s32 v7;
	v8 =	vunpack.c.0.s8.s32 v8;
	v4 =	vsel vm9, $0x48C0, v4  }
0x16: {  	v2 =	vcombine.low v3, v2;
	v3 =	vcombine.low v6, v5;
	v4 =	vsel vm8, $0x6C40, v4  }
0x17: {  	v5 =	vimm.s32 $0x6F6E5958;
	v6 =	vimm.s32 $0x9B9A8584;
	v4 =	vsel vm7, $0x6CC0, v4  }
0x18: {  	v5 =	vunpack.c.0.s8.s32 v5;
	v6 =	vunpack.c.0.s8.s32 v6;
	v4 =	vsel vm6, $0x9040, v4  }
0x19: {  	v13 =	vunpack.c.0.s8.s32 v13;
	v14 =	vunpack.c.0.s8.s32 v14;
	v4 =	vsel vm5, $0x90C0, v4  }
0x1a: {  	v15 =	vunpack.c.0.s8.s32 v15;
	v5 =	vsel vm15, v6, v5;
	v4 =	vsel vm4, $0xB440, v4  }
0x1b: {  	v6 =	vsel vm15, v8, v7;
	v8 =	vimm.s32 $0x1F1E1D1C;
	v4 =	vsel vm1, $0xB4C0, v4  }
0x1c: {  	v6 =	vcombine.low v6, v5;
	v8 =	vunpack.c.0.s8.s32 v8;
	v4 =	vsel vm0, $0xD840, v4  }
0x1d: {  	v7 =	vsel vm3, $0xD8C0, v4;
	v4 =	vsel vm14, $0x3, v9;
	v9 =	vimm.s32 $0x23222120  }
0x1e: {  	v5 =	vsel vm2, $0xFC40, v7;
	v7 =	vimm.s32 $0x2AC0;
	v9 =	vunpack.c.0.s8.s32 v9  }
0x1f: {  	v16 =	vunpack.c.0.s8.s32 v16;
	v17 =	vunpack.c.0.s8.s32 v17;
	v7 =	vsel vm14, $0x940, v7  }
0x20: {  	v7 =	vsel vm13, $0x9C0, v7;
	v8 =	vsel vm15, v9, v8;
	v9 =	vimm.s32 $0x31302F2E  }
0x21: {  	v12 =	vsel vm12, $0xA40, v7;
	v7 =	vunpack.c.0.s8.s32 v10;
	v10 =	vunpack.c.0.s8.s32 v11  }
0x22: {  	v11 =	vimm.s32 $0x35343332;
	v9 =	vunpack.c.0.s8.s32 v9;
	v12 =	vsel vm11, $0xAC0, v12  }
0x23: {  	v7 =	vsel vm15, v10, v7;
	v10 =	vunpack.c.0.s8.s32 v11;
	v11 =	vimm.s32 $0x27262524  }
0x24: {  	v6 =	vand.u32 $0xFF, v6;
	v12 =	vsel vm10, $0x2540, v12;
	v11 =	vunpack.c.0.s8.s32 v11  }
0x25: {  	v7 =	vcombine.low v7, v8;
	v12 =	vsel vm9, $0x25C0, v12;
	v8 =	vsel vm15, v10, v9  }
0x26: {  	v10 =	vsel vm15, v17, v16;
	v16 =	vimm.s32 $0x7F7E7D7C;
	v12 =	vsel vm8, $0x2640, v12  }
0x27: {  	v9 =	vsel vm15, v13, v11;
	v11 =	vimm.s32 $0x7B7A7978;
	v13 =	vimm.s32 $0x6D6C6B6A  }
0x28: {  	v12 =	vsel vm7, $0x26C0, v12;
	v8 =	vcombine.low v9, v8;
	v9 =	vsel vm15, v15, v14  }
0x29: {  	v11 =	vunpack.c.0.s8.s32 v11;
	v13 =	vunpack.c.0.s8.s32 v13;
	v14 =	vimm.s32 $0x73727170  }
0x2a: {  	v15 =	vimm.s32 $0x89888786;
	v12 =	vsel vm6, $0x2740, v12;
	v9 =	vcombine.low v10, v9  }
0x2b: {  	v10 =	vimm.s32 $0x77767574;
	v17 =	vunpack.c.0.s8.s32 v15;
	v12 =	vsel vm5, $0x27C0, v12  }
0x2c: {  	v15 =	vimm.s32 $0x8D8C8B8A;
	v10 =	vunpack.c.0.s8.s32 v10;
	v12 =	vsel vm4, $0x2840, v12  }
0x2d: {  	v14 =	vunpack.c.0.s8.s32 v14;
	v18 =	vunpack.c.0.s8.s32 v15;
	v12 =	vsel vm1, $0x28C0, v12  }
0x2e: {  	v15 =	vsel vm15, v11, v10;
	v10 =	vunpack.c.0.s8.s32 v16;
	v11 =	vunpack.c.0.s8.s32 v19  }
0x2f: {  	v16 =	vsel vm15, v14, v13;
	v13 =	vsel vm15, v18, v17;
	v14 =	vimm.s32 $0x99989796  }
0x30: {  	v17 =	vimm.s32 $0x91908F8E;
	v18 =	vimm.s32 $0x95949392;
	v19 =	vimm.s32 $0x4CC0  }
0x31: {  	v12 =	vsel vm0, $0x2940, v12;
	v17 =	vunpack.c.0.s8.s32 v17;
	v20 =	vunpack.c.0.s8.s32 v18  }
0x32: {  	v21 =	vsel vm14, $0x2B40, v19;
	v12 =	vsel vm3, $0x29C0, v12;
	v15 =	vcombine.low v16, v15  }
0x33: {  	v10 =	vsel vm15, v11, v10;
	v11 =	vunpack.c.0.s8.s32 v14;
	v14 =	vimm.s32 $0x9F9E9D9C  }
0x34: {  	v21 =	vsel vm13, $0x2BC0, v21;
	v14 =	vunpack.c.0.s8.s32 v14;
	v19 =	vsel vm15, v20, v17  }
0x35: {  	v20 =	vimm.s32 $0xDCC0;
	v17 =	vcombine.low v10, v13;
	v10 =	vimm.s32 $0xFEC0  }
0x36: {  	v21 =	vsel vm12, $0x2C40, v21;
	v18 =	vsel vm15, v14, v11;
	v11 =	vimm.s32 $0x6EC0  }
0x37: {  	v21 =	vsel vm11, $0x2CC0, v21;
	v14 =	vimm.s32 $0xBAC0;
	v11 =	vsel vm14, $0x4D40, v11  }
0x38: {  	v21 =	vsel vm10, $0x2D40, v21;
	v17 =	vand.u32 $0xFF, v17;
	v11 =	vsel vm13, $0x4DC0, v11  }
0x39: {  	v13 =	vsel vm14, $0x9940, v14;
	v14 =	vsel vm14, $0xBB40, v20;
	v11 =	vsel vm12, $0x4E40, v11  }
0x3a: {  	v20 =	vsel vm14, $0xDD40, v10;
	v10 =	vlaneseq.u32;
	v11 =	vsel vm11, $0x4EC0, v11  }
0x3b: {  	v21 =	vsel vm9, $0x2DC0, v21;
	v19 =	vcombine.low v19, v18;
	v11 =	vsel vm10, $0x4F40, v11  }
0x3c: {  	v21 =	vsel vm8, $0x2E40, v21;
	v13 =	vsel vm13, $0x99C0, v13;
	v11 =	vsel vm9, $0x4FC0, v11  }
0x3d: {  	v14 =	vsel vm13, $0xBBC0, v14;
	v20 =	vsel vm13, $0xDDC0, v20;
	v11 =	vsel vm8, $0x5040, v11  }
0x3e: {  	v21 =	vsel vm7, $0x2EC0, v21;
	v60 =	vsel vm12, $0x9A40, v13;
	v11 =	vsel vm7, $0x50C0, v11  }
0x3f: {  	v14 =	vsel vm12, $0xBC40, v14;
	v21 =	vsel vm6, $0x4940, v21;
	v11 =	vsel vm6, $0x5140, v11  }
0x40: {  	v20 =	vsel vm12, $0xDE40, v20;
	v21 =	vsel vm5, $0x49C0, v21;
	v11 =	vsel vm5, $0x51C0, v11  }
0x41: {  	s0 =	rddreg [dreg:$0x0];
	v19 =	vand.u32 $0xFF, v19;
	v21 =	vsel vm4, $0x4A40, v21;
	v22 =	vsel vm4, $0x5240, v11  }
0x42: {  	s1 =	rddreg [dreg:$0x1];
	s3 =	simm.s32 $0x0;
	v61 =	vsel vm11, $0x9AC0, v60;
	v21 =	vsel vm1, $0x4AC0, v21;
	v59 =	vsel vm1, $0x52C0, v22  }
0x43: {  	s2 =	srdreg.scid;
	s5 =	stileid.u32;
	s14 =	simm.s32 $0x2;
	v11 =	vsel vm2, $0x2A40, v12;
	v12 =	vsel vm0, $0x4B40, v21;
	v21 =	vsel vm0, $0x6D40, v59  }
0x44: {  	s15 =	simm.s32 $0x40;
	s17 =	simm.s32 $0x46;
	s11 =	simm.s32 $0x28;
	v14 =	vsel vm11, $0xBCC0, v14;
	v20 =	vsel vm11, $0xDEC0, v20;
	v21 =	vsel vm3, $0x6DC0, v21  }
0x45: {  	s12 =	simm.s32 $0xB680;
	s18 =	simm.s32 $0xDA80;
	s19 =	simm.s32 $0x1F0;
	v14 =	vsel vm10, $0xBD40, v14;
	v13 =	vsel vm2, $0x6E40, v21;
	v21 =	vsel vm10, $0xB540, v61  }
0x46: {  	s20 =	simm.s32 $0xDB80;
	s21 =	simm.s32 $0x38;
	s22 =	simm.s32 $0xFE80;
	v20 =	vsel vm10, $0xDF40, v20;
	v14 =	vsel vm9, $0xBDC0, v14;
	v21 =	vsel vm9, $0xB5C0, v21  }
0x47: {  	s23 =	simm.s32 $0x238;
	s24 =	simm.s32 $0xFF80;
	s26 =	simm.s32 $0x12330;
	v20 =	vsel vm9, $0xDFC0, v20;
	v14 =	vsel vm8, $0xBE40, v14;
	v21 =	vsel vm8, $0xB640, v21  }
0x48: {  	s16 =	simm.s32 $0x30;
	s28 =	simm.s32 $0x12280;
	s4 =	sadd.s32 $0x317A00, s0;
	v20 =	vsel vm8, $0xE040, v20;
	v14 =	vsel vm7, $0xBEC0, v14;
	v21 =	vsel vm7, $0xB6C0, v21  }
0x49: {  	s25 =	simm.s32 $0x1;
	[smem:$0x7FF] =	sst s3;
	s6 =	sadd.s32 $0x30EA00, s0;
	v20 =	vsel vm7, $0xE0C0, v20;
	v14 =	vsel vm6, $0xD940, v14;
	v21 =	vsel vm6, $0xB740, v21  }
0x4a: {  	s7 =	sadd.s32 $0x318A00, s0;
	s2 =	sand.u32 $0x1, s2;
	s8 =	sadd.s32 $0x1400, s0;
	v20 =	vsel vm6, $0xE140, v20;
	v14 =	vsel vm5, $0xD9C0, v14;
	v21 =	vsel vm5, $0xB7C0, v21  }
0x4b: {  	s5 =	sshll.u32 s5, $0x1;
	s9 =	sadd.s32 $0x1251000, s0;
	_ =	strace $0x80000047;
	v20 =	vsel vm5, $0xE1C0, v20;
	v14 =	vsel vm4, $0xDA40, v14;
	v21 =	vsel vm4, $0xB840, v21  }
0x4c: {  	[dreg:$0x5] =	wrdreg s7;
	s30 =	ssub.s32 $0x2, s2;
	s2 =	sor.u32 s2, s5;
	v20 =	vsel vm4, $0xE240, v20;
	v12 =	vsel vm3, $0x4BC0, v12;
	v21 =	vsel vm1, $0xB8C0, v21  }
0x4d: {  	s7 =	simm.s32 $0x9380;
	s31 =	sshrl.u32 s30, $0x1;
	s5 =	sshll.u32 s2, $0x4;
	v62 =	vsel vm1, $0xDAC0, v14;
	v20 =	vsel vm1, $0xE2C0, v20;
	v21 =	vsel vm0, $0xB940, v21  }
0x4e: {  	s10 =	sshll.u32 s2, $0x7;
	s0 =	ssub.s32 s30, s31;
	s1 =	sadd.s32 s1, s5;
	v63 =	vsel vm0, $0xDB40, v62;
	v20 =	vsel vm0, $0xFD40, v20;
	v21 =	vsel vm3, $0xB9C0, v21  }
0x4f: {  	s2 =	simm.s32 $0xB780;
	[dreg:$0x6] =	wrdreg s1;
	s0 =	smax.u32 s0, $0x1;
	v18 =	vsel vm3, $0xFDC0, v20;
	v14 =	vsel vm2, $0xBA40, v21;
	v21 =	vsel vm3, $0xDBC0, v63  }
0x50: {  	s5 =	simm.s32 $0x0;
	[dreg:$0x7] =	wrdreg s0;
	s0 =	simm.s32 $0x1A8;
	v12 =	vsel vm2, $0x4C40, v12;
	v18 =	vsel vm2, $0xFE40, v18;
	v16 =	vsel vm2, $0xDC40, v21  }
.LBB2_1:
0x51: {  	[dreg:$0x8] =	wrdreg s5  }
0x52: {  	s1 =	rddreg [dreg:$0x5];
	s31 =	simm.s32 $0x123B0  }
0x53: {  	[tilespmem:s31], [sflag:$0x2] =	stream.linear.gather [hbm4b:s1+s3], $0x10, $0x38;
	[tilespmem:$0x123C0] =	vst v63  }
0x54: {  	_ =	swait.ge [sflag:s14], $0x10  }
0x55: {  	[sflag:s14] =	ssyncset.done $0x0  }
0x56: {  	[sflag:s14] =	ssyncadd.s32 $0xFFFFFFF0  }
0x57: {  	s29 =	simm.s32 $0x0;
	v20 =	vld [tilespmem:$0x123B0]  }
.LBB2_2:
0x58: {  	s31 =	sshll.u32 s29, $0x3  }
0x59: {  	s30 =	sadd.s32 s10, s31  }
0x5a: {  	s5 =	simm.s32 $0x0;
	s1 =	sadd.s32 s4, s30  }
0x5b: {  	[tilespmem:s5], [sflag:$0x2] =	stream.linear.gather [hbm4b:s1+s5], $0x40, $0x38;
	[tilespmem:$0x123C0] =	vst v63  }
0x5c: {  	s13 =	smul.u32 $0x9, s30;
	_ =	swait.ge [sflag:s14], $0x40  }
0x5d: {  	[sflag:s14] =	ssyncset.done $0x0  }
0x5e: {  	s1 =	sadd.s32 s6, s13;
	[sflag:s14] =	ssyncadd.s32 $0xFFFFFFC0  }
0x5f: {  	[tilespmem:s15], [sflag:$0x2] =	stream.linear.gather [hbm4b:s1+s5], $0x240, $0x38;
	[tilespmem:$0x123C0] =	vst v63  }
0x60: {  	_ =	swait.ge [sflag:s14], $0x240  }
0x61: {  	[sflag:s14] =	ssyncset.done $0x0  }
0x62: {  	s13 =	simm.s32 $0x280;
	[sflag:s14] =	ssyncadd.s32 $0xFFFFFDC0  }
0x63: {  	[tilespmem:s13], [sflag:$0x1] =	stream.indirect.gather [hbm4b:s8+s14], $0x80, s5, s14, $0xb8;
	[tilespmem:$0x123C0] =	vst v63  }
0x64: {  	s13 =	simm.s32 $0x380  }
0x65: {  	[tilespmem:s13], [sflag:$0x1] =	stream.indirect.gather [hbm4b:s9+s17], $0x80, s15, s17, $0xb8;
	[tilespmem:$0x123C0] =	vst v63  }
0x66: {  	s5 =	simm.s32 $0x8;
	s13 =	simm.s32 $0x2680  }
0x67: {  	[tilespmem:s13], [sflag:$0x1] =	stream.indirect.gather [hbm4b:s8+s14], $0x80, s5, s14, $0xb8;
	[tilespmem:$0x123C0] =	vst v63  }
0x68: {  	s5 =	simm.s32 $0x88;
	s13 =	simm.s32 $0x2780  }
0x69: {  	[tilespmem:s13], [sflag:$0x1] =	stream.indirect.gather [hbm4b:s9+s17], $0x80, s5, s17, $0xb8;
	[tilespmem:$0x123C0] =	vst v63  }
0x6a: {  	s5 =	simm.s32 $0x10;
	s13 =	simm.s32 $0x4A80  }
0x6b: {  	[tilespmem:s13], [sflag:$0x1] =	stream.indirect.gather [hbm4b:s8+s14], $0x80, s5, s14, $0xb8;
	[tilespmem:$0x123C0] =	vst v63  }
0x6c: {  	s5 =	simm.s32 $0xD0;
	s13 =	simm.s32 $0x4B80  }
0x6d: {  	[tilespmem:s13], [sflag:$0x1] =	stream.indirect.gather [hbm4b:s9+s17], $0x80, s5, s17, $0xb8;
	[tilespmem:$0x123C0] =	vst v63  }
0x6e: {  	s5 =	simm.s32 $0x18;
	s13 =	simm.s32 $0x6E80  }
0x6f: {  	[tilespmem:s13], [sflag:$0x1] =	stream.indirect.gather [hbm4b:s8+s14], $0x80, s5, s14, $0xb8;
	[tilespmem:$0x123C0] =	vst v63  }
0x70: {  	s5 =	simm.s32 $0x118;
	s13 =	simm.s32 $0x6F80  }
0x71: {  	[tilespmem:s13], [sflag:$0x1] =	stream.indirect.gather [hbm4b:s9+s17], $0x80, s5, s17, $0xb8;
	[tilespmem:$0x123C0] =	vst v63  }
0x72: {  	s5 =	simm.s32 $0x20;
	s13 =	simm.s32 $0x9280  }
0x73: {  	[tilespmem:s13], [sflag:$0x1] =	stream.indirect.gather [hbm4b:s8+s14], $0x80, s5, s14, $0xb8;
	[tilespmem:$0x123C0] =	vst v63  }
0x74: {  	s13 =	simm.s32 $0x160  }
0x75: {  	[tilespmem:s7], [sflag:$0x1] =	stream.indirect.gather [hbm4b:s9+s17], $0x80, s13, s17, $0xb8;
	[tilespmem:$0x123C0] =	vst v63  }
0x76: {  	_ = 	snop  }
0x77: {  	[tilespmem:s12], [sflag:$0x1] =	stream.indirect.gather [hbm4b:s8+s14], $0x80, s11, s14, $0xb8;
	[tilespmem:$0x123C0] =	vst v63  }
0x78: {  	_ = 	snop  }
0x79: {  	[tilespmem:s2], [sflag:$0x1] =	stream.indirect.gather [hbm4b:s9+s17], $0x80, s0, s17, $0xb8;
	[tilespmem:$0x123C0] =	vst v63  }
0x7a: {  	_ = 	snop  }
0x7b: {  	[tilespmem:s18], [sflag:$0x1] =	stream.indirect.gather [hbm4b:s8+s14], $0x80, s16, s14, $0xb8;
	[tilespmem:$0x123C0] =	vst v63  }
0x7c: {  	_ = 	snop  }
0x7d: {  	[tilespmem:s20], [sflag:$0x1] =	stream.indirect.gather [hbm4b:s9+s17], $0x80, s19, s17, $0xb8;
	[tilespmem:$0x123C0] =	vst v63  }
0x7e: {  	_ = 	snop  }
0x7f: {  	[tilespmem:s22], [sflag:$0x1] =	stream.indirect.gather [hbm4b:s8+s14], $0x80, s21, s14, $0xb8;
	[tilespmem:$0x123C0] =	vst v63  }
0x80: {  	_ = 	snop  }
0x81: {  	[tilespmem:s24], [sflag:$0x1] =	stream.indirect.gather [hbm4b:s9+s17], $0x80, s23, s17, $0xb8;
	[tilespmem:$0x123C0] =	vst v63  }
0x82: {  	_ =	swait.ge [sflag:s25], $0x100  }
0x83: {  	[sflag:s25] =	ssyncset.done $0x0  }
0x84: {  	[sflag:s25] =	ssyncadd.s32 $0xFFFFFF00  }
0x85: {  	_ =	swait.ge [sflag:s25], $0x2300  }
0x86: {  	[sflag:s25] =	ssyncset.done $0x0  }
0x87: {  	[sflag:s25] =	ssyncadd.s32 $0xFFFFDD00  }
0x88: {  	_ =	swait.ge [sflag:s25], $0x100  }
0x89: {  	[sflag:s25] =	ssyncset.done $0x0  }
0x8a: {  	[sflag:s25] =	ssyncadd.s32 $0xFFFFFF00  }
0x8b: {  	_ =	swait.ge [sflag:s25], $0x2300  }
0x8c: {  	[sflag:s25] =	ssyncset.done $0x0  }
0x8d: {  	[sflag:s25] =	ssyncadd.s32 $0xFFFFDD00  }
0x8e: {  	_ =	swait.ge [sflag:s25], $0x100  }
0x8f: {  	[sflag:s25] =	ssyncset.done $0x0  }
0x90: {  	[sflag:s25] =	ssyncadd.s32 $0xFFFFFF00  }
0x91: {  	_ =	swait.ge [sflag:s25], $0x2300  }
0x92: {  	[sflag:s25] =	ssyncset.done $0x0  }
0x93: {  	[sflag:s25] =	ssyncadd.s32 $0xFFFFDD00  }
0x94: {  	_ =	swait.ge [sflag:s25], $0x100  }
0x95: {  	[sflag:s25] =	ssyncset.done $0x0  }
0x96: {  	[sflag:s25] =	ssyncadd.s32 $0xFFFFFF00  }
0x97: {  	_ =	swait.ge [sflag:s25], $0x2300  }
0x98: {  	[sflag:s25] =	ssyncset.done $0x0  }
0x99: {  	[sflag:s25] =	ssyncadd.s32 $0xFFFFDD00  }
0x9a: {  	_ =	swait.ge [sflag:s25], $0x100  }
0x9b: {  	[sflag:s25] =	ssyncset.done $0x0  }
0x9c: {  	[sflag:s25] =	ssyncadd.s32 $0xFFFFFF00  }
0x9d: {  	_ =	swait.ge [sflag:s25], $0x2300  }
0x9e: {  	[sflag:s25] =	ssyncset.done $0x0  }
0x9f: {  	[sflag:s25] =	ssyncadd.s32 $0xFFFFDD00  }
0xa0: {  	_ =	swait.ge [sflag:s25], $0x100  }
0xa1: {  	[sflag:s25] =	ssyncset.done $0x0  }
0xa2: {  	[sflag:s25] =	ssyncadd.s32 $0xFFFFFF00  }
0xa3: {  	_ =	swait.ge [sflag:s25], $0x2300  }
0xa4: {  	[sflag:s25] =	ssyncset.done $0x0  }
0xa5: {  	[sflag:s25] =	ssyncadd.s32 $0xFFFFDD00  }
0xa6: {  	_ =	swait.ge [sflag:s25], $0x100  }
0xa7: {  	[sflag:s25] =	ssyncset.done $0x0  }
0xa8: {  	[sflag:s25] =	ssyncadd.s32 $0xFFFFFF00  }
0xa9: {  	_ =	swait.ge [sflag:s25], $0x2300  }
0xaa: {  	[sflag:s25] =	ssyncset.done $0x0  }
0xab: {  	[sflag:s25] =	ssyncadd.s32 $0xFFFFDD00  }
0xac: {  	_ =	swait.ge [sflag:s25], $0x100  }
0xad: {  	[sflag:s25] =	ssyncset.done $0x0  }
0xae: {  	[sflag:s25] =	ssyncadd.s32 $0xFFFFFF00  }
0xaf: {  	_ =	swait.ge [sflag:s25], $0x2300  }
0xb0: {  	[sflag:s25] =	ssyncset.done $0x0  }
0xb1: {  	s1 =	simm.s32 $0x0;
	[sflag:s25] =	ssyncadd.s32 $0xFFFFDD00  }
0xb2: {  	v22 =	vld [tilespmem:s1+$0xF80]  }
0xb3: {  	v23 =	vld [tilespmem:s1+$0xF90]  }
0xb4: {  	v24 =	vld [tilespmem:s1+$0xF00]  }
0xb5: {  	v25 =	vld [tilespmem:s1+$0xF10]  }
0xb6: {  	v26 =	vld [tilespmem:s1+$0xE80]  }
0xb7: {  	v27 =	vld [tilespmem:s1+$0xE90]  }
0xb8: {  	v28 =	vld [tilespmem:s1+$0xE00]  }
0xb9: {  	v29 =	vld [tilespmem:s1+$0xE10]  }
0xba: {  	v34 =	vld [tilespmem:s1+$0xD80]  }
0xbb: {  	v21 =	vimm.f32 $0.0e+00;
	v30 =	vimm.f32 $0.0e+00;
	v36 =	vld [tilespmem:s1+$0xD90]  }
0xbc: {  	v33 =	vimm.f32 $0.0e+00;
	v31 =	vimm.f32 $0.0e+00;
	v32 =	vimm.f32 $0.0e+00;
	s5 =	simm.s32 $0xA00;
	v35 =	vld [tilespmem:s1+$0xDA0]  }
.LBB2_3:
0xbd: {  	p0 =	sne.s32 s5, $0x5A00;
	v37 =	vld [tilespmem:s1+$0xDB0]  }
0xbe: {  	v38 =	vld [tilespmem:s1+$0xE20]  }
0xbf: {  	v39 =	vld [tilespmem:s1+$0xE30]  }
0xc0: {  	v40 =	vld [tilespmem:s1+$0xEA0]  }
0xc1: {  	v30 =	vadd.f32 v34, v30;
	v33 =	vadd.f32 v36, v33;
	v34 =	vld [tilespmem:s1+$0xEB0]  }
0xc2: {  	v31 =	vadd.f32 v35, v31;
	v32 =	vadd.f32 v37, v32;
	v35 =	vld [tilespmem:s1+$0xF20]  }
0xc3: {  	v28 =	vadd.f32 v28, v30;
	v29 =	vadd.f32 v29, v33;
	v30 =	vld [tilespmem:s1+$0xF30]  }
0xc4: {  	v31 =	vadd.f32 v38, v31;
	v32 =	vadd.f32 v39, v32;
	v36 =	vld [tilespmem:s1+$0xFA0]  }
0xc5: {  	v26 =	vadd.f32 v26, v28;
	v27 =	vadd.f32 v27, v29;
	v28 =	vld [tilespmem:s1+$0xFB0];
	s1 =	sshra.s32 s5, $0x2  }
0xc6: {  	v31 =	vadd.f32 v40, v31;
	v29 =	vld [tilespmem:s1+$0xF80];
	v32 =	vadd.f32 v34, v32  }
0xc7: {  	v26 =	vadd.f32 v24, v26;
	v27 =	vadd.f32 v25, v27;
	v34 =	vld [tilespmem:s1+$0xF90]  }
0xc8: {  	v31 =	vadd.f32 v35, v31;
	v24 =	vld [tilespmem:s1+$0xF00];
	v32 =	vadd.f32 v30, v32  }
0xc9: {  	v30 =	vadd.f32 v22, v26;
	v33 =	vadd.f32 v23, v27;
	v25 =	vld [tilespmem:s1+$0xF10]  }
0xca: {  	v31 =	vadd.f32 v36, v31;
	v26 =	vld [tilespmem:s1+$0xE80];
	v32 =	vadd.f32 v28, v32  }
0xcb: {  	v27 =	vld [tilespmem:s1+$0xE90];
	v22 =	vmov v29  }
.Ltmp0:
0xcc: {  	v28 =	vld [tilespmem:s1+$0xE00];
	v23 =	vmov v34;
	(pc) =	sbr.rel @p0 .LBB2_3-.Ltmp0, $4  }
0xcd: {  	v29 =	vld [tilespmem:s1+$0xE10]  }
0xce: {  	v34 =	vld [tilespmem:s1+$0xD80]  }
0xcf: {  	v36 =	vld [tilespmem:s1+$0xD90]  }
0xd0: {  	s5 =	sadd.s32 $0xA00, s5;
	v35 =	vld [tilespmem:s1+$0xDA0]  }
0xd1: {  	v37 =	vld [tilespmem:s1+$0xDB0]  }
0xd2: {  	v38 =	vld [tilespmem:s1+$0xE20]  }
0xd3: {  	v39 =	vld [tilespmem:s1+$0xE30]  }
0xd4: {  	v40 =	vld [tilespmem:s1+$0xEA0]  }
0xd5: {  	v41 =	vld [tilespmem:s1+$0xEB0]  }
0xd6: {  	v42 =	vld [tilespmem:s1+$0xF20]  }
0xd7: {  	v60 =	vld [tilespmem:s1+$0xF30]  }
0xd8: {  	v61 =	vld [tilespmem:s1+$0xFA0]  }
0xd9: {  	v62 =	vld [tilespmem:s1+$0xFB0];
	s1 =	simm.s32 $0x0  }
0xda: {  	v63 =	vld [tilespmem:s1+$0x380]  }
0xdb: {  	v30 =	vadd.f32 v34, v30  }
0xdc: {  	v33 =	vadd.f32 v36, v33;
	v31 =	vadd.f32 v35, v31  }
0xdd: {  	v28 =	vadd.f32 v28, v30;
	v32 =	vadd.f32 v37, v32  }
0xde: {  	v29 =	vadd.f32 v29, v33;
	v30 =	vadd.f32 v38, v31  }
0xdf: {  	v26 =	vadd.f32 v26, v28;
	v36 =	vadd.f32 v63, v21  }
0xe0: {  	v28 =	vld [tilespmem:s1+$0x390];
	v31 =	vadd.f32 v39, v32;
	v27 =	vadd.f32 v27, v29  }
0xe1: {  	v32 =	vld [tilespmem:s1+$0x410];
	v29 =	vadd.f32 v40, v30;
	v24 =	vadd.f32 v24, v26  }
0xe2: {  	v30 =	vld [tilespmem:s1+$0x400];
	v31 =	vadd.f32 v41, v31;
	v26 =	vadd.f32 v25, v27  }
0xe3: {  	v27 =	vadd.f32 v42, v29;
	v25 =	vadd.f32 v22, v24  }
0xe4: {  	v29 =	vadd.f32 v60, v31;
	v24 =	vadd.f32 v23, v26;
	v31 =	vld [tilespmem:s1+$0x480]  }
0xe5: {  	v35 =	vld [tilespmem:s1+$0x490];
	v26 =	vmul.f32 v63, v63;
	v40 =	vadd.f32 v28, v21;
	v23 =	vadd.f32 v61, v27  }
0xe6: {  	v27 =	vmul.f32 v28, v28;
	v41 =	vmul.f32 v32, v32;
	v22 =	vadd.f32 v62, v29;
	v29 =	vld [tilespmem:s1+$0x500]  }
0xe7: {  	v33 =	vld [tilespmem:s1+$0x510];
	v28 =	vimm.f32 $0.0e+00;
	v37 =	vadd.f32 v26, v21;
	v39 =	vmul.f32 v30, v30  }
0xe8: {  	s5 =	simm.s32 $0x800;
	v34 =	vld [tilespmem:s1+$0x3A0];
	v26 =	vimm.f32 $0.0e+00;
	v38 =	vadd.f32 v27, v21;
	v27 =	vimm.f32 $0.0e+00  }
.LBB2_5:
0xe9: {  	p0 =	sne.s32 s5, $0x2000;
	v42 =	vld [tilespmem:s1+$0x3B0];
	v30 =	vadd.f32 v30, v36;
	v36 =	vadd.f32 v39, v37;
	v37 =	vmul.f32 v31, v31  }
0xea: {  	v32 =	vadd.f32 v32, v40;
	v38 =	vadd.f32 v41, v38;
	v39 =	vld [tilespmem:s1+$0x420];
	v40 =	vmul.f32 v35, v35  }
0xeb: {  	v41 =	vld [tilespmem:s1+$0x430];
	v30 =	vadd.f32 v31, v30;
	v31 =	vadd.f32 v37, v36;
	v36 =	vmul.f32 v29, v29  }
0xec: {  	v32 =	vadd.f32 v35, v32;
	v35 =	vadd.f32 v40, v38;
	v37 =	vld [tilespmem:s1+$0x4A0];
	v38 =	vmul.f32 v33, v33  }
0xed: {  	v40 =	vmul.f32 v34, v34;
	v43 =	vld [tilespmem:s1+$0x4B0];
	v44 =	vadd.f32 v29, v30;
	v45 =	vadd.f32 v36, v31  }
0xee: {  	v29 =	vmul.f32 v42, v42;
	v46 =	vadd.f32 v33, v32;
	v38 =	vadd.f32 v38, v35;
	v33 =	vld [tilespmem:s1+$0x520]  }
0xef: {  	v21 =	vadd.f32 v34, v21;
	v28 =	vadd.f32 v40, v28;
	v30 =	vmul.f32 v39, v39;
	v34 =	vld [tilespmem:s1+$0x530];
	s1 =	sshra.s32 s5, $0x2  }
0xf0: {  	v27 =	vadd.f32 v42, v27;
	v36 =	vld [tilespmem:s1+$0x380];
	v26 =	vadd.f32 v29, v26;
	v29 =	vmul.f32 v41, v41  }
0xf1: {  	v21 =	vadd.f32 v39, v21;
	v40 =	vld [tilespmem:s1+$0x390];
	v28 =	vadd.f32 v30, v28;
	v31 =	vmul.f32 v37, v37  }
0xf2: {  	v27 =	vadd.f32 v41, v27;
	v30 =	vld [tilespmem:s1+$0x400];
	v26 =	vadd.f32 v29, v26;
	v29 =	vmul.f32 v43, v43  }
0xf3: {  	v21 =	vadd.f32 v37, v21;
	v32 =	vld [tilespmem:s1+$0x410];
	v28 =	vadd.f32 v31, v28;
	v37 =	vmul.f32 v33, v33  }
.Ltmp1:
0xf4: {  	v27 =	vadd.f32 v43, v27;
	v31 =	vld [tilespmem:s1+$0x480];
	v26 =	vadd.f32 v29, v26;
	v39 =	vmul.f32 v34, v34;
	(pc) =	sbr.rel @p0 .LBB2_5-.Ltmp1, $4  }
0xf5: {  	v21 =	vadd.f32 v33, v21;
	v41 =	vmul.f32 v36, v36;
	v35 =	vld [tilespmem:s1+$0x490];
	v28 =	vadd.f32 v37, v28  }
0xf6: {  	v27 =	vadd.f32 v34, v27;
	v42 =	vmul.f32 v40, v40;
	v29 =	vld [tilespmem:s1+$0x500];
	v26 =	vadd.f32 v39, v26  }
0xf7: {  	v36 =	vadd.f32 v36, v44;
	v37 =	vadd.f32 v41, v45;
	v39 =	vmul.f32 v30, v30;
	v33 =	vld [tilespmem:s1+$0x510]  }
0xf8: {  	s5 =	sadd.s32 $0x800, s5;
	v40 =	vadd.f32 v40, v46;
	v38 =	vadd.f32 v42, v38;
	v34 =	vld [tilespmem:s1+$0x3A0];
	v41 =	vmul.f32 v32, v32  }
0xf9: {  	v42 =	vld [tilespmem:s1+$0x3B0]  }
0xfa: {  	v55 =	vld [tilespmem:s1+$0x420]  }
0xfb: {  	v57 =	vld [tilespmem:s1+$0x430]  }
0xfc: {  	v30 =	vadd.f32 v30, v36;
	v59 =	vld [tilespmem:$0x280]  }
0xfd: {  	v53 =	vadd.f32 v39, v37;
	v54 =	vmul.f32 v31, v31;
	v62 =	vld [tilespmem:s1+$0x4A0];
	v32 =	vadd.f32 v32, v40  }
0xfe: {  	v63 =	vld [tilespmem:s1+$0x4B0];
	v38 =	vadd.f32 v41, v38;
	v56 =	vmul.f32 v35, v35;
	v30 =	vadd.f32 v31, v30  }
0xff: {  	v52 =	vld [tilespmem:s1+$0x530];
	v31 =	vadd.f32 v54, v53;
	v58 =	vmul.f32 v29, v29;
	v32 =	vadd.f32 v35, v32  }
0x100: {  	v60 =	vadd.f32 v56, v38;
	v61 =	vmul.f32 v33, v33;
	v29 =	vadd.f32 v29, v30;
	v30 =	vld [tilespmem:$0x300]  }
0x101: {  	v51 =	vld [tilespmem:$0x310];
	v43 =	vmul.f32 v34, v34;
	v31 =	vadd.f32 v58, v31;
	v21 =	vadd.f32 v34, v21  }
0x102: {  	v46 =	vld [tilespmem:s1+$0x520];
	v32 =	vadd.f32 v33, v32;
	v44 =	vmul.f32 v42, v42;
	v45 =	vmul.f32 v55, v55  }
0x103: {  	v54 =	vld [tilespmem:$0x2A0];
	v37 =	vadd.f32 v61, v60;
	v47 =	vmul.f32 v57, v57;
	v50 =	vmul.f32 v62, v62  }
0x104: {  	v56 =	vld [tilespmem:$0x320];
	v27 =	vadd.f32 v42, v27;
	v53 =	vmul.f32 v63, v63;
	v35 =	vmul.f32 v59, v59  }
0x105: {  	v49 =	vld [tilespmem:$0x290];
	v58 =	vmul.f32 v52, v52;
	v28 =	vadd.f32 v43, v28;
	v48 =	vadd.f32 v30, v59  }
0x106: {  	v36 =	vmul.f32 v51, v51;
	v21 =	vadd.f32 v55, v21;
	v26 =	vadd.f32 v44, v26  }
0x107: {  	v25 =	vmul.f32 v29, v25;
	v27 =	vadd.f32 v57, v27;
	v34 =	vadd.f32 v48, v29  }
0x108: {  	v57 =	vmul.f32 v46, v46;
	v28 =	vadd.f32 v45, v28;
	v21 =	vadd.f32 v62, v21  }
0x109: {  	v61 =	vadd.f32 v56, v54;
	v30 =	vmul.f32 v30, v30;
	v55 =	vmul.f32 v34, v34  }
0x10a: {  	v60 =	vld [tilespmem:$0x330];
	v24 =	vmul.f32 v32, v24;
	v26 =	vadd.f32 v47, v26;
	v29 =	vadd.f32 v51, v49  }
0x10b: {  	v27 =	vadd.f32 v63, v27;
	v59 =	vld [tilespmem:$0x2B0];
	v30 =	vadd.f32 v30, v35;
	v33 =	vmul.f32 $5.000000000e-01, v55  }
0x10c: {  	v63 =	vmul.f32 $5.000000000e-01, v37;
	v21 =	vadd.f32 v46, v21;
	v29 =	vadd.f32 v29, v32  }
0x10d: {  	v28 =	vadd.f32 v50, v28;
	v30 =	vmul.f32 $5.000000000e-01, v30;
	v25 =	vadd.f32 v33, v25  }
0x10e: {  	v27 =	vadd.f32 v52, v27;
	v35 =	vadd.f32 v61, v21;
	v29 =	vmul.f32 v29, v29  }
0x10f: {  	v25 =	vsub.f32 v25, v30;
	v30 =	vmul.f32 $5.000000000e-01, v31;
	v31 =	vmul.f32 v49, v49  }
0x110: {  	v21 =	vmul.f32 v21, v23;
	v62 =	vadd.f32 v60, v59;
	v29 =	vmul.f32 $5.000000000e-01, v29  }
0x111: {  	v34 =	vmul.f32 v56, v56;
	v25 =	vsub.f32 v25, v30;
	v30 =	vadd.f32 v36, v31  }
0x112: {  	v32 =	vadd.f32 v62, v27;
	v24 =	vadd.f32 v29, v24;
	v29 =	vmul.f32 v54, v54  }
0x113: {  	v26 =	vadd.f32 v53, v26;
	v31 =	vmul.f32 v35, v35;
	v30 =	vmul.f32 $5.000000000e-01, v30  }
0x114: {  	v23 =	vmul.f32 v59, v59;
	v32 =	vmul.f32 v32, v32;
	v29 =	vadd.f32 v34, v29  }
0x115: {  	v31 =	vmul.f32 $5.000000000e-01, v31;
	v24 =	vsub.f32 v24, v30;
	v30 =	vmul.f32 v60, v60  }
0x116: {  	v28 =	vadd.f32 v57, v28;
	v22 =	vmul.f32 v27, v22;
	v29 =	vmul.f32 $5.000000000e-01, v29  }
0x117: {  	v21 =	vadd.f32 v31, v21;
	v23 =	vadd.f32 v30, v23;
	v30 =	vmul.f32 $5.000000000e-01, v32  }
0x118: {  	v26 =	vadd.f32 v58, v26;
	v27 =	vmul.f32 $5.000000000e-01, v28;
	v24 =	vsub.f32 v24, v63  }
0x119: {  	v21 =	vsub.f32 v21, v29;
	v22 =	vadd.f32 v30, v22;
	v23 =	vmul.f32 $5.000000000e-01, v23  }
0x11a: {  	v24 =	vadd.f32 v24, v25  }
0x11b: {  	v21 =	vsub.f32 v21, v27;
	v22 =	vsub.f32 v22, v23;
	v23 =	vmul.f32 $5.000000000e-01, v26;
	_ =	sdelay $0x1  }
0x11c: {  	v21 =	vadd.f32 v21, v24;
	v22 =	vsub.f32 v22, v23;
	_ =	sdelay $0x1  }
0x11d: {  	v21 =	vadd.f32 v22, v21;
	_ =	sdelay $0x1  }
0x11e: {  	v22 =	vperm.xlane v21, v0;
	_ =	sdelay $0x1  }
0x11f: {  	v21 =	vadd.f32 v21, v22;
	_ =	sdelay $0x1  }
0x120: {  	v22 =	vperm.xlane v21, v1;
	_ =	sdelay $0x1  }
0x121: {  	v21 =	vadd.f32 v21, v22;
	_ =	sdelay $0x1  }
0x122: {  	v22 =	vperm.xlane v21, v2  }
0x123: {  	v23 =	vmov s31  }
0x124: {  	v22 =	vadd.f32 v21, v22;
	v21 =	vshrl.u32 v23, $0x3  }
0x125: {  	v21 =	vshll.u32 v21, v4  }
0x126: {  	v23 =	vperm.xlane v22, v3;
	v24 =	vbroadcast v21, $0x0;
	_ =	sdelay $0x1  }
0x127: {  	v22 =	vadd.f32 v22, v23;
	_ =	sdelay $0x1  }
0x128: {  	v22 =	vadd.f32 v22, v20;
	_ =	sdelay $0x1  }
0x129: {  	s1 =	simm.s32 $0x0;
	[tilespmem:v24+s26+$0x0] =	vst.idx.msk $0x1, v22  }
0x12a: {  	v23 =	vld [tilespmem:s1+$0x3380]  }
0x12b: {  	v24 =	vld [tilespmem:s1+$0x3390]  }
0x12c: {  	v25 =	vld [tilespmem:s1+$0x3300]  }
0x12d: {  	v26 =	vld [tilespmem:s1+$0x3310]  }
0x12e: {  	v27 =	vld [tilespmem:s1+$0x3280]  }
0x12f: {  	v28 =	vld [tilespmem:s1+$0x3290]  }
0x130: {  	v29 =	vld [tilespmem:s1+$0x3200]  }
0x131: {  	v30 =	vld [tilespmem:s1+$0x3210]  }
0x132: {  	v35 =	vld [tilespmem:s1+$0x3180]  }
0x133: {  	v33 =	vimm.f32 $0.0e+00;
	v34 =	vimm.f32 $0.0e+00;
	v37 =	vld [tilespmem:s1+$0x3190]  }
0x134: {  	s5 =	simm.s32 $0xA00;
	v31 =	vimm.f32 $0.0e+00;
	v32 =	vimm.f32 $0.0e+00;
	v22 =	vimm.f32 $0.0e+00;
	v36 =	vld [tilespmem:s1+$0x31A0]  }
.LBB2_7:
0x135: {  	p0 =	sne.s32 s5, $0x5A00;
	v38 =	vld [tilespmem:s1+$0x31B0]  }
0x136: {  	v39 =	vld [tilespmem:s1+$0x3220]  }
0x137: {  	v40 =	vld [tilespmem:s1+$0x3230]  }
0x138: {  	v41 =	vld [tilespmem:s1+$0x32A0]  }
0x139: {  	v31 =	vadd.f32 v35, v31;
	v34 =	vadd.f32 v37, v34;
	v35 =	vld [tilespmem:s1+$0x32B0]  }
0x13a: {  	v32 =	vadd.f32 v36, v32;
	v33 =	vadd.f32 v38, v33;
	v36 =	vld [tilespmem:s1+$0x3320]  }
0x13b: {  	v29 =	vadd.f32 v29, v31;
	v30 =	vadd.f32 v30, v34;
	v31 =	vld [tilespmem:s1+$0x3330]  }
0x13c: {  	v32 =	vadd.f32 v39, v32;
	v33 =	vadd.f32 v40, v33;
	v37 =	vld [tilespmem:s1+$0x33A0]  }
0x13d: {  	v27 =	vadd.f32 v27, v29;
	v28 =	vadd.f32 v28, v30;
	v29 =	vld [tilespmem:s1+$0x33B0];
	s1 =	sshra.s32 s5, $0x2  }
0x13e: {  	v32 =	vadd.f32 v41, v32;
	v30 =	vld [tilespmem:s1+$0x3380];
	v33 =	vadd.f32 v35, v33  }
0x13f: {  	v27 =	vadd.f32 v25, v27;
	v28 =	vadd.f32 v26, v28;
	v35 =	vld [tilespmem:s1+$0x3390]  }
0x140: {  	v32 =	vadd.f32 v36, v32;
	v25 =	vld [tilespmem:s1+$0x3300];
	v33 =	vadd.f32 v31, v33  }
0x141: {  	v31 =	vadd.f32 v23, v27;
	v34 =	vadd.f32 v24, v28;
	v26 =	vld [tilespmem:s1+$0x3310]  }
0x142: {  	v32 =	vadd.f32 v37, v32;
	v27 =	vld [tilespmem:s1+$0x3280];
	v33 =	vadd.f32 v29, v33  }
0x143: {  	v28 =	vld [tilespmem:s1+$0x3290];
	v23 =	vmov v30  }
.Ltmp2:
0x144: {  	v29 =	vld [tilespmem:s1+$0x3200];
	v24 =	vmov v35;
	(pc) =	sbr.rel @p0 .LBB2_7-.Ltmp2, $4  }
0x145: {  	v30 =	vld [tilespmem:s1+$0x3210]  }
0x146: {  	v35 =	vld [tilespmem:s1+$0x3180]  }
0x147: {  	v37 =	vld [tilespmem:s1+$0x3190]  }
0x148: {  	s5 =	sadd.s32 $0xA00, s5;
	v36 =	vld [tilespmem:s1+$0x31A0]  }
0x149: {  	v38 =	vld [tilespmem:s1+$0x31B0]  }
0x14a: {  	v39 =	vld [tilespmem:s1+$0x3220]  }
0x14b: {  	v40 =	vld [tilespmem:s1+$0x3230]  }
0x14c: {  	v41 =	vld [tilespmem:s1+$0x32A0]  }
0x14d: {  	v42 =	vld [tilespmem:s1+$0x32B0]  }
0x14e: {  	v43 =	vld [tilespmem:s1+$0x3320]  }
0x14f: {  	v59 =	vld [tilespmem:s1+$0x3330]  }
0x150: {  	v60 =	vld [tilespmem:s1+$0x33A0]  }
0x151: {  	v61 =	vld [tilespmem:s1+$0x33B0];
	s1 =	simm.s32 $0x0  }
0x152: {  	v63 =	vld [tilespmem:s1+$0x2780]  }
0x153: {  	v31 =	vadd.f32 v35, v31  }
0x154: {  	v34 =	vadd.f32 v37, v34;
	v32 =	vadd.f32 v36, v32  }
0x155: {  	v29 =	vadd.f32 v29, v31;
	v33 =	vadd.f32 v38, v33  }
0x156: {  	v30 =	vadd.f32 v30, v34;
	v31 =	vadd.f32 v39, v32  }
0x157: {  	v27 =	vadd.f32 v27, v29;
	v37 =	vadd.f32 v63, v22  }
0x158: {  	v29 =	vld [tilespmem:s1+$0x2790];
	v62 =	vadd.f32 v40, v33;
	v28 =	vadd.f32 v28, v30  }
0x159: {  	v33 =	vld [tilespmem:s1+$0x2810];
	v30 =	vadd.f32 v41, v31;
	v25 =	vadd.f32 v25, v27  }
0x15a: {  	v31 =	vld [tilespmem:s1+$0x2800];
	v32 =	vadd.f32 v42, v62;
	v27 =	vadd.f32 v26, v28  }
0x15b: {  	v28 =	vadd.f32 v43, v30;
	v26 =	vadd.f32 v23, v25  }
0x15c: {  	v30 =	vadd.f32 v59, v32;
	v25 =	vadd.f32 v24, v27;
	v32 =	vld [tilespmem:s1+$0x2880]  }
0x15d: {  	v36 =	vld [tilespmem:s1+$0x2890];
	v27 =	vmul.f32 v63, v63;
	v41 =	vadd.f32 v29, v22;
	v24 =	vadd.f32 v60, v28  }
0x15e: {  	v28 =	vmul.f32 v29, v29;
	v42 =	vmul.f32 v33, v33;
	v23 =	vadd.f32 v61, v30;
	v30 =	vld [tilespmem:s1+$0x2900]  }
0x15f: {  	v34 =	vld [tilespmem:s1+$0x2910];
	v29 =	vimm.f32 $0.0e+00;
	v38 =	vadd.f32 v27, v22;
	v40 =	vmul.f32 v31, v31  }
0x160: {  	s5 =	simm.s32 $0x800;
	v35 =	vld [tilespmem:s1+$0x27A0];
	v27 =	vimm.f32 $0.0e+00;
	v39 =	vadd.f32 v28, v22;
	v28 =	vimm.f32 $0.0e+00  }
.LBB2_9:
0x161: {  	p0 =	sne.s32 s5, $0x2000;
	v43 =	vld [tilespmem:s1+$0x27B0];
	v31 =	vadd.f32 v31, v37;
	v37 =	vadd.f32 v40, v38;
	v38 =	vmul.f32 v32, v32  }
0x162: {  	v33 =	vadd.f32 v33, v41;
	v39 =	vadd.f32 v42, v39;
	v40 =	vld [tilespmem:s1+$0x2820];
	v41 =	vmul.f32 v36, v36  }
0x163: {  	v42 =	vld [tilespmem:s1+$0x2830];
	v31 =	vadd.f32 v32, v31;
	v32 =	vadd.f32 v38, v37;
	v37 =	vmul.f32 v30, v30  }
0x164: {  	v33 =	vadd.f32 v36, v33;
	v36 =	vadd.f32 v41, v39;
	v38 =	vld [tilespmem:s1+$0x28A0];
	v39 =	vmul.f32 v34, v34  }
0x165: {  	v41 =	vmul.f32 v35, v35;
	v44 =	vld [tilespmem:s1+$0x28B0];
	v45 =	vadd.f32 v30, v31;
	v46 =	vadd.f32 v37, v32  }
0x166: {  	v30 =	vmul.f32 v43, v43;
	v47 =	vadd.f32 v34, v33;
	v39 =	vadd.f32 v39, v36;
	v34 =	vld [tilespmem:s1+$0x2920]  }
0x167: {  	v22 =	vadd.f32 v35, v22;
	v29 =	vadd.f32 v41, v29;
	v31 =	vmul.f32 v40, v40;
	v35 =	vld [tilespmem:s1+$0x2930];
	s1 =	sshra.s32 s5, $0x2  }
0x168: {  	v28 =	vadd.f32 v43, v28;
	v37 =	vld [tilespmem:s1+$0x2780];
	v27 =	vadd.f32 v30, v27;
	v30 =	vmul.f32 v42, v42  }
0x169: {  	v22 =	vadd.f32 v40, v22;
	v41 =	vld [tilespmem:s1+$0x2790];
	v29 =	vadd.f32 v31, v29;
	v32 =	vmul.f32 v38, v38  }
0x16a: {  	v28 =	vadd.f32 v42, v28;
	v31 =	vld [tilespmem:s1+$0x2800];
	v27 =	vadd.f32 v30, v27;
	v30 =	vmul.f32 v44, v44  }
0x16b: {  	v22 =	vadd.f32 v38, v22;
	v33 =	vld [tilespmem:s1+$0x2810];
	v29 =	vadd.f32 v32, v29;
	v38 =	vmul.f32 v34, v34  }
.Ltmp3:
0x16c: {  	v28 =	vadd.f32 v44, v28;
	v32 =	vld [tilespmem:s1+$0x2880];
	v27 =	vadd.f32 v30, v27;
	v40 =	vmul.f32 v35, v35;
	(pc) =	sbr.rel @p0 .LBB2_9-.Ltmp3, $4  }
0x16d: {  	v22 =	vadd.f32 v34, v22;
	v42 =	vmul.f32 v37, v37;
	v36 =	vld [tilespmem:s1+$0x2890];
	v29 =	vadd.f32 v38, v29  }
0x16e: {  	v28 =	vadd.f32 v35, v28;
	v43 =	vmul.f32 v41, v41;
	v30 =	vld [tilespmem:s1+$0x2900];
	v27 =	vadd.f32 v40, v27  }
0x16f: {  	v37 =	vadd.f32 v37, v45;
	v38 =	vadd.f32 v42, v46;
	v40 =	vmul.f32 v31, v31;
	v34 =	vld [tilespmem:s1+$0x2910]  }
0x170: {  	s5 =	sadd.s32 $0x800, s5;
	v41 =	vadd.f32 v41, v47;
	v39 =	vadd.f32 v43, v39;
	v35 =	vld [tilespmem:s1+$0x27A0];
	v42 =	vmul.f32 v33, v33  }
0x171: {  	v43 =	vld [tilespmem:s1+$0x27B0]  }
0x172: {  	v48 =	vld [tilespmem:s1+$0x2820]  }
0x173: {  	v31 =	vadd.f32 v31, v37;
	v50 =	vld [tilespmem:s1+$0x2830]  }
0x174: {  	v46 =	vadd.f32 v40, v38;
	v47 =	vmul.f32 v32, v32;
	v53 =	vld [tilespmem:$0x2680];
	v33 =	vadd.f32 v33, v41  }
0x175: {  	v57 =	vld [tilespmem:s1+$0x28B0];
	v39 =	vadd.f32 v42, v39;
	v49 =	vmul.f32 v36, v36;
	v31 =	vadd.f32 v32, v31  }
0x176: {  	v60 =	vld [tilespmem:s1+$0x2920];
	v51 =	vadd.f32 v47, v46;
	v52 =	vmul.f32 v30, v30;
	v33 =	vadd.f32 v36, v33  }
0x177: {  	v54 =	vadd.f32 v49, v39;
	v55 =	vmul.f32 v34, v34;
	v30 =	vadd.f32 v30, v31;
	v31 =	vld [tilespmem:$0x2700]  }
0x178: {  	v56 =	vld [tilespmem:s1+$0x28A0];
	v44 =	vmul.f32 v35, v35;
	v32 =	vadd.f32 v52, v51;
	v22 =	vadd.f32 v35, v22  }
0x179: {  	v33 =	vadd.f32 v34, v33;
	v58 =	vmul.f32 v43, v43;
	v38 =	vadd.f32 v55, v54  }
0x17a: {  	v59 =	vmul.f32 v48, v48;
	v28 =	vadd.f32 v43, v28;
	v61 =	vmul.f32 v50, v50  }
0x17b: {  	v63 =	vld [tilespmem:$0x2690];
	v51 =	vmul.f32 v57, v57;
	v36 =	vmul.f32 v53, v53;
	v29 =	vadd.f32 v44, v29  }
0x17c: {  	v49 =	vld [tilespmem:$0x2710];
	v55 =	vmul.f32 v60, v60;
	v22 =	vadd.f32 v48, v22;
	v62 =	vadd.f32 v31, v53  }
0x17d: {  	v52 =	vld [tilespmem:$0x26A0];
	v48 =	vmul.f32 v56, v56;
	v27 =	vadd.f32 v58, v27;
	v28 =	vadd.f32 v50, v28  }
0x17e: {  	v54 =	vld [tilespmem:$0x2720];
	v26 =	vmul.f32 v30, v26;
	v29 =	vadd.f32 v59, v29;
	v35 =	vadd.f32 v62, v30  }
0x17f: {  	v25 =	vmul.f32 v33, v25;
	v22 =	vadd.f32 v56, v22;
	v27 =	vadd.f32 v61, v27  }
0x180: {  	v50 =	vld [tilespmem:s1+$0x2930];
	v31 =	vmul.f32 v31, v31;
	v28 =	vadd.f32 v57, v28;
	v53 =	vmul.f32 v35, v35  }
0x181: {  	v58 =	vld [tilespmem:$0x2730];
	v37 =	vmul.f32 v49, v49;
	v29 =	vadd.f32 v48, v29;
	v30 =	vadd.f32 v49, v63  }
0x182: {  	v57 =	vld [tilespmem:$0x26B0];
	v22 =	vadd.f32 v60, v22;
	v31 =	vadd.f32 v31, v36;
	v34 =	vmul.f32 $5.000000000e-01, v53  }
0x183: {  	v59 =	vadd.f32 v54, v52;
	v60 =	vmul.f32 v63, v63;
	v30 =	vadd.f32 v30, v33  }
0x184: {  	v63 =	vmul.f32 $5.000000000e-01, v38;
	v31 =	vmul.f32 $5.000000000e-01, v31;
	v26 =	vadd.f32 v34, v26  }
0x185: {  	v27 =	vadd.f32 v51, v27;
	v56 =	vmul.f32 v50, v50;
	v30 =	vmul.f32 v30, v30  }
0x186: {  	v28 =	vadd.f32 v50, v28;
	v26 =	vsub.f32 v26, v31;
	v31 =	vmul.f32 $5.000000000e-01, v32  }
0x187: {  	v36 =	vadd.f32 v59, v22;
	v62 =	vadd.f32 v58, v57;
	v30 =	vmul.f32 $5.000000000e-01, v30  }
0x188: {  	v35 =	vmul.f32 v54, v54;
	v26 =	vsub.f32 v26, v31;
	v31 =	vadd.f32 v37, v60  }
0x189: {  	v61 =	vmul.f32 v36, v36;
	v25 =	vadd.f32 v30, v25;
	v30 =	vmul.f32 v52, v52  }
0x18a: {  	v22 =	vmul.f32 v22, v24;
	v33 =	vadd.f32 v62, v28;
	v31 =	vmul.f32 $5.000000000e-01, v31  }
0x18b: {  	v24 =	vmul.f32 v57, v57;
	v32 =	vmul.f32 $5.000000000e-01, v61;
	v30 =	vadd.f32 v35, v30  }
0x18c: {  	v33 =	vmul.f32 v33, v33;
	v25 =	vsub.f32 v25, v31;
	v31 =	vmul.f32 v58, v58  }
0x18d: {  	v29 =	vadd.f32 v55, v29;
	v22 =	vadd.f32 v32, v22;
	v30 =	vmul.f32 $5.000000000e-01, v30  }
0x18e: {  	v23 =	vmul.f32 v28, v23;
	v24 =	vadd.f32 v31, v24;
	v31 =	vmul.f32 $5.000000000e-01, v33  }
0x18f: {  	v27 =	vadd.f32 v56, v27;
	v28 =	vmul.f32 $5.000000000e-01, v29;
	v22 =	vsub.f32 v22, v30  }
0x190: {  	v25 =	vsub.f32 v25, v63;
	v23 =	vadd.f32 v31, v23;
	v24 =	vmul.f32 $5.000000000e-01, v24  }
0x191: {  	v22 =	vsub.f32 v22, v28  }
0x192: {  	v25 =	vadd.f32 v25, v26;
	v23 =	vsub.f32 v23, v24;
	v24 =	vmul.f32 $5.000000000e-01, v27;
	_ =	sdelay $0x1  }
0x193: {  	v22 =	vadd.f32 v22, v25;
	v23 =	vsub.f32 v23, v24;
	_ =	sdelay $0x1  }
0x194: {  	v22 =	vadd.f32 v23, v22;
	_ =	sdelay $0x1  }
0x195: {  	v23 =	vperm.xlane v22, v0;
	_ =	sdelay $0x1  }
0x196: {  	v22 =	vadd.f32 v22, v23;
	_ =	sdelay $0x1  }
0x197: {  	v23 =	vperm.xlane v22, v1;
	_ =	sdelay $0x1  }
0x198: {  	v22 =	vadd.f32 v22, v23;
	_ =	sdelay $0x1  }
0x199: {  	v23 =	vperm.xlane v22, v2;
	_ =	sdelay $0x1  }
0x19a: {  	v22 =	vadd.f32 v22, v23  }
0x19b: {  	v23 =	vadd.s32 $0x1, v21  }
0x19c: {  	v23 =	vbroadcast v23, $0x0;
	v24 =	vperm.xlane v22, v3;
	_ =	sdelay $0x1  }
0x19d: {  	v22 =	vadd.f32 v22, v24;
	_ =	sdelay $0x1  }
0x19e: {  	v22 =	vadd.f32 v22, v20;
	_ =	sdelay $0x1  }
0x19f: {  	s1 =	simm.s32 $0x0;
	[tilespmem:v23+s26+$0x0] =	vst.idx.msk $0x1, v22  }
0x1a0: {  	v23 =	vld [tilespmem:s1+$0x5780]  }
0x1a1: {  	v24 =	vld [tilespmem:s1+$0x5790]  }
0x1a2: {  	v25 =	vld [tilespmem:s1+$0x5700]  }
0x1a3: {  	v26 =	vld [tilespmem:s1+$0x5710]  }
0x1a4: {  	v27 =	vld [tilespmem:s1+$0x5680]  }
0x1a5: {  	v28 =	vld [tilespmem:s1+$0x5690]  }
0x1a6: {  	v29 =	vld [tilespmem:s1+$0x5600]  }
0x1a7: {  	v30 =	vld [tilespmem:s1+$0x5610]  }
0x1a8: {  	v35 =	vld [tilespmem:s1+$0x5580]  }
0x1a9: {  	v34 =	vimm.f32 $0.0e+00;
	v32 =	vimm.f32 $0.0e+00;
	v37 =	vld [tilespmem:s1+$0x5590]  }
0x1aa: {  	s5 =	simm.s32 $0xA00;
	v33 =	vimm.f32 $0.0e+00;
	v31 =	vimm.f32 $0.0e+00;
	v22 =	vimm.f32 $0.0e+00;
	v36 =	vld [tilespmem:s1+$0x55A0]  }
.LBB2_11:
0x1ab: {  	p0 =	sne.s32 s5, $0x5A00;
	v38 =	vld [tilespmem:s1+$0x55B0]  }
0x1ac: {  	v39 =	vld [tilespmem:s1+$0x5620]  }
0x1ad: {  	v40 =	vld [tilespmem:s1+$0x5630]  }
0x1ae: {  	v41 =	vld [tilespmem:s1+$0x56A0]  }
0x1af: {  	v31 =	vadd.f32 v35, v31;
	v34 =	vadd.f32 v37, v34;
	v35 =	vld [tilespmem:s1+$0x56B0]  }
0x1b0: {  	v32 =	vadd.f32 v36, v32;
	v33 =	vadd.f32 v38, v33;
	v36 =	vld [tilespmem:s1+$0x5720]  }
0x1b1: {  	v29 =	vadd.f32 v29, v31;
	v30 =	vadd.f32 v30, v34;
	v31 =	vld [tilespmem:s1+$0x5730]  }
0x1b2: {  	v32 =	vadd.f32 v39, v32;
	v33 =	vadd.f32 v40, v33;
	v37 =	vld [tilespmem:s1+$0x57A0]  }
0x1b3: {  	v27 =	vadd.f32 v27, v29;
	v28 =	vadd.f32 v28, v30;
	v29 =	vld [tilespmem:s1+$0x57B0];
	s1 =	sshra.s32 s5, $0x2  }
0x1b4: {  	v32 =	vadd.f32 v41, v32;
	v30 =	vld [tilespmem:s1+$0x5780];
	v33 =	vadd.f32 v35, v33  }
0x1b5: {  	v27 =	vadd.f32 v25, v27;
	v28 =	vadd.f32 v26, v28;
	v35 =	vld [tilespmem:s1+$0x5790]  }
0x1b6: {  	v32 =	vadd.f32 v36, v32;
	v25 =	vld [tilespmem:s1+$0x5700];
	v33 =	vadd.f32 v31, v33  }
0x1b7: {  	v31 =	vadd.f32 v23, v27;
	v34 =	vadd.f32 v24, v28;
	v26 =	vld [tilespmem:s1+$0x5710]  }
0x1b8: {  	v32 =	vadd.f32 v37, v32;
	v27 =	vld [tilespmem:s1+$0x5680];
	v33 =	vadd.f32 v29, v33  }
0x1b9: {  	v28 =	vld [tilespmem:s1+$0x5690];
	v23 =	vmov v30  }
.Ltmp4:
0x1ba: {  	v29 =	vld [tilespmem:s1+$0x5600];
	v24 =	vmov v35;
	(pc) =	sbr.rel @p0 .LBB2_11-.Ltmp4, $4  }
0x1bb: {  	v30 =	vld [tilespmem:s1+$0x5610]  }
0x1bc: {  	v35 =	vld [tilespmem:s1+$0x5580]  }
0x1bd: {  	v37 =	vld [tilespmem:s1+$0x5590]  }
0x1be: {  	s5 =	sadd.s32 $0xA00, s5;
	v36 =	vld [tilespmem:s1+$0x55A0]  }
0x1bf: {  	v38 =	vld [tilespmem:s1+$0x55B0]  }
0x1c0: {  	v39 =	vld [tilespmem:s1+$0x5620]  }
0x1c1: {  	v40 =	vld [tilespmem:s1+$0x5630]  }
0x1c2: {  	v41 =	vld [tilespmem:s1+$0x56A0]  }
0x1c3: {  	v42 =	vld [tilespmem:s1+$0x56B0]  }
0x1c4: {  	v43 =	vld [tilespmem:s1+$0x5720]  }
0x1c5: {  	v59 =	vld [tilespmem:s1+$0x5730]  }
0x1c6: {  	v60 =	vld [tilespmem:s1+$0x57A0]  }
0x1c7: {  	v61 =	vld [tilespmem:s1+$0x57B0];
	s1 =	simm.s32 $0x0  }
0x1c8: {  	v63 =	vld [tilespmem:s1+$0x4B80]  }
0x1c9: {  	v31 =	vadd.f32 v35, v31  }
0x1ca: {  	v34 =	vadd.f32 v37, v34;
	v32 =	vadd.f32 v36, v32  }
0x1cb: {  	v29 =	vadd.f32 v29, v31;
	v33 =	vadd.f32 v38, v33  }
0x1cc: {  	v30 =	vadd.f32 v30, v34;
	v31 =	vadd.f32 v39, v32  }
0x1cd: {  	v27 =	vadd.f32 v27, v29;
	v37 =	vadd.f32 v63, v22  }
0x1ce: {  	v29 =	vld [tilespmem:s1+$0x4B90];
	v62 =	vadd.f32 v40, v33;
	v28 =	vadd.f32 v28, v30  }
0x1cf: {  	v33 =	vld [tilespmem:s1+$0x4C10];
	v30 =	vadd.f32 v41, v31;
	v25 =	vadd.f32 v25, v27  }
0x1d0: {  	v31 =	vld [tilespmem:s1+$0x4C00];
	v32 =	vadd.f32 v42, v62;
	v27 =	vadd.f32 v26, v28  }
0x1d1: {  	v28 =	vadd.f32 v43, v30;
	v26 =	vadd.f32 v23, v25  }
0x1d2: {  	v30 =	vadd.f32 v59, v32;
	v25 =	vadd.f32 v24, v27;
	v32 =	vld [tilespmem:s1+$0x4C80]  }
0x1d3: {  	v36 =	vld [tilespmem:s1+$0x4C90];
	v27 =	vmul.f32 v63, v63;
	v41 =	vadd.f32 v29, v22;
	v24 =	vadd.f32 v60, v28  }
0x1d4: {  	v28 =	vmul.f32 v29, v29;
	v42 =	vmul.f32 v33, v33;
	v23 =	vadd.f32 v61, v30;
	v30 =	vld [tilespmem:s1+$0x4D00]  }
0x1d5: {  	v34 =	vld [tilespmem:s1+$0x4D10];
	v29 =	vimm.f32 $0.0e+00;
	v38 =	vadd.f32 v27, v22;
	v40 =	vmul.f32 v31, v31  }
0x1d6: {  	s5 =	simm.s32 $0x800;
	v35 =	vld [tilespmem:s1+$0x4BA0];
	v27 =	vimm.f32 $0.0e+00;
	v39 =	vadd.f32 v28, v22;
	v28 =	vimm.f32 $0.0e+00  }
.LBB2_13:
0x1d7: {  	p0 =	sne.s32 s5, $0x2000;
	v43 =	vld [tilespmem:s1+$0x4BB0];
	v31 =	vadd.f32 v31, v37;
	v37 =	vadd.f32 v40, v38;
	v38 =	vmul.f32 v32, v32  }
0x1d8: {  	v33 =	vadd.f32 v33, v41;
	v39 =	vadd.f32 v42, v39;
	v40 =	vld [tilespmem:s1+$0x4C20];
	v41 =	vmul.f32 v36, v36  }
0x1d9: {  	v42 =	vld [tilespmem:s1+$0x4C30];
	v31 =	vadd.f32 v32, v31;
	v32 =	vadd.f32 v38, v37;
	v37 =	vmul.f32 v30, v30  }
0x1da: {  	v33 =	vadd.f32 v36, v33;
	v36 =	vadd.f32 v41, v39;
	v38 =	vld [tilespmem:s1+$0x4CA0];
	v39 =	vmul.f32 v34, v34  }
0x1db: {  	v41 =	vmul.f32 v35, v35;
	v44 =	vld [tilespmem:s1+$0x4CB0];
	v45 =	vadd.f32 v30, v31;
	v46 =	vadd.f32 v37, v32  }
0x1dc: {  	v30 =	vmul.f32 v43, v43;
	v47 =	vadd.f32 v34, v33;
	v39 =	vadd.f32 v39, v36;
	v34 =	vld [tilespmem:s1+$0x4D20]  }
0x1dd: {  	v22 =	vadd.f32 v35, v22;
	v29 =	vadd.f32 v41, v29;
	v31 =	vmul.f32 v40, v40;
	v35 =	vld [tilespmem:s1+$0x4D30];
	s1 =	sshra.s32 s5, $0x2  }
0x1de: {  	v28 =	vadd.f32 v43, v28;
	v37 =	vld [tilespmem:s1+$0x4B80];
	v27 =	vadd.f32 v30, v27;
	v30 =	vmul.f32 v42, v42  }
0x1df: {  	v22 =	vadd.f32 v40, v22;
	v41 =	vld [tilespmem:s1+$0x4B90];
	v29 =	vadd.f32 v31, v29;
	v32 =	vmul.f32 v38, v38  }
0x1e0: {  	v28 =	vadd.f32 v42, v28;
	v31 =	vld [tilespmem:s1+$0x4C00];
	v27 =	vadd.f32 v30, v27;
	v30 =	vmul.f32 v44, v44  }
0x1e1: {  	v22 =	vadd.f32 v38, v22;
	v33 =	vld [tilespmem:s1+$0x4C10];
	v29 =	vadd.f32 v32, v29;
	v38 =	vmul.f32 v34, v34  }
.Ltmp5:
0x1e2: {  	v28 =	vadd.f32 v44, v28;
	v32 =	vld [tilespmem:s1+$0x4C80];
	v27 =	vadd.f32 v30, v27;
	v40 =	vmul.f32 v35, v35;
	(pc) =	sbr.rel @p0 .LBB2_13-.Ltmp5, $4  }
0x1e3: {  	v22 =	vadd.f32 v34, v22;
	v42 =	vmul.f32 v37, v37;
	v36 =	vld [tilespmem:s1+$0x4C90];
	v29 =	vadd.f32 v38, v29  }
0x1e4: {  	v28 =	vadd.f32 v35, v28;
	v43 =	vmul.f32 v41, v41;
	v30 =	vld [tilespmem:s1+$0x4D00];
	v27 =	vadd.f32 v40, v27  }
0x1e5: {  	v37 =	vadd.f32 v37, v45;
	v38 =	vadd.f32 v42, v46;
	v40 =	vmul.f32 v31, v31;
	v34 =	vld [tilespmem:s1+$0x4D10]  }
0x1e6: {  	s5 =	sadd.s32 $0x800, s5;
	v41 =	vadd.f32 v41, v47;
	v39 =	vadd.f32 v43, v39;
	v35 =	vld [tilespmem:s1+$0x4BA0];
	v42 =	vmul.f32 v33, v33  }
0x1e7: {  	v43 =	vld [tilespmem:s1+$0x4BB0]  }
0x1e8: {  	v48 =	vld [tilespmem:s1+$0x4C20]  }
0x1e9: {  	v31 =	vadd.f32 v31, v37;
	v50 =	vld [tilespmem:s1+$0x4C30]  }
0x1ea: {  	v46 =	vadd.f32 v40, v38;
	v47 =	vmul.f32 v32, v32;
	v53 =	vld [tilespmem:$0x4A80];
	v33 =	vadd.f32 v33, v41  }
0x1eb: {  	v57 =	vld [tilespmem:s1+$0x4CB0];
	v39 =	vadd.f32 v42, v39;
	v49 =	vmul.f32 v36, v36;
	v31 =	vadd.f32 v32, v31  }
0x1ec: {  	v60 =	vld [tilespmem:s1+$0x4D20];
	v51 =	vadd.f32 v47, v46;
	v52 =	vmul.f32 v30, v30;
	v33 =	vadd.f32 v36, v33  }
0x1ed: {  	v54 =	vadd.f32 v49, v39;
	v55 =	vmul.f32 v34, v34;
	v30 =	vadd.f32 v30, v31;
	v31 =	vld [tilespmem:$0x4B00]  }
0x1ee: {  	v56 =	vld [tilespmem:s1+$0x4CA0];
	v44 =	vmul.f32 v35, v35;
	v32 =	vadd.f32 v52, v51;
	v22 =	vadd.f32 v35, v22  }
0x1ef: {  	v33 =	vadd.f32 v34, v33;
	v58 =	vmul.f32 v43, v43;
	v38 =	vadd.f32 v55, v54  }
0x1f0: {  	v59 =	vmul.f32 v48, v48;
	v28 =	vadd.f32 v43, v28;
	v61 =	vmul.f32 v50, v50  }
0x1f1: {  	v63 =	vld [tilespmem:$0x4A90];
	v51 =	vmul.f32 v57, v57;
	v36 =	vmul.f32 v53, v53;
	v29 =	vadd.f32 v44, v29  }
0x1f2: {  	v49 =	vld [tilespmem:$0x4B10];
	v55 =	vmul.f32 v60, v60;
	v22 =	vadd.f32 v48, v22;
	v62 =	vadd.f32 v31, v53  }
0x1f3: {  	v52 =	vld [tilespmem:$0x4AA0];
	v48 =	vmul.f32 v56, v56;
	v27 =	vadd.f32 v58, v27;
	v28 =	vadd.f32 v50, v28  }
0x1f4: {  	v54 =	vld [tilespmem:$0x4B20];
	v26 =	vmul.f32 v30, v26;
	v29 =	vadd.f32 v59, v29;
	v35 =	vadd.f32 v62, v30  }
0x1f5: {  	v25 =	vmul.f32 v33, v25;
	v22 =	vadd.f32 v56, v22;
	v27 =	vadd.f32 v61, v27  }
0x1f6: {  	v50 =	vld [tilespmem:s1+$0x4D30];
	v31 =	vmul.f32 v31, v31;
	v28 =	vadd.f32 v57, v28;
	v53 =	vmul.f32 v35, v35  }
0x1f7: {  	v58 =	vld [tilespmem:$0x4B30];
	v37 =	vmul.f32 v49, v49;
	v29 =	vadd.f32 v48, v29;
	v30 =	vadd.f32 v49, v63  }
0x1f8: {  	v57 =	vld [tilespmem:$0x4AB0];
	v22 =	vadd.f32 v60, v22;
	v31 =	vadd.f32 v31, v36;
	v34 =	vmul.f32 $5.000000000e-01, v53  }
0x1f9: {  	v59 =	vadd.f32 v54, v52;
	v60 =	vmul.f32 v63, v63;
	v30 =	vadd.f32 v30, v33  }
0x1fa: {  	v63 =	vmul.f32 $5.000000000e-01, v38;
	v31 =	vmul.f32 $5.000000000e-01, v31;
	v26 =	vadd.f32 v34, v26  }
0x1fb: {  	v27 =	vadd.f32 v51, v27;
	v56 =	vmul.f32 v50, v50;
	v30 =	vmul.f32 v30, v30  }
0x1fc: {  	v28 =	vadd.f32 v50, v28;
	v26 =	vsub.f32 v26, v31;
	v31 =	vmul.f32 $5.000000000e-01, v32  }
0x1fd: {  	v36 =	vadd.f32 v59, v22;
	v62 =	vadd.f32 v58, v57;
	v30 =	vmul.f32 $5.000000000e-01, v30  }
0x1fe: {  	v35 =	vmul.f32 v54, v54;
	v26 =	vsub.f32 v26, v31;
	v31 =	vadd.f32 v37, v60  }
0x1ff: {  	v61 =	vmul.f32 v36, v36;
	v25 =	vadd.f32 v30, v25;
	v30 =	vmul.f32 v52, v52  }
0x200: {  	v22 =	vmul.f32 v22, v24;
	v33 =	vadd.f32 v62, v28;
	v31 =	vmul.f32 $5.000000000e-01, v31  }
0x201: {  	v24 =	vmul.f32 v57, v57;
	v32 =	vmul.f32 $5.000000000e-01, v61;
	v30 =	vadd.f32 v35, v30  }
0x202: {  	v33 =	vmul.f32 v33, v33;
	v25 =	vsub.f32 v25, v31;
	v31 =	vmul.f32 v58, v58  }
0x203: {  	v29 =	vadd.f32 v55, v29;
	v22 =	vadd.f32 v32, v22;
	v30 =	vmul.f32 $5.000000000e-01, v30  }
0x204: {  	v23 =	vmul.f32 v28, v23;
	v24 =	vadd.f32 v31, v24;
	v31 =	vmul.f32 $5.000000000e-01, v33  }
0x205: {  	v27 =	vadd.f32 v56, v27;
	v28 =	vmul.f32 $5.000000000e-01, v29;
	v22 =	vsub.f32 v22, v30  }
0x206: {  	v25 =	vsub.f32 v25, v63;
	v23 =	vadd.f32 v31, v23;
	v24 =	vmul.f32 $5.000000000e-01, v24  }
0x207: {  	v22 =	vsub.f32 v22, v28  }
0x208: {  	v25 =	vadd.f32 v25, v26;
	v23 =	vsub.f32 v23, v24;
	v24 =	vmul.f32 $5.000000000e-01, v27;
	_ =	sdelay $0x1  }
0x209: {  	v22 =	vadd.f32 v22, v25;
	v23 =	vsub.f32 v23, v24;
	_ =	sdelay $0x1  }
0x20a: {  	v22 =	vadd.f32 v23, v22;
	_ =	sdelay $0x1  }
0x20b: {  	v23 =	vperm.xlane v22, v0;
	_ =	sdelay $0x1  }
0x20c: {  	v22 =	vadd.f32 v22, v23;
	_ =	sdelay $0x1  }
0x20d: {  	v23 =	vperm.xlane v22, v1;
	_ =	sdelay $0x1  }
0x20e: {  	v22 =	vadd.f32 v22, v23;
	_ =	sdelay $0x1  }
0x20f: {  	v23 =	vperm.xlane v22, v2;
	_ =	sdelay $0x1  }
0x210: {  	v22 =	vadd.f32 v22, v23  }
0x211: {  	v23 =	vadd.s32 $0x2, v21  }
0x212: {  	v23 =	vbroadcast v23, $0x0;
	v24 =	vperm.xlane v22, v3;
	_ =	sdelay $0x1  }
0x213: {  	v22 =	vadd.f32 v22, v24;
	_ =	sdelay $0x1  }
0x214: {  	v22 =	vadd.f32 v22, v20;
	_ =	sdelay $0x1  }
0x215: {  	s1 =	simm.s32 $0x0;
	[tilespmem:v23+s26+$0x0] =	vst.idx.msk $0x1, v22  }
0x216: {  	v23 =	vld [tilespmem:s1+$0x7B80]  }
0x217: {  	v24 =	vld [tilespmem:s1+$0x7B90]  }
0x218: {  	v25 =	vld [tilespmem:s1+$0x7B00]  }
0x219: {  	v26 =	vld [tilespmem:s1+$0x7B10]  }
0x21a: {  	v27 =	vld [tilespmem:s1+$0x7A80]  }
0x21b: {  	v28 =	vld [tilespmem:s1+$0x7A90]  }
0x21c: {  	v29 =	vld [tilespmem:s1+$0x7A00]  }
0x21d: {  	v30 =	vld [tilespmem:s1+$0x7A10]  }
0x21e: {  	v35 =	vld [tilespmem:s1+$0x7980]  }
0x21f: {  	v34 =	vimm.f32 $0.0e+00;
	v32 =	vimm.f32 $0.0e+00;
	v37 =	vld [tilespmem:s1+$0x7990]  }
0x220: {  	s5 =	simm.s32 $0xA00;
	v33 =	vimm.f32 $0.0e+00;
	v31 =	vimm.f32 $0.0e+00;
	v22 =	vimm.f32 $0.0e+00;
	v36 =	vld [tilespmem:s1+$0x79A0]  }
.LBB2_15:
0x221: {  	p0 =	sne.s32 s5, $0x5A00;
	v38 =	vld [tilespmem:s1+$0x79B0]  }
0x222: {  	v39 =	vld [tilespmem:s1+$0x7A20]  }
0x223: {  	v40 =	vld [tilespmem:s1+$0x7A30]  }
0x224: {  	v41 =	vld [tilespmem:s1+$0x7AA0]  }
0x225: {  	v31 =	vadd.f32 v35, v31;
	v34 =	vadd.f32 v37, v34;
	v35 =	vld [tilespmem:s1+$0x7AB0]  }
0x226: {  	v32 =	vadd.f32 v36, v32;
	v33 =	vadd.f32 v38, v33;
	v36 =	vld [tilespmem:s1+$0x7B20]  }
0x227: {  	v29 =	vadd.f32 v29, v31;
	v30 =	vadd.f32 v30, v34;
	v31 =	vld [tilespmem:s1+$0x7B30]  }
0x228: {  	v32 =	vadd.f32 v39, v32;
	v33 =	vadd.f32 v40, v33;
	v37 =	vld [tilespmem:s1+$0x7BA0]  }
0x229: {  	v27 =	vadd.f32 v27, v29;
	v28 =	vadd.f32 v28, v30;
	v29 =	vld [tilespmem:s1+$0x7BB0];
	s1 =	sshra.s32 s5, $0x2  }
0x22a: {  	v32 =	vadd.f32 v41, v32;
	v30 =	vld [tilespmem:s1+$0x7B80];
	v33 =	vadd.f32 v35, v33  }
0x22b: {  	v27 =	vadd.f32 v25, v27;
	v28 =	vadd.f32 v26, v28;
	v35 =	vld [tilespmem:s1+$0x7B90]  }
0x22c: {  	v32 =	vadd.f32 v36, v32;
	v25 =	vld [tilespmem:s1+$0x7B00];
	v33 =	vadd.f32 v31, v33  }
0x22d: {  	v31 =	vadd.f32 v23, v27;
	v34 =	vadd.f32 v24, v28;
	v26 =	vld [tilespmem:s1+$0x7B10]  }
0x22e: {  	v32 =	vadd.f32 v37, v32;
	v27 =	vld [tilespmem:s1+$0x7A80];
	v33 =	vadd.f32 v29, v33  }
0x22f: {  	v28 =	vld [tilespmem:s1+$0x7A90];
	v23 =	vmov v30  }
.Ltmp6:
0x230: {  	v29 =	vld [tilespmem:s1+$0x7A00];
	v24 =	vmov v35;
	(pc) =	sbr.rel @p0 .LBB2_15-.Ltmp6, $4  }
0x231: {  	v30 =	vld [tilespmem:s1+$0x7A10]  }
0x232: {  	v35 =	vld [tilespmem:s1+$0x7980]  }
0x233: {  	v37 =	vld [tilespmem:s1+$0x7990]  }
0x234: {  	s5 =	sadd.s32 $0xA00, s5;
	v36 =	vld [tilespmem:s1+$0x79A0]  }
0x235: {  	v38 =	vld [tilespmem:s1+$0x79B0]  }
0x236: {  	v39 =	vld [tilespmem:s1+$0x7A20]  }
0x237: {  	v40 =	vld [tilespmem:s1+$0x7A30]  }
0x238: {  	v41 =	vld [tilespmem:s1+$0x7AA0]  }
0x239: {  	v42 =	vld [tilespmem:s1+$0x7AB0]  }
0x23a: {  	v43 =	vld [tilespmem:s1+$0x7B20]  }
0x23b: {  	v59 =	vld [tilespmem:s1+$0x7B30]  }
0x23c: {  	v60 =	vld [tilespmem:s1+$0x7BA0]  }
0x23d: {  	v61 =	vld [tilespmem:s1+$0x7BB0];
	s1 =	simm.s32 $0x0  }
0x23e: {  	v63 =	vld [tilespmem:s1+$0x6F80]  }
0x23f: {  	v31 =	vadd.f32 v35, v31  }
0x240: {  	v34 =	vadd.f32 v37, v34;
	v32 =	vadd.f32 v36, v32  }
0x241: {  	v29 =	vadd.f32 v29, v31;
	v33 =	vadd.f32 v38, v33  }
0x242: {  	v30 =	vadd.f32 v30, v34;
	v31 =	vadd.f32 v39, v32  }
0x243: {  	v27 =	vadd.f32 v27, v29;
	v37 =	vadd.f32 v63, v22  }
0x244: {  	v29 =	vld [tilespmem:s1+$0x6F90];
	v62 =	vadd.f32 v40, v33;
	v28 =	vadd.f32 v28, v30  }
0x245: {  	v33 =	vld [tilespmem:s1+$0x7010];
	v30 =	vadd.f32 v41, v31;
	v25 =	vadd.f32 v25, v27  }
0x246: {  	v31 =	vld [tilespmem:s1+$0x7000];
	v32 =	vadd.f32 v42, v62;
	v27 =	vadd.f32 v26, v28  }
0x247: {  	v28 =	vadd.f32 v43, v30;
	v26 =	vadd.f32 v23, v25  }
0x248: {  	v30 =	vadd.f32 v59, v32;
	v25 =	vadd.f32 v24, v27;
	v32 =	vld [tilespmem:s1+$0x7080]  }
0x249: {  	v36 =	vld [tilespmem:s1+$0x7090];
	v27 =	vmul.f32 v63, v63;
	v41 =	vadd.f32 v29, v22;
	v24 =	vadd.f32 v60, v28  }
0x24a: {  	v28 =	vmul.f32 v29, v29;
	v42 =	vmul.f32 v33, v33;
	v23 =	vadd.f32 v61, v30;
	v30 =	vld [tilespmem:s1+$0x7100]  }
0x24b: {  	v34 =	vld [tilespmem:s1+$0x7110];
	v29 =	vimm.f32 $0.0e+00;
	v38 =	vadd.f32 v27, v22;
	v40 =	vmul.f32 v31, v31  }
0x24c: {  	s5 =	simm.s32 $0x800;
	v35 =	vld [tilespmem:s1+$0x6FA0];
	v27 =	vimm.f32 $0.0e+00;
	v39 =	vadd.f32 v28, v22;
	v28 =	vimm.f32 $0.0e+00  }
.LBB2_17:
0x24d: {  	p0 =	sne.s32 s5, $0x2000;
	v43 =	vld [tilespmem:s1+$0x6FB0];
	v31 =	vadd.f32 v31, v37;
	v37 =	vadd.f32 v40, v38;
	v38 =	vmul.f32 v32, v32  }
0x24e: {  	v33 =	vadd.f32 v33, v41;
	v39 =	vadd.f32 v42, v39;
	v40 =	vld [tilespmem:s1+$0x7020];
	v41 =	vmul.f32 v36, v36  }
0x24f: {  	v42 =	vld [tilespmem:s1+$0x7030];
	v31 =	vadd.f32 v32, v31;
	v32 =	vadd.f32 v38, v37;
	v37 =	vmul.f32 v30, v30  }
0x250: {  	v33 =	vadd.f32 v36, v33;
	v36 =	vadd.f32 v41, v39;
	v38 =	vld [tilespmem:s1+$0x70A0];
	v39 =	vmul.f32 v34, v34  }
0x251: {  	v41 =	vmul.f32 v35, v35;
	v44 =	vld [tilespmem:s1+$0x70B0];
	v45 =	vadd.f32 v30, v31;
	v46 =	vadd.f32 v37, v32  }
0x252: {  	v30 =	vmul.f32 v43, v43;
	v47 =	vadd.f32 v34, v33;
	v39 =	vadd.f32 v39, v36;
	v34 =	vld [tilespmem:s1+$0x7120]  }
0x253: {  	v22 =	vadd.f32 v35, v22;
	v29 =	vadd.f32 v41, v29;
	v31 =	vmul.f32 v40, v40;
	v35 =	vld [tilespmem:s1+$0x7130];
	s1 =	sshra.s32 s5, $0x2  }
0x254: {  	v28 =	vadd.f32 v43, v28;
	v37 =	vld [tilespmem:s1+$0x6F80];
	v27 =	vadd.f32 v30, v27;
	v30 =	vmul.f32 v42, v42  }
0x255: {  	v22 =	vadd.f32 v40, v22;
	v41 =	vld [tilespmem:s1+$0x6F90];
	v29 =	vadd.f32 v31, v29;
	v32 =	vmul.f32 v38, v38  }
0x256: {  	v28 =	vadd.f32 v42, v28;
	v31 =	vld [tilespmem:s1+$0x7000];
	v27 =	vadd.f32 v30, v27;
	v30 =	vmul.f32 v44, v44  }
0x257: {  	v22 =	vadd.f32 v38, v22;
	v33 =	vld [tilespmem:s1+$0x7010];
	v29 =	vadd.f32 v32, v29;
	v38 =	vmul.f32 v34, v34  }
.Ltmp7:
0x258: {  	v28 =	vadd.f32 v44, v28;
	v32 =	vld [tilespmem:s1+$0x7080];
	v27 =	vadd.f32 v30, v27;
	v40 =	vmul.f32 v35, v35;
	(pc) =	sbr.rel @p0 .LBB2_17-.Ltmp7, $4  }
0x259: {  	v22 =	vadd.f32 v34, v22;
	v42 =	vmul.f32 v37, v37;
	v36 =	vld [tilespmem:s1+$0x7090];
	v29 =	vadd.f32 v38, v29  }
0x25a: {  	v28 =	vadd.f32 v35, v28;
	v43 =	vmul.f32 v41, v41;
	v30 =	vld [tilespmem:s1+$0x7100];
	v27 =	vadd.f32 v40, v27  }
0x25b: {  	v37 =	vadd.f32 v37, v45;
	v38 =	vadd.f32 v42, v46;
	v40 =	vmul.f32 v31, v31;
	v34 =	vld [tilespmem:s1+$0x7110]  }
0x25c: {  	s5 =	sadd.s32 $0x800, s5;
	v41 =	vadd.f32 v41, v47;
	v39 =	vadd.f32 v43, v39;
	v35 =	vld [tilespmem:s1+$0x6FA0];
	v42 =	vmul.f32 v33, v33  }
0x25d: {  	v43 =	vld [tilespmem:s1+$0x6FB0]  }
0x25e: {  	v48 =	vld [tilespmem:s1+$0x7020]  }
0x25f: {  	v31 =	vadd.f32 v31, v37;
	v50 =	vld [tilespmem:s1+$0x7030]  }
0x260: {  	v46 =	vadd.f32 v40, v38;
	v47 =	vmul.f32 v32, v32;
	v53 =	vld [tilespmem:$0x6E80];
	v33 =	vadd.f32 v33, v41  }
0x261: {  	v57 =	vld [tilespmem:s1+$0x70B0];
	v39 =	vadd.f32 v42, v39;
	v49 =	vmul.f32 v36, v36;
	v31 =	vadd.f32 v32, v31  }
0x262: {  	v60 =	vld [tilespmem:s1+$0x7120];
	v51 =	vadd.f32 v47, v46;
	v52 =	vmul.f32 v30, v30;
	v33 =	vadd.f32 v36, v33  }
0x263: {  	v54 =	vadd.f32 v49, v39;
	v55 =	vmul.f32 v34, v34;
	v30 =	vadd.f32 v30, v31;
	v31 =	vld [tilespmem:$0x6F00]  }
0x264: {  	v56 =	vld [tilespmem:s1+$0x70A0];
	v44 =	vmul.f32 v35, v35;
	v32 =	vadd.f32 v52, v51;
	v22 =	vadd.f32 v35, v22  }
0x265: {  	v33 =	vadd.f32 v34, v33;
	v58 =	vmul.f32 v43, v43;
	v38 =	vadd.f32 v55, v54  }
0x266: {  	v59 =	vmul.f32 v48, v48;
	v28 =	vadd.f32 v43, v28;
	v61 =	vmul.f32 v50, v50  }
0x267: {  	v63 =	vld [tilespmem:$0x6E90];
	v51 =	vmul.f32 v57, v57;
	v36 =	vmul.f32 v53, v53;
	v29 =	vadd.f32 v44, v29  }
0x268: {  	v49 =	vld [tilespmem:$0x6F10];
	v55 =	vmul.f32 v60, v60;
	v22 =	vadd.f32 v48, v22;
	v62 =	vadd.f32 v31, v53  }
0x269: {  	v52 =	vld [tilespmem:$0x6EA0];
	v48 =	vmul.f32 v56, v56;
	v27 =	vadd.f32 v58, v27;
	v28 =	vadd.f32 v50, v28  }
0x26a: {  	v54 =	vld [tilespmem:$0x6F20];
	v26 =	vmul.f32 v30, v26;
	v29 =	vadd.f32 v59, v29;
	v35 =	vadd.f32 v62, v30  }
0x26b: {  	v25 =	vmul.f32 v33, v25;
	v22 =	vadd.f32 v56, v22;
	v27 =	vadd.f32 v61, v27  }
0x26c: {  	v50 =	vld [tilespmem:s1+$0x7130];
	v31 =	vmul.f32 v31, v31;
	v28 =	vadd.f32 v57, v28;
	v53 =	vmul.f32 v35, v35  }
0x26d: {  	v58 =	vld [tilespmem:$0x6F30];
	v37 =	vmul.f32 v49, v49;
	v29 =	vadd.f32 v48, v29;
	v30 =	vadd.f32 v49, v63  }
0x26e: {  	v57 =	vld [tilespmem:$0x6EB0];
	v22 =	vadd.f32 v60, v22;
	v31 =	vadd.f32 v31, v36;
	v34 =	vmul.f32 $5.000000000e-01, v53  }
0x26f: {  	v59 =	vadd.f32 v54, v52;
	v60 =	vmul.f32 v63, v63;
	v30 =	vadd.f32 v30, v33  }
0x270: {  	v63 =	vmul.f32 $5.000000000e-01, v38;
	v31 =	vmul.f32 $5.000000000e-01, v31;
	v26 =	vadd.f32 v34, v26  }
0x271: {  	v27 =	vadd.f32 v51, v27;
	v56 =	vmul.f32 v50, v50;
	v30 =	vmul.f32 v30, v30  }
0x272: {  	v28 =	vadd.f32 v50, v28;
	v26 =	vsub.f32 v26, v31;
	v31 =	vmul.f32 $5.000000000e-01, v32  }
0x273: {  	v36 =	vadd.f32 v59, v22;
	v62 =	vadd.f32 v58, v57;
	v30 =	vmul.f32 $5.000000000e-01, v30  }
0x274: {  	v35 =	vmul.f32 v54, v54;
	v26 =	vsub.f32 v26, v31;
	v31 =	vadd.f32 v37, v60  }
0x275: {  	v61 =	vmul.f32 v36, v36;
	v25 =	vadd.f32 v30, v25;
	v30 =	vmul.f32 v52, v52  }
0x276: {  	v22 =	vmul.f32 v22, v24;
	v33 =	vadd.f32 v62, v28;
	v31 =	vmul.f32 $5.000000000e-01, v31  }
0x277: {  	v24 =	vmul.f32 v57, v57;
	v32 =	vmul.f32 $5.000000000e-01, v61;
	v30 =	vadd.f32 v35, v30  }
0x278: {  	v33 =	vmul.f32 v33, v33;
	v25 =	vsub.f32 v25, v31;
	v31 =	vmul.f32 v58, v58  }
0x279: {  	v29 =	vadd.f32 v55, v29;
	v22 =	vadd.f32 v32, v22;
	v30 =	vmul.f32 $5.000000000e-01, v30  }
0x27a: {  	v23 =	vmul.f32 v28, v23;
	v24 =	vadd.f32 v31, v24;
	v31 =	vmul.f32 $5.000000000e-01, v33  }
0x27b: {  	v27 =	vadd.f32 v56, v27;
	v28 =	vmul.f32 $5.000000000e-01, v29;
	v22 =	vsub.f32 v22, v30  }
0x27c: {  	v25 =	vsub.f32 v25, v63;
	v23 =	vadd.f32 v31, v23;
	v24 =	vmul.f32 $5.000000000e-01, v24  }
0x27d: {  	v22 =	vsub.f32 v22, v28  }
0x27e: {  	v25 =	vadd.f32 v25, v26;
	v23 =	vsub.f32 v23, v24;
	v24 =	vmul.f32 $5.000000000e-01, v27;
	_ =	sdelay $0x1  }
0x27f: {  	v22 =	vadd.f32 v22, v25;
	v23 =	vsub.f32 v23, v24;
	_ =	sdelay $0x1  }
0x280: {  	v22 =	vadd.f32 v23, v22;
	_ =	sdelay $0x1  }
0x281: {  	v23 =	vperm.xlane v22, v0;
	_ =	sdelay $0x1  }
0x282: {  	v22 =	vadd.f32 v22, v23;
	_ =	sdelay $0x1  }
0x283: {  	v23 =	vperm.xlane v22, v1;
	_ =	sdelay $0x1  }
0x284: {  	v22 =	vadd.f32 v22, v23;
	_ =	sdelay $0x1  }
0x285: {  	v23 =	vperm.xlane v22, v2;
	_ =	sdelay $0x1  }
0x286: {  	v22 =	vadd.f32 v22, v23  }
0x287: {  	v23 =	vadd.s32 $0x3, v21  }
0x288: {  	v23 =	vbroadcast v23, $0x0;
	v24 =	vperm.xlane v22, v3;
	_ =	sdelay $0x1  }
0x289: {  	v22 =	vadd.f32 v22, v24;
	_ =	sdelay $0x1  }
0x28a: {  	v22 =	vadd.f32 v22, v20;
	_ =	sdelay $0x1  }
0x28b: {  	s1 =	simm.s32 $0x0;
	[tilespmem:v23+s26+$0x0] =	vst.idx.msk $0x1, v22  }
0x28c: {  	v23 =	vld [tilespmem:s1+$0x9F80]  }
0x28d: {  	v24 =	vld [tilespmem:s1+$0x9F90]  }
0x28e: {  	v25 =	vld [tilespmem:s1+$0x9F00]  }
0x28f: {  	v26 =	vld [tilespmem:s1+$0x9F10]  }
0x290: {  	v27 =	vld [tilespmem:s1+$0x9E80]  }
0x291: {  	v28 =	vld [tilespmem:s1+$0x9E90]  }
0x292: {  	v29 =	vld [tilespmem:s1+$0x9E00]  }
0x293: {  	v30 =	vld [tilespmem:s1+$0x9E10]  }
0x294: {  	v35 =	vld [tilespmem:s1+$0x9D80]  }
0x295: {  	v34 =	vimm.f32 $0.0e+00;
	v32 =	vimm.f32 $0.0e+00;
	v37 =	vld [tilespmem:s1+$0x9D90]  }
0x296: {  	s5 =	simm.s32 $0xA00;
	v33 =	vimm.f32 $0.0e+00;
	v31 =	vimm.f32 $0.0e+00;
	v22 =	vimm.f32 $0.0e+00;
	v36 =	vld [tilespmem:s1+$0x9DA0]  }
.LBB2_19:
0x297: {  	p0 =	sne.s32 s5, $0x5A00;
	v38 =	vld [tilespmem:s1+$0x9DB0]  }
0x298: {  	v39 =	vld [tilespmem:s1+$0x9E20]  }
0x299: {  	v40 =	vld [tilespmem:s1+$0x9E30]  }
0x29a: {  	v41 =	vld [tilespmem:s1+$0x9EA0]  }
0x29b: {  	v31 =	vadd.f32 v35, v31;
	v34 =	vadd.f32 v37, v34;
	v35 =	vld [tilespmem:s1+$0x9EB0]  }
0x29c: {  	v32 =	vadd.f32 v36, v32;
	v33 =	vadd.f32 v38, v33;
	v36 =	vld [tilespmem:s1+$0x9F20]  }
0x29d: {  	v29 =	vadd.f32 v29, v31;
	v30 =	vadd.f32 v30, v34;
	v31 =	vld [tilespmem:s1+$0x9F30]  }
0x29e: {  	v32 =	vadd.f32 v39, v32;
	v33 =	vadd.f32 v40, v33;
	v37 =	vld [tilespmem:s1+$0x9FA0]  }
0x29f: {  	v27 =	vadd.f32 v27, v29;
	v28 =	vadd.f32 v28, v30;
	v29 =	vld [tilespmem:s1+$0x9FB0];
	s1 =	sshra.s32 s5, $0x2  }
0x2a0: {  	v32 =	vadd.f32 v41, v32;
	v30 =	vld [tilespmem:s1+$0x9F80];
	v33 =	vadd.f32 v35, v33  }
0x2a1: {  	v27 =	vadd.f32 v25, v27;
	v28 =	vadd.f32 v26, v28;
	v35 =	vld [tilespmem:s1+$0x9F90]  }
0x2a2: {  	v32 =	vadd.f32 v36, v32;
	v25 =	vld [tilespmem:s1+$0x9F00];
	v33 =	vadd.f32 v31, v33  }
0x2a3: {  	v31 =	vadd.f32 v23, v27;
	v34 =	vadd.f32 v24, v28;
	v26 =	vld [tilespmem:s1+$0x9F10]  }
0x2a4: {  	v32 =	vadd.f32 v37, v32;
	v27 =	vld [tilespmem:s1+$0x9E80];
	v33 =	vadd.f32 v29, v33  }
0x2a5: {  	v28 =	vld [tilespmem:s1+$0x9E90];
	v23 =	vmov v30  }
.Ltmp8:
0x2a6: {  	v29 =	vld [tilespmem:s1+$0x9E00];
	v24 =	vmov v35;
	(pc) =	sbr.rel @p0 .LBB2_19-.Ltmp8, $4  }
0x2a7: {  	v30 =	vld [tilespmem:s1+$0x9E10]  }
0x2a8: {  	v35 =	vld [tilespmem:s1+$0x9D80]  }
0x2a9: {  	v37 =	vld [tilespmem:s1+$0x9D90]  }
0x2aa: {  	s5 =	sadd.s32 $0xA00, s5;
	v36 =	vld [tilespmem:s1+$0x9DA0]  }
0x2ab: {  	v38 =	vld [tilespmem:s1+$0x9DB0]  }
0x2ac: {  	v39 =	vld [tilespmem:s1+$0x9E20]  }
0x2ad: {  	v40 =	vld [tilespmem:s1+$0x9E30]  }
0x2ae: {  	v41 =	vld [tilespmem:s1+$0x9EA0]  }
0x2af: {  	v42 =	vld [tilespmem:s1+$0x9EB0]  }
0x2b0: {  	v43 =	vld [tilespmem:s1+$0x9F20]  }
0x2b1: {  	v59 =	vld [tilespmem:s1+$0x9F30]  }
0x2b2: {  	v60 =	vld [tilespmem:s1+$0x9FA0]  }
0x2b3: {  	v61 =	vld [tilespmem:s1+$0x9FB0];
	s1 =	simm.s32 $0x0  }
0x2b4: {  	v63 =	vld [tilespmem:s1+$0x9380]  }
0x2b5: {  	v31 =	vadd.f32 v35, v31  }
0x2b6: {  	v34 =	vadd.f32 v37, v34;
	v32 =	vadd.f32 v36, v32  }
0x2b7: {  	v29 =	vadd.f32 v29, v31;
	v33 =	vadd.f32 v38, v33  }
0x2b8: {  	v30 =	vadd.f32 v30, v34;
	v31 =	vadd.f32 v39, v32  }
0x2b9: {  	v27 =	vadd.f32 v27, v29;
	v37 =	vadd.f32 v63, v22  }
0x2ba: {  	v29 =	vld [tilespmem:s1+$0x9390];
	v62 =	vadd.f32 v40, v33;
	v28 =	vadd.f32 v28, v30  }
0x2bb: {  	v33 =	vld [tilespmem:s1+$0x9410];
	v30 =	vadd.f32 v41, v31;
	v25 =	vadd.f32 v25, v27  }
0x2bc: {  	v31 =	vld [tilespmem:s1+$0x9400];
	v32 =	vadd.f32 v42, v62;
	v27 =	vadd.f32 v26, v28  }
0x2bd: {  	v28 =	vadd.f32 v43, v30;
	v26 =	vadd.f32 v23, v25  }
0x2be: {  	v30 =	vadd.f32 v59, v32;
	v25 =	vadd.f32 v24, v27;
	v32 =	vld [tilespmem:s1+$0x9480]  }
0x2bf: {  	v36 =	vld [tilespmem:s1+$0x9490];
	v27 =	vmul.f32 v63, v63;
	v41 =	vadd.f32 v29, v22;
	v24 =	vadd.f32 v60, v28  }
0x2c0: {  	v28 =	vmul.f32 v29, v29;
	v42 =	vmul.f32 v33, v33;
	v23 =	vadd.f32 v61, v30;
	v30 =	vld [tilespmem:s1+$0x9500]  }
0x2c1: {  	v34 =	vld [tilespmem:s1+$0x9510];
	v29 =	vimm.f32 $0.0e+00;
	v38 =	vadd.f32 v27, v22;
	v40 =	vmul.f32 v31, v31  }
0x2c2: {  	s5 =	simm.s32 $0x800;
	v35 =	vld [tilespmem:s1+$0x93A0];
	v27 =	vimm.f32 $0.0e+00;
	v39 =	vadd.f32 v28, v22;
	v28 =	vimm.f32 $0.0e+00  }
.LBB2_21:
0x2c3: {  	p0 =	sne.s32 s5, $0x2000;
	v43 =	vld [tilespmem:s1+$0x93B0];
	v31 =	vadd.f32 v31, v37;
	v37 =	vadd.f32 v40, v38;
	v38 =	vmul.f32 v32, v32  }
0x2c4: {  	v33 =	vadd.f32 v33, v41;
	v39 =	vadd.f32 v42, v39;
	v40 =	vld [tilespmem:s1+$0x9420];
	v41 =	vmul.f32 v36, v36  }
0x2c5: {  	v42 =	vld [tilespmem:s1+$0x9430];
	v31 =	vadd.f32 v32, v31;
	v32 =	vadd.f32 v38, v37;
	v37 =	vmul.f32 v30, v30  }
0x2c6: {  	v33 =	vadd.f32 v36, v33;
	v36 =	vadd.f32 v41, v39;
	v38 =	vld [tilespmem:s1+$0x94A0];
	v39 =	vmul.f32 v34, v34  }
0x2c7: {  	v41 =	vmul.f32 v35, v35;
	v44 =	vld [tilespmem:s1+$0x94B0];
	v45 =	vadd.f32 v30, v31;
	v46 =	vadd.f32 v37, v32  }
0x2c8: {  	v30 =	vmul.f32 v43, v43;
	v47 =	vadd.f32 v34, v33;
	v39 =	vadd.f32 v39, v36;
	v34 =	vld [tilespmem:s1+$0x9520]  }
0x2c9: {  	v22 =	vadd.f32 v35, v22;
	v29 =	vadd.f32 v41, v29;
	v31 =	vmul.f32 v40, v40;
	v35 =	vld [tilespmem:s1+$0x9530];
	s1 =	sshra.s32 s5, $0x2  }
0x2ca: {  	v28 =	vadd.f32 v43, v28;
	v37 =	vld [tilespmem:s1+$0x9380];
	v27 =	vadd.f32 v30, v27;
	v30 =	vmul.f32 v42, v42  }
0x2cb: {  	v22 =	vadd.f32 v40, v22;
	v41 =	vld [tilespmem:s1+$0x9390];
	v29 =	vadd.f32 v31, v29;
	v32 =	vmul.f32 v38, v38  }
0x2cc: {  	v28 =	vadd.f32 v42, v28;
	v31 =	vld [tilespmem:s1+$0x9400];
	v27 =	vadd.f32 v30, v27;
	v30 =	vmul.f32 v44, v44  }
0x2cd: {  	v22 =	vadd.f32 v38, v22;
	v33 =	vld [tilespmem:s1+$0x9410];
	v29 =	vadd.f32 v32, v29;
	v38 =	vmul.f32 v34, v34  }
.Ltmp9:
0x2ce: {  	v28 =	vadd.f32 v44, v28;
	v32 =	vld [tilespmem:s1+$0x9480];
	v27 =	vadd.f32 v30, v27;
	v40 =	vmul.f32 v35, v35;
	(pc) =	sbr.rel @p0 .LBB2_21-.Ltmp9, $4  }
0x2cf: {  	v22 =	vadd.f32 v34, v22;
	v42 =	vmul.f32 v37, v37;
	v36 =	vld [tilespmem:s1+$0x9490];
	v29 =	vadd.f32 v38, v29  }
0x2d0: {  	v28 =	vadd.f32 v35, v28;
	v43 =	vmul.f32 v41, v41;
	v30 =	vld [tilespmem:s1+$0x9500];
	v27 =	vadd.f32 v40, v27  }
0x2d1: {  	v37 =	vadd.f32 v37, v45;
	v38 =	vadd.f32 v42, v46;
	v40 =	vmul.f32 v31, v31;
	v34 =	vld [tilespmem:s1+$0x9510]  }
0x2d2: {  	s5 =	sadd.s32 $0x800, s5;
	v41 =	vadd.f32 v41, v47;
	v39 =	vadd.f32 v43, v39;
	v35 =	vld [tilespmem:s1+$0x93A0];
	v42 =	vmul.f32 v33, v33  }
0x2d3: {  	v43 =	vld [tilespmem:s1+$0x93B0]  }
0x2d4: {  	v48 =	vld [tilespmem:s1+$0x9420]  }
0x2d5: {  	v31 =	vadd.f32 v31, v37;
	v50 =	vld [tilespmem:s1+$0x9430]  }
0x2d6: {  	v46 =	vadd.f32 v40, v38;
	v47 =	vmul.f32 v32, v32;
	v53 =	vld [tilespmem:$0x9280];
	v33 =	vadd.f32 v33, v41  }
0x2d7: {  	v57 =	vld [tilespmem:s1+$0x94B0];
	v39 =	vadd.f32 v42, v39;
	v49 =	vmul.f32 v36, v36;
	v31 =	vadd.f32 v32, v31  }
0x2d8: {  	v60 =	vld [tilespmem:s1+$0x9520];
	v51 =	vadd.f32 v47, v46;
	v52 =	vmul.f32 v30, v30;
	v33 =	vadd.f32 v36, v33  }
0x2d9: {  	v54 =	vadd.f32 v49, v39;
	v55 =	vmul.f32 v34, v34;
	v30 =	vadd.f32 v30, v31;
	v31 =	vld [tilespmem:$0x9300]  }
0x2da: {  	v56 =	vld [tilespmem:s1+$0x94A0];
	v44 =	vmul.f32 v35, v35;
	v32 =	vadd.f32 v52, v51;
	v22 =	vadd.f32 v35, v22  }
0x2db: {  	v33 =	vadd.f32 v34, v33;
	v58 =	vmul.f32 v43, v43;
	v38 =	vadd.f32 v55, v54  }
0x2dc: {  	v59 =	vmul.f32 v48, v48;
	v28 =	vadd.f32 v43, v28;
	v61 =	vmul.f32 v50, v50  }
0x2dd: {  	v63 =	vld [tilespmem:$0x9290];
	v51 =	vmul.f32 v57, v57;
	v36 =	vmul.f32 v53, v53;
	v29 =	vadd.f32 v44, v29  }
0x2de: {  	v49 =	vld [tilespmem:$0x9310];
	v55 =	vmul.f32 v60, v60;
	v22 =	vadd.f32 v48, v22;
	v62 =	vadd.f32 v31, v53  }
0x2df: {  	v52 =	vld [tilespmem:$0x92A0];
	v48 =	vmul.f32 v56, v56;
	v27 =	vadd.f32 v58, v27;
	v28 =	vadd.f32 v50, v28  }
0x2e0: {  	v54 =	vld [tilespmem:$0x9320];
	v26 =	vmul.f32 v30, v26;
	v29 =	vadd.f32 v59, v29;
	v35 =	vadd.f32 v62, v30  }
0x2e1: {  	v25 =	vmul.f32 v33, v25;
	v22 =	vadd.f32 v56, v22;
	v27 =	vadd.f32 v61, v27  }
0x2e2: {  	v50 =	vld [tilespmem:s1+$0x9530];
	v31 =	vmul.f32 v31, v31;
	v28 =	vadd.f32 v57, v28;
	v53 =	vmul.f32 v35, v35  }
0x2e3: {  	v58 =	vld [tilespmem:$0x9330];
	v37 =	vmul.f32 v49, v49;
	v29 =	vadd.f32 v48, v29;
	v30 =	vadd.f32 v49, v63  }
0x2e4: {  	v57 =	vld [tilespmem:$0x92B0];
	v22 =	vadd.f32 v60, v22;
	v31 =	vadd.f32 v31, v36;
	v34 =	vmul.f32 $5.000000000e-01, v53  }
0x2e5: {  	v59 =	vadd.f32 v54, v52;
	v60 =	vmul.f32 v63, v63;
	v30 =	vadd.f32 v30, v33  }
0x2e6: {  	v63 =	vmul.f32 $5.000000000e-01, v38;
	v31 =	vmul.f32 $5.000000000e-01, v31;
	v26 =	vadd.f32 v34, v26  }
0x2e7: {  	v27 =	vadd.f32 v51, v27;
	v56 =	vmul.f32 v50, v50;
	v30 =	vmul.f32 v30, v30  }
0x2e8: {  	v28 =	vadd.f32 v50, v28;
	v26 =	vsub.f32 v26, v31;
	v31 =	vmul.f32 $5.000000000e-01, v32  }
0x2e9: {  	v36 =	vadd.f32 v59, v22;
	v62 =	vadd.f32 v58, v57;
	v30 =	vmul.f32 $5.000000000e-01, v30  }
0x2ea: {  	v35 =	vmul.f32 v54, v54;
	v26 =	vsub.f32 v26, v31;
	v31 =	vadd.f32 v37, v60  }
0x2eb: {  	v61 =	vmul.f32 v36, v36;
	v25 =	vadd.f32 v30, v25;
	v30 =	vmul.f32 v52, v52  }
0x2ec: {  	v22 =	vmul.f32 v22, v24;
	v33 =	vadd.f32 v62, v28;
	v31 =	vmul.f32 $5.000000000e-01, v31  }
0x2ed: {  	v24 =	vmul.f32 v57, v57;
	v32 =	vmul.f32 $5.000000000e-01, v61;
	v30 =	vadd.f32 v35, v30  }
0x2ee: {  	v33 =	vmul.f32 v33, v33;
	v25 =	vsub.f32 v25, v31;
	v31 =	vmul.f32 v58, v58  }
0x2ef: {  	v29 =	vadd.f32 v55, v29;
	v22 =	vadd.f32 v32, v22;
	v30 =	vmul.f32 $5.000000000e-01, v30  }
0x2f0: {  	v23 =	vmul.f32 v28, v23;
	v24 =	vadd.f32 v31, v24;
	v31 =	vmul.f32 $5.000000000e-01, v33  }
0x2f1: {  	v27 =	vadd.f32 v56, v27;
	v28 =	vmul.f32 $5.000000000e-01, v29;
	v22 =	vsub.f32 v22, v30  }
0x2f2: {  	v25 =	vsub.f32 v25, v63;
	v23 =	vadd.f32 v31, v23;
	v24 =	vmul.f32 $5.000000000e-01, v24  }
0x2f3: {  	v22 =	vsub.f32 v22, v28  }
0x2f4: {  	v25 =	vadd.f32 v25, v26;
	v23 =	vsub.f32 v23, v24;
	v24 =	vmul.f32 $5.000000000e-01, v27;
	_ =	sdelay $0x1  }
0x2f5: {  	v22 =	vadd.f32 v22, v25;
	v23 =	vsub.f32 v23, v24;
	_ =	sdelay $0x1  }
0x2f6: {  	v22 =	vadd.f32 v23, v22;
	_ =	sdelay $0x1  }
0x2f7: {  	v23 =	vperm.xlane v22, v0;
	_ =	sdelay $0x1  }
0x2f8: {  	v22 =	vadd.f32 v22, v23;
	_ =	sdelay $0x1  }
0x2f9: {  	v23 =	vperm.xlane v22, v1;
	_ =	sdelay $0x1  }
0x2fa: {  	v22 =	vadd.f32 v22, v23;
	_ =	sdelay $0x1  }
0x2fb: {  	v23 =	vperm.xlane v22, v2;
	_ =	sdelay $0x1  }
0x2fc: {  	v22 =	vadd.f32 v22, v23  }
0x2fd: {  	v23 =	vadd.s32 $0x4, v21  }
0x2fe: {  	v23 =	vbroadcast v23, $0x0;
	v24 =	vperm.xlane v22, v3;
	_ =	sdelay $0x1  }
0x2ff: {  	v22 =	vadd.f32 v22, v24;
	_ =	sdelay $0x1  }
0x300: {  	v22 =	vadd.f32 v22, v20;
	_ =	sdelay $0x1  }
0x301: {  	s1 =	simm.s32 $0x0;
	[tilespmem:v23+s26+$0x0] =	vst.idx.msk $0x1, v22  }
0x302: {  	v23 =	vld [tilespmem:s1+$0xC380]  }
0x303: {  	v24 =	vld [tilespmem:s1+$0xC390]  }
0x304: {  	v25 =	vld [tilespmem:s1+$0xC300]  }
0x305: {  	v26 =	vld [tilespmem:s1+$0xC310]  }
0x306: {  	v27 =	vld [tilespmem:s1+$0xC280]  }
0x307: {  	v28 =	vld [tilespmem:s1+$0xC290]  }
0x308: {  	v29 =	vld [tilespmem:s1+$0xC200]  }
0x309: {  	v30 =	vld [tilespmem:s1+$0xC210]  }
0x30a: {  	v35 =	vld [tilespmem:s1+$0xC180]  }
0x30b: {  	v34 =	vimm.f32 $0.0e+00;
	v32 =	vimm.f32 $0.0e+00;
	v37 =	vld [tilespmem:s1+$0xC190]  }
0x30c: {  	s5 =	simm.s32 $0xA00;
	v33 =	vimm.f32 $0.0e+00;
	v31 =	vimm.f32 $0.0e+00;
	v22 =	vimm.f32 $0.0e+00;
	v36 =	vld [tilespmem:s1+$0xC1A0]  }
.LBB2_23:
0x30d: {  	p0 =	sne.s32 s5, $0x5A00;
	v38 =	vld [tilespmem:s1+$0xC1B0]  }
0x30e: {  	v39 =	vld [tilespmem:s1+$0xC220]  }
0x30f: {  	v40 =	vld [tilespmem:s1+$0xC230]  }
0x310: {  	v41 =	vld [tilespmem:s1+$0xC2A0]  }
0x311: {  	v31 =	vadd.f32 v35, v31;
	v34 =	vadd.f32 v37, v34;
	v35 =	vld [tilespmem:s1+$0xC2B0]  }
0x312: {  	v32 =	vadd.f32 v36, v32;
	v33 =	vadd.f32 v38, v33;
	v36 =	vld [tilespmem:s1+$0xC320]  }
0x313: {  	v29 =	vadd.f32 v29, v31;
	v30 =	vadd.f32 v30, v34;
	v31 =	vld [tilespmem:s1+$0xC330]  }
0x314: {  	v32 =	vadd.f32 v39, v32;
	v33 =	vadd.f32 v40, v33;
	v37 =	vld [tilespmem:s1+$0xC3A0]  }
0x315: {  	v27 =	vadd.f32 v27, v29;
	v28 =	vadd.f32 v28, v30;
	v29 =	vld [tilespmem:s1+$0xC3B0];
	s1 =	sshra.s32 s5, $0x2  }
0x316: {  	v32 =	vadd.f32 v41, v32;
	v30 =	vld [tilespmem:s1+$0xC380];
	v33 =	vadd.f32 v35, v33  }
0x317: {  	v27 =	vadd.f32 v25, v27;
	v28 =	vadd.f32 v26, v28;
	v35 =	vld [tilespmem:s1+$0xC390]  }
0x318: {  	v32 =	vadd.f32 v36, v32;
	v25 =	vld [tilespmem:s1+$0xC300];
	v33 =	vadd.f32 v31, v33  }
0x319: {  	v31 =	vadd.f32 v23, v27;
	v34 =	vadd.f32 v24, v28;
	v26 =	vld [tilespmem:s1+$0xC310]  }
0x31a: {  	v32 =	vadd.f32 v37, v32;
	v27 =	vld [tilespmem:s1+$0xC280];
	v33 =	vadd.f32 v29, v33  }
0x31b: {  	v28 =	vld [tilespmem:s1+$0xC290];
	v23 =	vmov v30  }
.Ltmp10:
0x31c: {  	v29 =	vld [tilespmem:s1+$0xC200];
	v24 =	vmov v35;
	(pc) =	sbr.rel @p0 .LBB2_23-.Ltmp10, $4  }
0x31d: {  	v30 =	vld [tilespmem:s1+$0xC210]  }
0x31e: {  	v35 =	vld [tilespmem:s1+$0xC180]  }
0x31f: {  	v37 =	vld [tilespmem:s1+$0xC190]  }
0x320: {  	s5 =	sadd.s32 $0xA00, s5;
	v36 =	vld [tilespmem:s1+$0xC1A0]  }
0x321: {  	v38 =	vld [tilespmem:s1+$0xC1B0]  }
0x322: {  	v39 =	vld [tilespmem:s1+$0xC220]  }
0x323: {  	v40 =	vld [tilespmem:s1+$0xC230]  }
0x324: {  	v41 =	vld [tilespmem:s1+$0xC2A0]  }
0x325: {  	v42 =	vld [tilespmem:s1+$0xC2B0]  }
0x326: {  	v43 =	vld [tilespmem:s1+$0xC320]  }
0x327: {  	v59 =	vld [tilespmem:s1+$0xC330]  }
0x328: {  	v60 =	vld [tilespmem:s1+$0xC3A0]  }
0x329: {  	v61 =	vld [tilespmem:s1+$0xC3B0];
	s1 =	simm.s32 $0x0  }
0x32a: {  	v63 =	vld [tilespmem:s1+$0xB780]  }
0x32b: {  	v31 =	vadd.f32 v35, v31  }
0x32c: {  	v34 =	vadd.f32 v37, v34;
	v32 =	vadd.f32 v36, v32  }
0x32d: {  	v29 =	vadd.f32 v29, v31;
	v33 =	vadd.f32 v38, v33  }
0x32e: {  	v30 =	vadd.f32 v30, v34;
	v31 =	vadd.f32 v39, v32  }
0x32f: {  	v27 =	vadd.f32 v27, v29;
	v37 =	vadd.f32 v63, v22  }
0x330: {  	v29 =	vld [tilespmem:s1+$0xB790];
	v62 =	vadd.f32 v40, v33;
	v28 =	vadd.f32 v28, v30  }
0x331: {  	v33 =	vld [tilespmem:s1+$0xB810];
	v30 =	vadd.f32 v41, v31;
	v25 =	vadd.f32 v25, v27  }
0x332: {  	v31 =	vld [tilespmem:s1+$0xB800];
	v32 =	vadd.f32 v42, v62;
	v27 =	vadd.f32 v26, v28  }
0x333: {  	v28 =	vadd.f32 v43, v30;
	v26 =	vadd.f32 v23, v25  }
0x334: {  	v30 =	vadd.f32 v59, v32;
	v25 =	vadd.f32 v24, v27;
	v32 =	vld [tilespmem:s1+$0xB880]  }
0x335: {  	v36 =	vld [tilespmem:s1+$0xB890];
	v27 =	vmul.f32 v63, v63;
	v41 =	vadd.f32 v29, v22;
	v24 =	vadd.f32 v60, v28  }
0x336: {  	v28 =	vmul.f32 v29, v29;
	v42 =	vmul.f32 v33, v33;
	v23 =	vadd.f32 v61, v30;
	v30 =	vld [tilespmem:s1+$0xB900]  }
0x337: {  	v34 =	vld [tilespmem:s1+$0xB910];
	v29 =	vimm.f32 $0.0e+00;
	v38 =	vadd.f32 v27, v22;
	v40 =	vmul.f32 v31, v31  }
0x338: {  	s5 =	simm.s32 $0x800;
	v35 =	vld [tilespmem:s1+$0xB7A0];
	v27 =	vimm.f32 $0.0e+00;
	v39 =	vadd.f32 v28, v22;
	v28 =	vimm.f32 $0.0e+00  }
.LBB2_25:
0x339: {  	p0 =	sne.s32 s5, $0x2000;
	v43 =	vld [tilespmem:s1+$0xB7B0];
	v31 =	vadd.f32 v31, v37;
	v37 =	vadd.f32 v40, v38;
	v38 =	vmul.f32 v32, v32  }
0x33a: {  	v33 =	vadd.f32 v33, v41;
	v39 =	vadd.f32 v42, v39;
	v40 =	vld [tilespmem:s1+$0xB820];
	v41 =	vmul.f32 v36, v36  }
0x33b: {  	v42 =	vld [tilespmem:s1+$0xB830];
	v31 =	vadd.f32 v32, v31;
	v32 =	vadd.f32 v38, v37;
	v37 =	vmul.f32 v30, v30  }
0x33c: {  	v33 =	vadd.f32 v36, v33;
	v36 =	vadd.f32 v41, v39;
	v38 =	vld [tilespmem:s1+$0xB8A0];
	v39 =	vmul.f32 v34, v34  }
0x33d: {  	v41 =	vmul.f32 v35, v35;
	v44 =	vld [tilespmem:s1+$0xB8B0];
	v45 =	vadd.f32 v30, v31;
	v46 =	vadd.f32 v37, v32  }
0x33e: {  	v30 =	vmul.f32 v43, v43;
	v47 =	vadd.f32 v34, v33;
	v39 =	vadd.f32 v39, v36;
	v34 =	vld [tilespmem:s1+$0xB920]  }
0x33f: {  	v22 =	vadd.f32 v35, v22;
	v29 =	vadd.f32 v41, v29;
	v31 =	vmul.f32 v40, v40;
	v35 =	vld [tilespmem:s1+$0xB930];
	s1 =	sshra.s32 s5, $0x2  }
0x340: {  	v28 =	vadd.f32 v43, v28;
	v37 =	vld [tilespmem:s1+$0xB780];
	v27 =	vadd.f32 v30, v27;
	v30 =	vmul.f32 v42, v42  }
0x341: {  	v22 =	vadd.f32 v40, v22;
	v41 =	vld [tilespmem:s1+$0xB790];
	v29 =	vadd.f32 v31, v29;
	v32 =	vmul.f32 v38, v38  }
0x342: {  	v28 =	vadd.f32 v42, v28;
	v31 =	vld [tilespmem:s1+$0xB800];
	v27 =	vadd.f32 v30, v27;
	v30 =	vmul.f32 v44, v44  }
0x343: {  	v22 =	vadd.f32 v38, v22;
	v33 =	vld [tilespmem:s1+$0xB810];
	v29 =	vadd.f32 v32, v29;
	v38 =	vmul.f32 v34, v34  }
.Ltmp11:
0x344: {  	v28 =	vadd.f32 v44, v28;
	v32 =	vld [tilespmem:s1+$0xB880];
	v27 =	vadd.f32 v30, v27;
	v40 =	vmul.f32 v35, v35;
	(pc) =	sbr.rel @p0 .LBB2_25-.Ltmp11, $4  }
0x345: {  	v22 =	vadd.f32 v34, v22;
	v42 =	vmul.f32 v37, v37;
	v36 =	vld [tilespmem:s1+$0xB890];
	v29 =	vadd.f32 v38, v29  }
0x346: {  	v28 =	vadd.f32 v35, v28;
	v43 =	vmul.f32 v41, v41;
	v30 =	vld [tilespmem:s1+$0xB900];
	v27 =	vadd.f32 v40, v27  }
0x347: {  	v37 =	vadd.f32 v37, v45;
	v38 =	vadd.f32 v42, v46;
	v40 =	vmul.f32 v31, v31;
	v34 =	vld [tilespmem:s1+$0xB910]  }
0x348: {  	s5 =	sadd.s32 $0x800, s5;
	v41 =	vadd.f32 v41, v47;
	v39 =	vadd.f32 v43, v39;
	v35 =	vld [tilespmem:s1+$0xB7A0];
	v42 =	vmul.f32 v33, v33  }
0x349: {  	v43 =	vld [tilespmem:s1+$0xB7B0]  }
0x34a: {  	v48 =	vld [tilespmem:s1+$0xB820]  }
0x34b: {  	v31 =	vadd.f32 v31, v37;
	v50 =	vld [tilespmem:s1+$0xB830]  }
0x34c: {  	v46 =	vadd.f32 v40, v38;
	v47 =	vmul.f32 v32, v32;
	v53 =	vld [tilespmem:$0xB680];
	v33 =	vadd.f32 v33, v41  }
0x34d: {  	v57 =	vld [tilespmem:s1+$0xB8B0];
	v39 =	vadd.f32 v42, v39;
	v49 =	vmul.f32 v36, v36;
	v31 =	vadd.f32 v32, v31  }
0x34e: {  	v60 =	vld [tilespmem:s1+$0xB920];
	v51 =	vadd.f32 v47, v46;
	v52 =	vmul.f32 v30, v30;
	v33 =	vadd.f32 v36, v33  }
0x34f: {  	v54 =	vadd.f32 v49, v39;
	v55 =	vmul.f32 v34, v34;
	v30 =	vadd.f32 v30, v31;
	v31 =	vld [tilespmem:$0xB700]  }
0x350: {  	v56 =	vld [tilespmem:s1+$0xB8A0];
	v44 =	vmul.f32 v35, v35;
	v32 =	vadd.f32 v52, v51;
	v22 =	vadd.f32 v35, v22  }
0x351: {  	v33 =	vadd.f32 v34, v33;
	v58 =	vmul.f32 v43, v43;
	v38 =	vadd.f32 v55, v54  }
0x352: {  	v59 =	vmul.f32 v48, v48;
	v28 =	vadd.f32 v43, v28;
	v61 =	vmul.f32 v50, v50  }
0x353: {  	v63 =	vld [tilespmem:$0xB690];
	v51 =	vmul.f32 v57, v57;
	v36 =	vmul.f32 v53, v53;
	v29 =	vadd.f32 v44, v29  }
0x354: {  	v49 =	vld [tilespmem:$0xB710];
	v55 =	vmul.f32 v60, v60;
	v22 =	vadd.f32 v48, v22;
	v62 =	vadd.f32 v31, v53  }
0x355: {  	v52 =	vld [tilespmem:$0xB6A0];
	v48 =	vmul.f32 v56, v56;
	v27 =	vadd.f32 v58, v27;
	v28 =	vadd.f32 v50, v28  }
0x356: {  	v54 =	vld [tilespmem:$0xB720];
	v26 =	vmul.f32 v30, v26;
	v29 =	vadd.f32 v59, v29;
	v35 =	vadd.f32 v62, v30  }
0x357: {  	v25 =	vmul.f32 v33, v25;
	v22 =	vadd.f32 v56, v22;
	v27 =	vadd.f32 v61, v27  }
0x358: {  	v50 =	vld [tilespmem:s1+$0xB930];
	v31 =	vmul.f32 v31, v31;
	v28 =	vadd.f32 v57, v28;
	v53 =	vmul.f32 v35, v35  }
0x359: {  	v58 =	vld [tilespmem:$0xB730];
	v37 =	vmul.f32 v49, v49;
	v29 =	vadd.f32 v48, v29;
	v30 =	vadd.f32 v49, v63  }
0x35a: {  	v57 =	vld [tilespmem:$0xB6B0];
	v22 =	vadd.f32 v60, v22;
	v31 =	vadd.f32 v31, v36;
	v34 =	vmul.f32 $5.000000000e-01, v53  }
0x35b: {  	v59 =	vadd.f32 v54, v52;
	v60 =	vmul.f32 v63, v63;
	v30 =	vadd.f32 v30, v33  }
0x35c: {  	v63 =	vmul.f32 $5.000000000e-01, v38;
	v31 =	vmul.f32 $5.000000000e-01, v31;
	v26 =	vadd.f32 v34, v26  }
0x35d: {  	v27 =	vadd.f32 v51, v27;
	v56 =	vmul.f32 v50, v50;
	v30 =	vmul.f32 v30, v30  }
0x35e: {  	v28 =	vadd.f32 v50, v28;
	v26 =	vsub.f32 v26, v31;
	v31 =	vmul.f32 $5.000000000e-01, v32  }
0x35f: {  	v36 =	vadd.f32 v59, v22;
	v62 =	vadd.f32 v58, v57;
	v30 =	vmul.f32 $5.000000000e-01, v30  }
0x360: {  	v35 =	vmul.f32 v54, v54;
	v26 =	vsub.f32 v26, v31;
	v31 =	vadd.f32 v37, v60  }
0x361: {  	v61 =	vmul.f32 v36, v36;
	v25 =	vadd.f32 v30, v25;
	v30 =	vmul.f32 v52, v52  }
0x362: {  	v22 =	vmul.f32 v22, v24;
	v33 =	vadd.f32 v62, v28;
	v31 =	vmul.f32 $5.000000000e-01, v31  }
0x363: {  	v24 =	vmul.f32 v57, v57;
	v32 =	vmul.f32 $5.000000000e-01, v61;
	v30 =	vadd.f32 v35, v30  }
0x364: {  	v33 =	vmul.f32 v33, v33;
	v25 =	vsub.f32 v25, v31;
	v31 =	vmul.f32 v58, v58  }
0x365: {  	v29 =	vadd.f32 v55, v29;
	v22 =	vadd.f32 v32, v22;
	v30 =	vmul.f32 $5.000000000e-01, v30  }
0x366: {  	v23 =	vmul.f32 v28, v23;
	v24 =	vadd.f32 v31, v24;
	v31 =	vmul.f32 $5.000000000e-01, v33  }
0x367: {  	v27 =	vadd.f32 v56, v27;
	v28 =	vmul.f32 $5.000000000e-01, v29;
	v22 =	vsub.f32 v22, v30  }
0x368: {  	v25 =	vsub.f32 v25, v63;
	v23 =	vadd.f32 v31, v23;
	v24 =	vmul.f32 $5.000000000e-01, v24  }
0x369: {  	v22 =	vsub.f32 v22, v28  }
0x36a: {  	v25 =	vadd.f32 v25, v26;
	v23 =	vsub.f32 v23, v24;
	v24 =	vmul.f32 $5.000000000e-01, v27;
	_ =	sdelay $0x1  }
0x36b: {  	v22 =	vadd.f32 v22, v25;
	v23 =	vsub.f32 v23, v24;
	_ =	sdelay $0x1  }
0x36c: {  	v22 =	vadd.f32 v23, v22;
	_ =	sdelay $0x1  }
0x36d: {  	v23 =	vperm.xlane v22, v0;
	_ =	sdelay $0x1  }
0x36e: {  	v22 =	vadd.f32 v22, v23;
	_ =	sdelay $0x1  }
0x36f: {  	v23 =	vperm.xlane v22, v1;
	_ =	sdelay $0x1  }
0x370: {  	v22 =	vadd.f32 v22, v23;
	_ =	sdelay $0x1  }
0x371: {  	v23 =	vperm.xlane v22, v2;
	_ =	sdelay $0x1  }
0x372: {  	v22 =	vadd.f32 v22, v23  }
0x373: {  	v23 =	vadd.s32 $0x5, v21  }
0x374: {  	v23 =	vbroadcast v23, $0x0;
	v24 =	vperm.xlane v22, v3;
	_ =	sdelay $0x1  }
0x375: {  	v22 =	vadd.f32 v22, v24;
	_ =	sdelay $0x1  }
0x376: {  	v22 =	vadd.f32 v22, v20;
	_ =	sdelay $0x1  }
0x377: {  	s1 =	simm.s32 $0x0;
	[tilespmem:v23+s26+$0x0] =	vst.idx.msk $0x1, v22  }
0x378: {  	v23 =	vld [tilespmem:s1+$0xE780]  }
0x379: {  	v24 =	vld [tilespmem:s1+$0xE790]  }
0x37a: {  	v25 =	vld [tilespmem:s1+$0xE700]  }
0x37b: {  	v26 =	vld [tilespmem:s1+$0xE710]  }
0x37c: {  	v27 =	vld [tilespmem:s1+$0xE680]  }
0x37d: {  	v28 =	vld [tilespmem:s1+$0xE690]  }
0x37e: {  	v29 =	vld [tilespmem:s1+$0xE600]  }
0x37f: {  	v30 =	vld [tilespmem:s1+$0xE610]  }
0x380: {  	v35 =	vld [tilespmem:s1+$0xE580]  }
0x381: {  	v34 =	vimm.f32 $0.0e+00;
	v32 =	vimm.f32 $0.0e+00;
	v37 =	vld [tilespmem:s1+$0xE590]  }
0x382: {  	s5 =	simm.s32 $0xA00;
	v33 =	vimm.f32 $0.0e+00;
	v31 =	vimm.f32 $0.0e+00;
	v22 =	vimm.f32 $0.0e+00;
	v36 =	vld [tilespmem:s1+$0xE5A0]  }
.LBB2_27:
0x383: {  	p0 =	sne.s32 s5, $0x5A00;
	v38 =	vld [tilespmem:s1+$0xE5B0]  }
0x384: {  	v39 =	vld [tilespmem:s1+$0xE620]  }
0x385: {  	v40 =	vld [tilespmem:s1+$0xE630]  }
0x386: {  	v41 =	vld [tilespmem:s1+$0xE6A0]  }
0x387: {  	v31 =	vadd.f32 v35, v31;
	v34 =	vadd.f32 v37, v34;
	v35 =	vld [tilespmem:s1+$0xE6B0]  }
0x388: {  	v32 =	vadd.f32 v36, v32;
	v33 =	vadd.f32 v38, v33;
	v36 =	vld [tilespmem:s1+$0xE720]  }
0x389: {  	v29 =	vadd.f32 v29, v31;
	v30 =	vadd.f32 v30, v34;
	v31 =	vld [tilespmem:s1+$0xE730]  }
0x38a: {  	v32 =	vadd.f32 v39, v32;
	v33 =	vadd.f32 v40, v33;
	v37 =	vld [tilespmem:s1+$0xE7A0]  }
0x38b: {  	v27 =	vadd.f32 v27, v29;
	v28 =	vadd.f32 v28, v30;
	v29 =	vld [tilespmem:s1+$0xE7B0];
	s1 =	sshra.s32 s5, $0x2  }
0x38c: {  	v32 =	vadd.f32 v41, v32;
	v30 =	vld [tilespmem:s1+$0xE780];
	v33 =	vadd.f32 v35, v33  }
0x38d: {  	v27 =	vadd.f32 v25, v27;
	v28 =	vadd.f32 v26, v28;
	v35 =	vld [tilespmem:s1+$0xE790]  }
0x38e: {  	v32 =	vadd.f32 v36, v32;
	v25 =	vld [tilespmem:s1+$0xE700];
	v33 =	vadd.f32 v31, v33  }
0x38f: {  	v31 =	vadd.f32 v23, v27;
	v34 =	vadd.f32 v24, v28;
	v26 =	vld [tilespmem:s1+$0xE710]  }
0x390: {  	v32 =	vadd.f32 v37, v32;
	v27 =	vld [tilespmem:s1+$0xE680];
	v33 =	vadd.f32 v29, v33  }
0x391: {  	v28 =	vld [tilespmem:s1+$0xE690];
	v23 =	vmov v30  }
.Ltmp12:
0x392: {  	v29 =	vld [tilespmem:s1+$0xE600];
	v24 =	vmov v35;
	(pc) =	sbr.rel @p0 .LBB2_27-.Ltmp12, $4  }
0x393: {  	v30 =	vld [tilespmem:s1+$0xE610]  }
0x394: {  	v35 =	vld [tilespmem:s1+$0xE580]  }
0x395: {  	v37 =	vld [tilespmem:s1+$0xE590]  }
0x396: {  	s5 =	sadd.s32 $0xA00, s5;
	v36 =	vld [tilespmem:s1+$0xE5A0]  }
0x397: {  	v38 =	vld [tilespmem:s1+$0xE5B0]  }
0x398: {  	v39 =	vld [tilespmem:s1+$0xE620]  }
0x399: {  	v40 =	vld [tilespmem:s1+$0xE630]  }
0x39a: {  	v41 =	vld [tilespmem:s1+$0xE6A0]  }
0x39b: {  	v42 =	vld [tilespmem:s1+$0xE6B0]  }
0x39c: {  	v43 =	vld [tilespmem:s1+$0xE720]  }
0x39d: {  	v59 =	vld [tilespmem:s1+$0xE730]  }
0x39e: {  	v60 =	vld [tilespmem:s1+$0xE7A0]  }
0x39f: {  	v61 =	vld [tilespmem:s1+$0xE7B0];
	s1 =	simm.s32 $0x0  }
0x3a0: {  	v63 =	vld [tilespmem:s1+$0xDB80]  }
0x3a1: {  	v31 =	vadd.f32 v35, v31  }
0x3a2: {  	v34 =	vadd.f32 v37, v34;
	v32 =	vadd.f32 v36, v32  }
0x3a3: {  	v29 =	vadd.f32 v29, v31;
	v33 =	vadd.f32 v38, v33  }
0x3a4: {  	v30 =	vadd.f32 v30, v34;
	v31 =	vadd.f32 v39, v32  }
0x3a5: {  	v27 =	vadd.f32 v27, v29;
	v37 =	vadd.f32 v63, v22  }
0x3a6: {  	v29 =	vld [tilespmem:s1+$0xDB90];
	v62 =	vadd.f32 v40, v33;
	v28 =	vadd.f32 v28, v30  }
0x3a7: {  	v33 =	vld [tilespmem:s1+$0xDC10];
	v30 =	vadd.f32 v41, v31;
	v25 =	vadd.f32 v25, v27  }
0x3a8: {  	v31 =	vld [tilespmem:s1+$0xDC00];
	v32 =	vadd.f32 v42, v62;
	v27 =	vadd.f32 v26, v28  }
0x3a9: {  	v28 =	vadd.f32 v43, v30;
	v26 =	vadd.f32 v23, v25  }
0x3aa: {  	v30 =	vadd.f32 v59, v32;
	v25 =	vadd.f32 v24, v27;
	v32 =	vld [tilespmem:s1+$0xDC80]  }
0x3ab: {  	v36 =	vld [tilespmem:s1+$0xDC90];
	v27 =	vmul.f32 v63, v63;
	v41 =	vadd.f32 v29, v22;
	v24 =	vadd.f32 v60, v28  }
0x3ac: {  	v28 =	vmul.f32 v29, v29;
	v42 =	vmul.f32 v33, v33;
	v23 =	vadd.f32 v61, v30;
	v30 =	vld [tilespmem:s1+$0xDD00]  }
0x3ad: {  	v34 =	vld [tilespmem:s1+$0xDD10];
	v29 =	vimm.f32 $0.0e+00;
	v38 =	vadd.f32 v27, v22;
	v40 =	vmul.f32 v31, v31  }
0x3ae: {  	s5 =	simm.s32 $0x800;
	v35 =	vld [tilespmem:s1+$0xDBA0];
	v27 =	vimm.f32 $0.0e+00;
	v39 =	vadd.f32 v28, v22;
	v28 =	vimm.f32 $0.0e+00  }
.LBB2_29:
0x3af: {  	p0 =	sne.s32 s5, $0x2000;
	v43 =	vld [tilespmem:s1+$0xDBB0];
	v31 =	vadd.f32 v31, v37;
	v37 =	vadd.f32 v40, v38;
	v38 =	vmul.f32 v32, v32  }
0x3b0: {  	v33 =	vadd.f32 v33, v41;
	v39 =	vadd.f32 v42, v39;
	v40 =	vld [tilespmem:s1+$0xDC20];
	v41 =	vmul.f32 v36, v36  }
0x3b1: {  	v42 =	vld [tilespmem:s1+$0xDC30];
	v31 =	vadd.f32 v32, v31;
	v32 =	vadd.f32 v38, v37;
	v37 =	vmul.f32 v30, v30  }
0x3b2: {  	v33 =	vadd.f32 v36, v33;
	v36 =	vadd.f32 v41, v39;
	v38 =	vld [tilespmem:s1+$0xDCA0];
	v39 =	vmul.f32 v34, v34  }
0x3b3: {  	v41 =	vmul.f32 v35, v35;
	v44 =	vld [tilespmem:s1+$0xDCB0];
	v45 =	vadd.f32 v30, v31;
	v46 =	vadd.f32 v37, v32  }
0x3b4: {  	v30 =	vmul.f32 v43, v43;
	v47 =	vadd.f32 v34, v33;
	v39 =	vadd.f32 v39, v36;
	v34 =	vld [tilespmem:s1+$0xDD20]  }
0x3b5: {  	v22 =	vadd.f32 v35, v22;
	v29 =	vadd.f32 v41, v29;
	v31 =	vmul.f32 v40, v40;
	v35 =	vld [tilespmem:s1+$0xDD30];
	s1 =	sshra.s32 s5, $0x2  }
0x3b6: {  	v28 =	vadd.f32 v43, v28;
	v37 =	vld [tilespmem:s1+$0xDB80];
	v27 =	vadd.f32 v30, v27;
	v30 =	vmul.f32 v42, v42  }
0x3b7: {  	v22 =	vadd.f32 v40, v22;
	v41 =	vld [tilespmem:s1+$0xDB90];
	v29 =	vadd.f32 v31, v29;
	v32 =	vmul.f32 v38, v38  }
0x3b8: {  	v28 =	vadd.f32 v42, v28;
	v31 =	vld [tilespmem:s1+$0xDC00];
	v27 =	vadd.f32 v30, v27;
	v30 =	vmul.f32 v44, v44  }
0x3b9: {  	v22 =	vadd.f32 v38, v22;
	v33 =	vld [tilespmem:s1+$0xDC10];
	v29 =	vadd.f32 v32, v29;
	v38 =	vmul.f32 v34, v34  }
.Ltmp13:
0x3ba: {  	v28 =	vadd.f32 v44, v28;
	v32 =	vld [tilespmem:s1+$0xDC80];
	v27 =	vadd.f32 v30, v27;
	v40 =	vmul.f32 v35, v35;
	(pc) =	sbr.rel @p0 .LBB2_29-.Ltmp13, $4  }
0x3bb: {  	v22 =	vadd.f32 v34, v22;
	v42 =	vmul.f32 v37, v37;
	v36 =	vld [tilespmem:s1+$0xDC90];
	v29 =	vadd.f32 v38, v29  }
0x3bc: {  	v28 =	vadd.f32 v35, v28;
	v43 =	vmul.f32 v41, v41;
	v30 =	vld [tilespmem:s1+$0xDD00];
	v27 =	vadd.f32 v40, v27  }
0x3bd: {  	v37 =	vadd.f32 v37, v45;
	v38 =	vadd.f32 v42, v46;
	v40 =	vmul.f32 v31, v31;
	v34 =	vld [tilespmem:s1+$0xDD10]  }
0x3be: {  	s5 =	sadd.s32 $0x800, s5;
	v41 =	vadd.f32 v41, v47;
	v39 =	vadd.f32 v43, v39;
	v35 =	vld [tilespmem:s1+$0xDBA0];
	v42 =	vmul.f32 v33, v33  }
0x3bf: {  	v43 =	vld [tilespmem:s1+$0xDBB0]  }
0x3c0: {  	v48 =	vld [tilespmem:s1+$0xDC20]  }
0x3c1: {  	v31 =	vadd.f32 v31, v37;
	v50 =	vld [tilespmem:s1+$0xDC30]  }
0x3c2: {  	v46 =	vadd.f32 v40, v38;
	v47 =	vmul.f32 v32, v32;
	v53 =	vld [tilespmem:$0xDA80];
	v33 =	vadd.f32 v33, v41  }
0x3c3: {  	v57 =	vld [tilespmem:s1+$0xDCB0];
	v39 =	vadd.f32 v42, v39;
	v49 =	vmul.f32 v36, v36;
	v31 =	vadd.f32 v32, v31  }
0x3c4: {  	v60 =	vld [tilespmem:s1+$0xDD20];
	v51 =	vadd.f32 v47, v46;
	v52 =	vmul.f32 v30, v30;
	v33 =	vadd.f32 v36, v33  }
0x3c5: {  	v54 =	vadd.f32 v49, v39;
	v55 =	vmul.f32 v34, v34;
	v30 =	vadd.f32 v30, v31;
	v31 =	vld [tilespmem:$0xDB00]  }
0x3c6: {  	v56 =	vld [tilespmem:s1+$0xDCA0];
	v44 =	vmul.f32 v35, v35;
	v32 =	vadd.f32 v52, v51;
	v22 =	vadd.f32 v35, v22  }
0x3c7: {  	v33 =	vadd.f32 v34, v33;
	v58 =	vmul.f32 v43, v43;
	v38 =	vadd.f32 v55, v54  }
0x3c8: {  	v59 =	vmul.f32 v48, v48;
	v28 =	vadd.f32 v43, v28;
	v61 =	vmul.f32 v50, v50  }
0x3c9: {  	v63 =	vld [tilespmem:$0xDA90];
	v51 =	vmul.f32 v57, v57;
	v36 =	vmul.f32 v53, v53;
	v29 =	vadd.f32 v44, v29  }
0x3ca: {  	v49 =	vld [tilespmem:$0xDB10];
	v55 =	vmul.f32 v60, v60;
	v22 =	vadd.f32 v48, v22;
	v62 =	vadd.f32 v31, v53  }
0x3cb: {  	v52 =	vld [tilespmem:$0xDAA0];
	v48 =	vmul.f32 v56, v56;
	v27 =	vadd.f32 v58, v27;
	v28 =	vadd.f32 v50, v28  }
0x3cc: {  	v54 =	vld [tilespmem:$0xDB20];
	v26 =	vmul.f32 v30, v26;
	v29 =	vadd.f32 v59, v29;
	v35 =	vadd.f32 v62, v30  }
0x3cd: {  	v25 =	vmul.f32 v33, v25;
	v22 =	vadd.f32 v56, v22;
	v27 =	vadd.f32 v61, v27  }
0x3ce: {  	v50 =	vld [tilespmem:s1+$0xDD30];
	v31 =	vmul.f32 v31, v31;
	v28 =	vadd.f32 v57, v28;
	v53 =	vmul.f32 v35, v35  }
0x3cf: {  	v58 =	vld [tilespmem:$0xDB30];
	v37 =	vmul.f32 v49, v49;
	v29 =	vadd.f32 v48, v29;
	v30 =	vadd.f32 v49, v63  }
0x3d0: {  	v57 =	vld [tilespmem:$0xDAB0];
	v22 =	vadd.f32 v60, v22;
	v31 =	vadd.f32 v31, v36;
	v34 =	vmul.f32 $5.000000000e-01, v53  }
0x3d1: {  	v59 =	vadd.f32 v54, v52;
	v60 =	vmul.f32 v63, v63;
	v30 =	vadd.f32 v30, v33  }
0x3d2: {  	v63 =	vmul.f32 $5.000000000e-01, v38;
	v31 =	vmul.f32 $5.000000000e-01, v31;
	v26 =	vadd.f32 v34, v26  }
0x3d3: {  	v27 =	vadd.f32 v51, v27;
	v56 =	vmul.f32 v50, v50;
	v30 =	vmul.f32 v30, v30  }
0x3d4: {  	v28 =	vadd.f32 v50, v28;
	v26 =	vsub.f32 v26, v31;
	v31 =	vmul.f32 $5.000000000e-01, v32  }
0x3d5: {  	v36 =	vadd.f32 v59, v22;
	v62 =	vadd.f32 v58, v57;
	v30 =	vmul.f32 $5.000000000e-01, v30  }
0x3d6: {  	v35 =	vmul.f32 v54, v54;
	v26 =	vsub.f32 v26, v31;
	v31 =	vadd.f32 v37, v60  }
0x3d7: {  	v61 =	vmul.f32 v36, v36;
	v25 =	vadd.f32 v30, v25;
	v30 =	vmul.f32 v52, v52  }
0x3d8: {  	v22 =	vmul.f32 v22, v24;
	v33 =	vadd.f32 v62, v28;
	v31 =	vmul.f32 $5.000000000e-01, v31  }
0x3d9: {  	v24 =	vmul.f32 v57, v57;
	v32 =	vmul.f32 $5.000000000e-01, v61;
	v30 =	vadd.f32 v35, v30  }
0x3da: {  	v33 =	vmul.f32 v33, v33;
	v25 =	vsub.f32 v25, v31;
	v31 =	vmul.f32 v58, v58  }
0x3db: {  	v29 =	vadd.f32 v55, v29;
	v22 =	vadd.f32 v32, v22;
	v30 =	vmul.f32 $5.000000000e-01, v30  }
0x3dc: {  	v23 =	vmul.f32 v28, v23;
	v24 =	vadd.f32 v31, v24;
	v31 =	vmul.f32 $5.000000000e-01, v33  }
0x3dd: {  	v27 =	vadd.f32 v56, v27;
	v28 =	vmul.f32 $5.000000000e-01, v29;
	v22 =	vsub.f32 v22, v30  }
0x3de: {  	v25 =	vsub.f32 v25, v63;
	v23 =	vadd.f32 v31, v23;
	v24 =	vmul.f32 $5.000000000e-01, v24  }
0x3df: {  	v22 =	vsub.f32 v22, v28  }
0x3e0: {  	v25 =	vadd.f32 v25, v26;
	v23 =	vsub.f32 v23, v24;
	v24 =	vmul.f32 $5.000000000e-01, v27;
	_ =	sdelay $0x1  }
0x3e1: {  	v22 =	vadd.f32 v22, v25;
	v23 =	vsub.f32 v23, v24;
	_ =	sdelay $0x1  }
0x3e2: {  	v22 =	vadd.f32 v23, v22;
	_ =	sdelay $0x1  }
0x3e3: {  	v23 =	vperm.xlane v22, v0;
	_ =	sdelay $0x1  }
0x3e4: {  	v22 =	vadd.f32 v22, v23;
	_ =	sdelay $0x1  }
0x3e5: {  	v23 =	vperm.xlane v22, v1;
	_ =	sdelay $0x1  }
0x3e6: {  	v22 =	vadd.f32 v22, v23;
	_ =	sdelay $0x1  }
0x3e7: {  	v23 =	vperm.xlane v22, v2;
	_ =	sdelay $0x1  }
0x3e8: {  	v22 =	vadd.f32 v22, v23  }
0x3e9: {  	v23 =	vadd.s32 $0x6, v21  }
0x3ea: {  	v23 =	vbroadcast v23, $0x0;
	v24 =	vperm.xlane v22, v3;
	_ =	sdelay $0x1  }
0x3eb: {  	v22 =	vadd.f32 v22, v24;
	_ =	sdelay $0x1  }
0x3ec: {  	v22 =	vadd.f32 v22, v20;
	_ =	sdelay $0x1  }
0x3ed: {  	s1 =	simm.s32 $0x0;
	[tilespmem:v23+s26+$0x0] =	vst.idx.msk $0x1, v22  }
0x3ee: {  	v23 =	vld [tilespmem:s1+$0x10B80]  }
0x3ef: {  	v24 =	vld [tilespmem:s1+$0x10B90]  }
0x3f0: {  	v25 =	vld [tilespmem:s1+$0x10B00]  }
0x3f1: {  	v26 =	vld [tilespmem:s1+$0x10B10]  }
0x3f2: {  	v27 =	vld [tilespmem:s1+$0x10A80]  }
0x3f3: {  	v28 =	vld [tilespmem:s1+$0x10A90]  }
0x3f4: {  	v29 =	vld [tilespmem:s1+$0x10A00]  }
0x3f5: {  	v30 =	vld [tilespmem:s1+$0x10A10]  }
0x3f6: {  	v35 =	vld [tilespmem:s1+$0x10980]  }
0x3f7: {  	v34 =	vimm.f32 $0.0e+00;
	v32 =	vimm.f32 $0.0e+00;
	v37 =	vld [tilespmem:s1+$0x10990]  }
0x3f8: {  	s5 =	simm.s32 $0xA00;
	v33 =	vimm.f32 $0.0e+00;
	v31 =	vimm.f32 $0.0e+00;
	v22 =	vimm.f32 $0.0e+00;
	v36 =	vld [tilespmem:s1+$0x109A0]  }
.LBB2_31:
0x3f9: {  	p0 =	sne.s32 s5, $0x5A00;
	v38 =	vld [tilespmem:s1+$0x109B0]  }
0x3fa: {  	v39 =	vld [tilespmem:s1+$0x10A20]  }
0x3fb: {  	v40 =	vld [tilespmem:s1+$0x10A30]  }
0x3fc: {  	v41 =	vld [tilespmem:s1+$0x10AA0]  }
0x3fd: {  	v31 =	vadd.f32 v35, v31;
	v34 =	vadd.f32 v37, v34;
	v35 =	vld [tilespmem:s1+$0x10AB0]  }
0x3fe: {  	v32 =	vadd.f32 v36, v32;
	v33 =	vadd.f32 v38, v33;
	v36 =	vld [tilespmem:s1+$0x10B20]  }
0x3ff: {  	v29 =	vadd.f32 v29, v31;
	v30 =	vadd.f32 v30, v34;
	v31 =	vld [tilespmem:s1+$0x10B30]  }
0x400: {  	v32 =	vadd.f32 v39, v32;
	v33 =	vadd.f32 v40, v33;
	v37 =	vld [tilespmem:s1+$0x10BA0]  }
0x401: {  	v27 =	vadd.f32 v27, v29;
	v28 =	vadd.f32 v28, v30;
	v29 =	vld [tilespmem:s1+$0x10BB0];
	s1 =	sshra.s32 s5, $0x2  }
0x402: {  	v32 =	vadd.f32 v41, v32;
	v30 =	vld [tilespmem:s1+$0x10B80];
	v33 =	vadd.f32 v35, v33  }
0x403: {  	v27 =	vadd.f32 v25, v27;
	v28 =	vadd.f32 v26, v28;
	v35 =	vld [tilespmem:s1+$0x10B90]  }
0x404: {  	v32 =	vadd.f32 v36, v32;
	v25 =	vld [tilespmem:s1+$0x10B00];
	v33 =	vadd.f32 v31, v33  }
0x405: {  	v31 =	vadd.f32 v23, v27;
	v34 =	vadd.f32 v24, v28;
	v26 =	vld [tilespmem:s1+$0x10B10]  }
0x406: {  	v32 =	vadd.f32 v37, v32;
	v27 =	vld [tilespmem:s1+$0x10A80];
	v33 =	vadd.f32 v29, v33  }
0x407: {  	v28 =	vld [tilespmem:s1+$0x10A90];
	v23 =	vmov v30  }
.Ltmp14:
0x408: {  	v29 =	vld [tilespmem:s1+$0x10A00];
	v24 =	vmov v35;
	(pc) =	sbr.rel @p0 .LBB2_31-.Ltmp14, $4  }
0x409: {  	v30 =	vld [tilespmem:s1+$0x10A10]  }
0x40a: {  	v35 =	vld [tilespmem:s1+$0x10980]  }
0x40b: {  	v37 =	vld [tilespmem:s1+$0x10990]  }
0x40c: {  	s5 =	sadd.s32 $0xA00, s5;
	v36 =	vld [tilespmem:s1+$0x109A0]  }
0x40d: {  	v38 =	vld [tilespmem:s1+$0x109B0]  }
0x40e: {  	v39 =	vld [tilespmem:s1+$0x10A20]  }
0x40f: {  	v40 =	vld [tilespmem:s1+$0x10A30]  }
0x410: {  	v41 =	vld [tilespmem:s1+$0x10AA0]  }
0x411: {  	v42 =	vld [tilespmem:s1+$0x10AB0]  }
0x412: {  	v43 =	vld [tilespmem:s1+$0x10B20]  }
0x413: {  	v59 =	vld [tilespmem:s1+$0x10B30]  }
0x414: {  	v60 =	vld [tilespmem:s1+$0x10BA0]  }
0x415: {  	v61 =	vld [tilespmem:s1+$0x10BB0];
	s1 =	simm.s32 $0x0  }
0x416: {  	v63 =	vld [tilespmem:s1+$0xFF80]  }
0x417: {  	v31 =	vadd.f32 v35, v31  }
0x418: {  	v34 =	vadd.f32 v37, v34;
	v32 =	vadd.f32 v36, v32  }
0x419: {  	v29 =	vadd.f32 v29, v31;
	v33 =	vadd.f32 v38, v33  }
0x41a: {  	v30 =	vadd.f32 v30, v34;
	v31 =	vadd.f32 v39, v32  }
0x41b: {  	v27 =	vadd.f32 v27, v29;
	v37 =	vadd.f32 v63, v22  }
0x41c: {  	v29 =	vld [tilespmem:s1+$0xFF90];
	v62 =	vadd.f32 v40, v33;
	v28 =	vadd.f32 v28, v30  }
0x41d: {  	v33 =	vld [tilespmem:s1+$0x10010];
	v30 =	vadd.f32 v41, v31;
	v25 =	vadd.f32 v25, v27  }
0x41e: {  	v31 =	vld [tilespmem:s1+$0x10000];
	v32 =	vadd.f32 v42, v62;
	v27 =	vadd.f32 v26, v28  }
0x41f: {  	v28 =	vadd.f32 v43, v30;
	v26 =	vadd.f32 v23, v25  }
0x420: {  	v30 =	vadd.f32 v59, v32;
	v25 =	vadd.f32 v24, v27;
	v32 =	vld [tilespmem:s1+$0x10080]  }
0x421: {  	v36 =	vld [tilespmem:s1+$0x10090];
	v27 =	vmul.f32 v63, v63;
	v41 =	vadd.f32 v29, v22;
	v24 =	vadd.f32 v60, v28  }
0x422: {  	v28 =	vmul.f32 v29, v29;
	v42 =	vmul.f32 v33, v33;
	v23 =	vadd.f32 v61, v30;
	v30 =	vld [tilespmem:s1+$0x10100]  }
0x423: {  	v34 =	vld [tilespmem:s1+$0x10110];
	v29 =	vimm.f32 $0.0e+00;
	v38 =	vadd.f32 v27, v22;
	v40 =	vmul.f32 v31, v31  }
0x424: {  	s5 =	simm.s32 $0x800;
	v35 =	vld [tilespmem:s1+$0xFFA0];
	v27 =	vimm.f32 $0.0e+00;
	v39 =	vadd.f32 v28, v22;
	v28 =	vimm.f32 $0.0e+00  }
.LBB2_33:
0x425: {  	p0 =	sne.s32 s5, $0x2000;
	v43 =	vld [tilespmem:s1+$0xFFB0];
	v31 =	vadd.f32 v31, v37;
	v37 =	vadd.f32 v40, v38;
	v38 =	vmul.f32 v32, v32  }
0x426: {  	v33 =	vadd.f32 v33, v41;
	v39 =	vadd.f32 v42, v39;
	v40 =	vld [tilespmem:s1+$0x10020];
	v41 =	vmul.f32 v36, v36  }
0x427: {  	v42 =	vld [tilespmem:s1+$0x10030];
	v31 =	vadd.f32 v32, v31;
	v32 =	vadd.f32 v38, v37;
	v37 =	vmul.f32 v30, v30  }
0x428: {  	v33 =	vadd.f32 v36, v33;
	v36 =	vadd.f32 v41, v39;
	v38 =	vld [tilespmem:s1+$0x100A0];
	v39 =	vmul.f32 v34, v34  }
0x429: {  	v41 =	vmul.f32 v35, v35;
	v44 =	vld [tilespmem:s1+$0x100B0];
	v45 =	vadd.f32 v30, v31;
	v46 =	vadd.f32 v37, v32  }
0x42a: {  	v30 =	vmul.f32 v43, v43;
	v47 =	vadd.f32 v34, v33;
	v39 =	vadd.f32 v39, v36;
	v34 =	vld [tilespmem:s1+$0x10120]  }
0x42b: {  	v22 =	vadd.f32 v35, v22;
	v29 =	vadd.f32 v41, v29;
	v31 =	vmul.f32 v40, v40;
	v35 =	vld [tilespmem:s1+$0x10130];
	s1 =	sshra.s32 s5, $0x2  }
0x42c: {  	v28 =	vadd.f32 v43, v28;
	v37 =	vld [tilespmem:s1+$0xFF80];
	v27 =	vadd.f32 v30, v27;
	v30 =	vmul.f32 v42, v42  }
0x42d: {  	v22 =	vadd.f32 v40, v22;
	v41 =	vld [tilespmem:s1+$0xFF90];
	v29 =	vadd.f32 v31, v29;
	v32 =	vmul.f32 v38, v38  }
0x42e: {  	v28 =	vadd.f32 v42, v28;
	v31 =	vld [tilespmem:s1+$0x10000];
	v27 =	vadd.f32 v30, v27;
	v30 =	vmul.f32 v44, v44  }
0x42f: {  	v22 =	vadd.f32 v38, v22;
	v33 =	vld [tilespmem:s1+$0x10010];
	v29 =	vadd.f32 v32, v29;
	v38 =	vmul.f32 v34, v34  }
.Ltmp15:
0x430: {  	v28 =	vadd.f32 v44, v28;
	v32 =	vld [tilespmem:s1+$0x10080];
	v27 =	vadd.f32 v30, v27;
	v40 =	vmul.f32 v35, v35;
	(pc) =	sbr.rel @p0 .LBB2_33-.Ltmp15, $4  }
0x431: {  	v22 =	vadd.f32 v34, v22;
	v42 =	vmul.f32 v37, v37;
	v36 =	vld [tilespmem:s1+$0x10090];
	v29 =	vadd.f32 v38, v29  }
0x432: {  	v28 =	vadd.f32 v35, v28;
	v43 =	vmul.f32 v41, v41;
	v30 =	vld [tilespmem:s1+$0x10100];
	v27 =	vadd.f32 v40, v27  }
0x433: {  	v37 =	vadd.f32 v37, v45;
	v38 =	vadd.f32 v42, v46;
	v40 =	vmul.f32 v31, v31;
	v34 =	vld [tilespmem:s1+$0x10110]  }
0x434: {  	s5 =	sadd.s32 $0x800, s5;
	v41 =	vadd.f32 v41, v47;
	v39 =	vadd.f32 v43, v39;
	v35 =	vld [tilespmem:s1+$0xFFA0];
	v42 =	vmul.f32 v33, v33  }
0x435: {  	v43 =	vld [tilespmem:s1+$0xFFB0]  }
0x436: {  	v56 =	vld [tilespmem:s1+$0x10020]  }
0x437: {  	v31 =	vadd.f32 v31, v37;
	v58 =	vld [tilespmem:s1+$0x10030]  }
0x438: {  	v54 =	vadd.f32 v40, v38;
	v55 =	vmul.f32 v32, v32;
	v61 =	vld [tilespmem:$0xFE80];
	v33 =	vadd.f32 v33, v41  }
0x439: {  	v48 =	vld [tilespmem:$0xFF00];
	v39 =	vadd.f32 v42, v39;
	v57 =	vmul.f32 v36, v36;
	v31 =	vadd.f32 v32, v31  }
0x43a: {  	v49 =	vld [tilespmem:s1+$0x100A0];
	v59 =	vadd.f32 v55, v54;
	v60 =	vmul.f32 v30, v30;
	v33 =	vadd.f32 v36, v33  }
0x43b: {  	v50 =	vld [tilespmem:s1+$0x100B0];
	v62 =	vadd.f32 v57, v39;
	v63 =	vmul.f32 v34, v34;
	v30 =	vadd.f32 v30, v31  }
0x43c: {  	v53 =	vld [tilespmem:s1+$0x10120];
	v44 =	vmul.f32 v35, v35;
	v32 =	vadd.f32 v60, v59;
	v22 =	vadd.f32 v35, v22  }
0x43d: {  	v33 =	vadd.f32 v34, v33;
	v51 =	vmul.f32 v43, v43;
	v38 =	vadd.f32 v63, v62  }
0x43e: {  	v59 =	vld [tilespmem:s1+$0x10130];
	v52 =	vmul.f32 v56, v56;
	v28 =	vadd.f32 v43, v28;
	v54 =	vmul.f32 v58, v58  }
0x43f: {  	v55 =	vadd.f32 v48, v61;
	v57 =	vmul.f32 v49, v49;
	v36 =	vmul.f32 v61, v61;
	v61 =	vld [tilespmem:$0xFEA0]  }
0x440: {  	v60 =	vmul.f32 v50, v50;
	v31 =	vmul.f32 v48, v48;
	v63 =	vld [tilespmem:$0xFF20];
	v29 =	vadd.f32 v44, v29  }
0x441: {  	v45 =	vmul.f32 v53, v53;
	v48 =	vld [tilespmem:$0xFEB0];
	v22 =	vadd.f32 v56, v22;
	v27 =	vadd.f32 v51, v27  }
0x442: {  	v56 =	vld [tilespmem:$0xFE90];
	v26 =	vmul.f32 v30, v26;
	v28 =	vadd.f32 v58, v28;
	v35 =	vadd.f32 v55, v30  }
0x443: {  	v58 =	vld [tilespmem:$0xFF10];
	v31 =	vadd.f32 v31, v36;
	v51 =	vmul.f32 $5.000000000e-01, v32;
	v29 =	vadd.f32 v52, v29  }
0x444: {  	v25 =	vmul.f32 v33, v25;
	v22 =	vadd.f32 v49, v22;
	v27 =	vadd.f32 v54, v27  }
0x445: {  	v28 =	vadd.f32 v50, v28;
	v62 =	vmul.f32 v35, v35;
	v47 =	vmul.f32 v59, v59  }
0x446: {  	v49 =	vld [tilespmem:$0xFF30];
	v31 =	vmul.f32 $5.000000000e-01, v31;
	v29 =	vadd.f32 v57, v29;
	v22 =	vadd.f32 v53, v22  }
0x447: {  	v50 =	vadd.f32 v63, v61;
	v35 =	vmul.f32 v63, v63;
	v57 =	vmul.f32 v48, v48  }
0x448: {  	v27 =	vadd.f32 v60, v27;
	v34 =	vmul.f32 $5.000000000e-01, v62;
	v46 =	vadd.f32 v58, v56  }
0x449: {  	v28 =	vadd.f32 v59, v28;
	v52 =	vmul.f32 v56, v56;
	v59 =	vmul.f32 $5.000000000e-01, v38  }
0x44a: {  	v29 =	vadd.f32 v45, v29;
	v37 =	vmul.f32 v58, v58;
	v30 =	vadd.f32 v46, v33  }
0x44b: {  	v36 =	vadd.f32 v50, v22;
	v56 =	vmul.f32 v61, v61;
	v55 =	vadd.f32 v49, v48  }
0x44c: {  	v22 =	vmul.f32 v22, v24;
	v26 =	vadd.f32 v34, v26;
	v30 =	vmul.f32 v30, v30  }
0x44d: {  	v58 =	vmul.f32 v49, v49;
	v53 =	vadd.f32 v37, v52;
	v33 =	vadd.f32 v55, v28  }
0x44e: {  	v27 =	vadd.f32 v47, v27;
	v54 =	vmul.f32 v36, v36;
	v30 =	vmul.f32 $5.000000000e-01, v30  }
0x44f: {  	v26 =	vsub.f32 v26, v31;
	v31 =	vmul.f32 $5.000000000e-01, v53;
	v33 =	vmul.f32 v33, v33  }
0x450: {  	v32 =	vmul.f32 $5.000000000e-01, v54;
	v25 =	vadd.f32 v30, v25;
	v30 =	vadd.f32 v35, v56  }
0x451: {  	v23 =	vmul.f32 v28, v23;
	v24 =	vadd.f32 v58, v57;
	v60 =	vmul.f32 $5.000000000e-01, v33  }
0x452: {  	v22 =	vadd.f32 v32, v22;
	v25 =	vsub.f32 v25, v31;
	v30 =	vmul.f32 $5.000000000e-01, v30  }
0x453: {  	v26 =	vsub.f32 v26, v51;
	v24 =	vmul.f32 $5.000000000e-01, v24;
	v23 =	vadd.f32 v60, v23  }
0x454: {  	v61 =	vmul.f32 $5.000000000e-01, v29;
	v25 =	vsub.f32 v25, v59;
	v22 =	vsub.f32 v22, v30  }
0x455: {  	v23 =	vsub.f32 v23, v24  }
0x456: {  	v62 =	vmul.f32 $5.000000000e-01, v27;
	v25 =	vadd.f32 v25, v26;
	v22 =	vsub.f32 v22, v61;
	_ =	sdelay $0x1  }
0x457: {  	v23 =	vsub.f32 v23, v62;
	v22 =	vadd.f32 v22, v25;
	_ =	sdelay $0x1  }
0x458: {  	v22 =	vadd.f32 v23, v22;
	_ =	sdelay $0x1  }
0x459: {  	v23 =	vperm.xlane v22, v0;
	_ =	sdelay $0x1  }
0x45a: {  	v22 =	vadd.f32 v22, v23;
	_ =	sdelay $0x1  }
0x45b: {  	v23 =	vperm.xlane v22, v1;
	_ =	sdelay $0x1  }
0x45c: {  	v22 =	vadd.f32 v22, v23;
	_ =	sdelay $0x1  }
0x45d: {  	v23 =	vperm.xlane v22, v2;
	_ =	sdelay $0x1  }
0x45e: {  	v22 =	vadd.f32 v22, v23  }
0x45f: {  	v21 =	vadd.s32 $0x7, v21  }
0x460: {  	v21 =	vbroadcast v21, $0x0;
	v23 =	vperm.xlane v22, v3;
	_ =	sdelay $0x1  }
0x461: {  	v22 =	vadd.f32 v22, v23;
	_ =	sdelay $0x1  }
0x462: {  	v22 =	vadd.f32 v22, v20;
	_ =	sdelay $0x1  }
0x463: {  	s1 =	simm.s32 $0x280;
	[tilespmem:v21+s26+$0x0] =	vst.idx.msk $0x1, v22;
	v21 =	vmul.u32 $0x80, v10  }
0x464: {  	v22 =	vld.idx.msk [tilespmem:v5+s1+$0x0], $0xffff  }
0x465: {  	v23 =	vadd.s32 $0x140, v21;
	_ =	sdelay $0x3  }
0x466: {  	[tilespmem:v6+s28+$0x0] =	vst.idx.msk $0xffff, v22  }
0x467: {  	v22 =	vld.idx.msk [tilespmem:v23+s1+$0x0], $0xffff;
	v23 =	vadd.s32 $0x2, v10;
	_ =	sdelay $0x4  }
0x468: {  	[tilespmem:v23+s28+$0x0] =	vst.idx.msk $0xffff, v22  }
0x469: {  	v22 =	vld.idx.msk [tilespmem:v11+s1+$0x0], $0xffff;
	_ =	sdelay $0x4  }
0x46a: {  	[tilespmem:v7+s28+$0x0] =	vst.idx.msk $0xffff, v22  }
0x46b: {  	v22 =	vld.idx.msk [tilespmem:v12+s1+$0x0], $0xffff;
	_ =	sdelay $0x4  }
0x46c: {  	[tilespmem:v8+s28+$0x0] =	vst.idx.msk $0xffff, v22  }
0x46d: {  	v22 =	vld.idx.msk [tilespmem:v13+s1+$0x0], $0xffff  }
0x46e: {  	v23 =	vadd.s32 $0x6F40, v21;
	_ =	sdelay $0x3  }
0x46f: {  	[tilespmem:v9+s28+$0x0] =	vst.idx.msk $0xffff, v22  }
0x470: {  	v22 =	vld.idx.msk [tilespmem:v23+s1+$0x0], $0xffff;
	v23 =	vadd.s32 $0x48, v10  }
0x471: {  	v63 =	vadd.s32 $0x9140, v21;
	_ =	sdelay $0x3  }
0x472: {  	[tilespmem:v23+s28+$0x0] =	vst.idx.msk $0xffff, v22  }
0x473: {  	v23 =	vadd.s32 $0x5A, v10;
	v22 =	vld.idx.msk [tilespmem:v63+s1+$0x0], $0xffff;
	_ =	sdelay $0x4  }
0x474: {  	[tilespmem:v23+s28+$0x0] =	vst.idx.msk $0xffff, v22  }
0x475: {  	v22 =	vld.idx.msk [tilespmem:v14+s1+$0x0], $0xffff;
	_ =	sdelay $0x4  }
0x476: {  	[tilespmem:v15+s28+$0x0] =	vst.idx.msk $0xffff, v22  }
0x477: {  	v22 =	vld.idx.msk [tilespmem:v16+s1+$0x0], $0xffff;
	_ =	sdelay $0x4  }
0x478: {  	[tilespmem:v17+s28+$0x0] =	vst.idx.msk $0xffff, v22  }
0x479: {  	v22 =	vld.idx.msk [tilespmem:v18+s1+$0x0], $0xffff  }
0x47a: {  	v21 =	vadd.s32 $0xFF40, v21;
	_ =	sdelay $0x3  }
0x47b: {  	[tilespmem:v19+s28+$0x0] =	vst.idx.msk $0xffff, v22  }
0x47c: {  	v22 =	vor.u32 $0xA0, v10;
	v21 =	vld.idx.msk [tilespmem:v21+s1+$0x0], $0xffff;
	_ =	sdelay $0x1  }
0x47d: {  	s5 =	smul.u32 $0x16, s30;
	_ =	sdelay $0x1  }
0x47e: {  	s13 =	rddreg [dreg:$0x2];
	s5 =	sshrl.u32 s5, $0x3  }
0x47f: {  	s5 =	sadd.s32 s13, s5;
	s13 =	simm.s32 $0x0;
	[tilespmem:v22+s28+$0x0] =	vst.idx.msk $0xffff, v21  }
0x480: {  	[hbm4b:s5+s13] =	stream.linear.scatter [tilespmem:s28], [sflag:$0x2], $0xB0, $0x38;
	[tilespmem:$0x123C0] =	vst v63  }
0x481: {  	_ =	swait.ge [sflag:s14], $0xB0  }
0x482: {  	[sflag:s14] =	ssyncset.done $0x0  }
0x483: {  	s5 =	smul.u32 $0x240, s30;
	[sflag:s14] =	ssyncadd.s32 $0xFFFFFF50  }
0x484: {  	s13 =	rddreg [dreg:$0x3]  }
0x485: {  	s5 =	sadd.s32 s13, s5  }
0x486: {  	s31 =	simm.s32 $0x300;
	s30 =	simm.s32 $0x8;
	s13 =	sadd.s32 $0x0, s5  }
.LBB2_35:
0x487: {  	[hbm4b:s13+s3] =	stream.linear.scatter [tilespmem:s1], [sflag:$0x2], $0x40, $0x38;
	[tilespmem:$0x123C0] =	vst v63  }
0x488: {  	s13 =	smov.u32 s30;
	s1 =	smov.u32 s31;
	p0 =	sne.s32 s30, $0x11F8  }
.Ltmp16:
0x489: {  	s30 =	sadd.s32 $0x8, s30;
	(pc) =	sbr.rel @p0 .LBB2_35-.Ltmp16, $2  }
0x48a: {  	_ =	sdelay $0x2  }
0x48b: {  	s31 =	sadd.s32 $0x80, s31;
	s13 =	sadd.s32 s13, s5  }
0x48c: {  	s29 =	sadd.s32 $0x1, s29  }
0x48d: {  	p0 =	sne.s32 s29, $0x10  }
.Ltmp17:
0x48e: {  	_ = 	snop;
	(pc) =	sbr.rel @p0 .LBB2_2-.Ltmp17, $4  }
0x48f: {  	[hbm4b:s13+s3] =	stream.linear.scatter [tilespmem:s1], [sflag:$0x2], $0x40, $0x38;
	[tilespmem:$0x123C0] =	vst v63  }
0x490: {  	_ =	swait.ge [sflag:s14], $0x9000  }
0x491: {  	[sflag:s14] =	ssyncset.done $0x0  }
0x492: {  	[sflag:s14] =	ssyncadd.s32 $0xFFFF7000  }
0x493: {  	s1 =	rddreg [dreg:$0x6]  }
0x494: {  	[hbm4b:s1+s3] =	stream.linear.scatter [tilespmem:s26], [sflag:$0x2], $0x80, $0x38;
	[tilespmem:$0x123C0] =	vst v63  }
0x495: {  	_ =	swait.ge [sflag:s14], $0x80  }
0x496: {  	s5 =	rddreg [dreg:$0x8]  }
0x497: {  	s31 =	rddreg [dreg:$0x7];
	s5 =	sadd.s32 $0x1, s5  }
0x498: {  	p0 =	sne.s32 s5, s31  }
.Ltmp18:
0x499: {  	_ = 	snop;
	(pc) =	sbr.rel @p0 .LBB2_1-.Ltmp18, $3  }
0x49a: {  	_ =	sdelay $0x1  }
0x49b: {  	[sflag:s14] =	ssyncset.done $0x0  }
0x49c: {  	[sflag:s14] =	ssyncadd.s32 $0xFFFFFF80  }
0x49d: {  	_ =	sfence.sel $0x180000  }
0x49e: {  	[bflag:$0x0] =	sbarrier.arrive $0xFFFF  }
0x49f: {  	_ =	strace $0x90000047  }
0x4a0: {  	s0 =	stileid.u32;
	[bflag:$0x2] =	sbarrier.arrive $0xFFFF  }
0x4a1: {  	p0 =	sne.s32 s0, $0x0;
	s0 =	rddreg [dreg:$0x4]  }
0x4a2: {  	s0 =	sadd.s32 @!p0 $0x100000, s0  }
0x4a3: {  	[sflag:s0] =	ssyncadd.tile.s32 @!p0 $0x1;
	_ =	shalt  }
.Lfunc_end2:
_tile_overlayer_lowered:
.L_overlay_start_2:
0x4a4: {  	(tag) =	ssettag $0x2  }
0x4a5: {  	s0 =	rddreg [dreg:$0x0];
	s2 =	stileid.u32  }
0x4a6: {  	s1 =	rddreg [dreg:$0x1];
	p0 =	sne.s32 s2, $0x0  }
0x4a7: {  	s3 =	rddreg [dreg:$0x2];
	[bflag:$0x3] =	sbarrier.arrive $0xFFFF;
	s2 =	simm.s32 @!p0 $0x1C02  }
0x4a8: {  	[timem:s3], [sflag:s2] =	dma.local @!p0 [hbm:s0], s1  }
0x4a9: {  	s0 =	simm.s32 @!p0 $0x2  }
0x4aa: {  	_ =	swait.ge @!p0 [sflag:s0], s1  }
0x4ab: {  	s1 =	ssub.s32 @!p0 $0x0, s1;
	[sflag:s0] =	ssyncset.done @!p0 $0x0  }
0x4ac: {  	[sflag:s0] =	ssyncadd.s32 @!p0 s1  }
0x4ad: {  	[bflag:$0x3] =	sbarrier.arrive $0xFFFF  }
0x4ae: {  	_ =	shalt  }

// kernel: sparse-core-data-format-call.cloned.1.call-start
scs
called_computation_lowered:
.L_overlay_start_0:
0x0: {  	s2 =	sld [smem:$0x3FD9]  }
0x1: {  	s3 =	sld [smem:$0x3FFE];
	_ =	sdelay $0x1  }
0x2: {  	s1 =	srdreg.scid  }
0x3: {  	s0 =	sand.u32 $0x1, s1  }
0x4: {  	s15 =	sshll.u32 s0, $0xA;
	s2 =	sadd.s32 s3, s2  }
0x5: {  	s2 =	sadd.s32 s2, s15  }
0x6: {  	[smem:$0x3FC2] =	sst s2  }
0x7: {  	_ = 	snop  }
0x8: {  	s2 =	sld [smem:$0x3FD0];
	_ =	sdelay $0x2  }
0x9: {  	s16 =	simm.s32 $0xA;
	s4 =	simm.s32 $0x10  }
0xa: {  	[smem:s4], [sflag:s16] =	dma.local [hbm:s2], $0x1  }
0xb: {  	_ =	swait.eq [sflag:s16], $0x1  }
0xc: {  	[sflag:s16] =	ssyncset.done $0x0  }
0xd: {  	[sflag:s16] =	ssyncadd.s32 $0xFFFFFFFF  }
0xe: {  	s17 =	sld [smem:$0x12];
	(tm) =	ssettm $0x1  }
0xf: {  	s18 =	sld [smem:$0x3FFB];
	_ =	sdelay $0x3  }
0x10: {  	_ =	strace s18  }
0x11: {  	s3 =	sld [smem:$0x3FFC];
	_ =	sdelay $0x3  }
0x12: {  	_ =	strace s3  }
0x13: {  	s3 =	sld [smem:$0x3FFD];
	_ =	sdelay $0x3  }
0x14: {  	_ =	strace s3  }
0x15: {  	_ =	strace $0x8FFFFFFF  }
0x16: {  	s19 =	sld [smem:$0x3FDB];
	_ =	sdelay $0x1  }
0x17: {  	s20 =	simm.s32 $_scs_section_size  }
0x18: {  	s5 =	simm.s32 $_size__tile_overlayer_lowered;
	s6 =	simm.s32 $_tile_overlayer_lowered  }
0x19: {  	s23 =	simm.s32 $0x1BFF;
	s22 =	sshll.u32 s6, $0x1;
	s3 =	sadd.s32 s20, s19  }
0x1a: {  	s7 =	simm.s32 $0x0;
	s21 =	sshll.u32 s5, $0x1;
	s5 =	sadd.s32 s22, s3  }
0x1b: {  	[timem:s7], [sflag:s23] =	dma.local [hbm:s5], s21  }
0x1c: {  	_ =	swait.ge [sflag:s23], s21  }
0x1d: {  	s4 =	ssub.s32 $0x0, s21;
	[sflag:s23] =	ssyncset.done $0x0  }
0x1e: {  	[sflag:s23] =	ssyncadd.s32 s4;
	_ =	sdelay $0x1  }
0x1f: {  	s24 =	simm.s32 $0x1B8B  }
0x20: {  	_ =	swait.ge [sflag:s24], $0x1  }
0x21: {  	[sflag:s24] =	ssyncset.done $0x0  }
0x22: {  	s26 =	simm.s32 $0x1B8E;
	s25 =	sld [smem:$0x3FFE];
	[sflag:s24] =	ssyncadd.s32 $0xFFFFFFFF  }
0x23: {  	s27 =	simm.s32 $execute0_lowered;
	[smem:$0x3FD2] =	sst s26  }
0x24: {  	s5 =	sshll.u32 s27, $0x1;
	_ =	strace $0x80000049;
	[dreg:$0x1] =	wrdreg $0xFFFFFFFF  }
0x25: {  	s28 =	simm.s32 $_size_execute0_lowered;
	s3 =	sadd.s32 s3, s5;
	[dreg:$0x0] =	wrdreg $0x0  }
0x26: {  	s5 =	sshll.u32 s28, $0x1;
	[dreg:$0x2] =	wrdreg s3  }
0x27: {  	[dreg:$0x3] =	wrdreg s5  }
0x28: {  	[dreg:$0x4] =	wrdreg $0xC0  }
0x29: {  	_ =	task [dreg:s7], $0x5FFFF  }
0x2a: {  	[dreg:$0x1] =	wrdreg $0xFFFFFFFF  }
0x2b: {  	[dreg:$0x0] =	wrdreg $0x60  }
0x2c: {  	[dreg:$0x2] =	wrdreg s25  }
0x2d: {  	[dreg:$0x3] =	wrdreg s17  }
0x2e: {  	[dreg:$0x4] =	wrdreg $0x9  }
0x2f: {  	_ =	task.clear_ibuf [dreg:s7], $0x5FFFF;
	_ =	strace $0x90000049  }
0x30: {  	s29 =	simm.s32 $0x9;
	_ =	strace $0x8000004B  }
0x31: {  	_ =	swait.ge [sflag:s29], $0x1  }
0x32: {  	[sflag:s29] =	ssyncadd.s32 $0xFFFFFFFF  }
0x33: {  	_ =	strace $0x9000004B  }
0x34: {  	_ =	sfence  }
0x35: {  	s30 =	sld [smem:$0x0];
	_ =	sdelay $0x2  }
0x36: {  	s31 =	sshll.u32 s1, $0xD;
	s1 =	sshrl.u32 s1, $0x2  }
0x37: {  	s3 =	sand.u32 $0x4000, s31;
	s1 =	sadd.s32 s1, s30  }
0x38: {  	s0 =	sor.u32 s3, s0;
	s1 =	sshll.u32 s1, $0x11  }
0x39: {  	s0 =	sor.u32 s1, s0  }
0x3a: {  	s0 =	sadd.s32 $0x8F2B, s0  }
0x3b: {  	[sflag:s0] =	ssyncadd.remote.s32 $0x1  }
0x3c: {  	_ =	sfence.sel $0xFFFF  }
0x3d: {  	[dreg:$0x0] =	wrdreg $0xFFFFFFFF;
	(pc) =	sbr.abs _section_cstart, $3  }
0x3e: {  	[dreg:$0x1] =	wrdreg $0xFFFFFFFF  }
0x3f: {  	_ =	task.clear_ibuf [dreg:s7], $0x2FFFF;
	_ =	strace $0x9FFFFFFF  }
0x40: {  	(tm) =	ssettm $0x7FFFFFFF  }
0x41: {  	_ =	shalt  }
tec
execute0_lowered:
.L_overlay_start_1:
0x0: {  	(tag) =	ssettag $0x1  }
0x1: {  	s0 =	srdreg.scid  }
0x2: {  	s1 =	sshll.u32 s0, $0x4  }
0x3: {  	s0 =	stileid.u32;
	s1 =	sand.u32 $0x10, s1  }
0x4: {  	s1 =	sor.u32 s0, s1  }
0x5: {  	s6 =	rddreg [dreg:$0x0];
	s4 =	simm.s32 $0x1;
	s2 =	sshll.u32 s1, $0x7  }
0x6: {  	s7 =	simm.s32 $0x2;
	s12 =	simm.s32 $0x0;
	s1 =	ssub.s32 $0x1000, s2  }
0x7: {  	s8 =	simm.s32 $0x8000;
	s13 =	simm.s32 $0x0;
	s3 =	sand.u32 $0xF80, s1  }
0x8: {  	s9 =	simm.s32 $0x0;
	s5 =	sshrl.u32 s1, $0xC;
	p0 =	sne.s32 s3, $0x0  }
.Ltmp0:
0x9: {  	s1 =	rddreg [dreg:$0x2];
	s4 =	simm.s32 @!p0 $0x0;
	(pc) =	sbr.rel .LBB1_1-.Ltmp0, $4  }
0xa: {  	s11 =	simm.s32 $0x0;
	s3 =	rddreg [dreg:$0x1];
	s5 =	sadd.s32 s4, s5  }
0xb: {  	_ =	strace $0x8000004A;
	s4 =	simm.s32 $0x1;
	s5 =	smul.u32 $0x48, s5  }
0xc: {  	s6 =	sadd.s32 $0x1400, s6;
	s10 =	smov.u32 s2;
	[sflag:s4] =	ssyncpa.u1 $0x0  }
0xd: {  	p0 =	por $0x0, $0x0;
	[sflag:s7] =	ssyncpa.u1 $0x0;
	s7 =	sor.u32 $0x1, s5  }
.LBB1_4:
0xe: {  	s16 =	sshll.u32 s13, $0x3;
	s17 =	sand.u32 $0x78, s13  }
0xf: {  	s30 =	sand.u32 $0x7E00, s13;
	s12 =	sshll.u32 s12, $0xF;
	s16 =	sand.u32 $0xC00, s16  }
0x10: {  	[tilespmem:s15+$0x810 ss:$0x81] =	vst.msk $0xffff, v2;
	s31 =	sand.u32 $0x7, s13;
	s16 =	sor.u32 s17, s16;
	s17 =	sadd.s32 s3, s30  }
0x11: {  	[tilespmem:s15+$0x1020 ss:$0x81] =	vst.msk $0xffff, v0;
	s13 =	sshll.u32 s31, $0x12;
	s12 =	sadd.s32 s12, s17;
	s16 =	sshrl.u32 s16, $0x3  }
0x12: {  	[tilespmem:s15+$0x0 ss:$0x81] =	vst.msk $0xffff, v1;
	s13 =	sor.u32 $0x400, s13;
	s12 =	sadd.s32 s16, s12  }
0x13: {  	[hbm4b:s12+s13] =	stream.strided.scatter [tilespmem:s14], [sflag:$0x2], $0x2000, s8, s13, $0x20;
	[tilespmem:$0x8080] =	vst v63  }
.LBB1_5:
0x14: {  	s14 =	sadd.s32 $0x1, s9  }
0x15: {  	s12 =	sadd.s32 $0x1000, s10;
	s16 =	smov.u32 s10;
	p2 =	sgt.s32 s14, $0x47  }
0x16: {  	s16 =	smov.u32 @p2 s12  }
0x17: {  	s14 =	simm.s32 @p2 $0x0;
	p2 =	sgt.s32 s16, $0xFFF  }
0x18: {  	s16 =	smov.u32 @p2 s2;
	p2 =	sne.s32 s11, s7  }
.Ltmp1:
0x19: {  	p1 =	slt.u32 s11, $0x2;
	(pc) =	sbr.rel @!p2 .LBB1_6-.Ltmp1, $4  }
0x1a: {  	s15 =	simm.s32 @!p1 $0x2  }
0x1b: {  	s13 =	smov.u32 s10;
	p0 =	por !p0, !p0;
	_ =	swait.ge @!p1 [sflag:s15], $0x2000  }
0x1c: {  	s12 =	smov.u32 s9;
	[sflag:s15] =	ssyncset.done @!p1 $0x0;
	s9 =	smov.u32 s14  }
0x1d: {  	s11 =	sadd.s32 $0x1, s11;
	[sflag:s15] =	ssyncadd.s32 @!p1 $0xFFFFE000;
	s10 =	smov.u32 s16  }
.LBB1_1:
0x1e: {  	p1 =	sge.u32 s11, s5  }
0x1f: {  	s14 =	sand.u32 @!p1 $0x1FFFFFF, s9  }
0x20: {  	s15 =	smulhi.u32 @!p1 $0x38E38E4, s14;
	_ =	sdelay $0x1  }
0x21: {  	s15 =	smul.u32 @!p1 $0x48, s15  }
0x22: {  	s16 =	sxor.u32 @!p1 $0xFFFFFFFF, s11;
	s17 =	smul.u32 @!p1 $0x480, s10  }
0x23: {  	s31 =	sadd.s32 $0xFFFFFFFF, s11;
	s16 =	sshll.u32 @!p1 s16, $0xD;
	s14 =	ssub.s32 @!p1 s14, s15  }
0x24: {  	s15 =	sand.u32 @!p1 $0x2000, s16;
	s16 =	sadd.s32 @!p1 s6, s17;
	s14 =	sshll.u32 @!p1 s14, $0x4  }
0x25: {  	s17 =	simm.s32 @!p1 $0x2400;
	s14 =	sadd.s32 @!p1 s14, s16;
	s16 =	simm.s32 @!p1 $0x40  }
0x26: {  	[tilespmem:s15], [sflag:$0x1] =	stream.strided.gather @!p1 [hbm4b:s14+s16], $0x2000, s17, s16, $0x38;
	[tilespmem:$0x8080] =	vst v63  }
0x27: {  	p1 =	sge.u32 s31, s5  }
.Ltmp2:
0x28: {  	_ = 	snop;
	(pc) =	sbr.rel @p1 .LBB1_5-.Ltmp2, $1  }
0x29: {  	_ =	sdelay $0x3  }
0x2a: {  	s14 =	simm.s32 $0x1  }
0x2b: {  	_ =	swait.ge [sflag:s4], $0x2000;
	s14 =	simm.s32 @!p0 $0x0  }
0x2c: {  	[sflag:s4] =	ssyncset.done $0x0;
	s15 =	sshll.u32 s14, $0xD  }
0x2d: {  	[sflag:s4] =	ssyncadd.s32 $0xFFFFE000;
	s18 =	sor.u32 $0x20, s15  }
0x2e: {  	s14 =	smul.u32 $0x8100, s14;
	v3 =	vld [tilespmem:s18+$0x10]  }
0x2f: {  	s30 =	sand.u32 $0x1, s11;
	v2 =	vld [tilespmem:s18+$0xFFFFFFF0]  }
0x30: {  	s15 =	smul.u32 $0x8100, s30;
	s14 =	sshrl.u32 s14, $0x2;
	v0 =	vld [tilespmem:s18+$0x0]  }
0x31: {  	v1 =	vld [tilespmem:s18+$0xFFFFFFE0];
	s16 =	sor.u32 $0x4000, s14  }
0x32: {  	s31 =	sshrl.u32 s15, $0x2;
	s15 =	sadd.s32 $0x0, s16  }
0x33: {  	s17 =	simm.s32 $0x4;
	s18 =	sadd.s32 $0x40, s18;
	s14 =	sor.u32 $0x4000, s31;
	[tilespmem:s15+$0x1830 ss:$0x81] =	vst.msk $0xffff, v3  }
.LBB1_3:
0x34: {  	v3 =	vld [tilespmem:s18+$0x10];
	p1 =	sne.s32 s17, $0x1FC;
	[tilespmem:s15+$0x810 ss:$0x81] =	vst.msk $0xffff, v2;
	s19 =	smov.u32 s17;
	s17 =	sadd.s32 $0x4, s17  }
.Ltmp3:
0x35: {  	v2 =	vld [tilespmem:s18+$0xFFFFFFF0];
	[tilespmem:s15+$0x1020 ss:$0x81] =	vst.msk $0xffff, v0;
	(pc) =	sbr.rel @p1 .LBB1_3-.Ltmp3, $4  }
0x36: {  	v0 =	vld [tilespmem:s18+$0x0];
	[tilespmem:s15+$0x0 ss:$0x81] =	vst.msk $0xffff, v1  }
0x37: {  	s15 =	sshra.s32 s19, $0x2;
	v1 =	vld [tilespmem:s18+$0xFFFFFFE0]  }
0x38: {  	s15 =	sadd.s32 s15, s16  }
0x39: {  	s18 =	sadd.s32 $0x40, s18;
	[tilespmem:s15+$0x1830 ss:$0x81] =	vst.msk $0xffff, v3  }
.Ltmp4:
0x3a: {  	_ = 	snop;
	(pc) =	sbr.rel .LBB1_4-.Ltmp4, $1  }
0x3b: {  	_ =	sdelay $0x3  }
.LBB1_6:
0x3c: {  	_ =	sfence.sel $0x180000  }
0x3d: {  	s2 =	simm.s32 $0x1;
	[bflag:$0x0] =	sbarrier.arrive $0xFFFF  }
0x3e: {  	s31 =	simm.s32 $0x2;
	[sflag:s2] =	ssyncpa.u1 $0x1  }
0x3f: {  	[sflag:s31] =	ssyncpa.u1 $0x1  }
0x40: {  	p0 =	sne.s32 s0, $0x0;
	_ =	strace $0x9000004A  }
0x41: {  	s0 =	sadd.s32 @!p0 $0x100000, s1;
	[bflag:$0x2] =	sbarrier.arrive $0xFFFF  }
0x42: {  	[sflag:s0] =	ssyncadd.tile.s32 @!p0 $0x1;
	_ =	shalt  }
.Lfunc_end1:
_tile_overlayer_lowered:
.L_overlay_start_2:
0x43: {  	(tag) =	ssettag $0x2  }
0x44: {  	s0 =	rddreg [dreg:$0x0];
	s2 =	stileid.u32  }
0x45: {  	s1 =	rddreg [dreg:$0x1];
	p0 =	sne.s32 s2, $0x0  }
0x46: {  	s3 =	rddreg [dreg:$0x2];
	[bflag:$0x3] =	sbarrier.arrive $0xFFFF;
	s2 =	simm.s32 @!p0 $0x1C01  }
0x47: {  	[timem:s3], [sflag:s2] =	dma.local @!p0 [hbm:s0], s1  }
0x48: {  	s0 =	simm.s32 @!p0 $0x1  }
0x49: {  	_ =	swait.ge @!p0 [sflag:s0], s1  }
0x4a: {  	s1 =	ssub.s32 @!p0 $0x0, s1;
	[sflag:s0] =	ssyncset.done @!p0 $0x0  }
0x4b: {  	[sflag:s0] =	ssyncadd.s32 @!p0 s1  }
0x4c: {  	[bflag:$0x3] =	sbarrier.arrive $0xFFFF  }
0x4d: {  	_ =	shalt  }

</sc_bundles>
